<compile_context>
chip_gen: v7x
topology: tpu7x:2x2x1
jax: 0.10.2.dev20260603
libtpu: 0.0.44.dev20260713+nightly
codegen_flags: <defaults>
</compile_context>

<pallas_src>
import jax
import jax.numpy as jnp
from jax import lax
from jax.experimental import pallas as pl
from jax.experimental.pallas import tpu as pltpu
from jax.experimental.pallas import tpu_sc as plsc

N_NODES = 10000
N_EDGES = 320000
D = 128

NC = 2
NS = 16
NW = NC * NS
K = 80
GRW = -(-N_EDGES // (NW * K))
EP = NW * GRW * K
NP = 10240
RPT = NP // NS
RCH = 80
DCH = 128
NR = 4
NQ = 6
BODY = 12
T0 = 2
NLOOP = (GRW - T0 - 5) // BODY
TTAIL = T0 + NLOOP * BODY


def _sc_scatter_body(nfeat_hbm, edge_hbm,
                     acc_out, deg_out,
                     idx0, idx1, idx2, idx3, idx4, idx5,
                     rows0, rows1, rows2, rows3,
                     deg_io, ones_v,
                     sg0, sg1, sg2, sg3, ss0, ss1, ss2, ss3,
                     si0, si1, si2, si3, si4, si5,
                     acc_sh, deg_sh):
    c = lax.axis_index("c")
    s = lax.axis_index("s")
    wid = c * NS + s
    cbase = wid * GRW

    idxb = (idx0, idx1, idx2, idx3, idx4, idx5)
    rows = (rows0, rows1, rows2, rows3)
    semg = (sg0, sg1, sg2, sg3)
    semsc = (ss0, ss1, ss2, ss3)
    semi = (si0, si1, si2, si3, si4, si5)

    one16 = jnp.full((16,), 1.0, dtype=jnp.float32)
    zero16 = jnp.zeros((16,), dtype=jnp.float32)
    for i in range(K // 16):
        ones_v[pl.ds(i * 16, 16)] = one16
    for i in range(DCH // 16):
        deg_io[pl.ds(i * 16, 16)] = zero16

    r0 = s * RPT
    pltpu.sync_copy(nfeat_hbm.at[pl.ds(r0, RPT)], acc_sh.at[pl.ds(r0, RPT)])
    for r in range(RPT // DCH):
        r0 = s * RPT + r * DCH
        pltpu.sync_copy(deg_io, deg_sh.at[pl.ds(r0, DCH)])
    plsc.subcore_barrier()

    def idx_issue(t, q):
        pltpu.async_copy(edge_hbm.at[cbase + t], idxb[q], semi[q])

    def idx_drain(q):
        pltpu.make_async_copy(edge_hbm.at[cbase], idxb[q], semi[q]).wait()

    def gather_issue(t_q, t_r):
        pltpu.async_copy(nfeat_hbm.at[idxb[t_q].at[0]], rows[t_r],
                         semg[t_r])

    def gather_wait(t_r):
        pltpu.make_async_copy(nfeat_hbm.at[idxb[0].at[0]], rows[t_r],
                              semg[t_r]).wait()

    def scat_fire(t_q, t_r):
        pltpu.async_copy(rows[t_r], acc_sh.at[idxb[t_q].at[1]], semsc[t_r],
                         add=True)
        pltpu.async_copy(ones_v, deg_sh.at[idxb[t_q].at[1]], semsc[t_r],
                         add=True)

    def scat_drain(t_q, t_r):
        pltpu.make_async_copy(rows[t_r], acc_sh.at[idxb[t_q].at[1]],
                              semsc[t_r]).wait()
        pltpu.make_async_copy(ones_v, deg_sh.at[idxb[t_q].at[1]],
                              semsc[t_r]).wait()

    def step(t, tm, drain_sc, issue_idx, drain_idx, issue_g):
        rq, rr = tm % NQ, tm % NR
        if drain_sc:
            scat_drain((tm - 1) % NQ, (tm - 1) % NR)
        if issue_idx:
            idx_issue(t + 5, (tm + 5) % NQ)
        gather_wait(rr)
        scat_fire(rq, rr)
        if drain_idx:
            idx_drain((tm + 3) % NQ)
        if issue_g:
            gather_issue((tm + 3) % NQ, (tm + 3) % NR)

    pltpu.sync_copy(edge_hbm.at[cbase + 0], idx0)
    pltpu.sync_copy(edge_hbm.at[cbase + 1], idx1)
    idx_issue(2, 2)
    idx_issue(3, 3)
    idx_issue(4, 4)
    gather_issue(0, 0)
    gather_issue(1, 1)
    idx_drain(2)
    gather_issue(2, 2)
    step(0, 0, False, True, True, True)
    step(1, 1, True, True, True, True)

    def body(h, carry):
        tb = T0 + h * BODY
        for j in range(BODY):
            step(tb + j, T0 + j, True, True, True, True)
        return carry

    lax.fori_loop(0, NLOOP, body, 0)

    for t in range(TTAIL, GRW):
        step(t, t, True, t + 5 < GRW, t + 3 < GRW, t + 3 < GRW)
    scat_drain((GRW - 1) % NQ, (GRW - 1) % NR)
    plsc.subcore_barrier()

    r0 = s * RPT
    pltpu.sync_copy(acc_sh.at[pl.ds(r0, RPT)], acc_out.at[c].at[pl.ds(r0, RPT)])
    pltpu.sync_copy(deg_sh.at[pl.ds(r0, RPT)], deg_out.at[c].at[pl.ds(r0, RPT)])


_sc_scatter = pl.kernel(
    _sc_scatter_body,
    out_type=[
        jax.ShapeDtypeStruct((NC, NP, D), jnp.float32),
        jax.ShapeDtypeStruct((NC, NP), jnp.float32),
    ],
    mesh=plsc.VectorSubcoreMesh(core_axis_name="c", subcore_axis_name="s",
                                num_cores=NC, num_subcores=NS),
    scratch_types=(
        [pltpu.VMEM((2, K), jnp.int32) for _ in range(NQ)]
        + [pltpu.VMEM((K, D), jnp.float32) for _ in range(NR)]
        + [
            pltpu.VMEM((DCH,), jnp.float32),
            pltpu.VMEM((K,), jnp.float32),
        ]
        + [pltpu.SemaphoreType.DMA for _ in range(NR + NR + NQ)]
        + [
            pltpu.VMEM_SHARED((NP, D), jnp.float32),
            pltpu.VMEM_SHARED((NP,), jnp.float32),
        ]
    ),
)


def _tc_combine_body(acc_ref, deg_ref, wt_ref, b_ref, out_ref):
    a = acc_ref[0] + acc_ref[1]
    d = deg_ref[0] + deg_ref[1] + 1.0
    y = jnp.dot(a, wt_ref[...], preferred_element_type=jnp.float32)
    out_ref[...] = (y + b_ref[...]) / d + b_ref[...]


def _tc_combine(acc, deg, wt, b):
    blk = 1000
    grid = (N_NODES // blk,)
    return pl.pallas_call(
        _tc_combine_body,
        grid=grid,
        in_specs=[
            pl.BlockSpec((NC, blk, D), lambda i: (0, i, 0)),
            pl.BlockSpec((NC, blk, 1), lambda i: (0, i, 0)),
            pl.BlockSpec((D, D), lambda i: (0, 0)),
            pl.BlockSpec((1, D), lambda i: (0, 0)),
        ],
        out_specs=pl.BlockSpec((blk, D), lambda i: (i, 0)),
        out_shape=jax.ShapeDtypeStruct((N_NODES, D), jnp.float32),
    )(acc, deg, wt, b)


def kernel(nfeat, edge_index, W_neigh, b_neigh):
    src = edge_index[0].astype(jnp.int32)
    dst = edge_index[1].astype(jnp.int32)
    npad = EP - N_EDGES
    src2 = jnp.concatenate([src, jnp.full((npad,), N_NODES, jnp.int32)])
    dst2 = jnp.concatenate([dst, jnp.full((npad,), N_NODES, jnp.int32)])
    edges = jnp.stack([src2.reshape(-1, K), dst2.reshape(-1, K)], axis=1)
    nfeat_p = jnp.pad(nfeat, ((0, NP - N_NODES), (0, 0)))
    acc, degf = _sc_scatter(nfeat_p, edges)
    return _tc_combine(acc, degf[:, :, None], W_neigh.T, b_neigh[None, :])

# --- scband reference (transcript-rebuilt; emitter-appended) ---
"""Pipeline reference for scband-graph-sage-layer-6605659701688 (READ-ONLY COPY).

The authoritative reference and input builder live on the scoring server;
editing this copy changes nothing except your own understanding.
"""

import jax, jax.numpy as jnp
import numpy as np

N_NODES = 10000
N_EDGES = 320000
D_IN = 128
D_OUT = 128


def setup_inputs(seed: int = 0) -> dict:
    key = jax.random.key(seed)
    k1, k2, k3, k4 = jax.random.split(key, 4)
    nfeat = jax.random.normal(k1, (N_NODES, D_IN), dtype=jnp.float32)
    edge_index = jax.random.randint(k2, (2, N_EDGES), 0, N_NODES, dtype=jnp.int64)
    # SAGEConv (aggregator_type='gcn') fc_neigh: Linear(input_dim, output_dim)
    lim = 1.0 / np.sqrt(D_IN)
    W_neigh = jax.random.uniform(k3, (D_OUT, D_IN), dtype=jnp.float32, minval=-lim, maxval=lim)
    b_neigh = jax.random.uniform(k4, (D_OUT,), dtype=jnp.float32, minval=-lim, maxval=lim)
    return {"nfeat": nfeat, "edge_index": edge_index, "W_neigh": W_neigh, "b_neigh": b_neigh}


def reference(nfeat, edge_index, W_neigh, b_neigh):
    # DGL GraphSageLayer with SAGEConv(aggregator_type='gcn'), econv=False.
    src = edge_index[0]
    dst = edge_index[1]
    n = nfeat.shape[0]
    # in-degrees of destination nodes
    deg = jnp.zeros((n,), dtype=jnp.float32).at[dst].add(1.0)
    degs_p1 = deg + 1.0  # graph.in_degrees().float() + 1
    # sfeat = fc_neigh(nfeat) / degs
    sfeat = (nfeat @ W_neigh.T + b_neigh) / degs_p1[:, None]
    # SAGEConv 'gcn' aggregation: sum of source feats scattered to dst, plus self, normalized by (deg+1)
    msgs = jnp.take(nfeat, src, axis=0)
    neigh_sum = jnp.zeros((n, nfeat.shape[1]), dtype=nfeat.dtype).at[dst].add(msgs)
    h_neigh = (neigh_sum + nfeat) / degs_p1[:, None]
    sage_out = h_neigh @ W_neigh.T + b_neigh
    rst = sage_out + sfeat
    return rst

if __name__ == "__main__":
    import jax
    _d = setup_inputs()
    print(jax.jit(kernel)(*tuple(_d.values())))

</pallas_src>

<mosaic_0001>
#map = affine_map<(d0, d1) -> (0, 0)>
#map1 = affine_map<(d0, d1) -> (0, 0, 0)>
module attributes {stable_mosaic.version = 14 : i64} {
  func.func @_sc_scatter_body(%arg0: i32, %arg1: i32, %arg2: memref<10240x128xf32, #tpu.memory_space<hbm>>, %arg3: memref<4000x2x80xi32, #tpu.memory_space<hbm>>, %arg4: memref<2x10240x128xf32, #tpu.memory_space<hbm>>, %arg5: memref<2x10240xf32, #tpu.memory_space<hbm>>, %arg6: memref<2x80xi32, #tpu.memory_space<vmem>>, %arg7: memref<2x80xi32, #tpu.memory_space<vmem>>, %arg8: memref<2x80xi32, #tpu.memory_space<vmem>>, %arg9: memref<2x80xi32, #tpu.memory_space<vmem>>, %arg10: memref<2x80xi32, #tpu.memory_space<vmem>>, %arg11: memref<2x80xi32, #tpu.memory_space<vmem>>, %arg12: memref<80x128xf32, #tpu.memory_space<vmem>>, %arg13: memref<80x128xf32, #tpu.memory_space<vmem>>, %arg14: memref<80x128xf32, #tpu.memory_space<vmem>>, %arg15: memref<80x128xf32, #tpu.memory_space<vmem>>, %arg16: memref<128xf32, #tpu.memory_space<vmem>>, %arg17: memref<80xf32, #tpu.memory_space<vmem>>, %arg18: memref<!tpu.dma_semaphore, #tpu.memory_space<semaphore_mem>>, %arg19: memref<!tpu.dma_semaphore, #tpu.memory_space<semaphore_mem>>, %arg20: memref<!tpu.dma_semaphore, #tpu.memory_space<semaphore_mem>>, %arg21: memref<!tpu.dma_semaphore, #tpu.memory_space<semaphore_mem>>, %arg22: memref<!tpu.dma_semaphore, #tpu.memory_space<semaphore_mem>>, %arg23: memref<!tpu.dma_semaphore, #tpu.memory_space<semaphore_mem>>, %arg24: memref<!tpu.dma_semaphore, #tpu.memory_space<semaphore_mem>>, %arg25: memref<!tpu.dma_semaphore, #tpu.memory_space<semaphore_mem>>, %arg26: memref<!tpu.dma_semaphore, #tpu.memory_space<semaphore_mem>>, %arg27: memref<!tpu.dma_semaphore, #tpu.memory_space<semaphore_mem>>, %arg28: memref<!tpu.dma_semaphore, #tpu.memory_space<semaphore_mem>>, %arg29: memref<!tpu.dma_semaphore, #tpu.memory_space<semaphore_mem>>, %arg30: memref<!tpu.dma_semaphore, #tpu.memory_space<semaphore_mem>>, %arg31: memref<!tpu.dma_semaphore, #tpu.memory_space<semaphore_mem>>, %arg32: memref<10240x128xf32, #tpu.memory_space<vmem_shared>>, %arg33: memref<10240xf32, #tpu.memory_space<vmem_shared>>) attributes {dimension_semantics = [#tpu.dimension_semantics<core_parallel>, #tpu.dimension_semantics<subcore_parallel>], iteration_bounds = array<i64: 2, 16>, scalar_prefetch = 0 : i64, scratch_operands = 28 : i64, tpu.core_type = #tpu.core_type<sc_vector_subcore>, window_params = [{transform_indices = #map}, {transform_indices = #map1}, {transform_indices = #map1}, {transform_indices = #map}]} {
    %mul3A = arith.constant 16 : i32
    %mul3A_0 = arith.muli %arg0, %mul3A : i32
    %add3A = arith.addi %mul3A_0, %arg1 : i32
    %mul3A_1 = arith.constant 125 : i32
    %mul3A_2 = arith.muli %add3A, %mul3A_1 : i32
    %broadcast_in_dim3A = arith.constant 1.000000e+00 : f32
    %broadcast_in_dim3A_3 = vector.broadcast %broadcast_in_dim3A : f32 to vector<16xf32>
    %broadcast_in_dim3A_4 = arith.constant 0.000000e+00 : f32
    %broadcast_in_dim3A_5 = vector.broadcast %broadcast_in_dim3A_4 : f32 to vector<16xf32>
    %swap3A = arith.constant 0 : index
    %swap3A_6 = tpu.vector_load %arg17[%swap3A] {strides = array<i32>} : memref<80xf32, #tpu.memory_space<vmem>>, vector<16xf32>,
    %swap3A_7 = vector.shape_cast %swap3A_6 : vector<16xf32> to vector<16xf32>
    %swap3A_8 = vector.shape_cast %broadcast_in_dim3A_3 : vector<16xf32> to vector<16xf32>
    tpu.vector_store %arg17[%swap3A], %swap3A_8 {strides = array<i32>} : memref<80xf32, #tpu.memory_space<vmem>>, vector<16xf32>,
    %swap3A_9 = arith.constant 16 : index
    %swap3A_10 = tpu.vector_load %arg17[%swap3A_9] {strides = array<i32>} : memref<80xf32, #tpu.memory_space<vmem>>, vector<16xf32>,
    %swap3A_11 = vector.shape_cast %swap3A_10 : vector<16xf32> to vector<16xf32>
    %swap3A_12 = vector.shape_cast %broadcast_in_dim3A_3 : vector<16xf32> to vector<16xf32>
    tpu.vector_store %arg17[%swap3A_9], %swap3A_12 {strides = array<i32>} : memref<80xf32, #tpu.memory_space<vmem>>, vector<16xf32>,
    %swap3A_13 = arith.constant 32 : index
    %swap3A_14 = tpu.vector_load %arg17[%swap3A_13] {strides = array<i32>} : memref<80xf32, #tpu.memory_space<vmem>>, vector<16xf32>,
    %swap3A_15 = vector.shape_cast %swap3A_14 : vector<16xf32> to vector<16xf32>
    %swap3A_16 = vector.shape_cast %broadcast_in_dim3A_3 : vector<16xf32> to vector<16xf32>
    tpu.vector_store %arg17[%swap3A_13], %swap3A_16 {strides = array<i32>} : memref<80xf32, #tpu.memory_space<vmem>>, vector<16xf32>,
    %swap3A_17 = arith.constant 48 : index
    %swap3A_18 = tpu.vector_load %arg17[%swap3A_17] {strides = array<i32>} : memref<80xf32, #tpu.memory_space<vmem>>, vector<16xf32>,
    %swap3A_19 = vector.shape_cast %swap3A_18 : vector<16xf32> to vector<16xf32>
    %swap3A_20 = vector.shape_cast %broadcast_in_dim3A_3 : vector<16xf32> to vector<16xf32>
    tpu.vector_store %arg17[%swap3A_17], %swap3A_20 {strides = array<i32>} : memref<80xf32, #tpu.memory_space<vmem>>, vector<16xf32>,
    %swap3A_21 = arith.constant 64 : index
    %swap3A_22 = tpu.vector_load %arg17[%swap3A_21] {strides = array<i32>} : memref<80xf32, #tpu.memory_space<vmem>>, vector<16xf32>,
    %swap3A_23 = vector.shape_cast %swap3A_22 : vector<16xf32> to vector<16xf32>
    %swap3A_24 = vector.shape_cast %broadcast_in_dim3A_3 : vector<16xf32> to vector<16xf32>
    tpu.vector_store %arg17[%swap3A_21], %swap3A_24 {strides = array<i32>} : memref<80xf32, #tpu.memory_space<vmem>>, vector<16xf32>,
    %swap3A_25 = arith.constant 0 : index
    %swap3A_26 = tpu.vector_load %arg16[%swap3A_25] {strides = array<i32>} : memref<128xf32, #tpu.memory_space<vmem>>, vector<16xf32>,
    %swap3A_27 = vector.shape_cast %swap3A_26 : vector<16xf32> to vector<16xf32>
    %swap3A_28 = vector.shape_cast %broadcast_in_dim3A_5 : vector<16xf32> to vector<16xf32>
    tpu.vector_store %arg16[%swap3A_25], %swap3A_28 {strides = array<i32>} : memref<128xf32, #tpu.memory_space<vmem>>, vector<16xf32>,
    %swap3A_29 = arith.constant 16 : index
    %swap3A_30 = tpu.vector_load %arg16[%swap3A_29] {strides = array<i32>} : memref<128xf32, #tpu.memory_space<vmem>>, vector<16xf32>,
    %swap3A_31 = vector.shape_cast %swap3A_30 : vector<16xf32> to vector<16xf32>
    %swap3A_32 = vector.shape_cast %broadcast_in_dim3A_5 : vector<16xf32> to vector<16xf32>
    tpu.vector_store %arg16[%swap3A_29], %swap3A_32 {strides = array<i32>} : memref<128xf32, #tpu.memory_space<vmem>>, vector<16xf32>,
    %swap3A_33 = arith.constant 32 : index
    %swap3A_34 = tpu.vector_load %arg16[%swap3A_33] {strides = array<i32>} : memref<128xf32, #tpu.memory_space<vmem>>, vector<16xf32>,
    %swap3A_35 = vector.shape_cast %swap3A_34 : vector<16xf32> to vector<16xf32>
    %swap3A_36 = vector.shape_cast %broadcast_in_dim3A_5 : vector<16xf32> to vector<16xf32>
    tpu.vector_store %arg16[%swap3A_33], %swap3A_36 {strides = array<i32>} : memref<128xf32, #tpu.memory_space<vmem>>, vector<16xf32>,
    %swap3A_37 = arith.constant 48 : index
    %swap3A_38 = tpu.vector_load %arg16[%swap3A_37] {strides = array<i32>} : memref<128xf32, #tpu.memory_space<vmem>>, vector<16xf32>,
    %swap3A_39 = vector.shape_cast %swap3A_38 : vector<16xf32> to vector<16xf32>
    %swap3A_40 = vector.shape_cast %broadcast_in_dim3A_5 : vector<16xf32> to vector<16xf32>
    tpu.vector_store %arg16[%swap3A_37], %swap3A_40 {strides = array<i32>} : memref<128xf32, #tpu.memory_space<vmem>>, vector<16xf32>,
    %swap3A_41 = arith.constant 64 : index
    %swap3A_42 = tpu.vector_load %arg16[%swap3A_41] {strides = array<i32>} : memref<128xf32, #tpu.memory_space<vmem>>, vector<16xf32>,
    %swap3A_43 = vector.shape_cast %swap3A_42 : vector<16xf32> to vector<16xf32>
    %swap3A_44 = vector.shape_cast %broadcast_in_dim3A_5 : vector<16xf32> to vector<16xf32>
    tpu.vector_store %arg16[%swap3A_41], %swap3A_44 {strides = array<i32>} : memref<128xf32, #tpu.memory_space<vmem>>, vector<16xf32>,
    %swap3A_45 = arith.constant 80 : index
    %swap3A_46 = tpu.vector_load %arg16[%swap3A_45] {strides = array<i32>} : memref<128xf32, #tpu.memory_space<vmem>>, vector<16xf32>,
    %swap3A_47 = vector.shape_cast %swap3A_46 : vector<16xf32> to vector<16xf32>
    %swap3A_48 = vector.shape_cast %broadcast_in_dim3A_5 : vector<16xf32> to vector<16xf32>
    tpu.vector_store %arg16[%swap3A_45], %swap3A_48 {strides = array<i32>} : memref<128xf32, #tpu.memory_space<vmem>>, vector<16xf32>,
    %swap3A_49 = arith.constant 96 : index
    %swap3A_50 = tpu.vector_load %arg16[%swap3A_49] {strides = array<i32>} : memref<128xf32, #tpu.memory_space<vmem>>, vector<16xf32>,
    %swap3A_51 = vector.shape_cast %swap3A_50 : vector<16xf32> to vector<16xf32>
    %swap3A_52 = vector.shape_cast %broadcast_in_dim3A_5 : vector<16xf32> to vector<16xf32>
    tpu.vector_store %arg16[%swap3A_49], %swap3A_52 {strides = array<i32>} : memref<128xf32, #tpu.memory_space<vmem>>, vector<16xf32>,
    %swap3A_53 = arith.constant 112 : index
    %swap3A_54 = tpu.vector_load %arg16[%swap3A_53] {strides = array<i32>} : memref<128xf32, #tpu.memory_space<vmem>>, vector<16xf32>,
    %swap3A_55 = vector.shape_cast %swap3A_54 : vector<16xf32> to vector<16xf32>
    %swap3A_56 = vector.shape_cast %broadcast_in_dim3A_5 : vector<16xf32> to vector<16xf32>
    tpu.vector_store %arg16[%swap3A_53], %swap3A_56 {strides = array<i32>} : memref<128xf32, #tpu.memory_space<vmem>>, vector<16xf32>,
    %mul3A_57 = arith.constant 640 : i32
    %mul3A_58 = arith.muli %arg1, %mul3A_57 : i32
    "tpu.region"() ({
      %run_scoped3A = tpu.sem_alloc : memref<!tpu.dma_semaphore, #tpu.memory_space<semaphore_mem>>
      %dma_start3A_1039 = arith.constant 0 : i32
      %dma_start3A_1040 = tpu.memref_slice %arg32[%mul3A_58, %dma_start3A_1039] : memref<10240x128xf32, #tpu.memory_space<vmem_shared>> -> memref<640x128xf32, #tpu.memory_space<vmem_shared>>
      %dma_start3A_1041 = arith.constant 0 : i32
      %dma_start3A_1042 = tpu.memref_slice %arg2[%mul3A_58, %dma_start3A_1041] : memref<10240x128xf32, #tpu.memory_space<hbm>> -> memref<640x128xf32, #tpu.memory_space<hbm>>
      tpu.enqueue_dma source(%dma_start3A_1042 : memref<640x128xf32, #tpu.memory_space<hbm>>) target(%dma_start3A_1040 : memref<640x128xf32, #tpu.memory_space<vmem_shared>>) target_semaphore(%run_scoped3A : memref<!tpu.dma_semaphore, #tpu.memory_space<semaphore_mem>>)
      %dma_wait3A_1043 = arith.constant 0 : i32
      %dma_wait3A_1044 = tpu.memref_slice %arg32[%mul3A_58, %dma_wait3A_1043] : memref<10240x128xf32, #tpu.memory_space<vmem_shared>> -> memref<640x128xf32, #tpu.memory_space<vmem_shared>>
      %dma_wait3A_1045 = arith.constant 0 : i32
      %dma_wait3A_1046 = tpu.memref_slice %arg2[%mul3A_58, %dma_wait3A_1045] : memref<10240x128xf32, #tpu.memory_space<hbm>> -> memref<640x128xf32, #tpu.memory_space<hbm>>
      tpu.wait_dma2 semaphore(%run_scoped3A : memref<!tpu.dma_semaphore, #tpu.memory_space<semaphore_mem>>) src(%dma_wait3A_1046 : memref<640x128xf32, #tpu.memory_space<hbm>>) dst(%dma_wait3A_1044 : memref<640x128xf32, #tpu.memory_space<vmem_shared>>)
      tpu.yield
    }) : () -> ()
    %mul3A_59 = arith.constant 640 : i32
    %mul3A_60 = arith.muli %arg1, %mul3A_59 : i32
    %add3A_61 = arith.constant 0 : i32
    %add3A_62 = arith.addi %mul3A_60, %add3A_61 : i32
    "tpu.region"() ({
      %run_scoped3A = tpu.sem_alloc : memref<!tpu.dma_semaphore, #tpu.memory_space<semaphore_mem>>
      %dma_start3A_1039 = tpu.memref_slice %arg33[%add3A_62] : memref<10240xf32, #tpu.memory_space<vmem_shared>> -> memref<128xf32, #tpu.memory_space<vmem_shared>>
      %dma_start3A_1040 = tpu.memref_slice %arg33[%add3A_62] : memref<10240xf32, #tpu.memory_space<vmem_shared>> -> memref<128xf32, #tpu.memory_space<vmem_shared>>
      tpu.enqueue_dma source(%arg16 : memref<128xf32, #tpu.memory_space<vmem>>) target(%dma_start3A_1040 : memref<128xf32, #tpu.memory_space<vmem_shared>>) target_semaphore(%run_scoped3A : memref<!tpu.dma_semaphore, #tpu.memory_space<semaphore_mem>>)
      %dma_wait3A_1041 = tpu.memref_slice %arg33[%add3A_62] : memref<10240xf32, #tpu.memory_space<vmem_shared>> -> memref<128xf32, #tpu.memory_space<vmem_shared>>
      %dma_wait3A_1042 = tpu.memref_slice %arg33[%add3A_62] : memref<10240xf32, #tpu.memory_space<vmem_shared>> -> memref<128xf32, #tpu.memory_space<vmem_shared>>
      tpu.wait_dma2 semaphore(%run_scoped3A : memref<!tpu.dma_semaphore, #tpu.memory_space<semaphore_mem>>) src(%arg16 : memref<128xf32, #tpu.memory_space<vmem>>) dst(%dma_wait3A_1042 : memref<128xf32, #tpu.memory_space<vmem_shared>>)
      tpu.yield
    }) : () -> ()
    %mul3A_63 = arith.constant 640 : i32
    %mul3A_64 = arith.muli %arg1, %mul3A_63 : i32
    %add3A_65 = arith.constant 128 : i32
    %add3A_66 = arith.addi %mul3A_64, %add3A_65 : i32
    "tpu.region"() ({
      %run_scoped3A = tpu.sem_alloc : memref<!tpu.dma_semaphore, #tpu.memory_space<semaphore_mem>>
      %dma_start3A_1039 = tpu.memref_slice %arg33[%add3A_66] : memref<10240xf32, #tpu.memory_space<vmem_shared>> -> memref<128xf32, #tpu.memory_space<vmem_shared>>
      %dma_start3A_1040 = tpu.memref_slice %arg33[%add3A_66] : memref<10240xf32, #tpu.memory_space<vmem_shared>> -> memref<128xf32, #tpu.memory_space<vmem_shared>>
      tpu.enqueue_dma source(%arg16 : memref<128xf32, #tpu.memory_space<vmem>>) target(%dma_start3A_1040 : memref<128xf32, #tpu.memory_space<vmem_shared>>) target_semaphore(%run_scoped3A : memref<!tpu.dma_semaphore, #tpu.memory_space<semaphore_mem>>)
      %dma_wait3A_1041 = tpu.memref_slice %arg33[%add3A_66] : memref<10240xf32, #tpu.memory_space<vmem_shared>> -> memref<128xf32, #tpu.memory_space<vmem_shared>>
      %dma_wait3A_1042 = tpu.memref_slice %arg33[%add3A_66] : memref<10240xf32, #tpu.memory_space<vmem_shared>> -> memref<128xf32, #tpu.memory_space<vmem_shared>>
      tpu.wait_dma2 semaphore(%run_scoped3A : memref<!tpu.dma_semaphore, #tpu.memory_space<semaphore_mem>>) src(%arg16 : memref<128xf32, #tpu.memory_space<vmem>>) dst(%dma_wait3A_1042 : memref<128xf32, #tpu.memory_space<vmem_shared>>)
      tpu.yield
    }) : () -> ()
    %mul3A_67 = arith.constant 640 : i32
    %mul3A_68 = arith.muli %arg1, %mul3A_67 : i32
    %add3A_69 = arith.constant 256 : i32
    %add3A_70 = arith.addi %mul3A_68, %add3A_69 : i32
    "tpu.region"() ({
      %run_scoped3A = tpu.sem_alloc : memref<!tpu.dma_semaphore, #tpu.memory_space<semaphore_mem>>
      %dma_start3A_1039 = tpu.memref_slice %arg33[%add3A_70] : memref<10240xf32, #tpu.memory_space<vmem_shared>> -> memref<128xf32, #tpu.memory_space<vmem_shared>>
      %dma_start3A_1040 = tpu.memref_slice %arg33[%add3A_70] : memref<10240xf32, #tpu.memory_space<vmem_shared>> -> memref<128xf32, #tpu.memory_space<vmem_shared>>
      tpu.enqueue_dma source(%arg16 : memref<128xf32, #tpu.memory_space<vmem>>) target(%dma_start3A_1040 : memref<128xf32, #tpu.memory_space<vmem_shared>>) target_semaphore(%run_scoped3A : memref<!tpu.dma_semaphore, #tpu.memory_space<semaphore_mem>>)
      %dma_wait3A_1041 = tpu.memref_slice %arg33[%add3A_70] : memref<10240xf32, #tpu.memory_space<vmem_shared>> -> memref<128xf32, #tpu.memory_space<vmem_shared>>
      %dma_wait3A_1042 = tpu.memref_slice %arg33[%add3A_70] : memref<10240xf32, #tpu.memory_space<vmem_shared>> -> memref<128xf32, #tpu.memory_space<vmem_shared>>
      tpu.wait_dma2 semaphore(%run_scoped3A : memref<!tpu.dma_semaphore, #tpu.memory_space<semaphore_mem>>) src(%arg16 : memref<128xf32, #tpu.memory_space<vmem>>) dst(%dma_wait3A_1042 : memref<128xf32, #tpu.memory_space<vmem_shared>>)
      tpu.yield
    }) : () -> ()
    %mul3A_71 = arith.constant 640 : i32
    %mul3A_72 = arith.muli %arg1, %mul3A_71 : i32
    %add3A_73 = arith.constant 384 : i32
    %add3A_74 = arith.addi %mul3A_72, %add3A_73 : i32
    "tpu.region"() ({
      %run_scoped3A = tpu.sem_alloc : memref<!tpu.dma_semaphore, #tpu.memory_space<semaphore_mem>>
      %dma_start3A_1039 = tpu.memref_slice %arg33[%add3A_74] : memref<10240xf32, #tpu.memory_space<vmem_shared>> -> memref<128xf32, #tpu.memory_space<vmem_shared>>
      %dma_start3A_1040 = tpu.memref_slice %arg33[%add3A_74] : memref<10240xf32, #tpu.memory_space<vmem_shared>> -> memref<128xf32, #tpu.memory_space<vmem_shared>>
      tpu.enqueue_dma source(%arg16 : memref<128xf32, #tpu.memory_space<vmem>>) target(%dma_start3A_1040 : memref<128xf32, #tpu.memory_space<vmem_shared>>) target_semaphore(%run_scoped3A : memref<!tpu.dma_semaphore, #tpu.memory_space<semaphore_mem>>)
      %dma_wait3A_1041 = tpu.memref_slice %arg33[%add3A_74] : memref<10240xf32, #tpu.memory_space<vmem_shared>> -> memref<128xf32, #tpu.memory_space<vmem_shared>>
      %dma_wait3A_1042 = tpu.memref_slice %arg33[%add3A_74] : memref<10240xf32, #tpu.memory_space<vmem_shared>> -> memref<128xf32, #tpu.memory_space<vmem_shared>>
      tpu.wait_dma2 semaphore(%run_scoped3A : memref<!tpu.dma_semaphore, #tpu.memory_space<semaphore_mem>>) src(%arg16 : memref<128xf32, #tpu.memory_space<vmem>>) dst(%dma_wait3A_1042 : memref<128xf32, #tpu.memory_space<vmem_shared>>)
      tpu.yield
    }) : () -> ()
    %mul3A_75 = arith.constant 640 : i32
    %mul3A_76 = arith.muli %arg1, %mul3A_75 : i32
    %add3A_77 = arith.constant 512 : i32
    %add3A_78 = arith.addi %mul3A_76, %add3A_77 : i32
    "tpu.region"() ({
      %run_scoped3A = tpu.sem_alloc : memref<!tpu.dma_semaphore, #tpu.memory_space<semaphore_mem>>
      %dma_start3A_1039 = tpu.memref_slice %arg33[%add3A_78] : memref<10240xf32, #tpu.memory_space<vmem_shared>> -> memref<128xf32, #tpu.memory_space<vmem_shared>>
      %dma_start3A_1040 = tpu.memref_slice %arg33[%add3A_78] : memref<10240xf32, #tpu.memory_space<vmem_shared>> -> memref<128xf32, #tpu.memory_space<vmem_shared>>
      tpu.enqueue_dma source(%arg16 : memref<128xf32, #tpu.memory_space<vmem>>) target(%dma_start3A_1040 : memref<128xf32, #tpu.memory_space<vmem_shared>>) target_semaphore(%run_scoped3A : memref<!tpu.dma_semaphore, #tpu.memory_space<semaphore_mem>>)
      %dma_wait3A_1041 = tpu.memref_slice %arg33[%add3A_78] : memref<10240xf32, #tpu.memory_space<vmem_shared>> -> memref<128xf32, #tpu.memory_space<vmem_shared>>
      %dma_wait3A_1042 = tpu.memref_slice %arg33[%add3A_78] : memref<10240xf32, #tpu.memory_space<vmem_shared>> -> memref<128xf32, #tpu.memory_space<vmem_shared>>
      tpu.wait_dma2 semaphore(%run_scoped3A : memref<!tpu.dma_semaphore, #tpu.memory_space<semaphore_mem>>) src(%arg16 : memref<128xf32, #tpu.memory_space<vmem>>) dst(%dma_wait3A_1042 : memref<128xf32, #tpu.memory_space<vmem_shared>>)
      tpu.yield
    }) : () -> ()
    %barrier3A = arith.constant 0 : index
    tpu.barrier barrier_id(%barrier3A)
    %add3A_79 = arith.constant 0 : i32
    %add3A_80 = arith.addi %mul3A_2, %add3A_79 : i32
    "tpu.region"() ({
      %run_scoped3A = tpu.sem_alloc : memref<!tpu.dma_semaphore, #tpu.memory_space<semaphore_mem>>
      %dma_start3A_1039 = arith.constant 0 : i32
      %dma_start3A_1040 = arith.constant 0 : i32
      %dma_start3A_1041 = tpu.memref_slice %arg3[%add3A_80, %dma_start3A_1039, %dma_start3A_1040] : memref<4000x2x80xi32, #tpu.memory_space<hbm>> -> memref<1x2x80xi32, #tpu.memory_space<hbm>>
      %dma_start3A_1042 = tpu.memref_squeeze %dma_start3A_1041 : memref<1x2x80xi32, #tpu.memory_space<hbm>> -> memref<2x80xi32, #tpu.memory_space<hbm>>
      %dma_start3A_1043 = arith.constant 0 : i32
      %dma_start3A_1044 = arith.constant 0 : i32
      %dma_start3A_1045 = tpu.memref_slice %arg3[%add3A_80, %dma_start3A_1043, %dma_start3A_1044] : memref<4000x2x80xi32, #tpu.memory_space<hbm>> -> memref<1x2x80xi32, #tpu.memory_space<hbm>>
      %dma_start3A_1046 = tpu.memref_squeeze %dma_start3A_1045 : memref<1x2x80xi32, #tpu.memory_space<hbm>> -> memref<2x80xi32, #tpu.memory_space<hbm>>
      tpu.enqueue_dma source(%dma_start3A_1046 : memref<2x80xi32, #tpu.memory_space<hbm>>) target(%arg6 : memref<2x80xi32, #tpu.memory_space<vmem>>) target_semaphore(%run_scoped3A : memref<!tpu.dma_semaphore, #tpu.memory_space<semaphore_mem>>)
      %dma_wait3A_1047 = arith.constant 0 : i32
      %dma_wait3A_1048 = arith.constant 0 : i32
      %dma_wait3A_1049 = tpu.memref_slice %arg3[%add3A_80, %dma_wait3A_1047, %dma_wait3A_1048] : memref<4000x2x80xi32, #tpu.memory_space<hbm>> -> memref<1x2x80xi32, #tpu.memory_space<hbm>>
      %dma_wait3A_1050 = tpu.memref_squeeze %dma_wait3A_1049 : memref<1x2x80xi32, #tpu.memory_space<hbm>> -> memref<2x80xi32, #tpu.memory_space<hbm>>
      %dma_wait3A_1051 = arith.constant 0 : i32
      %dma_wait3A_1052 = arith.constant 0 : i32
      %dma_wait3A_1053 = tpu.memref_slice %arg3[%add3A_80, %dma_wait3A_1051, %dma_wait3A_1052] : memref<4000x2x80xi32, #tpu.memory_space<hbm>> -> memref<1x2x80xi32, #tpu.memory_space<hbm>>
      %dma_wait3A_1054 = tpu.memref_squeeze %dma_wait3A_1053 : memref<1x2x80xi32, #tpu.memory_space<hbm>> -> memref<2x80xi32, #tpu.memory_space<hbm>>
      tpu.wait_dma2 semaphore(%run_scoped3A : memref<!tpu.dma_semaphore, #tpu.memory_space<semaphore_mem>>) src(%dma_wait3A_1054 : memref<2x80xi32, #tpu.memory_space<hbm>>) dst(%arg6 : memref<2x80xi32, #tpu.memory_space<vmem>>)
      tpu.yield
    }) : () -> ()
    %add3A_81 = arith.constant 1 : i32
    %add3A_82 = arith.addi %mul3A_2, %add3A_81 : i32
    "tpu.region"() ({
      %run_scoped3A = tpu.sem_alloc : memref<!tpu.dma_semaphore, #tpu.memory_space<semaphore_mem>>
      %dma_start3A_1039 = arith.constant 0 : i32
      %dma_start3A_1040 = arith.constant 0 : i32
      %dma_start3A_1041 = tpu.memref_slice %arg3[%add3A_82, %dma_start3A_1039, %dma_start3A_1040] : memref<4000x2x80xi32, #tpu.memory_space<hbm>> -> memref<1x2x80xi32, #tpu.memory_space<hbm>>
      %dma_start3A_1042 = tpu.memref_squeeze %dma_start3A_1041 : memref<1x2x80xi32, #tpu.memory_space<hbm>> -> memref<2x80xi32, #tpu.memory_space<hbm>>
      %dma_start3A_1043 = arith.constant 0 : i32
      %dma_start3A_1044 = arith.constant 0 : i32
      %dma_start3A_1045 = tpu.memref_slice %arg3[%add3A_82, %dma_start3A_1043, %dma_start3A_1044] : memref<4000x2x80xi32, #tpu.memory_space<hbm>> -> memref<1x2x80xi32, #tpu.memory_space<hbm>>
      %dma_start3A_1046 = tpu.memref_squeeze %dma_start3A_1045 : memref<1x2x80xi32, #tpu.memory_space<hbm>> -> memref<2x80xi32, #tpu.memory_space<hbm>>
      tpu.enqueue_dma source(%dma_start3A_1046 : memref<2x80xi32, #tpu.memory_space<hbm>>) target(%arg7 : memref<2x80xi32, #tpu.memory_space<vmem>>) target_semaphore(%run_scoped3A : memref<!tpu.dma_semaphore, #tpu.memory_space<semaphore_mem>>)
      %dma_wait3A_1047 = arith.constant 0 : i32
      %dma_wait3A_1048 = arith.constant 0 : i32
      %dma_wait3A_1049 = tpu.memref_slice %arg3[%add3A_82, %dma_wait3A_1047, %dma_wait3A_1048] : memref<4000x2x80xi32, #tpu.memory_space<hbm>> -> memref<1x2x80xi32, #tpu.memory_space<hbm>>
      %dma_wait3A_1050 = tpu.memref_squeeze %dma_wait3A_1049 : memref<1x2x80xi32, #tpu.memory_space<hbm>> -> memref<2x80xi32, #tpu.memory_space<hbm>>
      %dma_wait3A_1051 = arith.constant 0 : i32
      %dma_wait3A_1052 = arith.constant 0 : i32
      %dma_wait3A_1053 = tpu.memref_slice %arg3[%add3A_82, %dma_wait3A_1051, %dma_wait3A_1052] : memref<4000x2x80xi32, #tpu.memory_space<hbm>> -> memref<1x2x80xi32, #tpu.memory_space<hbm>>
      %dma_wait3A_1054 = tpu.memref_squeeze %dma_wait3A_1053 : memref<1x2x80xi32, #tpu.memory_space<hbm>> -> memref<2x80xi32, #tpu.memory_space<hbm>>
      tpu.wait_dma2 semaphore(%run_scoped3A : memref<!tpu.dma_semaphore, #tpu.memory_space<semaphore_mem>>) src(%dma_wait3A_1054 : memref<2x80xi32, #tpu.memory_space<hbm>>) dst(%arg7 : memref<2x80xi32, #tpu.memory_space<vmem>>)
      tpu.yield
    }) : () -> ()
    %add3A_83 = arith.constant 2 : i32
    %add3A_84 = arith.addi %mul3A_2, %add3A_83 : i32
    %dma_start3A = arith.constant 0 : i32
    %dma_start3A_85 = arith.constant 0 : i32
    %dma_start3A_86 = tpu.memref_slice %arg3[%add3A_84, %dma_start3A, %dma_start3A_85] : memref<4000x2x80xi32, #tpu.memory_space<hbm>> -> memref<1x2x80xi32, #tpu.memory_space<hbm>>
    %dma_start3A_87 = tpu.memref_squeeze %dma_start3A_86 : memref<1x2x80xi32, #tpu.memory_space<hbm>> -> memref<2x80xi32, #tpu.memory_space<hbm>>
    %dma_start3A_88 = arith.constant 0 : i32
    %dma_start3A_89 = arith.constant 0 : i32
    %dma_start3A_90 = tpu.memref_slice %arg3[%add3A_84, %dma_start3A_88, %dma_start3A_89] : memref<4000x2x80xi32, #tpu.memory_space<hbm>> -> memref<1x2x80xi32, #tpu.memory_space<hbm>>
    %dma_start3A_91 = tpu.memref_squeeze %dma_start3A_90 : memref<1x2x80xi32, #tpu.memory_space<hbm>> -> memref<2x80xi32, #tpu.memory_space<hbm>>
    tpu.enqueue_dma source(%dma_start3A_91 : memref<2x80xi32, #tpu.memory_space<hbm>>) target(%arg8 : memref<2x80xi32, #tpu.memory_space<vmem>>) target_semaphore(%arg28 : memref<!tpu.dma_semaphore, #tpu.memory_space<semaphore_mem>>)
    %add3A_92 = arith.constant 3 : i32
    %add3A_93 = arith.addi %mul3A_2, %add3A_92 : i32
    %dma_start3A_94 = arith.constant 0 : i32
    %dma_start3A_95 = arith.constant 0 : i32
    %dma_start3A_96 = tpu.memref_slice %arg3[%add3A_93, %dma_start3A_94, %dma_start3A_95] : memref<4000x2x80xi32, #tpu.memory_space<hbm>> -> memref<1x2x80xi32, #tpu.memory_space<hbm>>
    %dma_start3A_97 = tpu.memref_squeeze %dma_start3A_96 : memref<1x2x80xi32, #tpu.memory_space<hbm>> -> memref<2x80xi32, #tpu.memory_space<hbm>>
    %dma_start3A_98 = arith.constant 0 : i32
    %dma_start3A_99 = arith.constant 0 : i32
    %dma_start3A_100 = tpu.memref_slice %arg3[%add3A_93, %dma_start3A_98, %dma_start3A_99] : memref<4000x2x80xi32, #tpu.memory_space<hbm>> -> memref<1x2x80xi32, #tpu.memory_space<hbm>>
    %dma_start3A_101 = tpu.memref_squeeze %dma_start3A_100 : memref<1x2x80xi32, #tpu.memory_space<hbm>> -> memref<2x80xi32, #tpu.memory_space<hbm>>
    tpu.enqueue_dma source(%dma_start3A_101 : memref<2x80xi32, #tpu.memory_space<hbm>>) target(%arg9 : memref<2x80xi32, #tpu.memory_space<vmem>>) target_semaphore(%arg29 : memref<!tpu.dma_semaphore, #tpu.memory_space<semaphore_mem>>)
    %add3A_102 = arith.constant 4 : i32
    %add3A_103 = arith.addi %mul3A_2, %add3A_102 : i32
    %dma_start3A_104 = arith.constant 0 : i32
    %dma_start3A_105 = arith.constant 0 : i32
    %dma_start3A_106 = tpu.memref_slice %arg3[%add3A_103, %dma_start3A_104, %dma_start3A_105] : memref<4000x2x80xi32, #tpu.memory_space<hbm>> -> memref<1x2x80xi32, #tpu.memory_space<hbm>>
    %dma_start3A_107 = tpu.memref_squeeze %dma_start3A_106 : memref<1x2x80xi32, #tpu.memory_space<hbm>> -> memref<2x80xi32, #tpu.memory_space<hbm>>
    %dma_start3A_108 = arith.constant 0 : i32
    %dma_start3A_109 = arith.constant 0 : i32
    %dma_start3A_110 = tpu.memref_slice %arg3[%add3A_103, %dma_start3A_108, %dma_start3A_109] : memref<4000x2x80xi32, #tpu.memory_space<hbm>> -> memref<1x2x80xi32, #tpu.memory_space<hbm>>
    %dma_start3A_111 = tpu.memref_squeeze %dma_start3A_110 : memref<1x2x80xi32, #tpu.memory_space<hbm>> -> memref<2x80xi32, #tpu.memory_space<hbm>>
    tpu.enqueue_dma source(%dma_start3A_111 : memref<2x80xi32, #tpu.memory_space<hbm>>) target(%arg10 : memref<2x80xi32, #tpu.memory_space<vmem>>) target_semaphore(%arg30 : memref<!tpu.dma_semaphore, #tpu.memory_space<semaphore_mem>>)
    %dma_start3A_112 = arith.constant 0 : i32
    %dma_start3A_113 = arith.constant 0 : i32
    %dma_start3A_114 = tpu.memref_slice %arg6[%dma_start3A_112, %dma_start3A_113] : memref<2x80xi32, #tpu.memory_space<vmem>> -> memref<1x80xi32, #tpu.memory_space<vmem>>
    %dma_start3A_115 = tpu.memref_squeeze %dma_start3A_114 : memref<1x80xi32, #tpu.memory_space<vmem>> -> memref<80xi32, #tpu.memory_space<vmem>>
    %dma_start3A_116 = arith.constant 0 : i32
    %dma_start3A_117 = arith.constant 0 : i32
    %dma_start3A_118 = tpu.memref_slice %arg2[%dma_start3A_116, %dma_start3A_117] : memref<10240x128xf32, #tpu.memory_space<hbm>> -> memref<10240x128xf32, #tpu.memory_space<hbm>>
    tpu.enqueue_indirect_dma source(%dma_start3A_118 : memref<10240x128xf32, #tpu.memory_space<hbm>>) target(%arg12 : memref<80x128xf32, #tpu.memory_space<vmem>>) offsets(%dma_start3A_115 : memref<80xi32, #tpu.memory_space<vmem>>) semaphore(%arg18 : memref<!tpu.dma_semaphore, #tpu.memory_space<semaphore_mem>>)
    %dma_start3A_119 = arith.constant 0 : i32
    %dma_start3A_120 = arith.constant 0 : i32
    %dma_start3A_121 = tpu.memref_slice %arg7[%dma_start3A_119, %dma_start3A_120] : memref<2x80xi32, #tpu.memory_space<vmem>> -> memref<1x80xi32, #tpu.memory_space<vmem>>
    %dma_start3A_122 = tpu.memref_squeeze %dma_start3A_121 : memref<1x80xi32, #tpu.memory_space<vmem>> -> memref<80xi32, #tpu.memory_space<vmem>>
    %dma_start3A_123 = arith.constant 0 : i32
    %dma_start3A_124 = arith.constant 0 : i32
    %dma_start3A_125 = tpu.memref_slice %arg2[%dma_start3A_123, %dma_start3A_124] : memref<10240x128xf32, #tpu.memory_space<hbm>> -> memref<10240x128xf32, #tpu.memory_space<hbm>>
    tpu.enqueue_indirect_dma source(%dma_start3A_125 : memref<10240x128xf32, #tpu.memory_space<hbm>>) target(%arg13 : memref<80x128xf32, #tpu.memory_space<vmem>>) offsets(%dma_start3A_122 : memref<80xi32, #tpu.memory_space<vmem>>) semaphore(%arg19 : memref<!tpu.dma_semaphore, #tpu.memory_space<semaphore_mem>>)
    %dma_wait3A = arith.constant 0 : i32
    %dma_wait3A_126 = arith.constant 0 : i32
    %dma_wait3A_127 = tpu.memref_slice %arg3[%mul3A_2, %dma_wait3A, %dma_wait3A_126] : memref<4000x2x80xi32, #tpu.memory_space<hbm>> -> memref<1x2x80xi32, #tpu.memory_space<hbm>>
    %dma_wait3A_128 = tpu.memref_squeeze %dma_wait3A_127 : memref<1x2x80xi32, #tpu.memory_space<hbm>> -> memref<2x80xi32, #tpu.memory_space<hbm>>
    %dma_wait3A_129 = arith.constant 0 : i32
    %dma_wait3A_130 = arith.constant 0 : i32
    %dma_wait3A_131 = tpu.memref_slice %arg3[%mul3A_2, %dma_wait3A_129, %dma_wait3A_130] : memref<4000x2x80xi32, #tpu.memory_space<hbm>> -> memref<1x2x80xi32, #tpu.memory_space<hbm>>
    %dma_wait3A_132 = tpu.memref_squeeze %dma_wait3A_131 : memref<1x2x80xi32, #tpu.memory_space<hbm>> -> memref<2x80xi32, #tpu.memory_space<hbm>>
    tpu.wait_dma2 semaphore(%arg28 : memref<!tpu.dma_semaphore, #tpu.memory_space<semaphore_mem>>) src(%dma_wait3A_132 : memref<2x80xi32, #tpu.memory_space<hbm>>) dst(%arg8 : memref<2x80xi32, #tpu.memory_space<vmem>>)
    %dma_start3A_133 = arith.constant 0 : i32
    %dma_start3A_134 = arith.constant 0 : i32
    %dma_start3A_135 = tpu.memref_slice %arg8[%dma_start3A_133, %dma_start3A_134] : memref<2x80xi32, #tpu.memory_space<vmem>> -> memref<1x80xi32, #tpu.memory_space<vmem>>
    %dma_start3A_136 = tpu.memref_squeeze %dma_start3A_135 : memref<1x80xi32, #tpu.memory_space<vmem>> -> memref<80xi32, #tpu.memory_space<vmem>>
    %dma_start3A_137 = arith.constant 0 : i32
    %dma_start3A_138 = arith.constant 0 : i32
    %dma_start3A_139 = tpu.memref_slice %arg2[%dma_start3A_137, %dma_start3A_138] : memref<10240x128xf32, #tpu.memory_space<hbm>> -> memref<10240x128xf32, #tpu.memory_space<hbm>>
    tpu.enqueue_indirect_dma source(%dma_start3A_139 : memref<10240x128xf32, #tpu.memory_space<hbm>>) target(%arg14 : memref<80x128xf32, #tpu.memory_space<vmem>>) offsets(%dma_start3A_136 : memref<80xi32, #tpu.memory_space<vmem>>) semaphore(%arg20 : memref<!tpu.dma_semaphore, #tpu.memory_space<semaphore_mem>>)
    %add3A_140 = arith.constant 5 : i32
    %add3A_141 = arith.addi %mul3A_2, %add3A_140 : i32
    %dma_start3A_142 = arith.constant 0 : i32
    %dma_start3A_143 = arith.constant 0 : i32
    %dma_start3A_144 = tpu.memref_slice %arg3[%add3A_141, %dma_start3A_142, %dma_start3A_143] : memref<4000x2x80xi32, #tpu.memory_space<hbm>> -> memref<1x2x80xi32, #tpu.memory_space<hbm>>
    %dma_start3A_145 = tpu.memref_squeeze %dma_start3A_144 : memref<1x2x80xi32, #tpu.memory_space<hbm>> -> memref<2x80xi32, #tpu.memory_space<hbm>>
    %dma_start3A_146 = arith.constant 0 : i32
    %dma_start3A_147 = arith.constant 0 : i32
    %dma_start3A_148 = tpu.memref_slice %arg3[%add3A_141, %dma_start3A_146, %dma_start3A_147] : memref<4000x2x80xi32, #tpu.memory_space<hbm>> -> memref<1x2x80xi32, #tpu.memory_space<hbm>>
    %dma_start3A_149 = tpu.memref_squeeze %dma_start3A_148 : memref<1x2x80xi32, #tpu.memory_space<hbm>> -> memref<2x80xi32, #tpu.memory_space<hbm>>
    tpu.enqueue_dma source(%dma_start3A_149 : memref<2x80xi32, #tpu.memory_space<hbm>>) target(%arg11 : memref<2x80xi32, #tpu.memory_space<vmem>>) target_semaphore(%arg31 : memref<!tpu.dma_semaphore, #tpu.memory_space<semaphore_mem>>)
    %dma_wait3A_150 = arith.constant 0 : i32
    %dma_wait3A_151 = arith.constant 0 : i32
    %dma_wait3A_152 = tpu.memref_slice %arg6[%dma_wait3A_150, %dma_wait3A_151] : memref<2x80xi32, #tpu.memory_space<vmem>> -> memref<1x80xi32, #tpu.memory_space<vmem>>
    %dma_wait3A_153 = tpu.memref_squeeze %dma_wait3A_152 : memref<1x80xi32, #tpu.memory_space<vmem>> -> memref<80xi32, #tpu.memory_space<vmem>>
    %dma_wait3A_154 = arith.constant 0 : i32
    %dma_wait3A_155 = arith.constant 0 : i32
    %dma_wait3A_156 = tpu.memref_slice %arg2[%dma_wait3A_154, %dma_wait3A_155] : memref<10240x128xf32, #tpu.memory_space<hbm>> -> memref<10240x128xf32, #tpu.memory_space<hbm>>
    tpu.wait_indirect_dma semaphore(%arg18 : memref<!tpu.dma_semaphore, #tpu.memory_space<semaphore_mem>>) src(%dma_wait3A_156 : memref<10240x128xf32, #tpu.memory_space<hbm>>) dst(%arg12 : memref<80x128xf32, #tpu.memory_space<vmem>>)
    %dma_start3A_157 = arith.constant 1 : i32
    %dma_start3A_158 = arith.constant 0 : i32
    %dma_start3A_159 = tpu.memref_slice %arg6[%dma_start3A_157, %dma_start3A_158] : memref<2x80xi32, #tpu.memory_space<vmem>> -> memref<1x80xi32, #tpu.memory_space<vmem>>
    %dma_start3A_160 = tpu.memref_squeeze %dma_start3A_159 : memref<1x80xi32, #tpu.memory_space<vmem>> -> memref<80xi32, #tpu.memory_space<vmem>>
    %dma_start3A_161 = arith.constant 0 : i32
    %dma_start3A_162 = arith.constant 0 : i32
    %dma_start3A_163 = tpu.memref_slice %arg32[%dma_start3A_161, %dma_start3A_162] : memref<10240x128xf32, #tpu.memory_space<vmem_shared>> -> memref<10240x128xf32, #tpu.memory_space<vmem_shared>>
    tpu.enqueue_indirect_dma source(%arg12 : memref<80x128xf32, #tpu.memory_space<vmem>>) target(%dma_start3A_163 : memref<10240x128xf32, #tpu.memory_space<vmem_shared>>) offsets(%dma_start3A_160 : memref<80xi32, #tpu.memory_space<vmem>>) semaphore(%arg22 : memref<!tpu.dma_semaphore, #tpu.memory_space<semaphore_mem>>) {add = true}
    %dma_start3A_164 = arith.constant 1 : i32
    %dma_start3A_165 = arith.constant 0 : i32
    %dma_start3A_166 = tpu.memref_slice %arg6[%dma_start3A_164, %dma_start3A_165] : memref<2x80xi32, #tpu.memory_space<vmem>> -> memref<1x80xi32, #tpu.memory_space<vmem>>
    %dma_start3A_167 = tpu.memref_squeeze %dma_start3A_166 : memref<1x80xi32, #tpu.memory_space<vmem>> -> memref<80xi32, #tpu.memory_space<vmem>>
    %dma_start3A_168 = arith.constant 0 : i32
    %dma_start3A_169 = tpu.memref_slice %arg33[%dma_start3A_168] : memref<10240xf32, #tpu.memory_space<vmem_shared>> -> memref<10240xf32, #tpu.memory_space<vmem_shared>>
    tpu.enqueue_indirect_dma source(%arg17 : memref<80xf32, #tpu.memory_space<vmem>>) target(%dma_start3A_169 : memref<10240xf32, #tpu.memory_space<vmem_shared>>) offsets(%dma_start3A_167 : memref<80xi32, #tpu.memory_space<vmem>>) semaphore(%arg22 : memref<!tpu.dma_semaphore, #tpu.memory_space<semaphore_mem>>) {add = true}
    %dma_wait3A_170 = arith.constant 0 : i32
    %dma_wait3A_171 = arith.constant 0 : i32
    %dma_wait3A_172 = tpu.memref_slice %arg3[%mul3A_2, %dma_wait3A_170, %dma_wait3A_171] : memref<4000x2x80xi32, #tpu.memory_space<hbm>> -> memref<1x2x80xi32, #tpu.memory_space<hbm>>
    %dma_wait3A_173 = tpu.memref_squeeze %dma_wait3A_172 : memref<1x2x80xi32, #tpu.memory_space<hbm>> -> memref<2x80xi32, #tpu.memory_space<hbm>>
    %dma_wait3A_174 = arith.constant 0 : i32
    %dma_wait3A_175 = arith.constant 0 : i32
    %dma_wait3A_176 = tpu.memref_slice %arg3[%mul3A_2, %dma_wait3A_174, %dma_wait3A_175] : memref<4000x2x80xi32, #tpu.memory_space<hbm>> -> memref<1x2x80xi32, #tpu.memory_space<hbm>>
    %dma_wait3A_177 = tpu.memref_squeeze %dma_wait3A_176 : memref<1x2x80xi32, #tpu.memory_space<hbm>> -> memref<2x80xi32, #tpu.memory_space<hbm>>
    tpu.wait_dma2 semaphore(%arg29 : memref<!tpu.dma_semaphore, #tpu.memory_space<semaphore_mem>>) src(%dma_wait3A_177 : memref<2x80xi32, #tpu.memory_space<hbm>>) dst(%arg9 : memref<2x80xi32, #tpu.memory_space<vmem>>)
    %dma_start3A_178 = arith.constant 0 : i32
    %dma_start3A_179 = arith.constant 0 : i32
    %dma_start3A_180 = tpu.memref_slice %arg9[%dma_start3A_178, %dma_start3A_179] : memref<2x80xi32, #tpu.memory_space<vmem>> -> memref<1x80xi32, #tpu.memory_space<vmem>>
    %dma_start3A_181 = tpu.memref_squeeze %dma_start3A_180 : memref<1x80xi32, #tpu.memory_space<vmem>> -> memref<80xi32, #tpu.memory_space<vmem>>
    %dma_start3A_182 = arith.constant 0 : i32
    %dma_start3A_183 = arith.constant 0 : i32
    %dma_start3A_184 = tpu.memref_slice %arg2[%dma_start3A_182, %dma_start3A_183] : memref<10240x128xf32, #tpu.memory_space<hbm>> -> memref<10240x128xf32, #tpu.memory_space<hbm>>
    tpu.enqueue_indirect_dma source(%dma_start3A_184 : memref<10240x128xf32, #tpu.memory_space<hbm>>) target(%arg15 : memref<80x128xf32, #tpu.memory_space<vmem>>) offsets(%dma_start3A_181 : memref<80xi32, #tpu.memory_space<vmem>>) semaphore(%arg21 : memref<!tpu.dma_semaphore, #tpu.memory_space<semaphore_mem>>)
    %dma_wait3A_185 = arith.constant 1 : i32
    %dma_wait3A_186 = arith.constant 0 : i32
    %dma_wait3A_187 = tpu.memref_slice %arg6[%dma_wait3A_185, %dma_wait3A_186] : memref<2x80xi32, #tpu.memory_space<vmem>> -> memref<1x80xi32, #tpu.memory_space<vmem>>
    %dma_wait3A_188 = tpu.memref_squeeze %dma_wait3A_187 : memref<1x80xi32, #tpu.memory_space<vmem>> -> memref<80xi32, #tpu.memory_space<vmem>>
    %dma_wait3A_189 = arith.constant 0 : i32
    %dma_wait3A_190 = arith.constant 0 : i32
    %dma_wait3A_191 = tpu.memref_slice %arg32[%dma_wait3A_189, %dma_wait3A_190] : memref<10240x128xf32, #tpu.memory_space<vmem_shared>> -> memref<10240x128xf32, #tpu.memory_space<vmem_shared>>
    tpu.wait_indirect_dma semaphore(%arg22 : memref<!tpu.dma_semaphore, #tpu.memory_space<semaphore_mem>>) src(%arg12 : memref<80x128xf32, #tpu.memory_space<vmem>>) dst(%dma_wait3A_191 : memref<10240x128xf32, #tpu.memory_space<vmem_shared>>)
    %dma_wait3A_192 = arith.constant 1 : i32
    %dma_wait3A_193 = arith.constant 0 : i32
    %dma_wait3A_194 = tpu.memref_slice %arg6[%dma_wait3A_192, %dma_wait3A_193] : memref<2x80xi32, #tpu.memory_space<vmem>> -> memref<1x80xi32, #tpu.memory_space<vmem>>
    %dma_wait3A_195 = tpu.memref_squeeze %dma_wait3A_194 : memref<1x80xi32, #tpu.memory_space<vmem>> -> memref<80xi32, #tpu.memory_space<vmem>>
    %dma_wait3A_196 = arith.constant 0 : i32
    %dma_wait3A_197 = tpu.memref_slice %arg33[%dma_wait3A_196] : memref<10240xf32, #tpu.memory_space<vmem_shared>> -> memref<10240xf32, #tpu.memory_space<vmem_shared>>
    tpu.wait_indirect_dma semaphore(%arg22 : memref<!tpu.dma_semaphore, #tpu.memory_space<semaphore_mem>>) src(%arg17 : memref<80xf32, #tpu.memory_space<vmem>>) dst(%dma_wait3A_197 : memref<10240xf32, #tpu.memory_space<vmem_shared>>)
    %add3A_198 = arith.constant 6 : i32
    %add3A_199 = arith.addi %mul3A_2, %add3A_198 : i32
    %dma_start3A_200 = arith.constant 0 : i32
    %dma_start3A_201 = arith.constant 0 : i32
    %dma_start3A_202 = tpu.memref_slice %arg3[%add3A_199, %dma_start3A_200, %dma_start3A_201] : memref<4000x2x80xi32, #tpu.memory_space<hbm>> -> memref<1x2x80xi32, #tpu.memory_space<hbm>>
    %dma_start3A_203 = tpu.memref_squeeze %dma_start3A_202 : memref<1x2x80xi32, #tpu.memory_space<hbm>> -> memref<2x80xi32, #tpu.memory_space<hbm>>
    %dma_start3A_204 = arith.constant 0 : i32
    %dma_start3A_205 = arith.constant 0 : i32
    %dma_start3A_206 = tpu.memref_slice %arg3[%add3A_199, %dma_start3A_204, %dma_start3A_205] : memref<4000x2x80xi32, #tpu.memory_space<hbm>> -> memref<1x2x80xi32, #tpu.memory_space<hbm>>
    %dma_start3A_207 = tpu.memref_squeeze %dma_start3A_206 : memref<1x2x80xi32, #tpu.memory_space<hbm>> -> memref<2x80xi32, #tpu.memory_space<hbm>>
    tpu.enqueue_dma source(%dma_start3A_207 : memref<2x80xi32, #tpu.memory_space<hbm>>) target(%arg6 : memref<2x80xi32, #tpu.memory_space<vmem>>) target_semaphore(%arg26 : memref<!tpu.dma_semaphore, #tpu.memory_space<semaphore_mem>>)
    %dma_wait3A_208 = arith.constant 0 : i32
    %dma_wait3A_209 = arith.constant 0 : i32
    %dma_wait3A_210 = tpu.memref_slice %arg6[%dma_wait3A_208, %dma_wait3A_209] : memref<2x80xi32, #tpu.memory_space<vmem>> -> memref<1x80xi32, #tpu.memory_space<vmem>>
    %dma_wait3A_211 = tpu.memref_squeeze %dma_wait3A_210 : memref<1x80xi32, #tpu.memory_space<vmem>> -> memref<80xi32, #tpu.memory_space<vmem>>
    %dma_wait3A_212 = arith.constant 0 : i32
    %dma_wait3A_213 = arith.constant 0 : i32
    %dma_wait3A_214 = tpu.memref_slice %arg2[%dma_wait3A_212, %dma_wait3A_213] : memref<10240x128xf32, #tpu.memory_space<hbm>> -> memref<10240x128xf32, #tpu.memory_space<hbm>>
    tpu.wait_indirect_dma semaphore(%arg19 : memref<!tpu.dma_semaphore, #tpu.memory_space<semaphore_mem>>) src(%dma_wait3A_214 : memref<10240x128xf32, #tpu.memory_space<hbm>>) dst(%arg13 : memref<80x128xf32, #tpu.memory_space<vmem>>)
    %dma_start3A_215 = arith.constant 1 : i32
    %dma_start3A_216 = arith.constant 0 : i32
    %dma_start3A_217 = tpu.memref_slice %arg7[%dma_start3A_215, %dma_start3A_216] : memref<2x80xi32, #tpu.memory_space<vmem>> -> memref<1x80xi32, #tpu.memory_space<vmem>>
    %dma_start3A_218 = tpu.memref_squeeze %dma_start3A_217 : memref<1x80xi32, #tpu.memory_space<vmem>> -> memref<80xi32, #tpu.memory_space<vmem>>
    %dma_start3A_219 = arith.constant 0 : i32
    %dma_start3A_220 = arith.constant 0 : i32
    %dma_start3A_221 = tpu.memref_slice %arg32[%dma_start3A_219, %dma_start3A_220] : memref<10240x128xf32, #tpu.memory_space<vmem_shared>> -> memref<10240x128xf32, #tpu.memory_space<vmem_shared>>
    tpu.enqueue_indirect_dma source(%arg13 : memref<80x128xf32, #tpu.memory_space<vmem>>) target(%dma_start3A_221 : memref<10240x128xf32, #tpu.memory_space<vmem_shared>>) offsets(%dma_start3A_218 : memref<80xi32, #tpu.memory_space<vmem>>) semaphore(%arg23 : memref<!tpu.dma_semaphore, #tpu.memory_space<semaphore_mem>>) {add = true}
    %dma_start3A_222 = arith.constant 1 : i32
    %dma_start3A_223 = arith.constant 0 : i32
    %dma_start3A_224 = tpu.memref_slice %arg7[%dma_start3A_222, %dma_start3A_223] : memref<2x80xi32, #tpu.memory_space<vmem>> -> memref<1x80xi32, #tpu.memory_space<vmem>>
    %dma_start3A_225 = tpu.memref_squeeze %dma_start3A_224 : memref<1x80xi32, #tpu.memory_space<vmem>> -> memref<80xi32, #tpu.memory_space<vmem>>
    %dma_start3A_226 = arith.constant 0 : i32
    %dma_start3A_227 = tpu.memref_slice %arg33[%dma_start3A_226] : memref<10240xf32, #tpu.memory_space<vmem_shared>> -> memref<10240xf32, #tpu.memory_space<vmem_shared>>
    tpu.enqueue_indirect_dma source(%arg17 : memref<80xf32, #tpu.memory_space<vmem>>) target(%dma_start3A_227 : memref<10240xf32, #tpu.memory_space<vmem_shared>>) offsets(%dma_start3A_225 : memref<80xi32, #tpu.memory_space<vmem>>) semaphore(%arg23 : memref<!tpu.dma_semaphore, #tpu.memory_space<semaphore_mem>>) {add = true}
    %dma_wait3A_228 = arith.constant 0 : i32
    %dma_wait3A_229 = arith.constant 0 : i32
    %dma_wait3A_230 = tpu.memref_slice %arg3[%mul3A_2, %dma_wait3A_228, %dma_wait3A_229] : memref<4000x2x80xi32, #tpu.memory_space<hbm>> -> memref<1x2x80xi32, #tpu.memory_space<hbm>>
    %dma_wait3A_231 = tpu.memref_squeeze %dma_wait3A_230 : memref<1x2x80xi32, #tpu.memory_space<hbm>> -> memref<2x80xi32, #tpu.memory_space<hbm>>
    %dma_wait3A_232 = arith.constant 0 : i32
    %dma_wait3A_233 = arith.constant 0 : i32
    %dma_wait3A_234 = tpu.memref_slice %arg3[%mul3A_2, %dma_wait3A_232, %dma_wait3A_233] : memref<4000x2x80xi32, #tpu.memory_space<hbm>> -> memref<1x2x80xi32, #tpu.memory_space<hbm>>
    %dma_wait3A_235 = tpu.memref_squeeze %dma_wait3A_234 : memref<1x2x80xi32, #tpu.memory_space<hbm>> -> memref<2x80xi32, #tpu.memory_space<hbm>>
    tpu.wait_dma2 semaphore(%arg30 : memref<!tpu.dma_semaphore, #tpu.memory_space<semaphore_mem>>) src(%dma_wait3A_235 : memref<2x80xi32, #tpu.memory_space<hbm>>) dst(%arg10 : memref<2x80xi32, #tpu.memory_space<vmem>>)
    %dma_start3A_236 = arith.constant 0 : i32
    %dma_start3A_237 = arith.constant 0 : i32
    %dma_start3A_238 = tpu.memref_slice %arg10[%dma_start3A_236, %dma_start3A_237] : memref<2x80xi32, #tpu.memory_space<vmem>> -> memref<1x80xi32, #tpu.memory_space<vmem>>
    %dma_start3A_239 = tpu.memref_squeeze %dma_start3A_238 : memref<1x80xi32, #tpu.memory_space<vmem>> -> memref<80xi32, #tpu.memory_space<vmem>>
    %dma_start3A_240 = arith.constant 0 : i32
    %dma_start3A_241 = arith.constant 0 : i32
    %dma_start3A_242 = tpu.memref_slice %arg2[%dma_start3A_240, %dma_start3A_241] : memref<10240x128xf32, #tpu.memory_space<hbm>> -> memref<10240x128xf32, #tpu.memory_space<hbm>>
    tpu.enqueue_indirect_dma source(%dma_start3A_242 : memref<10240x128xf32, #tpu.memory_space<hbm>>) target(%arg12 : memref<80x128xf32, #tpu.memory_space<vmem>>) offsets(%dma_start3A_239 : memref<80xi32, #tpu.memory_space<vmem>>) semaphore(%arg18 : memref<!tpu.dma_semaphore, #tpu.memory_space<semaphore_mem>>)
    %scan3A = arith.constant 0 : i32
    %scan3A_243 = arith.constant 0 : i32
    %scan3A_244 = arith.constant 9 : i32
    %scan3A_245 = arith.addi %scan3A_243, %scan3A_244 : i32
    %scan3A_246 = arith.constant 1 : i32
    scf.for %scan3A_1039 = %scan3A_243 to %scan3A_245 step %scan3A_246  : i32 {
      %mul3A_1040 = arith.constant 12 : i32
      %mul3A_1041 = arith.muli %scan3A_1039, %mul3A_1040 : i32
      %add3A_1042 = arith.constant 2 : i32
      %add3A_1043 = arith.addi %add3A_1042, %mul3A_1041 : i32
      %add3A_1044 = arith.constant 0 : i32
      %add3A_1045 = arith.addi %add3A_1043, %add3A_1044 : i32
      %dma_wait3A_1046 = arith.constant 1 : i32
      %dma_wait3A_1047 = arith.constant 0 : i32
      %dma_wait3A_1048 = tpu.memref_slice %arg7[%dma_wait3A_1046, %dma_wait3A_1047] : memref<2x80xi32, #tpu.memory_space<vmem>> -> memref<1x80xi32, #tpu.memory_space<vmem>>
      %dma_wait3A_1049 = tpu.memref_squeeze %dma_wait3A_1048 : memref<1x80xi32, #tpu.memory_space<vmem>> -> memref<80xi32, #tpu.memory_space<vmem>>
      %dma_wait3A_1050 = arith.constant 0 : i32
      %dma_wait3A_1051 = arith.constant 0 : i32
      %dma_wait3A_1052 = tpu.memref_slice %arg32[%dma_wait3A_1050, %dma_wait3A_1051] : memref<10240x128xf32, #tpu.memory_space<vmem_shared>> -> memref<10240x128xf32, #tpu.memory_space<vmem_shared>>
      tpu.wait_indirect_dma semaphore(%arg23 : memref<!tpu.dma_semaphore, #tpu.memory_space<semaphore_mem>>) src(%arg13 : memref<80x128xf32, #tpu.memory_space<vmem>>) dst(%dma_wait3A_1052 : memref<10240x128xf32, #tpu.memory_space<vmem_shared>>)
      %dma_wait3A_1053 = arith.constant 1 : i32
      %dma_wait3A_1054 = arith.constant 0 : i32
      %dma_wait3A_1055 = tpu.memref_slice %arg7[%dma_wait3A_1053, %dma_wait3A_1054] : memref<2x80xi32, #tpu.memory_space<vmem>> -> memref<1x80xi32, #tpu.memory_space<vmem>>
      %dma_wait3A_1056 = tpu.memref_squeeze %dma_wait3A_1055 : memref<1x80xi32, #tpu.memory_space<vmem>> -> memref<80xi32, #tpu.memory_space<vmem>>
      %dma_wait3A_1057 = arith.constant 0 : i32
      %dma_wait3A_1058 = tpu.memref_slice %arg33[%dma_wait3A_1057] : memref<10240xf32, #tpu.memory_space<vmem_shared>> -> memref<10240xf32, #tpu.memory_space<vmem_shared>>
      tpu.wait_indirect_dma semaphore(%arg23 : memref<!tpu.dma_semaphore, #tpu.memory_space<semaphore_mem>>) src(%arg17 : memref<80xf32, #tpu.memory_space<vmem>>) dst(%dma_wait3A_1058 : memref<10240xf32, #tpu.memory_space<vmem_shared>>)
      %add3A_1059 = arith.constant 5 : i32
      %add3A_1060 = arith.addi %add3A_1045, %add3A_1059 : i32
      %add3A_1061 = arith.addi %mul3A_2, %add3A_1060 : i32
      %dma_start3A_1062 = arith.constant 0 : i32
      %dma_start3A_1063 = arith.constant 0 : i32
      %dma_start3A_1064 = tpu.memref_slice %arg3[%add3A_1061, %dma_start3A_1062, %dma_start3A_1063] : memref<4000x2x80xi32, #tpu.memory_space<hbm>> -> memref<1x2x80xi32, #tpu.memory_space<hbm>>
      %dma_start3A_1065 = tpu.memref_squeeze %dma_start3A_1064 : memref<1x2x80xi32, #tpu.memory_space<hbm>> -> memref<2x80xi32, #tpu.memory_space<hbm>>
      %dma_start3A_1066 = arith.constant 0 : i32
      %dma_start3A_1067 = arith.constant 0 : i32
      %dma_start3A_1068 = tpu.memref_slice %arg3[%add3A_1061, %dma_start3A_1066, %dma_start3A_1067] : memref<4000x2x80xi32, #tpu.memory_space<hbm>> -> memref<1x2x80xi32, #tpu.memory_space<hbm>>
      %dma_start3A_1069 = tpu.memref_squeeze %dma_start3A_1068 : memref<1x2x80xi32, #tpu.memory_space<hbm>> -> memref<2x80xi32, #tpu.memory_space<hbm>>
      tpu.enqueue_dma source(%dma_start3A_1069 : memref<2x80xi32, #tpu.memory_space<hbm>>) target(%arg7 : memref<2x80xi32, #tpu.memory_space<vmem>>) target_semaphore(%arg27 : memref<!tpu.dma_semaphore, #tpu.memory_space<semaphore_mem>>)
      %dma_wait3A_1070 = arith.constant 0 : i32
      %dma_wait3A_1071 = arith.constant 0 : i32
      %dma_wait3A_1072 = tpu.memref_slice %arg6[%dma_wait3A_1070, %dma_wait3A_1071] : memref<2x80xi32, #tpu.memory_space<vmem>> -> memref<1x80xi32, #tpu.memory_space<vmem>>
      %dma_wait3A_1073 = tpu.memref_squeeze %dma_wait3A_1072 : memref<1x80xi32, #tpu.memory_space<vmem>> -> memref<80xi32, #tpu.memory_space<vmem>>
      %dma_wait3A_1074 = arith.constant 0 : i32
      %dma_wait3A_1075 = arith.constant 0 : i32
      %dma_wait3A_1076 = tpu.memref_slice %arg2[%dma_wait3A_1074, %dma_wait3A_1075] : memref<10240x128xf32, #tpu.memory_space<hbm>> -> memref<10240x128xf32, #tpu.memory_space<hbm>>
      tpu.wait_indirect_dma semaphore(%arg20 : memref<!tpu.dma_semaphore, #tpu.memory_space<semaphore_mem>>) src(%dma_wait3A_1076 : memref<10240x128xf32, #tpu.memory_space<hbm>>) dst(%arg14 : memref<80x128xf32, #tpu.memory_space<vmem>>)
      %dma_start3A_1077 = arith.constant 1 : i32
      %dma_start3A_1078 = arith.constant 0 : i32
      %dma_start3A_1079 = tpu.memref_slice %arg8[%dma_start3A_1077, %dma_start3A_1078] : memref<2x80xi32, #tpu.memory_space<vmem>> -> memref<1x80xi32, #tpu.memory_space<vmem>>
      %dma_start3A_1080 = tpu.memref_squeeze %dma_start3A_1079 : memref<1x80xi32, #tpu.memory_space<vmem>> -> memref<80xi32, #tpu.memory_space<vmem>>
      %dma_start3A_1081 = arith.constant 0 : i32
      %dma_start3A_1082 = arith.constant 0 : i32
      %dma_start3A_1083 = tpu.memref_slice %arg32[%dma_start3A_1081, %dma_start3A_1082] : memref<10240x128xf32, #tpu.memory_space<vmem_shared>> -> memref<10240x128xf32, #tpu.memory_space<vmem_shared>>
      tpu.enqueue_indirect_dma source(%arg14 : memref<80x128xf32, #tpu.memory_space<vmem>>) target(%dma_start3A_1083 : memref<10240x128xf32, #tpu.memory_space<vmem_shared>>) offsets(%dma_start3A_1080 : memref<80xi32, #tpu.memory_space<vmem>>) semaphore(%arg24 : memref<!tpu.dma_semaphore, #tpu.memory_space<semaphore_mem>>) {add = true}
      %dma_start3A_1084 = arith.constant 1 : i32
      %dma_start3A_1085 = arith.constant 0 : i32
      %dma_start3A_1086 = tpu.memref_slice %arg8[%dma_start3A_1084, %dma_start3A_1085] : memref<2x80xi32, #tpu.memory_space<vmem>> -> memref<1x80xi32, #tpu.memory_space<vmem>>
      %dma_start3A_1087 = tpu.memref_squeeze %dma_start3A_1086 : memref<1x80xi32, #tpu.memory_space<vmem>> -> memref<80xi32, #tpu.memory_space<vmem>>
      %dma_start3A_1088 = arith.constant 0 : i32
      %dma_start3A_1089 = tpu.memref_slice %arg33[%dma_start3A_1088] : memref<10240xf32, #tpu.memory_space<vmem_shared>> -> memref<10240xf32, #tpu.memory_space<vmem_shared>>
      tpu.enqueue_indirect_dma source(%arg17 : memref<80xf32, #tpu.memory_space<vmem>>) target(%dma_start3A_1089 : memref<10240xf32, #tpu.memory_space<vmem_shared>>) offsets(%dma_start3A_1087 : memref<80xi32, #tpu.memory_space<vmem>>) semaphore(%arg24 : memref<!tpu.dma_semaphore, #tpu.memory_space<semaphore_mem>>) {add = true}
      %dma_wait3A_1090 = arith.constant 0 : i32
      %dma_wait3A_1091 = arith.constant 0 : i32
      %dma_wait3A_1092 = tpu.memref_slice %arg3[%mul3A_2, %dma_wait3A_1090, %dma_wait3A_1091] : memref<4000x2x80xi32, #tpu.memory_space<hbm>> -> memref<1x2x80xi32, #tpu.memory_space<hbm>>
      %dma_wait3A_1093 = tpu.memref_squeeze %dma_wait3A_1092 : memref<1x2x80xi32, #tpu.memory_space<hbm>> -> memref<2x80xi32, #tpu.memory_space<hbm>>
      %dma_wait3A_1094 = arith.constant 0 : i32
      %dma_wait3A_1095 = arith.constant 0 : i32
      %dma_wait3A_1096 = tpu.memref_slice %arg3[%mul3A_2, %dma_wait3A_1094, %dma_wait3A_1095] : memref<4000x2x80xi32, #tpu.memory_space<hbm>> -> memref<1x2x80xi32, #tpu.memory_space<hbm>>
      %dma_wait3A_1097 = tpu.memref_squeeze %dma_wait3A_1096 : memref<1x2x80xi32, #tpu.memory_space<hbm>> -> memref<2x80xi32, #tpu.memory_space<hbm>>
      tpu.wait_dma2 semaphore(%arg31 : memref<!tpu.dma_semaphore, #tpu.memory_space<semaphore_mem>>) src(%dma_wait3A_1097 : memref<2x80xi32, #tpu.memory_space<hbm>>) dst(%arg11 : memref<2x80xi32, #tpu.memory_space<vmem>>)
      %dma_start3A_1098 = arith.constant 0 : i32
      %dma_start3A_1099 = arith.constant 0 : i32
      %dma_start3A_1100 = tpu.memref_slice %arg11[%dma_start3A_1098, %dma_start3A_1099] : memref<2x80xi32, #tpu.memory_space<vmem>> -> memref<1x80xi32, #tpu.memory_space<vmem>>
      %dma_start3A_1101 = tpu.memref_squeeze %dma_start3A_1100 : memref<1x80xi32, #tpu.memory_space<vmem>> -> memref<80xi32, #tpu.memory_space<vmem>>
      %dma_start3A_1102 = arith.constant 0 : i32
      %dma_start3A_1103 = arith.constant 0 : i32
      %dma_start3A_1104 = tpu.memref_slice %arg2[%dma_start3A_1102, %dma_start3A_1103] : memref<10240x128xf32, #tpu.memory_space<hbm>> -> memref<10240x128xf32, #tpu.memory_space<hbm>>
      tpu.enqueue_indirect_dma source(%dma_start3A_1104 : memref<10240x128xf32, #tpu.memory_space<hbm>>) target(%arg13 : memref<80x128xf32, #tpu.memory_space<vmem>>) offsets(%dma_start3A_1101 : memref<80xi32, #tpu.memory_space<vmem>>) semaphore(%arg19 : memref<!tpu.dma_semaphore, #tpu.memory_space<semaphore_mem>>)
      %add3A_1105 = arith.constant 1 : i32
      %add3A_1106 = arith.addi %add3A_1043, %add3A_1105 : i32
      %dma_wait3A_1107 = arith.constant 1 : i32
      %dma_wait3A_1108 = arith.constant 0 : i32
      %dma_wait3A_1109 = tpu.memref_slice %arg8[%dma_wait3A_1107, %dma_wait3A_1108] : memref<2x80xi32, #tpu.memory_space<vmem>> -> memref<1x80xi32, #tpu.memory_space<vmem>>
      %dma_wait3A_1110 = tpu.memref_squeeze %dma_wait3A_1109 : memref<1x80xi32, #tpu.memory_space<vmem>> -> memref<80xi32, #tpu.memory_space<vmem>>
      %dma_wait3A_1111 = arith.constant 0 : i32
      %dma_wait3A_1112 = arith.constant 0 : i32
      %dma_wait3A_1113 = tpu.memref_slice %arg32[%dma_wait3A_1111, %dma_wait3A_1112] : memref<10240x128xf32, #tpu.memory_space<vmem_shared>> -> memref<10240x128xf32, #tpu.memory_space<vmem_shared>>
      tpu.wait_indirect_dma semaphore(%arg24 : memref<!tpu.dma_semaphore, #tpu.memory_space<semaphore_mem>>) src(%arg14 : memref<80x128xf32, #tpu.memory_space<vmem>>) dst(%dma_wait3A_1113 : memref<10240x128xf32, #tpu.memory_space<vmem_shared>>)
      %dma_wait3A_1114 = arith.constant 1 : i32
      %dma_wait3A_1115 = arith.constant 0 : i32
      %dma_wait3A_1116 = tpu.memref_slice %arg8[%dma_wait3A_1114, %dma_wait3A_1115] : memref<2x80xi32, #tpu.memory_space<vmem>> -> memref<1x80xi32, #tpu.memory_space<vmem>>
      %dma_wait3A_1117 = tpu.memref_squeeze %dma_wait3A_1116 : memref<1x80xi32, #tpu.memory_space<vmem>> -> memref<80xi32, #tpu.memory_space<vmem>>
      %dma_wait3A_1118 = arith.constant 0 : i32
      %dma_wait3A_1119 = tpu.memref_slice %arg33[%dma_wait3A_1118] : memref<10240xf32, #tpu.memory_space<vmem_shared>> -> memref<10240xf32, #tpu.memory_space<vmem_shared>>
      tpu.wait_indirect_dma semaphore(%arg24 : memref<!tpu.dma_semaphore, #tpu.memory_space<semaphore_mem>>) src(%arg17 : memref<80xf32, #tpu.memory_space<vmem>>) dst(%dma_wait3A_1119 : memref<10240xf32, #tpu.memory_space<vmem_shared>>)
      %add3A_1120 = arith.constant 5 : i32
      %add3A_1121 = arith.addi %add3A_1106, %add3A_1120 : i32
      %add3A_1122 = arith.addi %mul3A_2, %add3A_1121 : i32
      %dma_start3A_1123 = arith.constant 0 : i32
      %dma_start3A_1124 = arith.constant 0 : i32
      %dma_start3A_1125 = tpu.memref_slice %arg3[%add3A_1122, %dma_start3A_1123, %dma_start3A_1124] : memref<4000x2x80xi32, #tpu.memory_space<hbm>> -> memref<1x2x80xi32, #tpu.memory_space<hbm>>
      %dma_start3A_1126 = tpu.memref_squeeze %dma_start3A_1125 : memref<1x2x80xi32, #tpu.memory_space<hbm>> -> memref<2x80xi32, #tpu.memory_space<hbm>>
      %dma_start3A_1127 = arith.constant 0 : i32
      %dma_start3A_1128 = arith.constant 0 : i32
      %dma_start3A_1129 = tpu.memref_slice %arg3[%add3A_1122, %dma_start3A_1127, %dma_start3A_1128] : memref<4000x2x80xi32, #tpu.memory_space<hbm>> -> memref<1x2x80xi32, #tpu.memory_space<hbm>>
      %dma_start3A_1130 = tpu.memref_squeeze %dma_start3A_1129 : memref<1x2x80xi32, #tpu.memory_space<hbm>> -> memref<2x80xi32, #tpu.memory_space<hbm>>
      tpu.enqueue_dma source(%dma_start3A_1130 : memref<2x80xi32, #tpu.memory_space<hbm>>) target(%arg8 : memref<2x80xi32, #tpu.memory_space<vmem>>) target_semaphore(%arg28 : memref<!tpu.dma_semaphore, #tpu.memory_space<semaphore_mem>>)
      %dma_wait3A_1131 = arith.constant 0 : i32
      %dma_wait3A_1132 = arith.constant 0 : i32
      %dma_wait3A_1133 = tpu.memref_slice %arg6[%dma_wait3A_1131, %dma_wait3A_1132] : memref<2x80xi32, #tpu.memory_space<vmem>> -> memref<1x80xi32, #tpu.memory_space<vmem>>
      %dma_wait3A_1134 = tpu.memref_squeeze %dma_wait3A_1133 : memref<1x80xi32, #tpu.memory_space<vmem>> -> memref<80xi32, #tpu.memory_space<vmem>>
      %dma_wait3A_1135 = arith.constant 0 : i32
      %dma_wait3A_1136 = arith.constant 0 : i32
      %dma_wait3A_1137 = tpu.memref_slice %arg2[%dma_wait3A_1135, %dma_wait3A_1136] : memref<10240x128xf32, #tpu.memory_space<hbm>> -> memref<10240x128xf32, #tpu.memory_space<hbm>>
      tpu.wait_indirect_dma semaphore(%arg21 : memref<!tpu.dma_semaphore, #tpu.memory_space<semaphore_mem>>) src(%dma_wait3A_1137 : memref<10240x128xf32, #tpu.memory_space<hbm>>) dst(%arg15 : memref<80x128xf32, #tpu.memory_space<vmem>>)
      %dma_start3A_1138 = arith.constant 1 : i32
      %dma_start3A_1139 = arith.constant 0 : i32
      %dma_start3A_1140 = tpu.memref_slice %arg9[%dma_start3A_1138, %dma_start3A_1139] : memref<2x80xi32, #tpu.memory_space<vmem>> -> memref<1x80xi32, #tpu.memory_space<vmem>>
      %dma_start3A_1141 = tpu.memref_squeeze %dma_start3A_1140 : memref<1x80xi32, #tpu.memory_space<vmem>> -> memref<80xi32, #tpu.memory_space<vmem>>
      %dma_start3A_1142 = arith.constant 0 : i32
      %dma_start3A_1143 = arith.constant 0 : i32
      %dma_start3A_1144 = tpu.memref_slice %arg32[%dma_start3A_1142, %dma_start3A_1143] : memref<10240x128xf32, #tpu.memory_space<vmem_shared>> -> memref<10240x128xf32, #tpu.memory_space<vmem_shared>>
      tpu.enqueue_indirect_dma source(%arg15 : memref<80x128xf32, #tpu.memory_space<vmem>>) target(%dma_start3A_1144 : memref<10240x128xf32, #tpu.memory_space<vmem_shared>>) offsets(%dma_start3A_1141 : memref<80xi32, #tpu.memory_space<vmem>>) semaphore(%arg25 : memref<!tpu.dma_semaphore, #tpu.memory_space<semaphore_mem>>) {add = true}
      %dma_start3A_1145 = arith.constant 1 : i32
      %dma_start3A_1146 = arith.constant 0 : i32
      %dma_start3A_1147 = tpu.memref_slice %arg9[%dma_start3A_1145, %dma_start3A_1146] : memref<2x80xi32, #tpu.memory_space<vmem>> -> memref<1x80xi32, #tpu.memory_space<vmem>>
      %dma_start3A_1148 = tpu.memref_squeeze %dma_start3A_1147 : memref<1x80xi32, #tpu.memory_space<vmem>> -> memref<80xi32, #tpu.memory_space<vmem>>
      %dma_start3A_1149 = arith.constant 0 : i32
      %dma_start3A_1150 = tpu.memref_slice %arg33[%dma_start3A_1149] : memref<10240xf32, #tpu.memory_space<vmem_shared>> -> memref<10240xf32, #tpu.memory_space<vmem_shared>>
      tpu.enqueue_indirect_dma source(%arg17 : memref<80xf32, #tpu.memory_space<vmem>>) target(%dma_start3A_1150 : memref<10240xf32, #tpu.memory_space<vmem_shared>>) offsets(%dma_start3A_1148 : memref<80xi32, #tpu.memory_space<vmem>>) semaphore(%arg25 : memref<!tpu.dma_semaphore, #tpu.memory_space<semaphore_mem>>) {add = true}
      %dma_wait3A_1151 = arith.constant 0 : i32
      %dma_wait3A_1152 = arith.constant 0 : i32
      %dma_wait3A_1153 = tpu.memref_slice %arg3[%mul3A_2, %dma_wait3A_1151, %dma_wait3A_1152] : memref<4000x2x80xi32, #tpu.memory_space<hbm>> -> memref<1x2x80xi32, #tpu.memory_space<hbm>>
      %dma_wait3A_1154 = tpu.memref_squeeze %dma_wait3A_1153 : memref<1x2x80xi32, #tpu.memory_space<hbm>> -> memref<2x80xi32, #tpu.memory_space<hbm>>
      %dma_wait3A_1155 = arith.constant 0 : i32
      %dma_wait3A_1156 = arith.constant 0 : i32
      %dma_wait3A_1157 = tpu.memref_slice %arg3[%mul3A_2, %dma_wait3A_1155, %dma_wait3A_1156] : memref<4000x2x80xi32, #tpu.memory_space<hbm>> -> memref<1x2x80xi32, #tpu.memory_space<hbm>>
      %dma_wait3A_1158 = tpu.memref_squeeze %dma_wait3A_1157 : memref<1x2x80xi32, #tpu.memory_space<hbm>> -> memref<2x80xi32, #tpu.memory_space<hbm>>
      tpu.wait_dma2 semaphore(%arg26 : memref<!tpu.dma_semaphore, #tpu.memory_space<semaphore_mem>>) src(%dma_wait3A_1158 : memref<2x80xi32, #tpu.memory_space<hbm>>) dst(%arg6 : memref<2x80xi32, #tpu.memory_space<vmem>>)
      %dma_start3A_1159 = arith.constant 0 : i32
      %dma_start3A_1160 = arith.constant 0 : i32
      %dma_start3A_1161 = tpu.memref_slice %arg6[%dma_start3A_1159, %dma_start3A_1160] : memref<2x80xi32, #tpu.memory_space<vmem>> -> memref<1x80xi32, #tpu.memory_space<vmem>>
      %dma_start3A_1162 = tpu.memref_squeeze %dma_start3A_1161 : memref<1x80xi32, #tpu.memory_space<vmem>> -> memref<80xi32, #tpu.memory_space<vmem>>
      %dma_start3A_1163 = arith.constant 0 : i32
      %dma_start3A_1164 = arith.constant 0 : i32
      %dma_start3A_1165 = tpu.memref_slice %arg2[%dma_start3A_1163, %dma_start3A_1164] : memref<10240x128xf32, #tpu.memory_space<hbm>> -> memref<10240x128xf32, #tpu.memory_space<hbm>>
      tpu.enqueue_indirect_dma source(%dma_start3A_1165 : memref<10240x128xf32, #tpu.memory_space<hbm>>) target(%arg14 : memref<80x128xf32, #tpu.memory_space<vmem>>) offsets(%dma_start3A_1162 : memref<80xi32, #tpu.memory_space<vmem>>) semaphore(%arg20 : memref<!tpu.dma_semaphore, #tpu.memory_space<semaphore_mem>>)
      %add3A_1166 = arith.constant 2 : i32
      %add3A_1167 = arith.addi %add3A_1043, %add3A_1166 : i32
      %dma_wait3A_1168 = arith.constant 1 : i32
      %dma_wait3A_1169 = arith.constant 0 : i32
      %dma_wait3A_1170 = tpu.memref_slice %arg9[%dma_wait3A_1168, %dma_wait3A_1169] : memref<2x80xi32, #tpu.memory_space<vmem>> -> memref<1x80xi32, #tpu.memory_space<vmem>>
      %dma_wait3A_1171 = tpu.memref_squeeze %dma_wait3A_1170 : memref<1x80xi32, #tpu.memory_space<vmem>> -> memref<80xi32, #tpu.memory_space<vmem>>
      %dma_wait3A_1172 = arith.constant 0 : i32
      %dma_wait3A_1173 = arith.constant 0 : i32
      %dma_wait3A_1174 = tpu.memref_slice %arg32[%dma_wait3A_1172, %dma_wait3A_1173] : memref<10240x128xf32, #tpu.memory_space<vmem_shared>> -> memref<10240x128xf32, #tpu.memory_space<vmem_shared>>
      tpu.wait_indirect_dma semaphore(%arg25 : memref<!tpu.dma_semaphore, #tpu.memory_space<semaphore_mem>>) src(%arg15 : memref<80x128xf32, #tpu.memory_space<vmem>>) dst(%dma_wait3A_1174 : memref<10240x128xf32, #tpu.memory_space<vmem_shared>>)
      %dma_wait3A_1175 = arith.constant 1 : i32
      %dma_wait3A_1176 = arith.constant 0 : i32
      %dma_wait3A_1177 = tpu.memref_slice %arg9[%dma_wait3A_1175, %dma_wait3A_1176] : memref<2x80xi32, #tpu.memory_space<vmem>> -> memref<1x80xi32, #tpu.memory_space<vmem>>
      %dma_wait3A_1178 = tpu.memref_squeeze %dma_wait3A_1177 : memref<1x80xi32, #tpu.memory_space<vmem>> -> memref<80xi32, #tpu.memory_space<vmem>>
      %dma_wait3A_1179 = arith.constant 0 : i32
      %dma_wait3A_1180 = tpu.memref_slice %arg33[%dma_wait3A_1179] : memref<10240xf32, #tpu.memory_space<vmem_shared>> -> memref<10240xf32, #tpu.memory_space<vmem_shared>>
      tpu.wait_indirect_dma semaphore(%arg25 : memref<!tpu.dma_semaphore, #tpu.memory_space<semaphore_mem>>) src(%arg17 : memref<80xf32, #tpu.memory_space<vmem>>) dst(%dma_wait3A_1180 : memref<10240xf32, #tpu.memory_space<vmem_shared>>)
      %add3A_1181 = arith.constant 5 : i32
      %add3A_1182 = arith.addi %add3A_1167, %add3A_1181 : i32
      %add3A_1183 = arith.addi %mul3A_2, %add3A_1182 : i32
      %dma_start3A_1184 = arith.constant 0 : i32
      %dma_start3A_1185 = arith.constant 0 : i32
      %dma_start3A_1186 = tpu.memref_slice %arg3[%add3A_1183, %dma_start3A_1184, %dma_start3A_1185] : memref<4000x2x80xi32, #tpu.memory_space<hbm>> -> memref<1x2x80xi32, #tpu.memory_space<hbm>>
      %dma_start3A_1187 = tpu.memref_squeeze %dma_start3A_1186 : memref<1x2x80xi32, #tpu.memory_space<hbm>> -> memref<2x80xi32, #tpu.memory_space<hbm>>
      %dma_start3A_1188 = arith.constant 0 : i32
      %dma_start3A_1189 = arith.constant 0 : i32
      %dma_start3A_1190 = tpu.memref_slice %arg3[%add3A_1183, %dma_start3A_1188, %dma_start3A_1189] : memref<4000x2x80xi32, #tpu.memory_space<hbm>> -> memref<1x2x80xi32, #tpu.memory_space<hbm>>
      %dma_start3A_1191 = tpu.memref_squeeze %dma_start3A_1190 : memref<1x2x80xi32, #tpu.memory_space<hbm>> -> memref<2x80xi32, #tpu.memory_space<hbm>>
      tpu.enqueue_dma source(%dma_start3A_1191 : memref<2x80xi32, #tpu.memory_space<hbm>>) target(%arg9 : memref<2x80xi32, #tpu.memory_space<vmem>>) target_semaphore(%arg29 : memref<!tpu.dma_semaphore, #tpu.memory_space<semaphore_mem>>)
      %dma_wait3A_1192 = arith.constant 0 : i32
      %dma_wait3A_1193 = arith.constant 0 : i32
      %dma_wait3A_1194 = tpu.memref_slice %arg6[%dma_wait3A_1192, %dma_wait3A_1193] : memref<2x80xi32, #tpu.memory_space<vmem>> -> memref<1x80xi32, #tpu.memory_space<vmem>>
      %dma_wait3A_1195 = tpu.memref_squeeze %dma_wait3A_1194 : memref<1x80xi32, #tpu.memory_space<vmem>> -> memref<80xi32, #tpu.memory_space<vmem>>
      %dma_wait3A_1196 = arith.constant 0 : i32
      %dma_wait3A_1197 = arith.constant 0 : i32
      %dma_wait3A_1198 = tpu.memref_slice %arg2[%dma_wait3A_1196, %dma_wait3A_1197] : memref<10240x128xf32, #tpu.memory_space<hbm>> -> memref<10240x128xf32, #tpu.memory_space<hbm>>
      tpu.wait_indirect_dma semaphore(%arg18 : memref<!tpu.dma_semaphore, #tpu.memory_space<semaphore_mem>>) src(%dma_wait3A_1198 : memref<10240x128xf32, #tpu.memory_space<hbm>>) dst(%arg12 : memref<80x128xf32, #tpu.memory_space<vmem>>)
      %dma_start3A_1199 = arith.constant 1 : i32
      %dma_start3A_1200 = arith.constant 0 : i32
      %dma_start3A_1201 = tpu.memref_slice %arg10[%dma_start3A_1199, %dma_start3A_1200] : memref<2x80xi32, #tpu.memory_space<vmem>> -> memref<1x80xi32, #tpu.memory_space<vmem>>
      %dma_start3A_1202 = tpu.memref_squeeze %dma_start3A_1201 : memref<1x80xi32, #tpu.memory_space<vmem>> -> memref<80xi32, #tpu.memory_space<vmem>>
      %dma_start3A_1203 = arith.constant 0 : i32
      %dma_start3A_1204 = arith.constant 0 : i32
      %dma_start3A_1205 = tpu.memref_slice %arg32[%dma_start3A_1203, %dma_start3A_1204] : memref<10240x128xf32, #tpu.memory_space<vmem_shared>> -> memref<10240x128xf32, #tpu.memory_space<vmem_shared>>
      tpu.enqueue_indirect_dma source(%arg12 : memref<80x128xf32, #tpu.memory_space<vmem>>) target(%dma_start3A_1205 : memref<10240x128xf32, #tpu.memory_space<vmem_shared>>) offsets(%dma_start3A_1202 : memref<80xi32, #tpu.memory_space<vmem>>) semaphore(%arg22 : memref<!tpu.dma_semaphore, #tpu.memory_space<semaphore_mem>>) {add = true}
      %dma_start3A_1206 = arith.constant 1 : i32
      %dma_start3A_1207 = arith.constant 0 : i32
      %dma_start3A_1208 = tpu.memref_slice %arg10[%dma_start3A_1206, %dma_start3A_1207] : memref<2x80xi32, #tpu.memory_space<vmem>> -> memref<1x80xi32, #tpu.memory_space<vmem>>
      %dma_start3A_1209 = tpu.memref_squeeze %dma_start3A_1208 : memref<1x80xi32, #tpu.memory_space<vmem>> -> memref<80xi32, #tpu.memory_space<vmem>>
      %dma_start3A_1210 = arith.constant 0 : i32
      %dma_start3A_1211 = tpu.memref_slice %arg33[%dma_start3A_1210] : memref<10240xf32, #tpu.memory_space<vmem_shared>> -> memref<10240xf32, #tpu.memory_space<vmem_shared>>
      tpu.enqueue_indirect_dma source(%arg17 : memref<80xf32, #tpu.memory_space<vmem>>) target(%dma_start3A_1211 : memref<10240xf32, #tpu.memory_space<vmem_shared>>) offsets(%dma_start3A_1209 : memref<80xi32, #tpu.memory_space<vmem>>) semaphore(%arg22 : memref<!tpu.dma_semaphore, #tpu.memory_space<semaphore_mem>>) {add = true}
      %dma_wait3A_1212 = arith.constant 0 : i32
      %dma_wait3A_1213 = arith.constant 0 : i32
      %dma_wait3A_1214 = tpu.memref_slice %arg3[%mul3A_2, %dma_wait3A_1212, %dma_wait3A_1213] : memref<4000x2x80xi32, #tpu.memory_space<hbm>> -> memref<1x2x80xi32, #tpu.memory_space<hbm>>
      %dma_wait3A_1215 = tpu.memref_squeeze %dma_wait3A_1214 : memref<1x2x80xi32, #tpu.memory_space<hbm>> -> memref<2x80xi32, #tpu.memory_space<hbm>>
      %dma_wait3A_1216 = arith.constant 0 : i32
      %dma_wait3A_1217 = arith.constant 0 : i32
      %dma_wait3A_1218 = tpu.memref_slice %arg3[%mul3A_2, %dma_wait3A_1216, %dma_wait3A_1217] : memref<4000x2x80xi32, #tpu.memory_space<hbm>> -> memref<1x2x80xi32, #tpu.memory_space<hbm>>
      %dma_wait3A_1219 = tpu.memref_squeeze %dma_wait3A_1218 : memref<1x2x80xi32, #tpu.memory_space<hbm>> -> memref<2x80xi32, #tpu.memory_space<hbm>>
      tpu.wait_dma2 semaphore(%arg27 : memref<!tpu.dma_semaphore, #tpu.memory_space<semaphore_mem>>) src(%dma_wait3A_1219 : memref<2x80xi32, #tpu.memory_space<hbm>>) dst(%arg7 : memref<2x80xi32, #tpu.memory_space<vmem>>)
      %dma_start3A_1220 = arith.constant 0 : i32
      %dma_start3A_1221 = arith.constant 0 : i32
      %dma_start3A_1222 = tpu.memref_slice %arg7[%dma_start3A_1220, %dma_start3A_1221] : memref<2x80xi32, #tpu.memory_space<vmem>> -> memref<1x80xi32, #tpu.memory_space<vmem>>
      %dma_start3A_1223 = tpu.memref_squeeze %dma_start3A_1222 : memref<1x80xi32, #tpu.memory_space<vmem>> -> memref<80xi32, #tpu.memory_space<vmem>>
      %dma_start3A_1224 = arith.constant 0 : i32
      %dma_start3A_1225 = arith.constant 0 : i32
      %dma_start3A_1226 = tpu.memref_slice %arg2[%dma_start3A_1224, %dma_start3A_1225] : memref<10240x128xf32, #tpu.memory_space<hbm>> -> memref<10240x128xf32, #tpu.memory_space<hbm>>
      tpu.enqueue_indirect_dma source(%dma_start3A_1226 : memref<10240x128xf32, #tpu.memory_space<hbm>>) target(%arg15 : memref<80x128xf32, #tpu.memory_space<vmem>>) offsets(%dma_start3A_1223 : memref<80xi32, #tpu.memory_space<vmem>>) semaphore(%arg21 : memref<!tpu.dma_semaphore, #tpu.memory_space<semaphore_mem>>)
      %add3A_1227 = arith.constant 3 : i32
      %add3A_1228 = arith.addi %add3A_1043, %add3A_1227 : i32
      %dma_wait3A_1229 = arith.constant 1 : i32
      %dma_wait3A_1230 = arith.constant 0 : i32
      %dma_wait3A_1231 = tpu.memref_slice %arg10[%dma_wait3A_1229, %dma_wait3A_1230] : memref<2x80xi32, #tpu.memory_space<vmem>> -> memref<1x80xi32, #tpu.memory_space<vmem>>
      %dma_wait3A_1232 = tpu.memref_squeeze %dma_wait3A_1231 : memref<1x80xi32, #tpu.memory_space<vmem>> -> memref<80xi32, #tpu.memory_space<vmem>>
      %dma_wait3A_1233 = arith.constant 0 : i32
      %dma_wait3A_1234 = arith.constant 0 : i32
      %dma_wait3A_1235 = tpu.memref_slice %arg32[%dma_wait3A_1233, %dma_wait3A_1234] : memref<10240x128xf32, #tpu.memory_space<vmem_shared>> -> memref<10240x128xf32, #tpu.memory_space<vmem_shared>>
      tpu.wait_indirect_dma semaphore(%arg22 : memref<!tpu.dma_semaphore, #tpu.memory_space<semaphore_mem>>) src(%arg12 : memref<80x128xf32, #tpu.memory_space<vmem>>) dst(%dma_wait3A_1235 : memref<10240x128xf32, #tpu.memory_space<vmem_shared>>)
      %dma_wait3A_1236 = arith.constant 1 : i32
      %dma_wait3A_1237 = arith.constant 0 : i32
      %dma_wait3A_1238 = tpu.memref_slice %arg10[%dma_wait3A_1236, %dma_wait3A_1237] : memref<2x80xi32, #tpu.memory_space<vmem>> -> memref<1x80xi32, #tpu.memory_space<vmem>>
      %dma_wait3A_1239 = tpu.memref_squeeze %dma_wait3A_1238 : memref<1x80xi32, #tpu.memory_space<vmem>> -> memref<80xi32, #tpu.memory_space<vmem>>
      %dma_wait3A_1240 = arith.constant 0 : i32
      %dma_wait3A_1241 = tpu.memref_slice %arg33[%dma_wait3A_1240] : memref<10240xf32, #tpu.memory_space<vmem_shared>> -> memref<10240xf32, #tpu.memory_space<vmem_shared>>
      tpu.wait_indirect_dma semaphore(%arg22 : memref<!tpu.dma_semaphore, #tpu.memory_space<semaphore_mem>>) src(%arg17 : memref<80xf32, #tpu.memory_space<vmem>>) dst(%dma_wait3A_1241 : memref<10240xf32, #tpu.memory_space<vmem_shared>>)
      %add3A_1242 = arith.constant 5 : i32
      %add3A_1243 = arith.addi %add3A_1228, %add3A_1242 : i32
      %add3A_1244 = arith.addi %mul3A_2, %add3A_1243 : i32
      %dma_start3A_1245 = arith.constant 0 : i32
      %dma_start3A_1246 = arith.constant 0 : i32
      %dma_start3A_1247 = tpu.memref_slice %arg3[%add3A_1244, %dma_start3A_1245, %dma_start3A_1246] : memref<4000x2x80xi32, #tpu.memory_space<hbm>> -> memref<1x2x80xi32, #tpu.memory_space<hbm>>
      %dma_start3A_1248 = tpu.memref_squeeze %dma_start3A_1247 : memref<1x2x80xi32, #tpu.memory_space<hbm>> -> memref<2x80xi32, #tpu.memory_space<hbm>>
      %dma_start3A_1249 = arith.constant 0 : i32
      %dma_start3A_1250 = arith.constant 0 : i32
      %dma_start3A_1251 = tpu.memref_slice %arg3[%add3A_1244, %dma_start3A_1249, %dma_start3A_1250] : memref<4000x2x80xi32, #tpu.memory_space<hbm>> -> memref<1x2x80xi32, #tpu.memory_space<hbm>>
      %dma_start3A_1252 = tpu.memref_squeeze %dma_start3A_1251 : memref<1x2x80xi32, #tpu.memory_space<hbm>> -> memref<2x80xi32, #tpu.memory_space<hbm>>
      tpu.enqueue_dma source(%dma_start3A_1252 : memref<2x80xi32, #tpu.memory_space<hbm>>) target(%arg10 : memref<2x80xi32, #tpu.memory_space<vmem>>) target_semaphore(%arg30 : memref<!tpu.dma_semaphore, #tpu.memory_space<semaphore_mem>>)
      %dma_wait3A_1253 = arith.constant 0 : i32
      %dma_wait3A_1254 = arith.constant 0 : i32
      %dma_wait3A_1255 = tpu.memref_slice %arg6[%dma_wait3A_1253, %dma_wait3A_1254] : memref<2x80xi32, #tpu.memory_space<vmem>> -> memref<1x80xi32, #tpu.memory_space<vmem>>
      %dma_wait3A_1256 = tpu.memref_squeeze %dma_wait3A_1255 : memref<1x80xi32, #tpu.memory_space<vmem>> -> memref<80xi32, #tpu.memory_space<vmem>>
      %dma_wait3A_1257 = arith.constant 0 : i32
      %dma_wait3A_1258 = arith.constant 0 : i32
      %dma_wait3A_1259 = tpu.memref_slice %arg2[%dma_wait3A_1257, %dma_wait3A_1258] : memref<10240x128xf32, #tpu.memory_space<hbm>> -> memref<10240x128xf32, #tpu.memory_space<hbm>>
      tpu.wait_indirect_dma semaphore(%arg19 : memref<!tpu.dma_semaphore, #tpu.memory_space<semaphore_mem>>) src(%dma_wait3A_1259 : memref<10240x128xf32, #tpu.memory_space<hbm>>) dst(%arg13 : memref<80x128xf32, #tpu.memory_space<vmem>>)
      %dma_start3A_1260 = arith.constant 1 : i32
      %dma_start3A_1261 = arith.constant 0 : i32
      %dma_start3A_1262 = tpu.memref_slice %arg11[%dma_start3A_1260, %dma_start3A_1261] : memref<2x80xi32, #tpu.memory_space<vmem>> -> memref<1x80xi32, #tpu.memory_space<vmem>>
      %dma_start3A_1263 = tpu.memref_squeeze %dma_start3A_1262 : memref<1x80xi32, #tpu.memory_space<vmem>> -> memref<80xi32, #tpu.memory_space<vmem>>
      %dma_start3A_1264 = arith.constant 0 : i32
      %dma_start3A_1265 = arith.constant 0 : i32
      %dma_start3A_1266 = tpu.memref_slice %arg32[%dma_start3A_1264, %dma_start3A_1265] : memref<10240x128xf32, #tpu.memory_space<vmem_shared>> -> memref<10240x128xf32, #tpu.memory_space<vmem_shared>>
      tpu.enqueue_indirect_dma source(%arg13 : memref<80x128xf32, #tpu.memory_space<vmem>>) target(%dma_start3A_1266 : memref<10240x128xf32, #tpu.memory_space<vmem_shared>>) offsets(%dma_start3A_1263 : memref<80xi32, #tpu.memory_space<vmem>>) semaphore(%arg23 : memref<!tpu.dma_semaphore, #tpu.memory_space<semaphore_mem>>) {add = true}
      %dma_start3A_1267 = arith.constant 1 : i32
      %dma_start3A_1268 = arith.constant 0 : i32
      %dma_start3A_1269 = tpu.memref_slice %arg11[%dma_start3A_1267, %dma_start3A_1268] : memref<2x80xi32, #tpu.memory_space<vmem>> -> memref<1x80xi32, #tpu.memory_space<vmem>>
      %dma_start3A_1270 = tpu.memref_squeeze %dma_start3A_1269 : memref<1x80xi32, #tpu.memory_space<vmem>> -> memref<80xi32, #tpu.memory_space<vmem>>
      %dma_start3A_1271 = arith.constant 0 : i32
      %dma_start3A_1272 = tpu.memref_slice %arg33[%dma_start3A_1271] : memref<10240xf32, #tpu.memory_space<vmem_shared>> -> memref<10240xf32, #tpu.memory_space<vmem_shared>>
      tpu.enqueue_indirect_dma source(%arg17 : memref<80xf32, #tpu.memory_space<vmem>>) target(%dma_start3A_1272 : memref<10240xf32, #tpu.memory_space<vmem_shared>>) offsets(%dma_start3A_1270 : memref<80xi32, #tpu.memory_space<vmem>>) semaphore(%arg23 : memref<!tpu.dma_semaphore, #tpu.memory_space<semaphore_mem>>) {add = true}
      %dma_wait3A_1273 = arith.constant 0 : i32
      %dma_wait3A_1274 = arith.constant 0 : i32
      %dma_wait3A_1275 = tpu.memref_slice %arg3[%mul3A_2, %dma_wait3A_1273, %dma_wait3A_1274] : memref<4000x2x80xi32, #tpu.memory_space<hbm>> -> memref<1x2x80xi32, #tpu.memory_space<hbm>>
      %dma_wait3A_1276 = tpu.memref_squeeze %dma_wait3A_1275 : memref<1x2x80xi32, #tpu.memory_space<hbm>> -> memref<2x80xi32, #tpu.memory_space<hbm>>
      %dma_wait3A_1277 = arith.constant 0 : i32
      %dma_wait3A_1278 = arith.constant 0 : i32
      %dma_wait3A_1279 = tpu.memref_slice %arg3[%mul3A_2, %dma_wait3A_1277, %dma_wait3A_1278] : memref<4000x2x80xi32, #tpu.memory_space<hbm>> -> memref<1x2x80xi32, #tpu.memory_space<hbm>>
      %dma_wait3A_1280 = tpu.memref_squeeze %dma_wait3A_1279 : memref<1x2x80xi32, #tpu.memory_space<hbm>> -> memref<2x80xi32, #tpu.memory_space<hbm>>
      tpu.wait_dma2 semaphore(%arg28 : memref<!tpu.dma_semaphore, #tpu.memory_space<semaphore_mem>>) src(%dma_wait3A_1280 : memref<2x80xi32, #tpu.memory_space<hbm>>) dst(%arg8 : memref<2x80xi32, #tpu.memory_space<vmem>>)
      %dma_start3A_1281 = arith.constant 0 : i32
      %dma_start3A_1282 = arith.constant 0 : i32
      %dma_start3A_1283 = tpu.memref_slice %arg8[%dma_start3A_1281, %dma_start3A_1282] : memref<2x80xi32, #tpu.memory_space<vmem>> -> memref<1x80xi32, #tpu.memory_space<vmem>>
      %dma_start3A_1284 = tpu.memref_squeeze %dma_start3A_1283 : memref<1x80xi32, #tpu.memory_space<vmem>> -> memref<80xi32, #tpu.memory_space<vmem>>
      %dma_start3A_1285 = arith.constant 0 : i32
      %dma_start3A_1286 = arith.constant 0 : i32
      %dma_start3A_1287 = tpu.memref_slice %arg2[%dma_start3A_1285, %dma_start3A_1286] : memref<10240x128xf32, #tpu.memory_space<hbm>> -> memref<10240x128xf32, #tpu.memory_space<hbm>>
      tpu.enqueue_indirect_dma source(%dma_start3A_1287 : memref<10240x128xf32, #tpu.memory_space<hbm>>) target(%arg12 : memref<80x128xf32, #tpu.memory_space<vmem>>) offsets(%dma_start3A_1284 : memref<80xi32, #tpu.memory_space<vmem>>) semaphore(%arg18 : memref<!tpu.dma_semaphore, #tpu.memory_space<semaphore_mem>>)
      %add3A_1288 = arith.constant 4 : i32
      %add3A_1289 = arith.addi %add3A_1043, %add3A_1288 : i32
      %dma_wait3A_1290 = arith.constant 1 : i32
      %dma_wait3A_1291 = arith.constant 0 : i32
      %dma_wait3A_1292 = tpu.memref_slice %arg11[%dma_wait3A_1290, %dma_wait3A_1291] : memref<2x80xi32, #tpu.memory_space<vmem>> -> memref<1x80xi32, #tpu.memory_space<vmem>>
      %dma_wait3A_1293 = tpu.memref_squeeze %dma_wait3A_1292 : memref<1x80xi32, #tpu.memory_space<vmem>> -> memref<80xi32, #tpu.memory_space<vmem>>
      %dma_wait3A_1294 = arith.constant 0 : i32
      %dma_wait3A_1295 = arith.constant 0 : i32
      %dma_wait3A_1296 = tpu.memref_slice %arg32[%dma_wait3A_1294, %dma_wait3A_1295] : memref<10240x128xf32, #tpu.memory_space<vmem_shared>> -> memref<10240x128xf32, #tpu.memory_space<vmem_shared>>
      tpu.wait_indirect_dma semaphore(%arg23 : memref<!tpu.dma_semaphore, #tpu.memory_space<semaphore_mem>>) src(%arg13 : memref<80x128xf32, #tpu.memory_space<vmem>>) dst(%dma_wait3A_1296 : memref<10240x128xf32, #tpu.memory_space<vmem_shared>>)
      %dma_wait3A_1297 = arith.constant 1 : i32
      %dma_wait3A_1298 = arith.constant 0 : i32
      %dma_wait3A_1299 = tpu.memref_slice %arg11[%dma_wait3A_1297, %dma_wait3A_1298] : memref<2x80xi32, #tpu.memory_space<vmem>> -> memref<1x80xi32, #tpu.memory_space<vmem>>
      %dma_wait3A_1300 = tpu.memref_squeeze %dma_wait3A_1299 : memref<1x80xi32, #tpu.memory_space<vmem>> -> memref<80xi32, #tpu.memory_space<vmem>>
      %dma_wait3A_1301 = arith.constant 0 : i32
      %dma_wait3A_1302 = tpu.memref_slice %arg33[%dma_wait3A_1301] : memref<10240xf32, #tpu.memory_space<vmem_shared>> -> memref<10240xf32, #tpu.memory_space<vmem_shared>>
      tpu.wait_indirect_dma semaphore(%arg23 : memref<!tpu.dma_semaphore, #tpu.memory_space<semaphore_mem>>) src(%arg17 : memref<80xf32, #tpu.memory_space<vmem>>) dst(%dma_wait3A_1302 : memref<10240xf32, #tpu.memory_space<vmem_shared>>)
      %add3A_1303 = arith.constant 5 : i32
      %add3A_1304 = arith.addi %add3A_1289, %add3A_1303 : i32
      %add3A_1305 = arith.addi %mul3A_2, %add3A_1304 : i32
      %dma_start3A_1306 = arith.constant 0 : i32
      %dma_start3A_1307 = arith.constant 0 : i32
      %dma_start3A_1308 = tpu.memref_slice %arg3[%add3A_1305, %dma_start3A_1306, %dma_start3A_1307] : memref<4000x2x80xi32, #tpu.memory_space<hbm>> -> memref<1x2x80xi32, #tpu.memory_space<hbm>>
      %dma_start3A_1309 = tpu.memref_squeeze %dma_start3A_1308 : memref<1x2x80xi32, #tpu.memory_space<hbm>> -> memref<2x80xi32, #tpu.memory_space<hbm>>
      %dma_start3A_1310 = arith.constant 0 : i32
      %dma_start3A_1311 = arith.constant 0 : i32
      %dma_start3A_1312 = tpu.memref_slice %arg3[%add3A_1305, %dma_start3A_1310, %dma_start3A_1311] : memref<4000x2x80xi32, #tpu.memory_space<hbm>> -> memref<1x2x80xi32, #tpu.memory_space<hbm>>
      %dma_start3A_1313 = tpu.memref_squeeze %dma_start3A_1312 : memref<1x2x80xi32, #tpu.memory_space<hbm>> -> memref<2x80xi32, #tpu.memory_space<hbm>>
      tpu.enqueue_dma source(%dma_start3A_1313 : memref<2x80xi32, #tpu.memory_space<hbm>>) target(%arg11 : memref<2x80xi32, #tpu.memory_space<vmem>>) target_semaphore(%arg31 : memref<!tpu.dma_semaphore, #tpu.memory_space<semaphore_mem>>)
      %dma_wait3A_1314 = arith.constant 0 : i32
      %dma_wait3A_1315 = arith.constant 0 : i32
      %dma_wait3A_1316 = tpu.memref_slice %arg6[%dma_wait3A_1314, %dma_wait3A_1315] : memref<2x80xi32, #tpu.memory_space<vmem>> -> memref<1x80xi32, #tpu.memory_space<vmem>>
      %dma_wait3A_1317 = tpu.memref_squeeze %dma_wait3A_1316 : memref<1x80xi32, #tpu.memory_space<vmem>> -> memref<80xi32, #tpu.memory_space<vmem>>
      %dma_wait3A_1318 = arith.constant 0 : i32
      %dma_wait3A_1319 = arith.constant 0 : i32
      %dma_wait3A_1320 = tpu.memref_slice %arg2[%dma_wait3A_1318, %dma_wait3A_1319] : memref<10240x128xf32, #tpu.memory_space<hbm>> -> memref<10240x128xf32, #tpu.memory_space<hbm>>
      tpu.wait_indirect_dma semaphore(%arg20 : memref<!tpu.dma_semaphore, #tpu.memory_space<semaphore_mem>>) src(%dma_wait3A_1320 : memref<10240x128xf32, #tpu.memory_space<hbm>>) dst(%arg14 : memref<80x128xf32, #tpu.memory_space<vmem>>)
      %dma_start3A_1321 = arith.constant 1 : i32
      %dma_start3A_1322 = arith.constant 0 : i32
      %dma_start3A_1323 = tpu.memref_slice %arg6[%dma_start3A_1321, %dma_start3A_1322] : memref<2x80xi32, #tpu.memory_space<vmem>> -> memref<1x80xi32, #tpu.memory_space<vmem>>
      %dma_start3A_1324 = tpu.memref_squeeze %dma_start3A_1323 : memref<1x80xi32, #tpu.memory_space<vmem>> -> memref<80xi32, #tpu.memory_space<vmem>>
      %dma_start3A_1325 = arith.constant 0 : i32
      %dma_start3A_1326 = arith.constant 0 : i32
      %dma_start3A_1327 = tpu.memref_slice %arg32[%dma_start3A_1325, %dma_start3A_1326] : memref<10240x128xf32, #tpu.memory_space<vmem_shared>> -> memref<10240x128xf32, #tpu.memory_space<vmem_shared>>
      tpu.enqueue_indirect_dma source(%arg14 : memref<80x128xf32, #tpu.memory_space<vmem>>) target(%dma_start3A_1327 : memref<10240x128xf32, #tpu.memory_space<vmem_shared>>) offsets(%dma_start3A_1324 : memref<80xi32, #tpu.memory_space<vmem>>) semaphore(%arg24 : memref<!tpu.dma_semaphore, #tpu.memory_space<semaphore_mem>>) {add = true}
      %dma_start3A_1328 = arith.constant 1 : i32
      %dma_start3A_1329 = arith.constant 0 : i32
      %dma_start3A_1330 = tpu.memref_slice %arg6[%dma_start3A_1328, %dma_start3A_1329] : memref<2x80xi32, #tpu.memory_space<vmem>> -> memref<1x80xi32, #tpu.memory_space<vmem>>
      %dma_start3A_1331 = tpu.memref_squeeze %dma_start3A_1330 : memref<1x80xi32, #tpu.memory_space<vmem>> -> memref<80xi32, #tpu.memory_space<vmem>>
      %dma_start3A_1332 = arith.constant 0 : i32
      %dma_start3A_1333 = tpu.memref_slice %arg33[%dma_start3A_1332] : memref<10240xf32, #tpu.memory_space<vmem_shared>> -> memref<10240xf32, #tpu.memory_space<vmem_shared>>
      tpu.enqueue_indirect_dma source(%arg17 : memref<80xf32, #tpu.memory_space<vmem>>) target(%dma_start3A_1333 : memref<10240xf32, #tpu.memory_space<vmem_shared>>) offsets(%dma_start3A_1331 : memref<80xi32, #tpu.memory_space<vmem>>) semaphore(%arg24 : memref<!tpu.dma_semaphore, #tpu.memory_space<semaphore_mem>>) {add = true}
      %dma_wait3A_1334 = arith.constant 0 : i32
      %dma_wait3A_1335 = arith.constant 0 : i32
      %dma_wait3A_1336 = tpu.memref_slice %arg3[%mul3A_2, %dma_wait3A_1334, %dma_wait3A_1335] : memref<4000x2x80xi32, #tpu.memory_space<hbm>> -> memref<1x2x80xi32, #tpu.memory_space<hbm>>
      %dma_wait3A_1337 = tpu.memref_squeeze %dma_wait3A_1336 : memref<1x2x80xi32, #tpu.memory_space<hbm>> -> memref<2x80xi32, #tpu.memory_space<hbm>>
      %dma_wait3A_1338 = arith.constant 0 : i32
      %dma_wait3A_1339 = arith.constant 0 : i32
      %dma_wait3A_1340 = tpu.memref_slice %arg3[%mul3A_2, %dma_wait3A_1338, %dma_wait3A_1339] : memref<4000x2x80xi32, #tpu.memory_space<hbm>> -> memref<1x2x80xi32, #tpu.memory_space<hbm>>
      %dma_wait3A_1341 = tpu.memref_squeeze %dma_wait3A_1340 : memref<1x2x80xi32, #tpu.memory_space<hbm>> -> memref<2x80xi32, #tpu.memory_space<hbm>>
      tpu.wait_dma2 semaphore(%arg29 : memref<!tpu.dma_semaphore, #tpu.memory_space<semaphore_mem>>) src(%dma_wait3A_1341 : memref<2x80xi32, #tpu.memory_space<hbm>>) dst(%arg9 : memref<2x80xi32, #tpu.memory_space<vmem>>)
      %dma_start3A_1342 = arith.constant 0 : i32
      %dma_start3A_1343 = arith.constant 0 : i32
      %dma_start3A_1344 = tpu.memref_slice %arg9[%dma_start3A_1342, %dma_start3A_1343] : memref<2x80xi32, #tpu.memory_space<vmem>> -> memref<1x80xi32, #tpu.memory_space<vmem>>
      %dma_start3A_1345 = tpu.memref_squeeze %dma_start3A_1344 : memref<1x80xi32, #tpu.memory_space<vmem>> -> memref<80xi32, #tpu.memory_space<vmem>>
      %dma_start3A_1346 = arith.constant 0 : i32
      %dma_start3A_1347 = arith.constant 0 : i32
      %dma_start3A_1348 = tpu.memref_slice %arg2[%dma_start3A_1346, %dma_start3A_1347] : memref<10240x128xf32, #tpu.memory_space<hbm>> -> memref<10240x128xf32, #tpu.memory_space<hbm>>
      tpu.enqueue_indirect_dma source(%dma_start3A_1348 : memref<10240x128xf32, #tpu.memory_space<hbm>>) target(%arg13 : memref<80x128xf32, #tpu.memory_space<vmem>>) offsets(%dma_start3A_1345 : memref<80xi32, #tpu.memory_space<vmem>>) semaphore(%arg19 : memref<!tpu.dma_semaphore, #tpu.memory_space<semaphore_mem>>)
      %add3A_1349 = arith.constant 5 : i32
      %add3A_1350 = arith.addi %add3A_1043, %add3A_1349 : i32
      %dma_wait3A_1351 = arith.constant 1 : i32
      %dma_wait3A_1352 = arith.constant 0 : i32
      %dma_wait3A_1353 = tpu.memref_slice %arg6[%dma_wait3A_1351, %dma_wait3A_1352] : memref<2x80xi32, #tpu.memory_space<vmem>> -> memref<1x80xi32, #tpu.memory_space<vmem>>
      %dma_wait3A_1354 = tpu.memref_squeeze %dma_wait3A_1353 : memref<1x80xi32, #tpu.memory_space<vmem>> -> memref<80xi32, #tpu.memory_space<vmem>>
      %dma_wait3A_1355 = arith.constant 0 : i32
      %dma_wait3A_1356 = arith.constant 0 : i32
      %dma_wait3A_1357 = tpu.memref_slice %arg32[%dma_wait3A_1355, %dma_wait3A_1356] : memref<10240x128xf32, #tpu.memory_space<vmem_shared>> -> memref<10240x128xf32, #tpu.memory_space<vmem_shared>>
      tpu.wait_indirect_dma semaphore(%arg24 : memref<!tpu.dma_semaphore, #tpu.memory_space<semaphore_mem>>) src(%arg14 : memref<80x128xf32, #tpu.memory_space<vmem>>) dst(%dma_wait3A_1357 : memref<10240x128xf32, #tpu.memory_space<vmem_shared>>)
      %dma_wait3A_1358 = arith.constant 1 : i32
      %dma_wait3A_1359 = arith.constant 0 : i32
      %dma_wait3A_1360 = tpu.memref_slice %arg6[%dma_wait3A_1358, %dma_wait3A_1359] : memref<2x80xi32, #tpu.memory_space<vmem>> -> memref<1x80xi32, #tpu.memory_space<vmem>>
      %dma_wait3A_1361 = tpu.memref_squeeze %dma_wait3A_1360 : memref<1x80xi32, #tpu.memory_space<vmem>> -> memref<80xi32, #tpu.memory_space<vmem>>
      %dma_wait3A_1362 = arith.constant 0 : i32
      %dma_wait3A_1363 = tpu.memref_slice %arg33[%dma_wait3A_1362] : memref<10240xf32, #tpu.memory_space<vmem_shared>> -> memref<10240xf32, #tpu.memory_space<vmem_shared>>
      tpu.wait_indirect_dma semaphore(%arg24 : memref<!tpu.dma_semaphore, #tpu.memory_space<semaphore_mem>>) src(%arg17 : memref<80xf32, #tpu.memory_space<vmem>>) dst(%dma_wait3A_1363 : memref<10240xf32, #tpu.memory_space<vmem_shared>>)
      %add3A_1364 = arith.constant 5 : i32
      %add3A_1365 = arith.addi %add3A_1350, %add3A_1364 : i32
      %add3A_1366 = arith.addi %mul3A_2, %add3A_1365 : i32
      %dma_start3A_1367 = arith.constant 0 : i32
      %dma_start3A_1368 = arith.constant 0 : i32
      %dma_start3A_1369 = tpu.memref_slice %arg3[%add3A_1366, %dma_start3A_1367, %dma_start3A_1368] : memref<4000x2x80xi32, #tpu.memory_space<hbm>> -> memref<1x2x80xi32, #tpu.memory_space<hbm>>
      %dma_start3A_1370 = tpu.memref_squeeze %dma_start3A_1369 : memref<1x2x80xi32, #tpu.memory_space<hbm>> -> memref<2x80xi32, #tpu.memory_space<hbm>>
      %dma_start3A_1371 = arith.constant 0 : i32
      %dma_start3A_1372 = arith.constant 0 : i32
      %dma_start3A_1373 = tpu.memref_slice %arg3[%add3A_1366, %dma_start3A_1371, %dma_start3A_1372] : memref<4000x2x80xi32, #tpu.memory_space<hbm>> -> memref<1x2x80xi32, #tpu.memory_space<hbm>>
      %dma_start3A_1374 = tpu.memref_squeeze %dma_start3A_1373 : memref<1x2x80xi32, #tpu.memory_space<hbm>> -> memref<2x80xi32, #tpu.memory_space<hbm>>
      tpu.enqueue_dma source(%dma_start3A_1374 : memref<2x80xi32, #tpu.memory_space<hbm>>) target(%arg6 : memref<2x80xi32, #tpu.memory_space<vmem>>) target_semaphore(%arg26 : memref<!tpu.dma_semaphore, #tpu.memory_space<semaphore_mem>>)
      %dma_wait3A_1375 = arith.constant 0 : i32
      %dma_wait3A_1376 = arith.constant 0 : i32
      %dma_wait3A_1377 = tpu.memref_slice %arg6[%dma_wait3A_1375, %dma_wait3A_1376] : memref<2x80xi32, #tpu.memory_space<vmem>> -> memref<1x80xi32, #tpu.memory_space<vmem>>
      %dma_wait3A_1378 = tpu.memref_squeeze %dma_wait3A_1377 : memref<1x80xi32, #tpu.memory_space<vmem>> -> memref<80xi32, #tpu.memory_space<vmem>>
      %dma_wait3A_1379 = arith.constant 0 : i32
      %dma_wait3A_1380 = arith.constant 0 : i32
      %dma_wait3A_1381 = tpu.memref_slice %arg2[%dma_wait3A_1379, %dma_wait3A_1380] : memref<10240x128xf32, #tpu.memory_space<hbm>> -> memref<10240x128xf32, #tpu.memory_space<hbm>>
      tpu.wait_indirect_dma semaphore(%arg21 : memref<!tpu.dma_semaphore, #tpu.memory_space<semaphore_mem>>) src(%dma_wait3A_1381 : memref<10240x128xf32, #tpu.memory_space<hbm>>) dst(%arg15 : memref<80x128xf32, #tpu.memory_space<vmem>>)
      %dma_start3A_1382 = arith.constant 1 : i32
      %dma_start3A_1383 = arith.constant 0 : i32
      %dma_start3A_1384 = tpu.memref_slice %arg7[%dma_start3A_1382, %dma_start3A_1383] : memref<2x80xi32, #tpu.memory_space<vmem>> -> memref<1x80xi32, #tpu.memory_space<vmem>>
      %dma_start3A_1385 = tpu.memref_squeeze %dma_start3A_1384 : memref<1x80xi32, #tpu.memory_space<vmem>> -> memref<80xi32, #tpu.memory_space<vmem>>
      %dma_start3A_1386 = arith.constant 0 : i32
      %dma_start3A_1387 = arith.constant 0 : i32
      %dma_start3A_1388 = tpu.memref_slice %arg32[%dma_start3A_1386, %dma_start3A_1387] : memref<10240x128xf32, #tpu.memory_space<vmem_shared>> -> memref<10240x128xf32, #tpu.memory_space<vmem_shared>>
      tpu.enqueue_indirect_dma source(%arg15 : memref<80x128xf32, #tpu.memory_space<vmem>>) target(%dma_start3A_1388 : memref<10240x128xf32, #tpu.memory_space<vmem_shared>>) offsets(%dma_start3A_1385 : memref<80xi32, #tpu.memory_space<vmem>>) semaphore(%arg25 : memref<!tpu.dma_semaphore, #tpu.memory_space<semaphore_mem>>) {add = true}
      %dma_start3A_1389 = arith.constant 1 : i32
      %dma_start3A_1390 = arith.constant 0 : i32
      %dma_start3A_1391 = tpu.memref_slice %arg7[%dma_start3A_1389, %dma_start3A_1390] : memref<2x80xi32, #tpu.memory_space<vmem>> -> memref<1x80xi32, #tpu.memory_space<vmem>>
      %dma_start3A_1392 = tpu.memref_squeeze %dma_start3A_1391 : memref<1x80xi32, #tpu.memory_space<vmem>> -> memref<80xi32, #tpu.memory_space<vmem>>
      %dma_start3A_1393 = arith.constant 0 : i32
      %dma_start3A_1394 = tpu.memref_slice %arg33[%dma_start3A_1393] : memref<10240xf32, #tpu.memory_space<vmem_shared>> -> memref<10240xf32, #tpu.memory_space<vmem_shared>>
      tpu.enqueue_indirect_dma source(%arg17 : memref<80xf32, #tpu.memory_space<vmem>>) target(%dma_start3A_1394 : memref<10240xf32, #tpu.memory_space<vmem_shared>>) offsets(%dma_start3A_1392 : memref<80xi32, #tpu.memory_space<vmem>>) semaphore(%arg25 : memref<!tpu.dma_semaphore, #tpu.memory_space<semaphore_mem>>) {add = true}
      %dma_wait3A_1395 = arith.constant 0 : i32
      %dma_wait3A_1396 = arith.constant 0 : i32
      %dma_wait3A_1397 = tpu.memref_slice %arg3[%mul3A_2, %dma_wait3A_1395, %dma_wait3A_1396] : memref<4000x2x80xi32, #tpu.memory_space<hbm>> -> memref<1x2x80xi32, #tpu.memory_space<hbm>>
      %dma_wait3A_1398 = tpu.memref_squeeze %dma_wait3A_1397 : memref<1x2x80xi32, #tpu.memory_space<hbm>> -> memref<2x80xi32, #tpu.memory_space<hbm>>
      %dma_wait3A_1399 = arith.constant 0 : i32
      %dma_wait3A_1400 = arith.constant 0 : i32
      %dma_wait3A_1401 = tpu.memref_slice %arg3[%mul3A_2, %dma_wait3A_1399, %dma_wait3A_1400] : memref<4000x2x80xi32, #tpu.memory_space<hbm>> -> memref<1x2x80xi32, #tpu.memory_space<hbm>>
      %dma_wait3A_1402 = tpu.memref_squeeze %dma_wait3A_1401 : memref<1x2x80xi32, #tpu.memory_space<hbm>> -> memref<2x80xi32, #tpu.memory_space<hbm>>
      tpu.wait_dma2 semaphore(%arg30 : memref<!tpu.dma_semaphore, #tpu.memory_space<semaphore_mem>>) src(%dma_wait3A_1402 : memref<2x80xi32, #tpu.memory_space<hbm>>) dst(%arg10 : memref<2x80xi32, #tpu.memory_space<vmem>>)
      %dma_start3A_1403 = arith.constant 0 : i32
      %dma_start3A_1404 = arith.constant 0 : i32
      %dma_start3A_1405 = tpu.memref_slice %arg10[%dma_start3A_1403, %dma_start3A_1404] : memref<2x80xi32, #tpu.memory_space<vmem>> -> memref<1x80xi32, #tpu.memory_space<vmem>>
      %dma_start3A_1406 = tpu.memref_squeeze %dma_start3A_1405 : memref<1x80xi32, #tpu.memory_space<vmem>> -> memref<80xi32, #tpu.memory_space<vmem>>
      %dma_start3A_1407 = arith.constant 0 : i32
      %dma_start3A_1408 = arith.constant 0 : i32
      %dma_start3A_1409 = tpu.memref_slice %arg2[%dma_start3A_1407, %dma_start3A_1408] : memref<10240x128xf32, #tpu.memory_space<hbm>> -> memref<10240x128xf32, #tpu.memory_space<hbm>>
      tpu.enqueue_indirect_dma source(%dma_start3A_1409 : memref<10240x128xf32, #tpu.memory_space<hbm>>) target(%arg14 : memref<80x128xf32, #tpu.memory_space<vmem>>) offsets(%dma_start3A_1406 : memref<80xi32, #tpu.memory_space<vmem>>) semaphore(%arg20 : memref<!tpu.dma_semaphore, #tpu.memory_space<semaphore_mem>>)
      %add3A_1410 = arith.constant 6 : i32
      %add3A_1411 = arith.addi %add3A_1043, %add3A_1410 : i32
      %dma_wait3A_1412 = arith.constant 1 : i32
      %dma_wait3A_1413 = arith.constant 0 : i32
      %dma_wait3A_1414 = tpu.memref_slice %arg7[%dma_wait3A_1412, %dma_wait3A_1413] : memref<2x80xi32, #tpu.memory_space<vmem>> -> memref<1x80xi32, #tpu.memory_space<vmem>>
      %dma_wait3A_1415 = tpu.memref_squeeze %dma_wait3A_1414 : memref<1x80xi32, #tpu.memory_space<vmem>> -> memref<80xi32, #tpu.memory_space<vmem>>
      %dma_wait3A_1416 = arith.constant 0 : i32
      %dma_wait3A_1417 = arith.constant 0 : i32
      %dma_wait3A_1418 = tpu.memref_slice %arg32[%dma_wait3A_1416, %dma_wait3A_1417] : memref<10240x128xf32, #tpu.memory_space<vmem_shared>> -> memref<10240x128xf32, #tpu.memory_space<vmem_shared>>
      tpu.wait_indirect_dma semaphore(%arg25 : memref<!tpu.dma_semaphore, #tpu.memory_space<semaphore_mem>>) src(%arg15 : memref<80x128xf32, #tpu.memory_space<vmem>>) dst(%dma_wait3A_1418 : memref<10240x128xf32, #tpu.memory_space<vmem_shared>>)
      %dma_wait3A_1419 = arith.constant 1 : i32
      %dma_wait3A_1420 = arith.constant 0 : i32
      %dma_wait3A_1421 = tpu.memref_slice %arg7[%dma_wait3A_1419, %dma_wait3A_1420] : memref<2x80xi32, #tpu.memory_space<vmem>> -> memref<1x80xi32, #tpu.memory_space<vmem>>
      %dma_wait3A_1422 = tpu.memref_squeeze %dma_wait3A_1421 : memref<1x80xi32, #tpu.memory_space<vmem>> -> memref<80xi32, #tpu.memory_space<vmem>>
      %dma_wait3A_1423 = arith.constant 0 : i32
      %dma_wait3A_1424 = tpu.memref_slice %arg33[%dma_wait3A_1423] : memref<10240xf32, #tpu.memory_space<vmem_shared>> -> memref<10240xf32, #tpu.memory_space<vmem_shared>>
      tpu.wait_indirect_dma semaphore(%arg25 : memref<!tpu.dma_semaphore, #tpu.memory_space<semaphore_mem>>) src(%arg17 : memref<80xf32, #tpu.memory_space<vmem>>) dst(%dma_wait3A_1424 : memref<10240xf32, #tpu.memory_space<vmem_shared>>)
      %add3A_1425 = arith.constant 5 : i32
      %add3A_1426 = arith.addi %add3A_1411, %add3A_1425 : i32
      %add3A_1427 = arith.addi %mul3A_2, %add3A_1426 : i32
      %dma_start3A_1428 = arith.constant 0 : i32
      %dma_start3A_1429 = arith.constant 0 : i32
      %dma_start3A_1430 = tpu.memref_slice %arg3[%add3A_1427, %dma_start3A_1428, %dma_start3A_1429] : memref<4000x2x80xi32, #tpu.memory_space<hbm>> -> memref<1x2x80xi32, #tpu.memory_space<hbm>>
      %dma_start3A_1431 = tpu.memref_squeeze %dma_start3A_1430 : memref<1x2x80xi32, #tpu.memory_space<hbm>> -> memref<2x80xi32, #tpu.memory_space<hbm>>
      %dma_start3A_1432 = arith.constant 0 : i32
      %dma_start3A_1433 = arith.constant 0 : i32
      %dma_start3A_1434 = tpu.memref_slice %arg3[%add3A_1427, %dma_start3A_1432, %dma_start3A_1433] : memref<4000x2x80xi32, #tpu.memory_space<hbm>> -> memref<1x2x80xi32, #tpu.memory_space<hbm>>
      %dma_start3A_1435 = tpu.memref_squeeze %dma_start3A_1434 : memref<1x2x80xi32, #tpu.memory_space<hbm>> -> memref<2x80xi32, #tpu.memory_space<hbm>>
      tpu.enqueue_dma source(%dma_start3A_1435 : memref<2x80xi32, #tpu.memory_space<hbm>>) target(%arg7 : memref<2x80xi32, #tpu.memory_space<vmem>>) target_semaphore(%arg27 : memref<!tpu.dma_semaphore, #tpu.memory_space<semaphore_mem>>)
      %dma_wait3A_1436 = arith.constant 0 : i32
      %dma_wait3A_1437 = arith.constant 0 : i32
      %dma_wait3A_1438 = tpu.memref_slice %arg6[%dma_wait3A_1436, %dma_wait3A_1437] : memref<2x80xi32, #tpu.memory_space<vmem>> -> memref<1x80xi32, #tpu.memory_space<vmem>>
      %dma_wait3A_1439 = tpu.memref_squeeze %dma_wait3A_1438 : memref<1x80xi32, #tpu.memory_space<vmem>> -> memref<80xi32, #tpu.memory_space<vmem>>
      %dma_wait3A_1440 = arith.constant 0 : i32
      %dma_wait3A_1441 = arith.constant 0 : i32
      %dma_wait3A_1442 = tpu.memref_slice %arg2[%dma_wait3A_1440, %dma_wait3A_1441] : memref<10240x128xf32, #tpu.memory_space<hbm>> -> memref<10240x128xf32, #tpu.memory_space<hbm>>
      tpu.wait_indirect_dma semaphore(%arg18 : memref<!tpu.dma_semaphore, #tpu.memory_space<semaphore_mem>>) src(%dma_wait3A_1442 : memref<10240x128xf32, #tpu.memory_space<hbm>>) dst(%arg12 : memref<80x128xf32, #tpu.memory_space<vmem>>)
      %dma_start3A_1443 = arith.constant 1 : i32
      %dma_start3A_1444 = arith.constant 0 : i32
      %dma_start3A_1445 = tpu.memref_slice %arg8[%dma_start3A_1443, %dma_start3A_1444] : memref<2x80xi32, #tpu.memory_space<vmem>> -> memref<1x80xi32, #tpu.memory_space<vmem>>
      %dma_start3A_1446 = tpu.memref_squeeze %dma_start3A_1445 : memref<1x80xi32, #tpu.memory_space<vmem>> -> memref<80xi32, #tpu.memory_space<vmem>>
      %dma_start3A_1447 = arith.constant 0 : i32
      %dma_start3A_1448 = arith.constant 0 : i32
      %dma_start3A_1449 = tpu.memref_slice %arg32[%dma_start3A_1447, %dma_start3A_1448] : memref<10240x128xf32, #tpu.memory_space<vmem_shared>> -> memref<10240x128xf32, #tpu.memory_space<vmem_shared>>
      tpu.enqueue_indirect_dma source(%arg12 : memref<80x128xf32, #tpu.memory_space<vmem>>) target(%dma_start3A_1449 : memref<10240x128xf32, #tpu.memory_space<vmem_shared>>) offsets(%dma_start3A_1446 : memref<80xi32, #tpu.memory_space<vmem>>) semaphore(%arg22 : memref<!tpu.dma_semaphore, #tpu.memory_space<semaphore_mem>>) {add = true}
      %dma_start3A_1450 = arith.constant 1 : i32
      %dma_start3A_1451 = arith.constant 0 : i32
      %dma_start3A_1452 = tpu.memref_slice %arg8[%dma_start3A_1450, %dma_start3A_1451] : memref<2x80xi32, #tpu.memory_space<vmem>> -> memref<1x80xi32, #tpu.memory_space<vmem>>
      %dma_start3A_1453 = tpu.memref_squeeze %dma_start3A_1452 : memref<1x80xi32, #tpu.memory_space<vmem>> -> memref<80xi32, #tpu.memory_space<vmem>>
      %dma_start3A_1454 = arith.constant 0 : i32
      %dma_start3A_1455 = tpu.memref_slice %arg33[%dma_start3A_1454] : memref<10240xf32, #tpu.memory_space<vmem_shared>> -> memref<10240xf32, #tpu.memory_space<vmem_shared>>
      tpu.enqueue_indirect_dma source(%arg17 : memref<80xf32, #tpu.memory_space<vmem>>) target(%dma_start3A_1455 : memref<10240xf32, #tpu.memory_space<vmem_shared>>) offsets(%dma_start3A_1453 : memref<80xi32, #tpu.memory_space<vmem>>) semaphore(%arg22 : memref<!tpu.dma_semaphore, #tpu.memory_space<semaphore_mem>>) {add = true}
      %dma_wait3A_1456 = arith.constant 0 : i32
      %dma_wait3A_1457 = arith.constant 0 : i32
      %dma_wait3A_1458 = tpu.memref_slice %arg3[%mul3A_2, %dma_wait3A_1456, %dma_wait3A_1457] : memref<4000x2x80xi32, #tpu.memory_space<hbm>> -> memref<1x2x80xi32, #tpu.memory_space<hbm>>
      %dma_wait3A_1459 = tpu.memref_squeeze %dma_wait3A_1458 : memref<1x2x80xi32, #tpu.memory_space<hbm>> -> memref<2x80xi32, #tpu.memory_space<hbm>>
      %dma_wait3A_1460 = arith.constant 0 : i32
      %dma_wait3A_1461 = arith.constant 0 : i32
      %dma_wait3A_1462 = tpu.memref_slice %arg3[%mul3A_2, %dma_wait3A_1460, %dma_wait3A_1461] : memref<4000x2x80xi32, #tpu.memory_space<hbm>> -> memref<1x2x80xi32, #tpu.memory_space<hbm>>
      %dma_wait3A_1463 = tpu.memref_squeeze %dma_wait3A_1462 : memref<1x2x80xi32, #tpu.memory_space<hbm>> -> memref<2x80xi32, #tpu.memory_space<hbm>>
      tpu.wait_dma2 semaphore(%arg31 : memref<!tpu.dma_semaphore, #tpu.memory_space<semaphore_mem>>) src(%dma_wait3A_1463 : memref<2x80xi32, #tpu.memory_space<hbm>>) dst(%arg11 : memref<2x80xi32, #tpu.memory_space<vmem>>)
      %dma_start3A_1464 = arith.constant 0 : i32
      %dma_start3A_1465 = arith.constant 0 : i32
      %dma_start3A_1466 = tpu.memref_slice %arg11[%dma_start3A_1464, %dma_start3A_1465] : memref<2x80xi32, #tpu.memory_space<vmem>> -> memref<1x80xi32, #tpu.memory_space<vmem>>
      %dma_start3A_1467 = tpu.memref_squeeze %dma_start3A_1466 : memref<1x80xi32, #tpu.memory_space<vmem>> -> memref<80xi32, #tpu.memory_space<vmem>>
      %dma_start3A_1468 = arith.constant 0 : i32
      %dma_start3A_1469 = arith.constant 0 : i32
      %dma_start3A_1470 = tpu.memref_slice %arg2[%dma_start3A_1468, %dma_start3A_1469] : memref<10240x128xf32, #tpu.memory_space<hbm>> -> memref<10240x128xf32, #tpu.memory_space<hbm>>
      tpu.enqueue_indirect_dma source(%dma_start3A_1470 : memref<10240x128xf32, #tpu.memory_space<hbm>>) target(%arg15 : memref<80x128xf32, #tpu.memory_space<vmem>>) offsets(%dma_start3A_1467 : memref<80xi32, #tpu.memory_space<vmem>>) semaphore(%arg21 : memref<!tpu.dma_semaphore, #tpu.memory_space<semaphore_mem>>)
      %add3A_1471 = arith.constant 7 : i32
      %add3A_1472 = arith.addi %add3A_1043, %add3A_1471 : i32
      %dma_wait3A_1473 = arith.constant 1 : i32
      %dma_wait3A_1474 = arith.constant 0 : i32
      %dma_wait3A_1475 = tpu.memref_slice %arg8[%dma_wait3A_1473, %dma_wait3A_1474] : memref<2x80xi32, #tpu.memory_space<vmem>> -> memref<1x80xi32, #tpu.memory_space<vmem>>
      %dma_wait3A_1476 = tpu.memref_squeeze %dma_wait3A_1475 : memref<1x80xi32, #tpu.memory_space<vmem>> -> memref<80xi32, #tpu.memory_space<vmem>>
      %dma_wait3A_1477 = arith.constant 0 : i32
      %dma_wait3A_1478 = arith.constant 0 : i32
      %dma_wait3A_1479 = tpu.memref_slice %arg32[%dma_wait3A_1477, %dma_wait3A_1478] : memref<10240x128xf32, #tpu.memory_space<vmem_shared>> -> memref<10240x128xf32, #tpu.memory_space<vmem_shared>>
      tpu.wait_indirect_dma semaphore(%arg22 : memref<!tpu.dma_semaphore, #tpu.memory_space<semaphore_mem>>) src(%arg12 : memref<80x128xf32, #tpu.memory_space<vmem>>) dst(%dma_wait3A_1479 : memref<10240x128xf32, #tpu.memory_space<vmem_shared>>)
      %dma_wait3A_1480 = arith.constant 1 : i32
      %dma_wait3A_1481 = arith.constant 0 : i32
      %dma_wait3A_1482 = tpu.memref_slice %arg8[%dma_wait3A_1480, %dma_wait3A_1481] : memref<2x80xi32, #tpu.memory_space<vmem>> -> memref<1x80xi32, #tpu.memory_space<vmem>>
      %dma_wait3A_1483 = tpu.memref_squeeze %dma_wait3A_1482 : memref<1x80xi32, #tpu.memory_space<vmem>> -> memref<80xi32, #tpu.memory_space<vmem>>
      %dma_wait3A_1484 = arith.constant 0 : i32
      %dma_wait3A_1485 = tpu.memref_slice %arg33[%dma_wait3A_1484] : memref<10240xf32, #tpu.memory_space<vmem_shared>> -> memref<10240xf32, #tpu.memory_space<vmem_shared>>
      tpu.wait_indirect_dma semaphore(%arg22 : memref<!tpu.dma_semaphore, #tpu.memory_space<semaphore_mem>>) src(%arg17 : memref<80xf32, #tpu.memory_space<vmem>>) dst(%dma_wait3A_1485 : memref<10240xf32, #tpu.memory_space<vmem_shared>>)
      %add3A_1486 = arith.constant 5 : i32
      %add3A_1487 = arith.addi %add3A_1472, %add3A_1486 : i32
      %add3A_1488 = arith.addi %mul3A_2, %add3A_1487 : i32
      %dma_start3A_1489 = arith.constant 0 : i32
      %dma_start3A_1490 = arith.constant 0 : i32
      %dma_start3A_1491 = tpu.memref_slice %arg3[%add3A_1488, %dma_start3A_1489, %dma_start3A_1490] : memref<4000x2x80xi32, #tpu.memory_space<hbm>> -> memref<1x2x80xi32, #tpu.memory_space<hbm>>
      %dma_start3A_1492 = tpu.memref_squeeze %dma_start3A_1491 : memref<1x2x80xi32, #tpu.memory_space<hbm>> -> memref<2x80xi32, #tpu.memory_space<hbm>>
      %dma_start3A_1493 = arith.constant 0 : i32
      %dma_start3A_1494 = arith.constant 0 : i32
      %dma_start3A_1495 = tpu.memref_slice %arg3[%add3A_1488, %dma_start3A_1493, %dma_start3A_1494] : memref<4000x2x80xi32, #tpu.memory_space<hbm>> -> memref<1x2x80xi32, #tpu.memory_space<hbm>>
      %dma_start3A_1496 = tpu.memref_squeeze %dma_start3A_1495 : memref<1x2x80xi32, #tpu.memory_space<hbm>> -> memref<2x80xi32, #tpu.memory_space<hbm>>
      tpu.enqueue_dma source(%dma_start3A_1496 : memref<2x80xi32, #tpu.memory_space<hbm>>) target(%arg8 : memref<2x80xi32, #tpu.memory_space<vmem>>) target_semaphore(%arg28 : memref<!tpu.dma_semaphore, #tpu.memory_space<semaphore_mem>>)
      %dma_wait3A_1497 = arith.constant 0 : i32
      %dma_wait3A_1498 = arith.constant 0 : i32
      %dma_wait3A_1499 = tpu.memref_slice %arg6[%dma_wait3A_1497, %dma_wait3A_1498] : memref<2x80xi32, #tpu.memory_space<vmem>> -> memref<1x80xi32, #tpu.memory_space<vmem>>
      %dma_wait3A_1500 = tpu.memref_squeeze %dma_wait3A_1499 : memref<1x80xi32, #tpu.memory_space<vmem>> -> memref<80xi32, #tpu.memory_space<vmem>>
      %dma_wait3A_1501 = arith.constant 0 : i32
      %dma_wait3A_1502 = arith.constant 0 : i32
      %dma_wait3A_1503 = tpu.memref_slice %arg2[%dma_wait3A_1501, %dma_wait3A_1502] : memref<10240x128xf32, #tpu.memory_space<hbm>> -> memref<10240x128xf32, #tpu.memory_space<hbm>>
      tpu.wait_indirect_dma semaphore(%arg19 : memref<!tpu.dma_semaphore, #tpu.memory_space<semaphore_mem>>) src(%dma_wait3A_1503 : memref<10240x128xf32, #tpu.memory_space<hbm>>) dst(%arg13 : memref<80x128xf32, #tpu.memory_space<vmem>>)
      %dma_start3A_1504 = arith.constant 1 : i32
      %dma_start3A_1505 = arith.constant 0 : i32
      %dma_start3A_1506 = tpu.memref_slice %arg9[%dma_start3A_1504, %dma_start3A_1505] : memref<2x80xi32, #tpu.memory_space<vmem>> -> memref<1x80xi32, #tpu.memory_space<vmem>>
      %dma_start3A_1507 = tpu.memref_squeeze %dma_start3A_1506 : memref<1x80xi32, #tpu.memory_space<vmem>> -> memref<80xi32, #tpu.memory_space<vmem>>
      %dma_start3A_1508 = arith.constant 0 : i32
      %dma_start3A_1509 = arith.constant 0 : i32
      %dma_start3A_1510 = tpu.memref_slice %arg32[%dma_start3A_1508, %dma_start3A_1509] : memref<10240x128xf32, #tpu.memory_space<vmem_shared>> -> memref<10240x128xf32, #tpu.memory_space<vmem_shared>>
      tpu.enqueue_indirect_dma source(%arg13 : memref<80x128xf32, #tpu.memory_space<vmem>>) target(%dma_start3A_1510 : memref<10240x128xf32, #tpu.memory_space<vmem_shared>>) offsets(%dma_start3A_1507 : memref<80xi32, #tpu.memory_space<vmem>>) semaphore(%arg23 : memref<!tpu.dma_semaphore, #tpu.memory_space<semaphore_mem>>) {add = true}
      %dma_start3A_1511 = arith.constant 1 : i32
      %dma_start3A_1512 = arith.constant 0 : i32
      %dma_start3A_1513 = tpu.memref_slice %arg9[%dma_start3A_1511, %dma_start3A_1512] : memref<2x80xi32, #tpu.memory_space<vmem>> -> memref<1x80xi32, #tpu.memory_space<vmem>>
      %dma_start3A_1514 = tpu.memref_squeeze %dma_start3A_1513 : memref<1x80xi32, #tpu.memory_space<vmem>> -> memref<80xi32, #tpu.memory_space<vmem>>
      %dma_start3A_1515 = arith.constant 0 : i32
      %dma_start3A_1516 = tpu.memref_slice %arg33[%dma_start3A_1515] : memref<10240xf32, #tpu.memory_space<vmem_shared>> -> memref<10240xf32, #tpu.memory_space<vmem_shared>>
      tpu.enqueue_indirect_dma source(%arg17 : memref<80xf32, #tpu.memory_space<vmem>>) target(%dma_start3A_1516 : memref<10240xf32, #tpu.memory_space<vmem_shared>>) offsets(%dma_start3A_1514 : memref<80xi32, #tpu.memory_space<vmem>>) semaphore(%arg23 : memref<!tpu.dma_semaphore, #tpu.memory_space<semaphore_mem>>) {add = true}
      %dma_wait3A_1517 = arith.constant 0 : i32
      %dma_wait3A_1518 = arith.constant 0 : i32
      %dma_wait3A_1519 = tpu.memref_slice %arg3[%mul3A_2, %dma_wait3A_1517, %dma_wait3A_1518] : memref<4000x2x80xi32, #tpu.memory_space<hbm>> -> memref<1x2x80xi32, #tpu.memory_space<hbm>>
      %dma_wait3A_1520 = tpu.memref_squeeze %dma_wait3A_1519 : memref<1x2x80xi32, #tpu.memory_space<hbm>> -> memref<2x80xi32, #tpu.memory_space<hbm>>
      %dma_wait3A_1521 = arith.constant 0 : i32
      %dma_wait3A_1522 = arith.constant 0 : i32
      %dma_wait3A_1523 = tpu.memref_slice %arg3[%mul3A_2, %dma_wait3A_1521, %dma_wait3A_1522] : memref<4000x2x80xi32, #tpu.memory_space<hbm>> -> memref<1x2x80xi32, #tpu.memory_space<hbm>>
      %dma_wait3A_1524 = tpu.memref_squeeze %dma_wait3A_1523 : memref<1x2x80xi32, #tpu.memory_space<hbm>> -> memref<2x80xi32, #tpu.memory_space<hbm>>
      tpu.wait_dma2 semaphore(%arg26 : memref<!tpu.dma_semaphore, #tpu.memory_space<semaphore_mem>>) src(%dma_wait3A_1524 : memref<2x80xi32, #tpu.memory_space<hbm>>) dst(%arg6 : memref<2x80xi32, #tpu.memory_space<vmem>>)
      %dma_start3A_1525 = arith.constant 0 : i32
      %dma_start3A_1526 = arith.constant 0 : i32
      %dma_start3A_1527 = tpu.memref_slice %arg6[%dma_start3A_1525, %dma_start3A_1526] : memref<2x80xi32, #tpu.memory_space<vmem>> -> memref<1x80xi32, #tpu.memory_space<vmem>>
      %dma_start3A_1528 = tpu.memref_squeeze %dma_start3A_1527 : memref<1x80xi32, #tpu.memory_space<vmem>> -> memref<80xi32, #tpu.memory_space<vmem>>
      %dma_start3A_1529 = arith.constant 0 : i32
      %dma_start3A_1530 = arith.constant 0 : i32
      %dma_start3A_1531 = tpu.memref_slice %arg2[%dma_start3A_1529, %dma_start3A_1530] : memref<10240x128xf32, #tpu.memory_space<hbm>> -> memref<10240x128xf32, #tpu.memory_space<hbm>>
      tpu.enqueue_indirect_dma source(%dma_start3A_1531 : memref<10240x128xf32, #tpu.memory_space<hbm>>) target(%arg12 : memref<80x128xf32, #tpu.memory_space<vmem>>) offsets(%dma_start3A_1528 : memref<80xi32, #tpu.memory_space<vmem>>) semaphore(%arg18 : memref<!tpu.dma_semaphore, #tpu.memory_space<semaphore_mem>>)
      %add3A_1532 = arith.constant 8 : i32
      %add3A_1533 = arith.addi %add3A_1043, %add3A_1532 : i32
      %dma_wait3A_1534 = arith.constant 1 : i32
      %dma_wait3A_1535 = arith.constant 0 : i32
      %dma_wait3A_1536 = tpu.memref_slice %arg9[%dma_wait3A_1534, %dma_wait3A_1535] : memref<2x80xi32, #tpu.memory_space<vmem>> -> memref<1x80xi32, #tpu.memory_space<vmem>>
      %dma_wait3A_1537 = tpu.memref_squeeze %dma_wait3A_1536 : memref<1x80xi32, #tpu.memory_space<vmem>> -> memref<80xi32, #tpu.memory_space<vmem>>
      %dma_wait3A_1538 = arith.constant 0 : i32
      %dma_wait3A_1539 = arith.constant 0 : i32
      %dma_wait3A_1540 = tpu.memref_slice %arg32[%dma_wait3A_1538, %dma_wait3A_1539] : memref<10240x128xf32, #tpu.memory_space<vmem_shared>> -> memref<10240x128xf32, #tpu.memory_space<vmem_shared>>
      tpu.wait_indirect_dma semaphore(%arg23 : memref<!tpu.dma_semaphore, #tpu.memory_space<semaphore_mem>>) src(%arg13 : memref<80x128xf32, #tpu.memory_space<vmem>>) dst(%dma_wait3A_1540 : memref<10240x128xf32, #tpu.memory_space<vmem_shared>>)
      %dma_wait3A_1541 = arith.constant 1 : i32
      %dma_wait3A_1542 = arith.constant 0 : i32
      %dma_wait3A_1543 = tpu.memref_slice %arg9[%dma_wait3A_1541, %dma_wait3A_1542] : memref<2x80xi32, #tpu.memory_space<vmem>> -> memref<1x80xi32, #tpu.memory_space<vmem>>
      %dma_wait3A_1544 = tpu.memref_squeeze %dma_wait3A_1543 : memref<1x80xi32, #tpu.memory_space<vmem>> -> memref<80xi32, #tpu.memory_space<vmem>>
      %dma_wait3A_1545 = arith.constant 0 : i32
      %dma_wait3A_1546 = tpu.memref_slice %arg33[%dma_wait3A_1545] : memref<10240xf32, #tpu.memory_space<vmem_shared>> -> memref<10240xf32, #tpu.memory_space<vmem_shared>>
      tpu.wait_indirect_dma semaphore(%arg23 : memref<!tpu.dma_semaphore, #tpu.memory_space<semaphore_mem>>) src(%arg17 : memref<80xf32, #tpu.memory_space<vmem>>) dst(%dma_wait3A_1546 : memref<10240xf32, #tpu.memory_space<vmem_shared>>)
      %add3A_1547 = arith.constant 5 : i32
      %add3A_1548 = arith.addi %add3A_1533, %add3A_1547 : i32
      %add3A_1549 = arith.addi %mul3A_2, %add3A_1548 : i32
      %dma_start3A_1550 = arith.constant 0 : i32
      %dma_start3A_1551 = arith.constant 0 : i32
      %dma_start3A_1552 = tpu.memref_slice %arg3[%add3A_1549, %dma_start3A_1550, %dma_start3A_1551] : memref<4000x2x80xi32, #tpu.memory_space<hbm>> -> memref<1x2x80xi32, #tpu.memory_space<hbm>>
      %dma_start3A_1553 = tpu.memref_squeeze %dma_start3A_1552 : memref<1x2x80xi32, #tpu.memory_space<hbm>> -> memref<2x80xi32, #tpu.memory_space<hbm>>
      %dma_start3A_1554 = arith.constant 0 : i32
      %dma_start3A_1555 = arith.constant 0 : i32
      %dma_start3A_1556 = tpu.memref_slice %arg3[%add3A_1549, %dma_start3A_1554, %dma_start3A_1555] : memref<4000x2x80xi32, #tpu.memory_space<hbm>> -> memref<1x2x80xi32, #tpu.memory_space<hbm>>
      %dma_start3A_1557 = tpu.memref_squeeze %dma_start3A_1556 : memref<1x2x80xi32, #tpu.memory_space<hbm>> -> memref<2x80xi32, #tpu.memory_space<hbm>>
      tpu.enqueue_dma source(%dma_start3A_1557 : memref<2x80xi32, #tpu.memory_space<hbm>>) target(%arg9 : memref<2x80xi32, #tpu.memory_space<vmem>>) target_semaphore(%arg29 : memref<!tpu.dma_semaphore, #tpu.memory_space<semaphore_mem>>)
      %dma_wait3A_1558 = arith.constant 0 : i32
      %dma_wait3A_1559 = arith.constant 0 : i32
      %dma_wait3A_1560 = tpu.memref_slice %arg6[%dma_wait3A_1558, %dma_wait3A_1559] : memref<2x80xi32, #tpu.memory_space<vmem>> -> memref<1x80xi32, #tpu.memory_space<vmem>>
      %dma_wait3A_1561 = tpu.memref_squeeze %dma_wait3A_1560 : memref<1x80xi32, #tpu.memory_space<vmem>> -> memref<80xi32, #tpu.memory_space<vmem>>
      %dma_wait3A_1562 = arith.constant 0 : i32
      %dma_wait3A_1563 = arith.constant 0 : i32
      %dma_wait3A_1564 = tpu.memref_slice %arg2[%dma_wait3A_1562, %dma_wait3A_1563] : memref<10240x128xf32, #tpu.memory_space<hbm>> -> memref<10240x128xf32, #tpu.memory_space<hbm>>
      tpu.wait_indirect_dma semaphore(%arg20 : memref<!tpu.dma_semaphore, #tpu.memory_space<semaphore_mem>>) src(%dma_wait3A_1564 : memref<10240x128xf32, #tpu.memory_space<hbm>>) dst(%arg14 : memref<80x128xf32, #tpu.memory_space<vmem>>)
      %dma_start3A_1565 = arith.constant 1 : i32
      %dma_start3A_1566 = arith.constant 0 : i32
      %dma_start3A_1567 = tpu.memref_slice %arg10[%dma_start3A_1565, %dma_start3A_1566] : memref<2x80xi32, #tpu.memory_space<vmem>> -> memref<1x80xi32, #tpu.memory_space<vmem>>
      %dma_start3A_1568 = tpu.memref_squeeze %dma_start3A_1567 : memref<1x80xi32, #tpu.memory_space<vmem>> -> memref<80xi32, #tpu.memory_space<vmem>>
      %dma_start3A_1569 = arith.constant 0 : i32
      %dma_start3A_1570 = arith.constant 0 : i32
      %dma_start3A_1571 = tpu.memref_slice %arg32[%dma_start3A_1569, %dma_start3A_1570] : memref<10240x128xf32, #tpu.memory_space<vmem_shared>> -> memref<10240x128xf32, #tpu.memory_space<vmem_shared>>
      tpu.enqueue_indirect_dma source(%arg14 : memref<80x128xf32, #tpu.memory_space<vmem>>) target(%dma_start3A_1571 : memref<10240x128xf32, #tpu.memory_space<vmem_shared>>) offsets(%dma_start3A_1568 : memref<80xi32, #tpu.memory_space<vmem>>) semaphore(%arg24 : memref<!tpu.dma_semaphore, #tpu.memory_space<semaphore_mem>>) {add = true}
      %dma_start3A_1572 = arith.constant 1 : i32
      %dma_start3A_1573 = arith.constant 0 : i32
      %dma_start3A_1574 = tpu.memref_slice %arg10[%dma_start3A_1572, %dma_start3A_1573] : memref<2x80xi32, #tpu.memory_space<vmem>> -> memref<1x80xi32, #tpu.memory_space<vmem>>
      %dma_start3A_1575 = tpu.memref_squeeze %dma_start3A_1574 : memref<1x80xi32, #tpu.memory_space<vmem>> -> memref<80xi32, #tpu.memory_space<vmem>>
      %dma_start3A_1576 = arith.constant 0 : i32
      %dma_start3A_1577 = tpu.memref_slice %arg33[%dma_start3A_1576] : memref<10240xf32, #tpu.memory_space<vmem_shared>> -> memref<10240xf32, #tpu.memory_space<vmem_shared>>
      tpu.enqueue_indirect_dma source(%arg17 : memref<80xf32, #tpu.memory_space<vmem>>) target(%dma_start3A_1577 : memref<10240xf32, #tpu.memory_space<vmem_shared>>) offsets(%dma_start3A_1575 : memref<80xi32, #tpu.memory_space<vmem>>) semaphore(%arg24 : memref<!tpu.dma_semaphore, #tpu.memory_space<semaphore_mem>>) {add = true}
      %dma_wait3A_1578 = arith.constant 0 : i32
      %dma_wait3A_1579 = arith.constant 0 : i32
      %dma_wait3A_1580 = tpu.memref_slice %arg3[%mul3A_2, %dma_wait3A_1578, %dma_wait3A_1579] : memref<4000x2x80xi32, #tpu.memory_space<hbm>> -> memref<1x2x80xi32, #tpu.memory_space<hbm>>
      %dma_wait3A_1581 = tpu.memref_squeeze %dma_wait3A_1580 : memref<1x2x80xi32, #tpu.memory_space<hbm>> -> memref<2x80xi32, #tpu.memory_space<hbm>>
      %dma_wait3A_1582 = arith.constant 0 : i32
      %dma_wait3A_1583 = arith.constant 0 : i32
      %dma_wait3A_1584 = tpu.memref_slice %arg3[%mul3A_2, %dma_wait3A_1582, %dma_wait3A_1583] : memref<4000x2x80xi32, #tpu.memory_space<hbm>> -> memref<1x2x80xi32, #tpu.memory_space<hbm>>
      %dma_wait3A_1585 = tpu.memref_squeeze %dma_wait3A_1584 : memref<1x2x80xi32, #tpu.memory_space<hbm>> -> memref<2x80xi32, #tpu.memory_space<hbm>>
      tpu.wait_dma2 semaphore(%arg27 : memref<!tpu.dma_semaphore, #tpu.memory_space<semaphore_mem>>) src(%dma_wait3A_1585 : memref<2x80xi32, #tpu.memory_space<hbm>>) dst(%arg7 : memref<2x80xi32, #tpu.memory_space<vmem>>)
      %dma_start3A_1586 = arith.constant 0 : i32
      %dma_start3A_1587 = arith.constant 0 : i32
      %dma_start3A_1588 = tpu.memref_slice %arg7[%dma_start3A_1586, %dma_start3A_1587] : memref<2x80xi32, #tpu.memory_space<vmem>> -> memref<1x80xi32, #tpu.memory_space<vmem>>
      %dma_start3A_1589 = tpu.memref_squeeze %dma_start3A_1588 : memref<1x80xi32, #tpu.memory_space<vmem>> -> memref<80xi32, #tpu.memory_space<vmem>>
      %dma_start3A_1590 = arith.constant 0 : i32
      %dma_start3A_1591 = arith.constant 0 : i32
      %dma_start3A_1592 = tpu.memref_slice %arg2[%dma_start3A_1590, %dma_start3A_1591] : memref<10240x128xf32, #tpu.memory_space<hbm>> -> memref<10240x128xf32, #tpu.memory_space<hbm>>
      tpu.enqueue_indirect_dma source(%dma_start3A_1592 : memref<10240x128xf32, #tpu.memory_space<hbm>>) target(%arg13 : memref<80x128xf32, #tpu.memory_space<vmem>>) offsets(%dma_start3A_1589 : memref<80xi32, #tpu.memory_space<vmem>>) semaphore(%arg19 : memref<!tpu.dma_semaphore, #tpu.memory_space<semaphore_mem>>)
      %add3A_1593 = arith.constant 9 : i32
      %add3A_1594 = arith.addi %add3A_1043, %add3A_1593 : i32
      %dma_wait3A_1595 = arith.constant 1 : i32
      %dma_wait3A_1596 = arith.constant 0 : i32
      %dma_wait3A_1597 = tpu.memref_slice %arg10[%dma_wait3A_1595, %dma_wait3A_1596] : memref<2x80xi32, #tpu.memory_space<vmem>> -> memref<1x80xi32, #tpu.memory_space<vmem>>
      %dma_wait3A_1598 = tpu.memref_squeeze %dma_wait3A_1597 : memref<1x80xi32, #tpu.memory_space<vmem>> -> memref<80xi32, #tpu.memory_space<vmem>>
      %dma_wait3A_1599 = arith.constant 0 : i32
      %dma_wait3A_1600 = arith.constant 0 : i32
      %dma_wait3A_1601 = tpu.memref_slice %arg32[%dma_wait3A_1599, %dma_wait3A_1600] : memref<10240x128xf32, #tpu.memory_space<vmem_shared>> -> memref<10240x128xf32, #tpu.memory_space<vmem_shared>>
      tpu.wait_indirect_dma semaphore(%arg24 : memref<!tpu.dma_semaphore, #tpu.memory_space<semaphore_mem>>) src(%arg14 : memref<80x128xf32, #tpu.memory_space<vmem>>) dst(%dma_wait3A_1601 : memref<10240x128xf32, #tpu.memory_space<vmem_shared>>)
      %dma_wait3A_1602 = arith.constant 1 : i32
      %dma_wait3A_1603 = arith.constant 0 : i32
      %dma_wait3A_1604 = tpu.memref_slice %arg10[%dma_wait3A_1602, %dma_wait3A_1603] : memref<2x80xi32, #tpu.memory_space<vmem>> -> memref<1x80xi32, #tpu.memory_space<vmem>>
      %dma_wait3A_1605 = tpu.memref_squeeze %dma_wait3A_1604 : memref<1x80xi32, #tpu.memory_space<vmem>> -> memref<80xi32, #tpu.memory_space<vmem>>
      %dma_wait3A_1606 = arith.constant 0 : i32
      %dma_wait3A_1607 = tpu.memref_slice %arg33[%dma_wait3A_1606] : memref<10240xf32, #tpu.memory_space<vmem_shared>> -> memref<10240xf32, #tpu.memory_space<vmem_shared>>
      tpu.wait_indirect_dma semaphore(%arg24 : memref<!tpu.dma_semaphore, #tpu.memory_space<semaphore_mem>>) src(%arg17 : memref<80xf32, #tpu.memory_space<vmem>>) dst(%dma_wait3A_1607 : memref<10240xf32, #tpu.memory_space<vmem_shared>>)
      %add3A_1608 = arith.constant 5 : i32
      %add3A_1609 = arith.addi %add3A_1594, %add3A_1608 : i32
      %add3A_1610 = arith.addi %mul3A_2, %add3A_1609 : i32
      %dma_start3A_1611 = arith.constant 0 : i32
      %dma_start3A_1612 = arith.constant 0 : i32
      %dma_start3A_1613 = tpu.memref_slice %arg3[%add3A_1610, %dma_start3A_1611, %dma_start3A_1612] : memref<4000x2x80xi32, #tpu.memory_space<hbm>> -> memref<1x2x80xi32, #tpu.memory_space<hbm>>
      %dma_start3A_1614 = tpu.memref_squeeze %dma_start3A_1613 : memref<1x2x80xi32, #tpu.memory_space<hbm>> -> memref<2x80xi32, #tpu.memory_space<hbm>>
      %dma_start3A_1615 = arith.constant 0 : i32
      %dma_start3A_1616 = arith.constant 0 : i32
      %dma_start3A_1617 = tpu.memref_slice %arg3[%add3A_1610, %dma_start3A_1615, %dma_start3A_1616] : memref<4000x2x80xi32, #tpu.memory_space<hbm>> -> memref<1x2x80xi32, #tpu.memory_space<hbm>>
      %dma_start3A_1618 = tpu.memref_squeeze %dma_start3A_1617 : memref<1x2x80xi32, #tpu.memory_space<hbm>> -> memref<2x80xi32, #tpu.memory_space<hbm>>
      tpu.enqueue_dma source(%dma_start3A_1618 : memref<2x80xi32, #tpu.memory_space<hbm>>) target(%arg10 : memref<2x80xi32, #tpu.memory_space<vmem>>) target_semaphore(%arg30 : memref<!tpu.dma_semaphore, #tpu.memory_space<semaphore_mem>>)
      %dma_wait3A_1619 = arith.constant 0 : i32
      %dma_wait3A_1620 = arith.constant 0 : i32
      %dma_wait3A_1621 = tpu.memref_slice %arg6[%dma_wait3A_1619, %dma_wait3A_1620] : memref<2x80xi32, #tpu.memory_space<vmem>> -> memref<1x80xi32, #tpu.memory_space<vmem>>
      %dma_wait3A_1622 = tpu.memref_squeeze %dma_wait3A_1621 : memref<1x80xi32, #tpu.memory_space<vmem>> -> memref<80xi32, #tpu.memory_space<vmem>>
      %dma_wait3A_1623 = arith.constant 0 : i32
      %dma_wait3A_1624 = arith.constant 0 : i32
      %dma_wait3A_1625 = tpu.memref_slice %arg2[%dma_wait3A_1623, %dma_wait3A_1624] : memref<10240x128xf32, #tpu.memory_space<hbm>> -> memref<10240x128xf32, #tpu.memory_space<hbm>>
      tpu.wait_indirect_dma semaphore(%arg21 : memref<!tpu.dma_semaphore, #tpu.memory_space<semaphore_mem>>) src(%dma_wait3A_1625 : memref<10240x128xf32, #tpu.memory_space<hbm>>) dst(%arg15 : memref<80x128xf32, #tpu.memory_space<vmem>>)
      %dma_start3A_1626 = arith.constant 1 : i32
      %dma_start3A_1627 = arith.constant 0 : i32
      %dma_start3A_1628 = tpu.memref_slice %arg11[%dma_start3A_1626, %dma_start3A_1627] : memref<2x80xi32, #tpu.memory_space<vmem>> -> memref<1x80xi32, #tpu.memory_space<vmem>>
      %dma_start3A_1629 = tpu.memref_squeeze %dma_start3A_1628 : memref<1x80xi32, #tpu.memory_space<vmem>> -> memref<80xi32, #tpu.memory_space<vmem>>
      %dma_start3A_1630 = arith.constant 0 : i32
      %dma_start3A_1631 = arith.constant 0 : i32
      %dma_start3A_1632 = tpu.memref_slice %arg32[%dma_start3A_1630, %dma_start3A_1631] : memref<10240x128xf32, #tpu.memory_space<vmem_shared>> -> memref<10240x128xf32, #tpu.memory_space<vmem_shared>>
      tpu.enqueue_indirect_dma source(%arg15 : memref<80x128xf32, #tpu.memory_space<vmem>>) target(%dma_start3A_1632 : memref<10240x128xf32, #tpu.memory_space<vmem_shared>>) offsets(%dma_start3A_1629 : memref<80xi32, #tpu.memory_space<vmem>>) semaphore(%arg25 : memref<!tpu.dma_semaphore, #tpu.memory_space<semaphore_mem>>) {add = true}
      %dma_start3A_1633 = arith.constant 1 : i32
      %dma_start3A_1634 = arith.constant 0 : i32
      %dma_start3A_1635 = tpu.memref_slice %arg11[%dma_start3A_1633, %dma_start3A_1634] : memref<2x80xi32, #tpu.memory_space<vmem>> -> memref<1x80xi32, #tpu.memory_space<vmem>>
      %dma_start3A_1636 = tpu.memref_squeeze %dma_start3A_1635 : memref<1x80xi32, #tpu.memory_space<vmem>> -> memref<80xi32, #tpu.memory_space<vmem>>
      %dma_start3A_1637 = arith.constant 0 : i32
      %dma_start3A_1638 = tpu.memref_slice %arg33[%dma_start3A_1637] : memref<10240xf32, #tpu.memory_space<vmem_shared>> -> memref<10240xf32, #tpu.memory_space<vmem_shared>>
      tpu.enqueue_indirect_dma source(%arg17 : memref<80xf32, #tpu.memory_space<vmem>>) target(%dma_start3A_1638 : memref<10240xf32, #tpu.memory_space<vmem_shared>>) offsets(%dma_start3A_1636 : memref<80xi32, #tpu.memory_space<vmem>>) semaphore(%arg25 : memref<!tpu.dma_semaphore, #tpu.memory_space<semaphore_mem>>) {add = true}
      %dma_wait3A_1639 = arith.constant 0 : i32
      %dma_wait3A_1640 = arith.constant 0 : i32
      %dma_wait3A_1641 = tpu.memref_slice %arg3[%mul3A_2, %dma_wait3A_1639, %dma_wait3A_1640] : memref<4000x2x80xi32, #tpu.memory_space<hbm>> -> memref<1x2x80xi32, #tpu.memory_space<hbm>>
      %dma_wait3A_1642 = tpu.memref_squeeze %dma_wait3A_1641 : memref<1x2x80xi32, #tpu.memory_space<hbm>> -> memref<2x80xi32, #tpu.memory_space<hbm>>
      %dma_wait3A_1643 = arith.constant 0 : i32
      %dma_wait3A_1644 = arith.constant 0 : i32
      %dma_wait3A_1645 = tpu.memref_slice %arg3[%mul3A_2, %dma_wait3A_1643, %dma_wait3A_1644] : memref<4000x2x80xi32, #tpu.memory_space<hbm>> -> memref<1x2x80xi32, #tpu.memory_space<hbm>>
      %dma_wait3A_1646 = tpu.memref_squeeze %dma_wait3A_1645 : memref<1x2x80xi32, #tpu.memory_space<hbm>> -> memref<2x80xi32, #tpu.memory_space<hbm>>
      tpu.wait_dma2 semaphore(%arg28 : memref<!tpu.dma_semaphore, #tpu.memory_space<semaphore_mem>>) src(%dma_wait3A_1646 : memref<2x80xi32, #tpu.memory_space<hbm>>) dst(%arg8 : memref<2x80xi32, #tpu.memory_space<vmem>>)
      %dma_start3A_1647 = arith.constant 0 : i32
      %dma_start3A_1648 = arith.constant 0 : i32
      %dma_start3A_1649 = tpu.memref_slice %arg8[%dma_start3A_1647, %dma_start3A_1648] : memref<2x80xi32, #tpu.memory_space<vmem>> -> memref<1x80xi32, #tpu.memory_space<vmem>>
      %dma_start3A_1650 = tpu.memref_squeeze %dma_start3A_1649 : memref<1x80xi32, #tpu.memory_space<vmem>> -> memref<80xi32, #tpu.memory_space<vmem>>
      %dma_start3A_1651 = arith.constant 0 : i32
      %dma_start3A_1652 = arith.constant 0 : i32
      %dma_start3A_1653 = tpu.memref_slice %arg2[%dma_start3A_1651, %dma_start3A_1652] : memref<10240x128xf32, #tpu.memory_space<hbm>> -> memref<10240x128xf32, #tpu.memory_space<hbm>>
      tpu.enqueue_indirect_dma source(%dma_start3A_1653 : memref<10240x128xf32, #tpu.memory_space<hbm>>) target(%arg14 : memref<80x128xf32, #tpu.memory_space<vmem>>) offsets(%dma_start3A_1650 : memref<80xi32, #tpu.memory_space<vmem>>) semaphore(%arg20 : memref<!tpu.dma_semaphore, #tpu.memory_space<semaphore_mem>>)
      %add3A_1654 = arith.constant 10 : i32
      %add3A_1655 = arith.addi %add3A_1043, %add3A_1654 : i32
      %dma_wait3A_1656 = arith.constant 1 : i32
      %dma_wait3A_1657 = arith.constant 0 : i32
      %dma_wait3A_1658 = tpu.memref_slice %arg11[%dma_wait3A_1656, %dma_wait3A_1657] : memref<2x80xi32, #tpu.memory_space<vmem>> -> memref<1x80xi32, #tpu.memory_space<vmem>>
      %dma_wait3A_1659 = tpu.memref_squeeze %dma_wait3A_1658 : memref<1x80xi32, #tpu.memory_space<vmem>> -> memref<80xi32, #tpu.memory_space<vmem>>
      %dma_wait3A_1660 = arith.constant 0 : i32
      %dma_wait3A_1661 = arith.constant 0 : i32
      %dma_wait3A_1662 = tpu.memref_slice %arg32[%dma_wait3A_1660, %dma_wait3A_1661] : memref<10240x128xf32, #tpu.memory_space<vmem_shared>> -> memref<10240x128xf32, #tpu.memory_space<vmem_shared>>
      tpu.wait_indirect_dma semaphore(%arg25 : memref<!tpu.dma_semaphore, #tpu.memory_space<semaphore_mem>>) src(%arg15 : memref<80x128xf32, #tpu.memory_space<vmem>>) dst(%dma_wait3A_1662 : memref<10240x128xf32, #tpu.memory_space<vmem_shared>>)
      %dma_wait3A_1663 = arith.constant 1 : i32
      %dma_wait3A_1664 = arith.constant 0 : i32
      %dma_wait3A_1665 = tpu.memref_slice %arg11[%dma_wait3A_1663, %dma_wait3A_1664] : memref<2x80xi32, #tpu.memory_space<vmem>> -> memref<1x80xi32, #tpu.memory_space<vmem>>
      %dma_wait3A_1666 = tpu.memref_squeeze %dma_wait3A_1665 : memref<1x80xi32, #tpu.memory_space<vmem>> -> memref<80xi32, #tpu.memory_space<vmem>>
      %dma_wait3A_1667 = arith.constant 0 : i32
      %dma_wait3A_1668 = tpu.memref_slice %arg33[%dma_wait3A_1667] : memref<10240xf32, #tpu.memory_space<vmem_shared>> -> memref<10240xf32, #tpu.memory_space<vmem_shared>>
      tpu.wait_indirect_dma semaphore(%arg25 : memref<!tpu.dma_semaphore, #tpu.memory_space<semaphore_mem>>) src(%arg17 : memref<80xf32, #tpu.memory_space<vmem>>) dst(%dma_wait3A_1668 : memref<10240xf32, #tpu.memory_space<vmem_shared>>)
      %add3A_1669 = arith.constant 5 : i32
      %add3A_1670 = arith.addi %add3A_1655, %add3A_1669 : i32
      %add3A_1671 = arith.addi %mul3A_2, %add3A_1670 : i32
      %dma_start3A_1672 = arith.constant 0 : i32
      %dma_start3A_1673 = arith.constant 0 : i32
      %dma_start3A_1674 = tpu.memref_slice %arg3[%add3A_1671, %dma_start3A_1672, %dma_start3A_1673] : memref<4000x2x80xi32, #tpu.memory_space<hbm>> -> memref<1x2x80xi32, #tpu.memory_space<hbm>>
      %dma_start3A_1675 = tpu.memref_squeeze %dma_start3A_1674 : memref<1x2x80xi32, #tpu.memory_space<hbm>> -> memref<2x80xi32, #tpu.memory_space<hbm>>
      %dma_start3A_1676 = arith.constant 0 : i32
      %dma_start3A_1677 = arith.constant 0 : i32
      %dma_start3A_1678 = tpu.memref_slice %arg3[%add3A_1671, %dma_start3A_1676, %dma_start3A_1677] : memref<4000x2x80xi32, #tpu.memory_space<hbm>> -> memref<1x2x80xi32, #tpu.memory_space<hbm>>
      %dma_start3A_1679 = tpu.memref_squeeze %dma_start3A_1678 : memref<1x2x80xi32, #tpu.memory_space<hbm>> -> memref<2x80xi32, #tpu.memory_space<hbm>>
      tpu.enqueue_dma source(%dma_start3A_1679 : memref<2x80xi32, #tpu.memory_space<hbm>>) target(%arg11 : memref<2x80xi32, #tpu.memory_space<vmem>>) target_semaphore(%arg31 : memref<!tpu.dma_semaphore, #tpu.memory_space<semaphore_mem>>)
      %dma_wait3A_1680 = arith.constant 0 : i32
      %dma_wait3A_1681 = arith.constant 0 : i32
      %dma_wait3A_1682 = tpu.memref_slice %arg6[%dma_wait3A_1680, %dma_wait3A_1681] : memref<2x80xi32, #tpu.memory_space<vmem>> -> memref<1x80xi32, #tpu.memory_space<vmem>>
      %dma_wait3A_1683 = tpu.memref_squeeze %dma_wait3A_1682 : memref<1x80xi32, #tpu.memory_space<vmem>> -> memref<80xi32, #tpu.memory_space<vmem>>
      %dma_wait3A_1684 = arith.constant 0 : i32
      %dma_wait3A_1685 = arith.constant 0 : i32
      %dma_wait3A_1686 = tpu.memref_slice %arg2[%dma_wait3A_1684, %dma_wait3A_1685] : memref<10240x128xf32, #tpu.memory_space<hbm>> -> memref<10240x128xf32, #tpu.memory_space<hbm>>
      tpu.wait_indirect_dma semaphore(%arg18 : memref<!tpu.dma_semaphore, #tpu.memory_space<semaphore_mem>>) src(%dma_wait3A_1686 : memref<10240x128xf32, #tpu.memory_space<hbm>>) dst(%arg12 : memref<80x128xf32, #tpu.memory_space<vmem>>)
      %dma_start3A_1687 = arith.constant 1 : i32
      %dma_start3A_1688 = arith.constant 0 : i32
      %dma_start3A_1689 = tpu.memref_slice %arg6[%dma_start3A_1687, %dma_start3A_1688] : memref<2x80xi32, #tpu.memory_space<vmem>> -> memref<1x80xi32, #tpu.memory_space<vmem>>
      %dma_start3A_1690 = tpu.memref_squeeze %dma_start3A_1689 : memref<1x80xi32, #tpu.memory_space<vmem>> -> memref<80xi32, #tpu.memory_space<vmem>>
      %dma_start3A_1691 = arith.constant 0 : i32
      %dma_start3A_1692 = arith.constant 0 : i32
      %dma_start3A_1693 = tpu.memref_slice %arg32[%dma_start3A_1691, %dma_start3A_1692] : memref<10240x128xf32, #tpu.memory_space<vmem_shared>> -> memref<10240x128xf32, #tpu.memory_space<vmem_shared>>
      tpu.enqueue_indirect_dma source(%arg12 : memref<80x128xf32, #tpu.memory_space<vmem>>) target(%dma_start3A_1693 : memref<10240x128xf32, #tpu.memory_space<vmem_shared>>) offsets(%dma_start3A_1690 : memref<80xi32, #tpu.memory_space<vmem>>) semaphore(%arg22 : memref<!tpu.dma_semaphore, #tpu.memory_space<semaphore_mem>>) {add = true}
      %dma_start3A_1694 = arith.constant 1 : i32
      %dma_start3A_1695 = arith.constant 0 : i32
      %dma_start3A_1696 = tpu.memref_slice %arg6[%dma_start3A_1694, %dma_start3A_1695] : memref<2x80xi32, #tpu.memory_space<vmem>> -> memref<1x80xi32, #tpu.memory_space<vmem>>
      %dma_start3A_1697 = tpu.memref_squeeze %dma_start3A_1696 : memref<1x80xi32, #tpu.memory_space<vmem>> -> memref<80xi32, #tpu.memory_space<vmem>>
      %dma_start3A_1698 = arith.constant 0 : i32
      %dma_start3A_1699 = tpu.memref_slice %arg33[%dma_start3A_1698] : memref<10240xf32, #tpu.memory_space<vmem_shared>> -> memref<10240xf32, #tpu.memory_space<vmem_shared>>
      tpu.enqueue_indirect_dma source(%arg17 : memref<80xf32, #tpu.memory_space<vmem>>) target(%dma_start3A_1699 : memref<10240xf32, #tpu.memory_space<vmem_shared>>) offsets(%dma_start3A_1697 : memref<80xi32, #tpu.memory_space<vmem>>) semaphore(%arg22 : memref<!tpu.dma_semaphore, #tpu.memory_space<semaphore_mem>>) {add = true}
      %dma_wait3A_1700 = arith.constant 0 : i32
      %dma_wait3A_1701 = arith.constant 0 : i32
      %dma_wait3A_1702 = tpu.memref_slice %arg3[%mul3A_2, %dma_wait3A_1700, %dma_wait3A_1701] : memref<4000x2x80xi32, #tpu.memory_space<hbm>> -> memref<1x2x80xi32, #tpu.memory_space<hbm>>
      %dma_wait3A_1703 = tpu.memref_squeeze %dma_wait3A_1702 : memref<1x2x80xi32, #tpu.memory_space<hbm>> -> memref<2x80xi32, #tpu.memory_space<hbm>>
      %dma_wait3A_1704 = arith.constant 0 : i32
      %dma_wait3A_1705 = arith.constant 0 : i32
      %dma_wait3A_1706 = tpu.memref_slice %arg3[%mul3A_2, %dma_wait3A_1704, %dma_wait3A_1705] : memref<4000x2x80xi32, #tpu.memory_space<hbm>> -> memref<1x2x80xi32, #tpu.memory_space<hbm>>
      %dma_wait3A_1707 = tpu.memref_squeeze %dma_wait3A_1706 : memref<1x2x80xi32, #tpu.memory_space<hbm>> -> memref<2x80xi32, #tpu.memory_space<hbm>>
      tpu.wait_dma2 semaphore(%arg29 : memref<!tpu.dma_semaphore, #tpu.memory_space<semaphore_mem>>) src(%dma_wait3A_1707 : memref<2x80xi32, #tpu.memory_space<hbm>>) dst(%arg9 : memref<2x80xi32, #tpu.memory_space<vmem>>)
      %dma_start3A_1708 = arith.constant 0 : i32
      %dma_start3A_1709 = arith.constant 0 : i32
      %dma_start3A_1710 = tpu.memref_slice %arg9[%dma_start3A_1708, %dma_start3A_1709] : memref<2x80xi32, #tpu.memory_space<vmem>> -> memref<1x80xi32, #tpu.memory_space<vmem>>
      %dma_start3A_1711 = tpu.memref_squeeze %dma_start3A_1710 : memref<1x80xi32, #tpu.memory_space<vmem>> -> memref<80xi32, #tpu.memory_space<vmem>>
      %dma_start3A_1712 = arith.constant 0 : i32
      %dma_start3A_1713 = arith.constant 0 : i32
      %dma_start3A_1714 = tpu.memref_slice %arg2[%dma_start3A_1712, %dma_start3A_1713] : memref<10240x128xf32, #tpu.memory_space<hbm>> -> memref<10240x128xf32, #tpu.memory_space<hbm>>
      tpu.enqueue_indirect_dma source(%dma_start3A_1714 : memref<10240x128xf32, #tpu.memory_space<hbm>>) target(%arg15 : memref<80x128xf32, #tpu.memory_space<vmem>>) offsets(%dma_start3A_1711 : memref<80xi32, #tpu.memory_space<vmem>>) semaphore(%arg21 : memref<!tpu.dma_semaphore, #tpu.memory_space<semaphore_mem>>)
      %add3A_1715 = arith.constant 11 : i32
      %add3A_1716 = arith.addi %add3A_1043, %add3A_1715 : i32
      %dma_wait3A_1717 = arith.constant 1 : i32
      %dma_wait3A_1718 = arith.constant 0 : i32
      %dma_wait3A_1719 = tpu.memref_slice %arg6[%dma_wait3A_1717, %dma_wait3A_1718] : memref<2x80xi32, #tpu.memory_space<vmem>> -> memref<1x80xi32, #tpu.memory_space<vmem>>
      %dma_wait3A_1720 = tpu.memref_squeeze %dma_wait3A_1719 : memref<1x80xi32, #tpu.memory_space<vmem>> -> memref<80xi32, #tpu.memory_space<vmem>>
      %dma_wait3A_1721 = arith.constant 0 : i32
      %dma_wait3A_1722 = arith.constant 0 : i32
      %dma_wait3A_1723 = tpu.memref_slice %arg32[%dma_wait3A_1721, %dma_wait3A_1722] : memref<10240x128xf32, #tpu.memory_space<vmem_shared>> -> memref<10240x128xf32, #tpu.memory_space<vmem_shared>>
      tpu.wait_indirect_dma semaphore(%arg22 : memref<!tpu.dma_semaphore, #tpu.memory_space<semaphore_mem>>) src(%arg12 : memref<80x128xf32, #tpu.memory_space<vmem>>) dst(%dma_wait3A_1723 : memref<10240x128xf32, #tpu.memory_space<vmem_shared>>)
      %dma_wait3A_1724 = arith.constant 1 : i32
      %dma_wait3A_1725 = arith.constant 0 : i32
      %dma_wait3A_1726 = tpu.memref_slice %arg6[%dma_wait3A_1724, %dma_wait3A_1725] : memref<2x80xi32, #tpu.memory_space<vmem>> -> memref<1x80xi32, #tpu.memory_space<vmem>>
      %dma_wait3A_1727 = tpu.memref_squeeze %dma_wait3A_1726 : memref<1x80xi32, #tpu.memory_space<vmem>> -> memref<80xi32, #tpu.memory_space<vmem>>
      %dma_wait3A_1728 = arith.constant 0 : i32
      %dma_wait3A_1729 = tpu.memref_slice %arg33[%dma_wait3A_1728] : memref<10240xf32, #tpu.memory_space<vmem_shared>> -> memref<10240xf32, #tpu.memory_space<vmem_shared>>
      tpu.wait_indirect_dma semaphore(%arg22 : memref<!tpu.dma_semaphore, #tpu.memory_space<semaphore_mem>>) src(%arg17 : memref<80xf32, #tpu.memory_space<vmem>>) dst(%dma_wait3A_1729 : memref<10240xf32, #tpu.memory_space<vmem_shared>>)
      %add3A_1730 = arith.constant 5 : i32
      %add3A_1731 = arith.addi %add3A_1716, %add3A_1730 : i32
      %add3A_1732 = arith.addi %mul3A_2, %add3A_1731 : i32
      %dma_start3A_1733 = arith.constant 0 : i32
      %dma_start3A_1734 = arith.constant 0 : i32
      %dma_start3A_1735 = tpu.memref_slice %arg3[%add3A_1732, %dma_start3A_1733, %dma_start3A_1734] : memref<4000x2x80xi32, #tpu.memory_space<hbm>> -> memref<1x2x80xi32, #tpu.memory_space<hbm>>
      %dma_start3A_1736 = tpu.memref_squeeze %dma_start3A_1735 : memref<1x2x80xi32, #tpu.memory_space<hbm>> -> memref<2x80xi32, #tpu.memory_space<hbm>>
      %dma_start3A_1737 = arith.constant 0 : i32
      %dma_start3A_1738 = arith.constant 0 : i32
      %dma_start3A_1739 = tpu.memref_slice %arg3[%add3A_1732, %dma_start3A_1737, %dma_start3A_1738] : memref<4000x2x80xi32, #tpu.memory_space<hbm>> -> memref<1x2x80xi32, #tpu.memory_space<hbm>>
      %dma_start3A_1740 = tpu.memref_squeeze %dma_start3A_1739 : memref<1x2x80xi32, #tpu.memory_space<hbm>> -> memref<2x80xi32, #tpu.memory_space<hbm>>
      tpu.enqueue_dma source(%dma_start3A_1740 : memref<2x80xi32, #tpu.memory_space<hbm>>) target(%arg6 : memref<2x80xi32, #tpu.memory_space<vmem>>) target_semaphore(%arg26 : memref<!tpu.dma_semaphore, #tpu.memory_space<semaphore_mem>>)
      %dma_wait3A_1741 = arith.constant 0 : i32
      %dma_wait3A_1742 = arith.constant 0 : i32
      %dma_wait3A_1743 = tpu.memref_slice %arg6[%dma_wait3A_1741, %dma_wait3A_1742] : memref<2x80xi32, #tpu.memory_space<vmem>> -> memref<1x80xi32, #tpu.memory_space<vmem>>
      %dma_wait3A_1744 = tpu.memref_squeeze %dma_wait3A_1743 : memref<1x80xi32, #tpu.memory_space<vmem>> -> memref<80xi32, #tpu.memory_space<vmem>>
      %dma_wait3A_1745 = arith.constant 0 : i32
      %dma_wait3A_1746 = arith.constant 0 : i32
      %dma_wait3A_1747 = tpu.memref_slice %arg2[%dma_wait3A_1745, %dma_wait3A_1746] : memref<10240x128xf32, #tpu.memory_space<hbm>> -> memref<10240x128xf32, #tpu.memory_space<hbm>>
      tpu.wait_indirect_dma semaphore(%arg19 : memref<!tpu.dma_semaphore, #tpu.memory_space<semaphore_mem>>) src(%dma_wait3A_1747 : memref<10240x128xf32, #tpu.memory_space<hbm>>) dst(%arg13 : memref<80x128xf32, #tpu.memory_space<vmem>>)
      %dma_start3A_1748 = arith.constant 1 : i32
      %dma_start3A_1749 = arith.constant 0 : i32
      %dma_start3A_1750 = tpu.memref_slice %arg7[%dma_start3A_1748, %dma_start3A_1749] : memref<2x80xi32, #tpu.memory_space<vmem>> -> memref<1x80xi32, #tpu.memory_space<vmem>>
      %dma_start3A_1751 = tpu.memref_squeeze %dma_start3A_1750 : memref<1x80xi32, #tpu.memory_space<vmem>> -> memref<80xi32, #tpu.memory_space<vmem>>
      %dma_start3A_1752 = arith.constant 0 : i32
      %dma_start3A_1753 = arith.constant 0 : i32
      %dma_start3A_1754 = tpu.memref_slice %arg32[%dma_start3A_1752, %dma_start3A_1753] : memref<10240x128xf32, #tpu.memory_space<vmem_shared>> -> memref<10240x128xf32, #tpu.memory_space<vmem_shared>>
      tpu.enqueue_indirect_dma source(%arg13 : memref<80x128xf32, #tpu.memory_space<vmem>>) target(%dma_start3A_1754 : memref<10240x128xf32, #tpu.memory_space<vmem_shared>>) offsets(%dma_start3A_1751 : memref<80xi32, #tpu.memory_space<vmem>>) semaphore(%arg23 : memref<!tpu.dma_semaphore, #tpu.memory_space<semaphore_mem>>) {add = true}
      %dma_start3A_1755 = arith.constant 1 : i32
      %dma_start3A_1756 = arith.constant 0 : i32
      %dma_start3A_1757 = tpu.memref_slice %arg7[%dma_start3A_1755, %dma_start3A_1756] : memref<2x80xi32, #tpu.memory_space<vmem>> -> memref<1x80xi32, #tpu.memory_space<vmem>>
      %dma_start3A_1758 = tpu.memref_squeeze %dma_start3A_1757 : memref<1x80xi32, #tpu.memory_space<vmem>> -> memref<80xi32, #tpu.memory_space<vmem>>
      %dma_start3A_1759 = arith.constant 0 : i32
      %dma_start3A_1760 = tpu.memref_slice %arg33[%dma_start3A_1759] : memref<10240xf32, #tpu.memory_space<vmem_shared>> -> memref<10240xf32, #tpu.memory_space<vmem_shared>>
      tpu.enqueue_indirect_dma source(%arg17 : memref<80xf32, #tpu.memory_space<vmem>>) target(%dma_start3A_1760 : memref<10240xf32, #tpu.memory_space<vmem_shared>>) offsets(%dma_start3A_1758 : memref<80xi32, #tpu.memory_space<vmem>>) semaphore(%arg23 : memref<!tpu.dma_semaphore, #tpu.memory_space<semaphore_mem>>) {add = true}
      %dma_wait3A_1761 = arith.constant 0 : i32
      %dma_wait3A_1762 = arith.constant 0 : i32
      %dma_wait3A_1763 = tpu.memref_slice %arg3[%mul3A_2, %dma_wait3A_1761, %dma_wait3A_1762] : memref<4000x2x80xi32, #tpu.memory_space<hbm>> -> memref<1x2x80xi32, #tpu.memory_space<hbm>>
      %dma_wait3A_1764 = tpu.memref_squeeze %dma_wait3A_1763 : memref<1x2x80xi32, #tpu.memory_space<hbm>> -> memref<2x80xi32, #tpu.memory_space<hbm>>
      %dma_wait3A_1765 = arith.constant 0 : i32
      %dma_wait3A_1766 = arith.constant 0 : i32
      %dma_wait3A_1767 = tpu.memref_slice %arg3[%mul3A_2, %dma_wait3A_1765, %dma_wait3A_1766] : memref<4000x2x80xi32, #tpu.memory_space<hbm>> -> memref<1x2x80xi32, #tpu.memory_space<hbm>>
      %dma_wait3A_1768 = tpu.memref_squeeze %dma_wait3A_1767 : memref<1x2x80xi32, #tpu.memory_space<hbm>> -> memref<2x80xi32, #tpu.memory_space<hbm>>
      tpu.wait_dma2 semaphore(%arg30 : memref<!tpu.dma_semaphore, #tpu.memory_space<semaphore_mem>>) src(%dma_wait3A_1768 : memref<2x80xi32, #tpu.memory_space<hbm>>) dst(%arg10 : memref<2x80xi32, #tpu.memory_space<vmem>>)
      %dma_start3A_1769 = arith.constant 0 : i32
      %dma_start3A_1770 = arith.constant 0 : i32
      %dma_start3A_1771 = tpu.memref_slice %arg10[%dma_start3A_1769, %dma_start3A_1770] : memref<2x80xi32, #tpu.memory_space<vmem>> -> memref<1x80xi32, #tpu.memory_space<vmem>>
      %dma_start3A_1772 = tpu.memref_squeeze %dma_start3A_1771 : memref<1x80xi32, #tpu.memory_space<vmem>> -> memref<80xi32, #tpu.memory_space<vmem>>
      %dma_start3A_1773 = arith.constant 0 : i32
      %dma_start3A_1774 = arith.constant 0 : i32
      %dma_start3A_1775 = tpu.memref_slice %arg2[%dma_start3A_1773, %dma_start3A_1774] : memref<10240x128xf32, #tpu.memory_space<hbm>> -> memref<10240x128xf32, #tpu.memory_space<hbm>>
      tpu.enqueue_indirect_dma source(%dma_start3A_1775 : memref<10240x128xf32, #tpu.memory_space<hbm>>) target(%arg12 : memref<80x128xf32, #tpu.memory_space<vmem>>) offsets(%dma_start3A_1772 : memref<80xi32, #tpu.memory_space<vmem>>) semaphore(%arg18 : memref<!tpu.dma_semaphore, #tpu.memory_space<semaphore_mem>>)
    }
    %scan3A_247 = arith.constant 9 : i32
    %dma_wait3A_248 = arith.constant 1 : i32
    %dma_wait3A_249 = arith.constant 0 : i32
    %dma_wait3A_250 = tpu.memref_slice %arg7[%dma_wait3A_248, %dma_wait3A_249] : memref<2x80xi32, #tpu.memory_space<vmem>> -> memref<1x80xi32, #tpu.memory_space<vmem>>
    %dma_wait3A_251 = tpu.memref_squeeze %dma_wait3A_250 : memref<1x80xi32, #tpu.memory_space<vmem>> -> memref<80xi32, #tpu.memory_space<vmem>>
    %dma_wait3A_252 = arith.constant 0 : i32
    %dma_wait3A_253 = arith.constant 0 : i32
    %dma_wait3A_254 = tpu.memref_slice %arg32[%dma_wait3A_252, %dma_wait3A_253] : memref<10240x128xf32, #tpu.memory_space<vmem_shared>> -> memref<10240x128xf32, #tpu.memory_space<vmem_shared>>
    tpu.wait_indirect_dma semaphore(%arg23 : memref<!tpu.dma_semaphore, #tpu.memory_space<semaphore_mem>>) src(%arg13 : memref<80x128xf32, #tpu.memory_space<vmem>>) dst(%dma_wait3A_254 : memref<10240x128xf32, #tpu.memory_space<vmem_shared>>)
    %dma_wait3A_255 = arith.constant 1 : i32
    %dma_wait3A_256 = arith.constant 0 : i32
    %dma_wait3A_257 = tpu.memref_slice %arg7[%dma_wait3A_255, %dma_wait3A_256] : memref<2x80xi32, #tpu.memory_space<vmem>> -> memref<1x80xi32, #tpu.memory_space<vmem>>
    %dma_wait3A_258 = tpu.memref_squeeze %dma_wait3A_257 : memref<1x80xi32, #tpu.memory_space<vmem>> -> memref<80xi32, #tpu.memory_space<vmem>>
    %dma_wait3A_259 = arith.constant 0 : i32
    %dma_wait3A_260 = tpu.memref_slice %arg33[%dma_wait3A_259] : memref<10240xf32, #tpu.memory_space<vmem_shared>> -> memref<10240xf32, #tpu.memory_space<vmem_shared>>
    tpu.wait_indirect_dma semaphore(%arg23 : memref<!tpu.dma_semaphore, #tpu.memory_space<semaphore_mem>>) src(%arg17 : memref<80xf32, #tpu.memory_space<vmem>>) dst(%dma_wait3A_260 : memref<10240xf32, #tpu.memory_space<vmem_shared>>)
    %add3A_261 = arith.constant 115 : i32
    %add3A_262 = arith.addi %mul3A_2, %add3A_261 : i32
    %dma_start3A_263 = arith.constant 0 : i32
    %dma_start3A_264 = arith.constant 0 : i32
    %dma_start3A_265 = tpu.memref_slice %arg3[%add3A_262, %dma_start3A_263, %dma_start3A_264] : memref<4000x2x80xi32, #tpu.memory_space<hbm>> -> memref<1x2x80xi32, #tpu.memory_space<hbm>>
    %dma_start3A_266 = tpu.memref_squeeze %dma_start3A_265 : memref<1x2x80xi32, #tpu.memory_space<hbm>> -> memref<2x80xi32, #tpu.memory_space<hbm>>
    %dma_start3A_267 = arith.constant 0 : i32
    %dma_start3A_268 = arith.constant 0 : i32
    %dma_start3A_269 = tpu.memref_slice %arg3[%add3A_262, %dma_start3A_267, %dma_start3A_268] : memref<4000x2x80xi32, #tpu.memory_space<hbm>> -> memref<1x2x80xi32, #tpu.memory_space<hbm>>
    %dma_start3A_270 = tpu.memref_squeeze %dma_start3A_269 : memref<1x2x80xi32, #tpu.memory_space<hbm>> -> memref<2x80xi32, #tpu.memory_space<hbm>>
    tpu.enqueue_dma source(%dma_start3A_270 : memref<2x80xi32, #tpu.memory_space<hbm>>) target(%arg7 : memref<2x80xi32, #tpu.memory_space<vmem>>) target_semaphore(%arg27 : memref<!tpu.dma_semaphore, #tpu.memory_space<semaphore_mem>>)
    %dma_wait3A_271 = arith.constant 0 : i32
    %dma_wait3A_272 = arith.constant 0 : i32
    %dma_wait3A_273 = tpu.memref_slice %arg6[%dma_wait3A_271, %dma_wait3A_272] : memref<2x80xi32, #tpu.memory_space<vmem>> -> memref<1x80xi32, #tpu.memory_space<vmem>>
    %dma_wait3A_274 = tpu.memref_squeeze %dma_wait3A_273 : memref<1x80xi32, #tpu.memory_space<vmem>> -> memref<80xi32, #tpu.memory_space<vmem>>
    %dma_wait3A_275 = arith.constant 0 : i32
    %dma_wait3A_276 = arith.constant 0 : i32
    %dma_wait3A_277 = tpu.memref_slice %arg2[%dma_wait3A_275, %dma_wait3A_276] : memref<10240x128xf32, #tpu.memory_space<hbm>> -> memref<10240x128xf32, #tpu.memory_space<hbm>>
    tpu.wait_indirect_dma semaphore(%arg20 : memref<!tpu.dma_semaphore, #tpu.memory_space<semaphore_mem>>) src(%dma_wait3A_277 : memref<10240x128xf32, #tpu.memory_space<hbm>>) dst(%arg14 : memref<80x128xf32, #tpu.memory_space<vmem>>)
    %dma_start3A_278 = arith.constant 1 : i32
    %dma_start3A_279 = arith.constant 0 : i32
    %dma_start3A_280 = tpu.memref_slice %arg8[%dma_start3A_278, %dma_start3A_279] : memref<2x80xi32, #tpu.memory_space<vmem>> -> memref<1x80xi32, #tpu.memory_space<vmem>>
    %dma_start3A_281 = tpu.memref_squeeze %dma_start3A_280 : memref<1x80xi32, #tpu.memory_space<vmem>> -> memref<80xi32, #tpu.memory_space<vmem>>
    %dma_start3A_282 = arith.constant 0 : i32
    %dma_start3A_283 = arith.constant 0 : i32
    %dma_start3A_284 = tpu.memref_slice %arg32[%dma_start3A_282, %dma_start3A_283] : memref<10240x128xf32, #tpu.memory_space<vmem_shared>> -> memref<10240x128xf32, #tpu.memory_space<vmem_shared>>
    tpu.enqueue_indirect_dma source(%arg14 : memref<80x128xf32, #tpu.memory_space<vmem>>) target(%dma_start3A_284 : memref<10240x128xf32, #tpu.memory_space<vmem_shared>>) offsets(%dma_start3A_281 : memref<80xi32, #tpu.memory_space<vmem>>) semaphore(%arg24 : memref<!tpu.dma_semaphore, #tpu.memory_space<semaphore_mem>>) {add = true}
    %dma_start3A_285 = arith.constant 1 : i32
    %dma_start3A_286 = arith.constant 0 : i32
    %dma_start3A_287 = tpu.memref_slice %arg8[%dma_start3A_285, %dma_start3A_286] : memref<2x80xi32, #tpu.memory_space<vmem>> -> memref<1x80xi32, #tpu.memory_space<vmem>>
    %dma_start3A_288 = tpu.memref_squeeze %dma_start3A_287 : memref<1x80xi32, #tpu.memory_space<vmem>> -> memref<80xi32, #tpu.memory_space<vmem>>
    %dma_start3A_289 = arith.constant 0 : i32
    %dma_start3A_290 = tpu.memref_slice %arg33[%dma_start3A_289] : memref<10240xf32, #tpu.memory_space<vmem_shared>> -> memref<10240xf32, #tpu.memory_space<vmem_shared>>
    tpu.enqueue_indirect_dma source(%arg17 : memref<80xf32, #tpu.memory_space<vmem>>) target(%dma_start3A_290 : memref<10240xf32, #tpu.memory_space<vmem_shared>>) offsets(%dma_start3A_288 : memref<80xi32, #tpu.memory_space<vmem>>) semaphore(%arg24 : memref<!tpu.dma_semaphore, #tpu.memory_space<semaphore_mem>>) {add = true}
    %dma_wait3A_291 = arith.constant 0 : i32
    %dma_wait3A_292 = arith.constant 0 : i32
    %dma_wait3A_293 = tpu.memref_slice %arg3[%mul3A_2, %dma_wait3A_291, %dma_wait3A_292] : memref<4000x2x80xi32, #tpu.memory_space<hbm>> -> memref<1x2x80xi32, #tpu.memory_space<hbm>>
    %dma_wait3A_294 = tpu.memref_squeeze %dma_wait3A_293 : memref<1x2x80xi32, #tpu.memory_space<hbm>> -> memref<2x80xi32, #tpu.memory_space<hbm>>
    %dma_wait3A_295 = arith.constant 0 : i32
    %dma_wait3A_296 = arith.constant 0 : i32
    %dma_wait3A_297 = tpu.memref_slice %arg3[%mul3A_2, %dma_wait3A_295, %dma_wait3A_296] : memref<4000x2x80xi32, #tpu.memory_space<hbm>> -> memref<1x2x80xi32, #tpu.memory_space<hbm>>
    %dma_wait3A_298 = tpu.memref_squeeze %dma_wait3A_297 : memref<1x2x80xi32, #tpu.memory_space<hbm>> -> memref<2x80xi32, #tpu.memory_space<hbm>>
    tpu.wait_dma2 semaphore(%arg31 : memref<!tpu.dma_semaphore, #tpu.memory_space<semaphore_mem>>) src(%dma_wait3A_298 : memref<2x80xi32, #tpu.memory_space<hbm>>) dst(%arg11 : memref<2x80xi32, #tpu.memory_space<vmem>>)
    %dma_start3A_299 = arith.constant 0 : i32
    %dma_start3A_300 = arith.constant 0 : i32
    %dma_start3A_301 = tpu.memref_slice %arg11[%dma_start3A_299, %dma_start3A_300] : memref<2x80xi32, #tpu.memory_space<vmem>> -> memref<1x80xi32, #tpu.memory_space<vmem>>
    %dma_start3A_302 = tpu.memref_squeeze %dma_start3A_301 : memref<1x80xi32, #tpu.memory_space<vmem>> -> memref<80xi32, #tpu.memory_space<vmem>>
    %dma_start3A_303 = arith.constant 0 : i32
    %dma_start3A_304 = arith.constant 0 : i32
    %dma_start3A_305 = tpu.memref_slice %arg2[%dma_start3A_303, %dma_start3A_304] : memref<10240x128xf32, #tpu.memory_space<hbm>> -> memref<10240x128xf32, #tpu.memory_space<hbm>>
    tpu.enqueue_indirect_dma source(%dma_start3A_305 : memref<10240x128xf32, #tpu.memory_space<hbm>>) target(%arg13 : memref<80x128xf32, #tpu.memory_space<vmem>>) offsets(%dma_start3A_302 : memref<80xi32, #tpu.memory_space<vmem>>) semaphore(%arg19 : memref<!tpu.dma_semaphore, #tpu.memory_space<semaphore_mem>>)
    %dma_wait3A_306 = arith.constant 1 : i32
    %dma_wait3A_307 = arith.constant 0 : i32
    %dma_wait3A_308 = tpu.memref_slice %arg8[%dma_wait3A_306, %dma_wait3A_307] : memref<2x80xi32, #tpu.memory_space<vmem>> -> memref<1x80xi32, #tpu.memory_space<vmem>>
    %dma_wait3A_309 = tpu.memref_squeeze %dma_wait3A_308 : memref<1x80xi32, #tpu.memory_space<vmem>> -> memref<80xi32, #tpu.memory_space<vmem>>
    %dma_wait3A_310 = arith.constant 0 : i32
    %dma_wait3A_311 = arith.constant 0 : i32
    %dma_wait3A_312 = tpu.memref_slice %arg32[%dma_wait3A_310, %dma_wait3A_311] : memref<10240x128xf32, #tpu.memory_space<vmem_shared>> -> memref<10240x128xf32, #tpu.memory_space<vmem_shared>>
    tpu.wait_indirect_dma semaphore(%arg24 : memref<!tpu.dma_semaphore, #tpu.memory_space<semaphore_mem>>) src(%arg14 : memref<80x128xf32, #tpu.memory_space<vmem>>) dst(%dma_wait3A_312 : memref<10240x128xf32, #tpu.memory_space<vmem_shared>>)
    %dma_wait3A_313 = arith.constant 1 : i32
    %dma_wait3A_314 = arith.constant 0 : i32
    %dma_wait3A_315 = tpu.memref_slice %arg8[%dma_wait3A_313, %dma_wait3A_314] : memref<2x80xi32, #tpu.memory_space<vmem>> -> memref<1x80xi32, #tpu.memory_space<vmem>>
    %dma_wait3A_316 = tpu.memref_squeeze %dma_wait3A_315 : memref<1x80xi32, #tpu.memory_space<vmem>> -> memref<80xi32, #tpu.memory_space<vmem>>
    %dma_wait3A_317 = arith.constant 0 : i32
    %dma_wait3A_318 = tpu.memref_slice %arg33[%dma_wait3A_317] : memref<10240xf32, #tpu.memory_space<vmem_shared>> -> memref<10240xf32, #tpu.memory_space<vmem_shared>>
    tpu.wait_indirect_dma semaphore(%arg24 : memref<!tpu.dma_semaphore, #tpu.memory_space<semaphore_mem>>) src(%arg17 : memref<80xf32, #tpu.memory_space<vmem>>) dst(%dma_wait3A_318 : memref<10240xf32, #tpu.memory_space<vmem_shared>>)
    %add3A_319 = arith.constant 116 : i32
    %add3A_320 = arith.addi %mul3A_2, %add3A_319 : i32
    %dma_start3A_321 = arith.constant 0 : i32
    %dma_start3A_322 = arith.constant 0 : i32
    %dma_start3A_323 = tpu.memref_slice %arg3[%add3A_320, %dma_start3A_321, %dma_start3A_322] : memref<4000x2x80xi32, #tpu.memory_space<hbm>> -> memref<1x2x80xi32, #tpu.memory_space<hbm>>
    %dma_start3A_324 = tpu.memref_squeeze %dma_start3A_323 : memref<1x2x80xi32, #tpu.memory_space<hbm>> -> memref<2x80xi32, #tpu.memory_space<hbm>>
    %dma_start3A_325 = arith.constant 0 : i32
    %dma_start3A_326 = arith.constant 0 : i32
    %dma_start3A_327 = tpu.memref_slice %arg3[%add3A_320, %dma_start3A_325, %dma_start3A_326] : memref<4000x2x80xi32, #tpu.memory_space<hbm>> -> memref<1x2x80xi32, #tpu.memory_space<hbm>>
    %dma_start3A_328 = tpu.memref_squeeze %dma_start3A_327 : memref<1x2x80xi32, #tpu.memory_space<hbm>> -> memref<2x80xi32, #tpu.memory_space<hbm>>
    tpu.enqueue_dma source(%dma_start3A_328 : memref<2x80xi32, #tpu.memory_space<hbm>>) target(%arg8 : memref<2x80xi32, #tpu.memory_space<vmem>>) target_semaphore(%arg28 : memref<!tpu.dma_semaphore, #tpu.memory_space<semaphore_mem>>)
    %dma_wait3A_329 = arith.constant 0 : i32
    %dma_wait3A_330 = arith.constant 0 : i32
    %dma_wait3A_331 = tpu.memref_slice %arg6[%dma_wait3A_329, %dma_wait3A_330] : memref<2x80xi32, #tpu.memory_space<vmem>> -> memref<1x80xi32, #tpu.memory_space<vmem>>
    %dma_wait3A_332 = tpu.memref_squeeze %dma_wait3A_331 : memref<1x80xi32, #tpu.memory_space<vmem>> -> memref<80xi32, #tpu.memory_space<vmem>>
    %dma_wait3A_333 = arith.constant 0 : i32
    %dma_wait3A_334 = arith.constant 0 : i32
    %dma_wait3A_335 = tpu.memref_slice %arg2[%dma_wait3A_333, %dma_wait3A_334] : memref<10240x128xf32, #tpu.memory_space<hbm>> -> memref<10240x128xf32, #tpu.memory_space<hbm>>
    tpu.wait_indirect_dma semaphore(%arg21 : memref<!tpu.dma_semaphore, #tpu.memory_space<semaphore_mem>>) src(%dma_wait3A_335 : memref<10240x128xf32, #tpu.memory_space<hbm>>) dst(%arg15 : memref<80x128xf32, #tpu.memory_space<vmem>>)
    %dma_start3A_336 = arith.constant 1 : i32
    %dma_start3A_337 = arith.constant 0 : i32
    %dma_start3A_338 = tpu.memref_slice %arg9[%dma_start3A_336, %dma_start3A_337] : memref<2x80xi32, #tpu.memory_space<vmem>> -> memref<1x80xi32, #tpu.memory_space<vmem>>
    %dma_start3A_339 = tpu.memref_squeeze %dma_start3A_338 : memref<1x80xi32, #tpu.memory_space<vmem>> -> memref<80xi32, #tpu.memory_space<vmem>>
    %dma_start3A_340 = arith.constant 0 : i32
    %dma_start3A_341 = arith.constant 0 : i32
    %dma_start3A_342 = tpu.memref_slice %arg32[%dma_start3A_340, %dma_start3A_341] : memref<10240x128xf32, #tpu.memory_space<vmem_shared>> -> memref<10240x128xf32, #tpu.memory_space<vmem_shared>>
    tpu.enqueue_indirect_dma source(%arg15 : memref<80x128xf32, #tpu.memory_space<vmem>>) target(%dma_start3A_342 : memref<10240x128xf32, #tpu.memory_space<vmem_shared>>) offsets(%dma_start3A_339 : memref<80xi32, #tpu.memory_space<vmem>>) semaphore(%arg25 : memref<!tpu.dma_semaphore, #tpu.memory_space<semaphore_mem>>) {add = true}
    %dma_start3A_343 = arith.constant 1 : i32
    %dma_start3A_344 = arith.constant 0 : i32
    %dma_start3A_345 = tpu.memref_slice %arg9[%dma_start3A_343, %dma_start3A_344] : memref<2x80xi32, #tpu.memory_space<vmem>> -> memref<1x80xi32, #tpu.memory_space<vmem>>
    %dma_start3A_346 = tpu.memref_squeeze %dma_start3A_345 : memref<1x80xi32, #tpu.memory_space<vmem>> -> memref<80xi32, #tpu.memory_space<vmem>>
    %dma_start3A_347 = arith.constant 0 : i32
    %dma_start3A_348 = tpu.memref_slice %arg33[%dma_start3A_347] : memref<10240xf32, #tpu.memory_space<vmem_shared>> -> memref<10240xf32, #tpu.memory_space<vmem_shared>>
    tpu.enqueue_indirect_dma source(%arg17 : memref<80xf32, #tpu.memory_space<vmem>>) target(%dma_start3A_348 : memref<10240xf32, #tpu.memory_space<vmem_shared>>) offsets(%dma_start3A_346 : memref<80xi32, #tpu.memory_space<vmem>>) semaphore(%arg25 : memref<!tpu.dma_semaphore, #tpu.memory_space<semaphore_mem>>) {add = true}
    %dma_wait3A_349 = arith.constant 0 : i32
    %dma_wait3A_350 = arith.constant 0 : i32
    %dma_wait3A_351 = tpu.memref_slice %arg3[%mul3A_2, %dma_wait3A_349, %dma_wait3A_350] : memref<4000x2x80xi32, #tpu.memory_space<hbm>> -> memref<1x2x80xi32, #tpu.memory_space<hbm>>
    %dma_wait3A_352 = tpu.memref_squeeze %dma_wait3A_351 : memref<1x2x80xi32, #tpu.memory_space<hbm>> -> memref<2x80xi32, #tpu.memory_space<hbm>>
    %dma_wait3A_353 = arith.constant 0 : i32
    %dma_wait3A_354 = arith.constant 0 : i32
    %dma_wait3A_355 = tpu.memref_slice %arg3[%mul3A_2, %dma_wait3A_353, %dma_wait3A_354] : memref<4000x2x80xi32, #tpu.memory_space<hbm>> -> memref<1x2x80xi32, #tpu.memory_space<hbm>>
    %dma_wait3A_356 = tpu.memref_squeeze %dma_wait3A_355 : memref<1x2x80xi32, #tpu.memory_space<hbm>> -> memref<2x80xi32, #tpu.memory_space<hbm>>
    tpu.wait_dma2 semaphore(%arg26 : memref<!tpu.dma_semaphore, #tpu.memory_space<semaphore_mem>>) src(%dma_wait3A_356 : memref<2x80xi32, #tpu.memory_space<hbm>>) dst(%arg6 : memref<2x80xi32, #tpu.memory_space<vmem>>)
    %dma_start3A_357 = arith.constant 0 : i32
    %dma_start3A_358 = arith.constant 0 : i32
    %dma_start3A_359 = tpu.memref_slice %arg6[%dma_start3A_357, %dma_start3A_358] : memref<2x80xi32, #tpu.memory_space<vmem>> -> memref<1x80xi32, #tpu.memory_space<vmem>>
    %dma_start3A_360 = tpu.memref_squeeze %dma_start3A_359 : memref<1x80xi32, #tpu.memory_space<vmem>> -> memref<80xi32, #tpu.memory_space<vmem>>
    %dma_start3A_361 = arith.constant 0 : i32
    %dma_start3A_362 = arith.constant 0 : i32
    %dma_start3A_363 = tpu.memref_slice %arg2[%dma_start3A_361, %dma_start3A_362] : memref<10240x128xf32, #tpu.memory_space<hbm>> -> memref<10240x128xf32, #tpu.memory_space<hbm>>
    tpu.enqueue_indirect_dma source(%dma_start3A_363 : memref<10240x128xf32, #tpu.memory_space<hbm>>) target(%arg14 : memref<80x128xf32, #tpu.memory_space<vmem>>) offsets(%dma_start3A_360 : memref<80xi32, #tpu.memory_space<vmem>>) semaphore(%arg20 : memref<!tpu.dma_semaphore, #tpu.memory_space<semaphore_mem>>)
    %dma_wait3A_364 = arith.constant 1 : i32
    %dma_wait3A_365 = arith.constant 0 : i32
    %dma_wait3A_366 = tpu.memref_slice %arg9[%dma_wait3A_364, %dma_wait3A_365] : memref<2x80xi32, #tpu.memory_space<vmem>> -> memref<1x80xi32, #tpu.memory_space<vmem>>
    %dma_wait3A_367 = tpu.memref_squeeze %dma_wait3A_366 : memref<1x80xi32, #tpu.memory_space<vmem>> -> memref<80xi32, #tpu.memory_space<vmem>>
    %dma_wait3A_368 = arith.constant 0 : i32
    %dma_wait3A_369 = arith.constant 0 : i32
    %dma_wait3A_370 = tpu.memref_slice %arg32[%dma_wait3A_368, %dma_wait3A_369] : memref<10240x128xf32, #tpu.memory_space<vmem_shared>> -> memref<10240x128xf32, #tpu.memory_space<vmem_shared>>
    tpu.wait_indirect_dma semaphore(%arg25 : memref<!tpu.dma_semaphore, #tpu.memory_space<semaphore_mem>>) src(%arg15 : memref<80x128xf32, #tpu.memory_space<vmem>>) dst(%dma_wait3A_370 : memref<10240x128xf32, #tpu.memory_space<vmem_shared>>)
    %dma_wait3A_371 = arith.constant 1 : i32
    %dma_wait3A_372 = arith.constant 0 : i32
    %dma_wait3A_373 = tpu.memref_slice %arg9[%dma_wait3A_371, %dma_wait3A_372] : memref<2x80xi32, #tpu.memory_space<vmem>> -> memref<1x80xi32, #tpu.memory_space<vmem>>
    %dma_wait3A_374 = tpu.memref_squeeze %dma_wait3A_373 : memref<1x80xi32, #tpu.memory_space<vmem>> -> memref<80xi32, #tpu.memory_space<vmem>>
    %dma_wait3A_375 = arith.constant 0 : i32
    %dma_wait3A_376 = tpu.memref_slice %arg33[%dma_wait3A_375] : memref<10240xf32, #tpu.memory_space<vmem_shared>> -> memref<10240xf32, #tpu.memory_space<vmem_shared>>
    tpu.wait_indirect_dma semaphore(%arg25 : memref<!tpu.dma_semaphore, #tpu.memory_space<semaphore_mem>>) src(%arg17 : memref<80xf32, #tpu.memory_space<vmem>>) dst(%dma_wait3A_376 : memref<10240xf32, #tpu.memory_space<vmem_shared>>)
    %add3A_377 = arith.constant 117 : i32
    %add3A_378 = arith.addi %mul3A_2, %add3A_377 : i32
    %dma_start3A_379 = arith.constant 0 : i32
    %dma_start3A_380 = arith.constant 0 : i32
    %dma_start3A_381 = tpu.memref_slice %arg3[%add3A_378, %dma_start3A_379, %dma_start3A_380] : memref<4000x2x80xi32, #tpu.memory_space<hbm>> -> memref<1x2x80xi32, #tpu.memory_space<hbm>>
    %dma_start3A_382 = tpu.memref_squeeze %dma_start3A_381 : memref<1x2x80xi32, #tpu.memory_space<hbm>> -> memref<2x80xi32, #tpu.memory_space<hbm>>
    %dma_start3A_383 = arith.constant 0 : i32
    %dma_start3A_384 = arith.constant 0 : i32
    %dma_start3A_385 = tpu.memref_slice %arg3[%add3A_378, %dma_start3A_383, %dma_start3A_384] : memref<4000x2x80xi32, #tpu.memory_space<hbm>> -> memref<1x2x80xi32, #tpu.memory_space<hbm>>
    %dma_start3A_386 = tpu.memref_squeeze %dma_start3A_385 : memref<1x2x80xi32, #tpu.memory_space<hbm>> -> memref<2x80xi32, #tpu.memory_space<hbm>>
    tpu.enqueue_dma source(%dma_start3A_386 : memref<2x80xi32, #tpu.memory_space<hbm>>) target(%arg9 : memref<2x80xi32, #tpu.memory_space<vmem>>) target_semaphore(%arg29 : memref<!tpu.dma_semaphore, #tpu.memory_space<semaphore_mem>>)
    %dma_wait3A_387 = arith.constant 0 : i32
    %dma_wait3A_388 = arith.constant 0 : i32
    %dma_wait3A_389 = tpu.memref_slice %arg6[%dma_wait3A_387, %dma_wait3A_388] : memref<2x80xi32, #tpu.memory_space<vmem>> -> memref<1x80xi32, #tpu.memory_space<vmem>>
    %dma_wait3A_390 = tpu.memref_squeeze %dma_wait3A_389 : memref<1x80xi32, #tpu.memory_space<vmem>> -> memref<80xi32, #tpu.memory_space<vmem>>
    %dma_wait3A_391 = arith.constant 0 : i32
    %dma_wait3A_392 = arith.constant 0 : i32
    %dma_wait3A_393 = tpu.memref_slice %arg2[%dma_wait3A_391, %dma_wait3A_392] : memref<10240x128xf32, #tpu.memory_space<hbm>> -> memref<10240x128xf32, #tpu.memory_space<hbm>>
    tpu.wait_indirect_dma semaphore(%arg18 : memref<!tpu.dma_semaphore, #tpu.memory_space<semaphore_mem>>) src(%dma_wait3A_393 : memref<10240x128xf32, #tpu.memory_space<hbm>>) dst(%arg12 : memref<80x128xf32, #tpu.memory_space<vmem>>)
    %dma_start3A_394 = arith.constant 1 : i32
    %dma_start3A_395 = arith.constant 0 : i32
    %dma_start3A_396 = tpu.memref_slice %arg10[%dma_start3A_394, %dma_start3A_395] : memref<2x80xi32, #tpu.memory_space<vmem>> -> memref<1x80xi32, #tpu.memory_space<vmem>>
    %dma_start3A_397 = tpu.memref_squeeze %dma_start3A_396 : memref<1x80xi32, #tpu.memory_space<vmem>> -> memref<80xi32, #tpu.memory_space<vmem>>
    %dma_start3A_398 = arith.constant 0 : i32
    %dma_start3A_399 = arith.constant 0 : i32
    %dma_start3A_400 = tpu.memref_slice %arg32[%dma_start3A_398, %dma_start3A_399] : memref<10240x128xf32, #tpu.memory_space<vmem_shared>> -> memref<10240x128xf32, #tpu.memory_space<vmem_shared>>
    tpu.enqueue_indirect_dma source(%arg12 : memref<80x128xf32, #tpu.memory_space<vmem>>) target(%dma_start3A_400 : memref<10240x128xf32, #tpu.memory_space<vmem_shared>>) offsets(%dma_start3A_397 : memref<80xi32, #tpu.memory_space<vmem>>) semaphore(%arg22 : memref<!tpu.dma_semaphore, #tpu.memory_space<semaphore_mem>>) {add = true}
    %dma_start3A_401 = arith.constant 1 : i32
    %dma_start3A_402 = arith.constant 0 : i32
    %dma_start3A_403 = tpu.memref_slice %arg10[%dma_start3A_401, %dma_start3A_402] : memref<2x80xi32, #tpu.memory_space<vmem>> -> memref<1x80xi32, #tpu.memory_space<vmem>>
    %dma_start3A_404 = tpu.memref_squeeze %dma_start3A_403 : memref<1x80xi32, #tpu.memory_space<vmem>> -> memref<80xi32, #tpu.memory_space<vmem>>
    %dma_start3A_405 = arith.constant 0 : i32
    %dma_start3A_406 = tpu.memref_slice %arg33[%dma_start3A_405] : memref<10240xf32, #tpu.memory_space<vmem_shared>> -> memref<10240xf32, #tpu.memory_space<vmem_shared>>
    tpu.enqueue_indirect_dma source(%arg17 : memref<80xf32, #tpu.memory_space<vmem>>) target(%dma_start3A_406 : memref<10240xf32, #tpu.memory_space<vmem_shared>>) offsets(%dma_start3A_404 : memref<80xi32, #tpu.memory_space<vmem>>) semaphore(%arg22 : memref<!tpu.dma_semaphore, #tpu.memory_space<semaphore_mem>>) {add = true}
    %dma_wait3A_407 = arith.constant 0 : i32
    %dma_wait3A_408 = arith.constant 0 : i32
    %dma_wait3A_409 = tpu.memref_slice %arg3[%mul3A_2, %dma_wait3A_407, %dma_wait3A_408] : memref<4000x2x80xi32, #tpu.memory_space<hbm>> -> memref<1x2x80xi32, #tpu.memory_space<hbm>>
    %dma_wait3A_410 = tpu.memref_squeeze %dma_wait3A_409 : memref<1x2x80xi32, #tpu.memory_space<hbm>> -> memref<2x80xi32, #tpu.memory_space<hbm>>
    %dma_wait3A_411 = arith.constant 0 : i32
    %dma_wait3A_412 = arith.constant 0 : i32
    %dma_wait3A_413 = tpu.memref_slice %arg3[%mul3A_2, %dma_wait3A_411, %dma_wait3A_412] : memref<4000x2x80xi32, #tpu.memory_space<hbm>> -> memref<1x2x80xi32, #tpu.memory_space<hbm>>
    %dma_wait3A_414 = tpu.memref_squeeze %dma_wait3A_413 : memref<1x2x80xi32, #tpu.memory_space<hbm>> -> memref<2x80xi32, #tpu.memory_space<hbm>>
    tpu.wait_dma2 semaphore(%arg27 : memref<!tpu.dma_semaphore, #tpu.memory_space<semaphore_mem>>) src(%dma_wait3A_414 : memref<2x80xi32, #tpu.memory_space<hbm>>) dst(%arg7 : memref<2x80xi32, #tpu.memory_space<vmem>>)
    %dma_start3A_415 = arith.constant 0 : i32
    %dma_start3A_416 = arith.constant 0 : i32
    %dma_start3A_417 = tpu.memref_slice %arg7[%dma_start3A_415, %dma_start3A_416] : memref<2x80xi32, #tpu.memory_space<vmem>> -> memref<1x80xi32, #tpu.memory_space<vmem>>
    %dma_start3A_418 = tpu.memref_squeeze %dma_start3A_417 : memref<1x80xi32, #tpu.memory_space<vmem>> -> memref<80xi32, #tpu.memory_space<vmem>>
    %dma_start3A_419 = arith.constant 0 : i32
    %dma_start3A_420 = arith.constant 0 : i32
    %dma_start3A_421 = tpu.memref_slice %arg2[%dma_start3A_419, %dma_start3A_420] : memref<10240x128xf32, #tpu.memory_space<hbm>> -> memref<10240x128xf32, #tpu.memory_space<hbm>>
    tpu.enqueue_indirect_dma source(%dma_start3A_421 : memref<10240x128xf32, #tpu.memory_space<hbm>>) target(%arg15 : memref<80x128xf32, #tpu.memory_space<vmem>>) offsets(%dma_start3A_418 : memref<80xi32, #tpu.memory_space<vmem>>) semaphore(%arg21 : memref<!tpu.dma_semaphore, #tpu.memory_space<semaphore_mem>>)
    %dma_wait3A_422 = arith.constant 1 : i32
    %dma_wait3A_423 = arith.constant 0 : i32
    %dma_wait3A_424 = tpu.memref_slice %arg10[%dma_wait3A_422, %dma_wait3A_423] : memref<2x80xi32, #tpu.memory_space<vmem>> -> memref<1x80xi32, #tpu.memory_space<vmem>>
    %dma_wait3A_425 = tpu.memref_squeeze %dma_wait3A_424 : memref<1x80xi32, #tpu.memory_space<vmem>> -> memref<80xi32, #tpu.memory_space<vmem>>
    %dma_wait3A_426 = arith.constant 0 : i32
    %dma_wait3A_427 = arith.constant 0 : i32
    %dma_wait3A_428 = tpu.memref_slice %arg32[%dma_wait3A_426, %dma_wait3A_427] : memref<10240x128xf32, #tpu.memory_space<vmem_shared>> -> memref<10240x128xf32, #tpu.memory_space<vmem_shared>>
    tpu.wait_indirect_dma semaphore(%arg22 : memref<!tpu.dma_semaphore, #tpu.memory_space<semaphore_mem>>) src(%arg12 : memref<80x128xf32, #tpu.memory_space<vmem>>) dst(%dma_wait3A_428 : memref<10240x128xf32, #tpu.memory_space<vmem_shared>>)
    %dma_wait3A_429 = arith.constant 1 : i32
    %dma_wait3A_430 = arith.constant 0 : i32
    %dma_wait3A_431 = tpu.memref_slice %arg10[%dma_wait3A_429, %dma_wait3A_430] : memref<2x80xi32, #tpu.memory_space<vmem>> -> memref<1x80xi32, #tpu.memory_space<vmem>>
    %dma_wait3A_432 = tpu.memref_squeeze %dma_wait3A_431 : memref<1x80xi32, #tpu.memory_space<vmem>> -> memref<80xi32, #tpu.memory_space<vmem>>
    %dma_wait3A_433 = arith.constant 0 : i32
    %dma_wait3A_434 = tpu.memref_slice %arg33[%dma_wait3A_433] : memref<10240xf32, #tpu.memory_space<vmem_shared>> -> memref<10240xf32, #tpu.memory_space<vmem_shared>>
    tpu.wait_indirect_dma semaphore(%arg22 : memref<!tpu.dma_semaphore, #tpu.memory_space<semaphore_mem>>) src(%arg17 : memref<80xf32, #tpu.memory_space<vmem>>) dst(%dma_wait3A_434 : memref<10240xf32, #tpu.memory_space<vmem_shared>>)
    %add3A_435 = arith.constant 118 : i32
    %add3A_436 = arith.addi %mul3A_2, %add3A_435 : i32
    %dma_start3A_437 = arith.constant 0 : i32
    %dma_start3A_438 = arith.constant 0 : i32
    %dma_start3A_439 = tpu.memref_slice %arg3[%add3A_436, %dma_start3A_437, %dma_start3A_438] : memref<4000x2x80xi32, #tpu.memory_space<hbm>> -> memref<1x2x80xi32, #tpu.memory_space<hbm>>
    %dma_start3A_440 = tpu.memref_squeeze %dma_start3A_439 : memref<1x2x80xi32, #tpu.memory_space<hbm>> -> memref<2x80xi32, #tpu.memory_space<hbm>>
    %dma_start3A_441 = arith.constant 0 : i32
    %dma_start3A_442 = arith.constant 0 : i32
    %dma_start3A_443 = tpu.memref_slice %arg3[%add3A_436, %dma_start3A_441, %dma_start3A_442] : memref<4000x2x80xi32, #tpu.memory_space<hbm>> -> memref<1x2x80xi32, #tpu.memory_space<hbm>>
    %dma_start3A_444 = tpu.memref_squeeze %dma_start3A_443 : memref<1x2x80xi32, #tpu.memory_space<hbm>> -> memref<2x80xi32, #tpu.memory_space<hbm>>
    tpu.enqueue_dma source(%dma_start3A_444 : memref<2x80xi32, #tpu.memory_space<hbm>>) target(%arg10 : memref<2x80xi32, #tpu.memory_space<vmem>>) target_semaphore(%arg30 : memref<!tpu.dma_semaphore, #tpu.memory_space<semaphore_mem>>)
    %dma_wait3A_445 = arith.constant 0 : i32
    %dma_wait3A_446 = arith.constant 0 : i32
    %dma_wait3A_447 = tpu.memref_slice %arg6[%dma_wait3A_445, %dma_wait3A_446] : memref<2x80xi32, #tpu.memory_space<vmem>> -> memref<1x80xi32, #tpu.memory_space<vmem>>
    %dma_wait3A_448 = tpu.memref_squeeze %dma_wait3A_447 : memref<1x80xi32, #tpu.memory_space<vmem>> -> memref<80xi32, #tpu.memory_space<vmem>>
    %dma_wait3A_449 = arith.constant 0 : i32
    %dma_wait3A_450 = arith.constant 0 : i32
    %dma_wait3A_451 = tpu.memref_slice %arg2[%dma_wait3A_449, %dma_wait3A_450] : memref<10240x128xf32, #tpu.memory_space<hbm>> -> memref<10240x128xf32, #tpu.memory_space<hbm>>
    tpu.wait_indirect_dma semaphore(%arg19 : memref<!tpu.dma_semaphore, #tpu.memory_space<semaphore_mem>>) src(%dma_wait3A_451 : memref<10240x128xf32, #tpu.memory_space<hbm>>) dst(%arg13 : memref<80x128xf32, #tpu.memory_space<vmem>>)
    %dma_start3A_452 = arith.constant 1 : i32
    %dma_start3A_453 = arith.constant 0 : i32
    %dma_start3A_454 = tpu.memref_slice %arg11[%dma_start3A_452, %dma_start3A_453] : memref<2x80xi32, #tpu.memory_space<vmem>> -> memref<1x80xi32, #tpu.memory_space<vmem>>
    %dma_start3A_455 = tpu.memref_squeeze %dma_start3A_454 : memref<1x80xi32, #tpu.memory_space<vmem>> -> memref<80xi32, #tpu.memory_space<vmem>>
    %dma_start3A_456 = arith.constant 0 : i32
    %dma_start3A_457 = arith.constant 0 : i32
    %dma_start3A_458 = tpu.memref_slice %arg32[%dma_start3A_456, %dma_start3A_457] : memref<10240x128xf32, #tpu.memory_space<vmem_shared>> -> memref<10240x128xf32, #tpu.memory_space<vmem_shared>>
    tpu.enqueue_indirect_dma source(%arg13 : memref<80x128xf32, #tpu.memory_space<vmem>>) target(%dma_start3A_458 : memref<10240x128xf32, #tpu.memory_space<vmem_shared>>) offsets(%dma_start3A_455 : memref<80xi32, #tpu.memory_space<vmem>>) semaphore(%arg23 : memref<!tpu.dma_semaphore, #tpu.memory_space<semaphore_mem>>) {add = true}
    %dma_start3A_459 = arith.constant 1 : i32
    %dma_start3A_460 = arith.constant 0 : i32
    %dma_start3A_461 = tpu.memref_slice %arg11[%dma_start3A_459, %dma_start3A_460] : memref<2x80xi32, #tpu.memory_space<vmem>> -> memref<1x80xi32, #tpu.memory_space<vmem>>
    %dma_start3A_462 = tpu.memref_squeeze %dma_start3A_461 : memref<1x80xi32, #tpu.memory_space<vmem>> -> memref<80xi32, #tpu.memory_space<vmem>>
    %dma_start3A_463 = arith.constant 0 : i32
    %dma_start3A_464 = tpu.memref_slice %arg33[%dma_start3A_463] : memref<10240xf32, #tpu.memory_space<vmem_shared>> -> memref<10240xf32, #tpu.memory_space<vmem_shared>>
    tpu.enqueue_indirect_dma source(%arg17 : memref<80xf32, #tpu.memory_space<vmem>>) target(%dma_start3A_464 : memref<10240xf32, #tpu.memory_space<vmem_shared>>) offsets(%dma_start3A_462 : memref<80xi32, #tpu.memory_space<vmem>>) semaphore(%arg23 : memref<!tpu.dma_semaphore, #tpu.memory_space<semaphore_mem>>) {add = true}
    %dma_wait3A_465 = arith.constant 0 : i32
    %dma_wait3A_466 = arith.constant 0 : i32
    %dma_wait3A_467 = tpu.memref_slice %arg3[%mul3A_2, %dma_wait3A_465, %dma_wait3A_466] : memref<4000x2x80xi32, #tpu.memory_space<hbm>> -> memref<1x2x80xi32, #tpu.memory_space<hbm>>
    %dma_wait3A_468 = tpu.memref_squeeze %dma_wait3A_467 : memref<1x2x80xi32, #tpu.memory_space<hbm>> -> memref<2x80xi32, #tpu.memory_space<hbm>>
    %dma_wait3A_469 = arith.constant 0 : i32
    %dma_wait3A_470 = arith.constant 0 : i32
    %dma_wait3A_471 = tpu.memref_slice %arg3[%mul3A_2, %dma_wait3A_469, %dma_wait3A_470] : memref<4000x2x80xi32, #tpu.memory_space<hbm>> -> memref<1x2x80xi32, #tpu.memory_space<hbm>>
    %dma_wait3A_472 = tpu.memref_squeeze %dma_wait3A_471 : memref<1x2x80xi32, #tpu.memory_space<hbm>> -> memref<2x80xi32, #tpu.memory_space<hbm>>
    tpu.wait_dma2 semaphore(%arg28 : memref<!tpu.dma_semaphore, #tpu.memory_space<semaphore_mem>>) src(%dma_wait3A_472 : memref<2x80xi32, #tpu.memory_space<hbm>>) dst(%arg8 : memref<2x80xi32, #tpu.memory_space<vmem>>)
    %dma_start3A_473 = arith.constant 0 : i32
    %dma_start3A_474 = arith.constant 0 : i32
    %dma_start3A_475 = tpu.memref_slice %arg8[%dma_start3A_473, %dma_start3A_474] : memref<2x80xi32, #tpu.memory_space<vmem>> -> memref<1x80xi32, #tpu.memory_space<vmem>>
    %dma_start3A_476 = tpu.memref_squeeze %dma_start3A_475 : memref<1x80xi32, #tpu.memory_space<vmem>> -> memref<80xi32, #tpu.memory_space<vmem>>
    %dma_start3A_477 = arith.constant 0 : i32
    %dma_start3A_478 = arith.constant 0 : i32
    %dma_start3A_479 = tpu.memref_slice %arg2[%dma_start3A_477, %dma_start3A_478] : memref<10240x128xf32, #tpu.memory_space<hbm>> -> memref<10240x128xf32, #tpu.memory_space<hbm>>
    tpu.enqueue_indirect_dma source(%dma_start3A_479 : memref<10240x128xf32, #tpu.memory_space<hbm>>) target(%arg12 : memref<80x128xf32, #tpu.memory_space<vmem>>) offsets(%dma_start3A_476 : memref<80xi32, #tpu.memory_space<vmem>>) semaphore(%arg18 : memref<!tpu.dma_semaphore, #tpu.memory_space<semaphore_mem>>)
    %dma_wait3A_480 = arith.constant 1 : i32
    %dma_wait3A_481 = arith.constant 0 : i32
    %dma_wait3A_482 = tpu.memref_slice %arg11[%dma_wait3A_480, %dma_wait3A_481] : memref<2x80xi32, #tpu.memory_space<vmem>> -> memref<1x80xi32, #tpu.memory_space<vmem>>
    %dma_wait3A_483 = tpu.memref_squeeze %dma_wait3A_482 : memref<1x80xi32, #tpu.memory_space<vmem>> -> memref<80xi32, #tpu.memory_space<vmem>>
    %dma_wait3A_484 = arith.constant 0 : i32
    %dma_wait3A_485 = arith.constant 0 : i32
    %dma_wait3A_486 = tpu.memref_slice %arg32[%dma_wait3A_484, %dma_wait3A_485] : memref<10240x128xf32, #tpu.memory_space<vmem_shared>> -> memref<10240x128xf32, #tpu.memory_space<vmem_shared>>
    tpu.wait_indirect_dma semaphore(%arg23 : memref<!tpu.dma_semaphore, #tpu.memory_space<semaphore_mem>>) src(%arg13 : memref<80x128xf32, #tpu.memory_space<vmem>>) dst(%dma_wait3A_486 : memref<10240x128xf32, #tpu.memory_space<vmem_shared>>)
    %dma_wait3A_487 = arith.constant 1 : i32
    %dma_wait3A_488 = arith.constant 0 : i32
    %dma_wait3A_489 = tpu.memref_slice %arg11[%dma_wait3A_487, %dma_wait3A_488] : memref<2x80xi32, #tpu.memory_space<vmem>> -> memref<1x80xi32, #tpu.memory_space<vmem>>
    %dma_wait3A_490 = tpu.memref_squeeze %dma_wait3A_489 : memref<1x80xi32, #tpu.memory_space<vmem>> -> memref<80xi32, #tpu.memory_space<vmem>>
    %dma_wait3A_491 = arith.constant 0 : i32
    %dma_wait3A_492 = tpu.memref_slice %arg33[%dma_wait3A_491] : memref<10240xf32, #tpu.memory_space<vmem_shared>> -> memref<10240xf32, #tpu.memory_space<vmem_shared>>
    tpu.wait_indirect_dma semaphore(%arg23 : memref<!tpu.dma_semaphore, #tpu.memory_space<semaphore_mem>>) src(%arg17 : memref<80xf32, #tpu.memory_space<vmem>>) dst(%dma_wait3A_492 : memref<10240xf32, #tpu.memory_space<vmem_shared>>)
    %add3A_493 = arith.constant 119 : i32
    %add3A_494 = arith.addi %mul3A_2, %add3A_493 : i32
    %dma_start3A_495 = arith.constant 0 : i32
    %dma_start3A_496 = arith.constant 0 : i32
    %dma_start3A_497 = tpu.memref_slice %arg3[%add3A_494, %dma_start3A_495, %dma_start3A_496] : memref<4000x2x80xi32, #tpu.memory_space<hbm>> -> memref<1x2x80xi32, #tpu.memory_space<hbm>>
    %dma_start3A_498 = tpu.memref_squeeze %dma_start3A_497 : memref<1x2x80xi32, #tpu.memory_space<hbm>> -> memref<2x80xi32, #tpu.memory_space<hbm>>
    %dma_start3A_499 = arith.constant 0 : i32
    %dma_start3A_500 = arith.constant 0 : i32
    %dma_start3A_501 = tpu.memref_slice %arg3[%add3A_494, %dma_start3A_499, %dma_start3A_500] : memref<4000x2x80xi32, #tpu.memory_space<hbm>> -> memref<1x2x80xi32, #tpu.memory_space<hbm>>
    %dma_start3A_502 = tpu.memref_squeeze %dma_start3A_501 : memref<1x2x80xi32, #tpu.memory_space<hbm>> -> memref<2x80xi32, #tpu.memory_space<hbm>>
    tpu.enqueue_dma source(%dma_start3A_502 : memref<2x80xi32, #tpu.memory_space<hbm>>) target(%arg11 : memref<2x80xi32, #tpu.memory_space<vmem>>) target_semaphore(%arg31 : memref<!tpu.dma_semaphore, #tpu.memory_space<semaphore_mem>>)
    %dma_wait3A_503 = arith.constant 0 : i32
    %dma_wait3A_504 = arith.constant 0 : i32
    %dma_wait3A_505 = tpu.memref_slice %arg6[%dma_wait3A_503, %dma_wait3A_504] : memref<2x80xi32, #tpu.memory_space<vmem>> -> memref<1x80xi32, #tpu.memory_space<vmem>>
    %dma_wait3A_506 = tpu.memref_squeeze %dma_wait3A_505 : memref<1x80xi32, #tpu.memory_space<vmem>> -> memref<80xi32, #tpu.memory_space<vmem>>
    %dma_wait3A_507 = arith.constant 0 : i32
    %dma_wait3A_508 = arith.constant 0 : i32
    %dma_wait3A_509 = tpu.memref_slice %arg2[%dma_wait3A_507, %dma_wait3A_508] : memref<10240x128xf32, #tpu.memory_space<hbm>> -> memref<10240x128xf32, #tpu.memory_space<hbm>>
    tpu.wait_indirect_dma semaphore(%arg20 : memref<!tpu.dma_semaphore, #tpu.memory_space<semaphore_mem>>) src(%dma_wait3A_509 : memref<10240x128xf32, #tpu.memory_space<hbm>>) dst(%arg14 : memref<80x128xf32, #tpu.memory_space<vmem>>)
    %dma_start3A_510 = arith.constant 1 : i32
    %dma_start3A_511 = arith.constant 0 : i32
    %dma_start3A_512 = tpu.memref_slice %arg6[%dma_start3A_510, %dma_start3A_511] : memref<2x80xi32, #tpu.memory_space<vmem>> -> memref<1x80xi32, #tpu.memory_space<vmem>>
    %dma_start3A_513 = tpu.memref_squeeze %dma_start3A_512 : memref<1x80xi32, #tpu.memory_space<vmem>> -> memref<80xi32, #tpu.memory_space<vmem>>
    %dma_start3A_514 = arith.constant 0 : i32
    %dma_start3A_515 = arith.constant 0 : i32
    %dma_start3A_516 = tpu.memref_slice %arg32[%dma_start3A_514, %dma_start3A_515] : memref<10240x128xf32, #tpu.memory_space<vmem_shared>> -> memref<10240x128xf32, #tpu.memory_space<vmem_shared>>
    tpu.enqueue_indirect_dma source(%arg14 : memref<80x128xf32, #tpu.memory_space<vmem>>) target(%dma_start3A_516 : memref<10240x128xf32, #tpu.memory_space<vmem_shared>>) offsets(%dma_start3A_513 : memref<80xi32, #tpu.memory_space<vmem>>) semaphore(%arg24 : memref<!tpu.dma_semaphore, #tpu.memory_space<semaphore_mem>>) {add = true}
    %dma_start3A_517 = arith.constant 1 : i32
    %dma_start3A_518 = arith.constant 0 : i32
    %dma_start3A_519 = tpu.memref_slice %arg6[%dma_start3A_517, %dma_start3A_518] : memref<2x80xi32, #tpu.memory_space<vmem>> -> memref<1x80xi32, #tpu.memory_space<vmem>>
    %dma_start3A_520 = tpu.memref_squeeze %dma_start3A_519 : memref<1x80xi32, #tpu.memory_space<vmem>> -> memref<80xi32, #tpu.memory_space<vmem>>
    %dma_start3A_521 = arith.constant 0 : i32
    %dma_start3A_522 = tpu.memref_slice %arg33[%dma_start3A_521] : memref<10240xf32, #tpu.memory_space<vmem_shared>> -> memref<10240xf32, #tpu.memory_space<vmem_shared>>
    tpu.enqueue_indirect_dma source(%arg17 : memref<80xf32, #tpu.memory_space<vmem>>) target(%dma_start3A_522 : memref<10240xf32, #tpu.memory_space<vmem_shared>>) offsets(%dma_start3A_520 : memref<80xi32, #tpu.memory_space<vmem>>) semaphore(%arg24 : memref<!tpu.dma_semaphore, #tpu.memory_space<semaphore_mem>>) {add = true}
    %dma_wait3A_523 = arith.constant 0 : i32
    %dma_wait3A_524 = arith.constant 0 : i32
    %dma_wait3A_525 = tpu.memref_slice %arg3[%mul3A_2, %dma_wait3A_523, %dma_wait3A_524] : memref<4000x2x80xi32, #tpu.memory_space<hbm>> -> memref<1x2x80xi32, #tpu.memory_space<hbm>>
    %dma_wait3A_526 = tpu.memref_squeeze %dma_wait3A_525 : memref<1x2x80xi32, #tpu.memory_space<hbm>> -> memref<2x80xi32, #tpu.memory_space<hbm>>
    %dma_wait3A_527 = arith.constant 0 : i32
    %dma_wait3A_528 = arith.constant 0 : i32
    %dma_wait3A_529 = tpu.memref_slice %arg3[%mul3A_2, %dma_wait3A_527, %dma_wait3A_528] : memref<4000x2x80xi32, #tpu.memory_space<hbm>> -> memref<1x2x80xi32, #tpu.memory_space<hbm>>
    %dma_wait3A_530 = tpu.memref_squeeze %dma_wait3A_529 : memref<1x2x80xi32, #tpu.memory_space<hbm>> -> memref<2x80xi32, #tpu.memory_space<hbm>>
    tpu.wait_dma2 semaphore(%arg29 : memref<!tpu.dma_semaphore, #tpu.memory_space<semaphore_mem>>) src(%dma_wait3A_530 : memref<2x80xi32, #tpu.memory_space<hbm>>) dst(%arg9 : memref<2x80xi32, #tpu.memory_space<vmem>>)
    %dma_start3A_531 = arith.constant 0 : i32
    %dma_start3A_532 = arith.constant 0 : i32
    %dma_start3A_533 = tpu.memref_slice %arg9[%dma_start3A_531, %dma_start3A_532] : memref<2x80xi32, #tpu.memory_space<vmem>> -> memref<1x80xi32, #tpu.memory_space<vmem>>
    %dma_start3A_534 = tpu.memref_squeeze %dma_start3A_533 : memref<1x80xi32, #tpu.memory_space<vmem>> -> memref<80xi32, #tpu.memory_space<vmem>>
    %dma_start3A_535 = arith.constant 0 : i32
    %dma_start3A_536 = arith.constant 0 : i32
    %dma_start3A_537 = tpu.memref_slice %arg2[%dma_start3A_535, %dma_start3A_536] : memref<10240x128xf32, #tpu.memory_space<hbm>> -> memref<10240x128xf32, #tpu.memory_space<hbm>>
    tpu.enqueue_indirect_dma source(%dma_start3A_537 : memref<10240x128xf32, #tpu.memory_space<hbm>>) target(%arg13 : memref<80x128xf32, #tpu.memory_space<vmem>>) offsets(%dma_start3A_534 : memref<80xi32, #tpu.memory_space<vmem>>) semaphore(%arg19 : memref<!tpu.dma_semaphore, #tpu.memory_space<semaphore_mem>>)
    %dma_wait3A_538 = arith.constant 1 : i32
    %dma_wait3A_539 = arith.constant 0 : i32
    %dma_wait3A_540 = tpu.memref_slice %arg6[%dma_wait3A_538, %dma_wait3A_539] : memref<2x80xi32, #tpu.memory_space<vmem>> -> memref<1x80xi32, #tpu.memory_space<vmem>>
    %dma_wait3A_541 = tpu.memref_squeeze %dma_wait3A_540 : memref<1x80xi32, #tpu.memory_space<vmem>> -> memref<80xi32, #tpu.memory_space<vmem>>
    %dma_wait3A_542 = arith.constant 0 : i32
    %dma_wait3A_543 = arith.constant 0 : i32
    %dma_wait3A_544 = tpu.memref_slice %arg32[%dma_wait3A_542, %dma_wait3A_543] : memref<10240x128xf32, #tpu.memory_space<vmem_shared>> -> memref<10240x128xf32, #tpu.memory_space<vmem_shared>>
    tpu.wait_indirect_dma semaphore(%arg24 : memref<!tpu.dma_semaphore, #tpu.memory_space<semaphore_mem>>) src(%arg14 : memref<80x128xf32, #tpu.memory_space<vmem>>) dst(%dma_wait3A_544 : memref<10240x128xf32, #tpu.memory_space<vmem_shared>>)
    %dma_wait3A_545 = arith.constant 1 : i32
    %dma_wait3A_546 = arith.constant 0 : i32
    %dma_wait3A_547 = tpu.memref_slice %arg6[%dma_wait3A_545, %dma_wait3A_546] : memref<2x80xi32, #tpu.memory_space<vmem>> -> memref<1x80xi32, #tpu.memory_space<vmem>>
    %dma_wait3A_548 = tpu.memref_squeeze %dma_wait3A_547 : memref<1x80xi32, #tpu.memory_space<vmem>> -> memref<80xi32, #tpu.memory_space<vmem>>
    %dma_wait3A_549 = arith.constant 0 : i32
    %dma_wait3A_550 = tpu.memref_slice %arg33[%dma_wait3A_549] : memref<10240xf32, #tpu.memory_space<vmem_shared>> -> memref<10240xf32, #tpu.memory_space<vmem_shared>>
    tpu.wait_indirect_dma semaphore(%arg24 : memref<!tpu.dma_semaphore, #tpu.memory_space<semaphore_mem>>) src(%arg17 : memref<80xf32, #tpu.memory_space<vmem>>) dst(%dma_wait3A_550 : memref<10240xf32, #tpu.memory_space<vmem_shared>>)
    %add3A_551 = arith.constant 120 : i32
    %add3A_552 = arith.addi %mul3A_2, %add3A_551 : i32
    %dma_start3A_553 = arith.constant 0 : i32
    %dma_start3A_554 = arith.constant 0 : i32
    %dma_start3A_555 = tpu.memref_slice %arg3[%add3A_552, %dma_start3A_553, %dma_start3A_554] : memref<4000x2x80xi32, #tpu.memory_space<hbm>> -> memref<1x2x80xi32, #tpu.memory_space<hbm>>
    %dma_start3A_556 = tpu.memref_squeeze %dma_start3A_555 : memref<1x2x80xi32, #tpu.memory_space<hbm>> -> memref<2x80xi32, #tpu.memory_space<hbm>>
    %dma_start3A_557 = arith.constant 0 : i32
    %dma_start3A_558 = arith.constant 0 : i32
    %dma_start3A_559 = tpu.memref_slice %arg3[%add3A_552, %dma_start3A_557, %dma_start3A_558] : memref<4000x2x80xi32, #tpu.memory_space<hbm>> -> memref<1x2x80xi32, #tpu.memory_space<hbm>>
    %dma_start3A_560 = tpu.memref_squeeze %dma_start3A_559 : memref<1x2x80xi32, #tpu.memory_space<hbm>> -> memref<2x80xi32, #tpu.memory_space<hbm>>
    tpu.enqueue_dma source(%dma_start3A_560 : memref<2x80xi32, #tpu.memory_space<hbm>>) target(%arg6 : memref<2x80xi32, #tpu.memory_space<vmem>>) target_semaphore(%arg26 : memref<!tpu.dma_semaphore, #tpu.memory_space<semaphore_mem>>)
    %dma_wait3A_561 = arith.constant 0 : i32
    %dma_wait3A_562 = arith.constant 0 : i32
    %dma_wait3A_563 = tpu.memref_slice %arg6[%dma_wait3A_561, %dma_wait3A_562] : memref<2x80xi32, #tpu.memory_space<vmem>> -> memref<1x80xi32, #tpu.memory_space<vmem>>
    %dma_wait3A_564 = tpu.memref_squeeze %dma_wait3A_563 : memref<1x80xi32, #tpu.memory_space<vmem>> -> memref<80xi32, #tpu.memory_space<vmem>>
    %dma_wait3A_565 = arith.constant 0 : i32
    %dma_wait3A_566 = arith.constant 0 : i32
    %dma_wait3A_567 = tpu.memref_slice %arg2[%dma_wait3A_565, %dma_wait3A_566] : memref<10240x128xf32, #tpu.memory_space<hbm>> -> memref<10240x128xf32, #tpu.memory_space<hbm>>
    tpu.wait_indirect_dma semaphore(%arg21 : memref<!tpu.dma_semaphore, #tpu.memory_space<semaphore_mem>>) src(%dma_wait3A_567 : memref<10240x128xf32, #tpu.memory_space<hbm>>) dst(%arg15 : memref<80x128xf32, #tpu.memory_space<vmem>>)
    %dma_start3A_568 = arith.constant 1 : i32
    %dma_start3A_569 = arith.constant 0 : i32
    %dma_start3A_570 = tpu.memref_slice %arg7[%dma_start3A_568, %dma_start3A_569] : memref<2x80xi32, #tpu.memory_space<vmem>> -> memref<1x80xi32, #tpu.memory_space<vmem>>
    %dma_start3A_571 = tpu.memref_squeeze %dma_start3A_570 : memref<1x80xi32, #tpu.memory_space<vmem>> -> memref<80xi32, #tpu.memory_space<vmem>>
    %dma_start3A_572 = arith.constant 0 : i32
    %dma_start3A_573 = arith.constant 0 : i32
    %dma_start3A_574 = tpu.memref_slice %arg32[%dma_start3A_572, %dma_start3A_573] : memref<10240x128xf32, #tpu.memory_space<vmem_shared>> -> memref<10240x128xf32, #tpu.memory_space<vmem_shared>>
    tpu.enqueue_indirect_dma source(%arg15 : memref<80x128xf32, #tpu.memory_space<vmem>>) target(%dma_start3A_574 : memref<10240x128xf32, #tpu.memory_space<vmem_shared>>) offsets(%dma_start3A_571 : memref<80xi32, #tpu.memory_space<vmem>>) semaphore(%arg25 : memref<!tpu.dma_semaphore, #tpu.memory_space<semaphore_mem>>) {add = true}
    %dma_start3A_575 = arith.constant 1 : i32
    %dma_start3A_576 = arith.constant 0 : i32
    %dma_start3A_577 = tpu.memref_slice %arg7[%dma_start3A_575, %dma_start3A_576] : memref<2x80xi32, #tpu.memory_space<vmem>> -> memref<1x80xi32, #tpu.memory_space<vmem>>
    %dma_start3A_578 = tpu.memref_squeeze %dma_start3A_577 : memref<1x80xi32, #tpu.memory_space<vmem>> -> memref<80xi32, #tpu.memory_space<vmem>>
    %dma_start3A_579 = arith.constant 0 : i32
    %dma_start3A_580 = tpu.memref_slice %arg33[%dma_start3A_579] : memref<10240xf32, #tpu.memory_space<vmem_shared>> -> memref<10240xf32, #tpu.memory_space<vmem_shared>>
    tpu.enqueue_indirect_dma source(%arg17 : memref<80xf32, #tpu.memory_space<vmem>>) target(%dma_start3A_580 : memref<10240xf32, #tpu.memory_space<vmem_shared>>) offsets(%dma_start3A_578 : memref<80xi32, #tpu.memory_space<vmem>>) semaphore(%arg25 : memref<!tpu.dma_semaphore, #tpu.memory_space<semaphore_mem>>) {add = true}
    %dma_wait3A_581 = arith.constant 0 : i32
    %dma_wait3A_582 = arith.constant 0 : i32
    %dma_wait3A_583 = tpu.memref_slice %arg3[%mul3A_2, %dma_wait3A_581, %dma_wait3A_582] : memref<4000x2x80xi32, #tpu.memory_space<hbm>> -> memref<1x2x80xi32, #tpu.memory_space<hbm>>
    %dma_wait3A_584 = tpu.memref_squeeze %dma_wait3A_583 : memref<1x2x80xi32, #tpu.memory_space<hbm>> -> memref<2x80xi32, #tpu.memory_space<hbm>>
    %dma_wait3A_585 = arith.constant 0 : i32
    %dma_wait3A_586 = arith.constant 0 : i32
    %dma_wait3A_587 = tpu.memref_slice %arg3[%mul3A_2, %dma_wait3A_585, %dma_wait3A_586] : memref<4000x2x80xi32, #tpu.memory_space<hbm>> -> memref<1x2x80xi32, #tpu.memory_space<hbm>>
    %dma_wait3A_588 = tpu.memref_squeeze %dma_wait3A_587 : memref<1x2x80xi32, #tpu.memory_space<hbm>> -> memref<2x80xi32, #tpu.memory_space<hbm>>
    tpu.wait_dma2 semaphore(%arg30 : memref<!tpu.dma_semaphore, #tpu.memory_space<semaphore_mem>>) src(%dma_wait3A_588 : memref<2x80xi32, #tpu.memory_space<hbm>>) dst(%arg10 : memref<2x80xi32, #tpu.memory_space<vmem>>)
    %dma_start3A_589 = arith.constant 0 : i32
    %dma_start3A_590 = arith.constant 0 : i32
    %dma_start3A_591 = tpu.memref_slice %arg10[%dma_start3A_589, %dma_start3A_590] : memref<2x80xi32, #tpu.memory_space<vmem>> -> memref<1x80xi32, #tpu.memory_space<vmem>>
    %dma_start3A_592 = tpu.memref_squeeze %dma_start3A_591 : memref<1x80xi32, #tpu.memory_space<vmem>> -> memref<80xi32, #tpu.memory_space<vmem>>
    %dma_start3A_593 = arith.constant 0 : i32
    %dma_start3A_594 = arith.constant 0 : i32
    %dma_start3A_595 = tpu.memref_slice %arg2[%dma_start3A_593, %dma_start3A_594] : memref<10240x128xf32, #tpu.memory_space<hbm>> -> memref<10240x128xf32, #tpu.memory_space<hbm>>
    tpu.enqueue_indirect_dma source(%dma_start3A_595 : memref<10240x128xf32, #tpu.memory_space<hbm>>) target(%arg14 : memref<80x128xf32, #tpu.memory_space<vmem>>) offsets(%dma_start3A_592 : memref<80xi32, #tpu.memory_space<vmem>>) semaphore(%arg20 : memref<!tpu.dma_semaphore, #tpu.memory_space<semaphore_mem>>)
    %dma_wait3A_596 = arith.constant 1 : i32
    %dma_wait3A_597 = arith.constant 0 : i32
    %dma_wait3A_598 = tpu.memref_slice %arg7[%dma_wait3A_596, %dma_wait3A_597] : memref<2x80xi32, #tpu.memory_space<vmem>> -> memref<1x80xi32, #tpu.memory_space<vmem>>
    %dma_wait3A_599 = tpu.memref_squeeze %dma_wait3A_598 : memref<1x80xi32, #tpu.memory_space<vmem>> -> memref<80xi32, #tpu.memory_space<vmem>>
    %dma_wait3A_600 = arith.constant 0 : i32
    %dma_wait3A_601 = arith.constant 0 : i32
    %dma_wait3A_602 = tpu.memref_slice %arg32[%dma_wait3A_600, %dma_wait3A_601] : memref<10240x128xf32, #tpu.memory_space<vmem_shared>> -> memref<10240x128xf32, #tpu.memory_space<vmem_shared>>
    tpu.wait_indirect_dma semaphore(%arg25 : memref<!tpu.dma_semaphore, #tpu.memory_space<semaphore_mem>>) src(%arg15 : memref<80x128xf32, #tpu.memory_space<vmem>>) dst(%dma_wait3A_602 : memref<10240x128xf32, #tpu.memory_space<vmem_shared>>)
    %dma_wait3A_603 = arith.constant 1 : i32
    %dma_wait3A_604 = arith.constant 0 : i32
    %dma_wait3A_605 = tpu.memref_slice %arg7[%dma_wait3A_603, %dma_wait3A_604] : memref<2x80xi32, #tpu.memory_space<vmem>> -> memref<1x80xi32, #tpu.memory_space<vmem>>
    %dma_wait3A_606 = tpu.memref_squeeze %dma_wait3A_605 : memref<1x80xi32, #tpu.memory_space<vmem>> -> memref<80xi32, #tpu.memory_space<vmem>>
    %dma_wait3A_607 = arith.constant 0 : i32
    %dma_wait3A_608 = tpu.memref_slice %arg33[%dma_wait3A_607] : memref<10240xf32, #tpu.memory_space<vmem_shared>> -> memref<10240xf32, #tpu.memory_space<vmem_shared>>
    tpu.wait_indirect_dma semaphore(%arg25 : memref<!tpu.dma_semaphore, #tpu.memory_space<semaphore_mem>>) src(%arg17 : memref<80xf32, #tpu.memory_space<vmem>>) dst(%dma_wait3A_608 : memref<10240xf32, #tpu.memory_space<vmem_shared>>)
    %add3A_609 = arith.constant 121 : i32
    %add3A_610 = arith.addi %mul3A_2, %add3A_609 : i32
    %dma_start3A_611 = arith.constant 0 : i32
    %dma_start3A_612 = arith.constant 0 : i32
    %dma_start3A_613 = tpu.memref_slice %arg3[%add3A_610, %dma_start3A_611, %dma_start3A_612] : memref<4000x2x80xi32, #tpu.memory_space<hbm>> -> memref<1x2x80xi32, #tpu.memory_space<hbm>>
    %dma_start3A_614 = tpu.memref_squeeze %dma_start3A_613 : memref<1x2x80xi32, #tpu.memory_space<hbm>> -> memref<2x80xi32, #tpu.memory_space<hbm>>
    %dma_start3A_615 = arith.constant 0 : i32
    %dma_start3A_616 = arith.constant 0 : i32
    %dma_start3A_617 = tpu.memref_slice %arg3[%add3A_610, %dma_start3A_615, %dma_start3A_616] : memref<4000x2x80xi32, #tpu.memory_space<hbm>> -> memref<1x2x80xi32, #tpu.memory_space<hbm>>
    %dma_start3A_618 = tpu.memref_squeeze %dma_start3A_617 : memref<1x2x80xi32, #tpu.memory_space<hbm>> -> memref<2x80xi32, #tpu.memory_space<hbm>>
    tpu.enqueue_dma source(%dma_start3A_618 : memref<2x80xi32, #tpu.memory_space<hbm>>) target(%arg7 : memref<2x80xi32, #tpu.memory_space<vmem>>) target_semaphore(%arg27 : memref<!tpu.dma_semaphore, #tpu.memory_space<semaphore_mem>>)
    %dma_wait3A_619 = arith.constant 0 : i32
    %dma_wait3A_620 = arith.constant 0 : i32
    %dma_wait3A_621 = tpu.memref_slice %arg6[%dma_wait3A_619, %dma_wait3A_620] : memref<2x80xi32, #tpu.memory_space<vmem>> -> memref<1x80xi32, #tpu.memory_space<vmem>>
    %dma_wait3A_622 = tpu.memref_squeeze %dma_wait3A_621 : memref<1x80xi32, #tpu.memory_space<vmem>> -> memref<80xi32, #tpu.memory_space<vmem>>
    %dma_wait3A_623 = arith.constant 0 : i32
    %dma_wait3A_624 = arith.constant 0 : i32
    %dma_wait3A_625 = tpu.memref_slice %arg2[%dma_wait3A_623, %dma_wait3A_624] : memref<10240x128xf32, #tpu.memory_space<hbm>> -> memref<10240x128xf32, #tpu.memory_space<hbm>>
    tpu.wait_indirect_dma semaphore(%arg18 : memref<!tpu.dma_semaphore, #tpu.memory_space<semaphore_mem>>) src(%dma_wait3A_625 : memref<10240x128xf32, #tpu.memory_space<hbm>>) dst(%arg12 : memref<80x128xf32, #tpu.memory_space<vmem>>)
    %dma_start3A_626 = arith.constant 1 : i32
    %dma_start3A_627 = arith.constant 0 : i32
    %dma_start3A_628 = tpu.memref_slice %arg8[%dma_start3A_626, %dma_start3A_627] : memref<2x80xi32, #tpu.memory_space<vmem>> -> memref<1x80xi32, #tpu.memory_space<vmem>>
    %dma_start3A_629 = tpu.memref_squeeze %dma_start3A_628 : memref<1x80xi32, #tpu.memory_space<vmem>> -> memref<80xi32, #tpu.memory_space<vmem>>
    %dma_start3A_630 = arith.constant 0 : i32
    %dma_start3A_631 = arith.constant 0 : i32
    %dma_start3A_632 = tpu.memref_slice %arg32[%dma_start3A_630, %dma_start3A_631] : memref<10240x128xf32, #tpu.memory_space<vmem_shared>> -> memref<10240x128xf32, #tpu.memory_space<vmem_shared>>
    tpu.enqueue_indirect_dma source(%arg12 : memref<80x128xf32, #tpu.memory_space<vmem>>) target(%dma_start3A_632 : memref<10240x128xf32, #tpu.memory_space<vmem_shared>>) offsets(%dma_start3A_629 : memref<80xi32, #tpu.memory_space<vmem>>) semaphore(%arg22 : memref<!tpu.dma_semaphore, #tpu.memory_space<semaphore_mem>>) {add = true}
    %dma_start3A_633 = arith.constant 1 : i32
    %dma_start3A_634 = arith.constant 0 : i32
    %dma_start3A_635 = tpu.memref_slice %arg8[%dma_start3A_633, %dma_start3A_634] : memref<2x80xi32, #tpu.memory_space<vmem>> -> memref<1x80xi32, #tpu.memory_space<vmem>>
    %dma_start3A_636 = tpu.memref_squeeze %dma_start3A_635 : memref<1x80xi32, #tpu.memory_space<vmem>> -> memref<80xi32, #tpu.memory_space<vmem>>
    %dma_start3A_637 = arith.constant 0 : i32
    %dma_start3A_638 = tpu.memref_slice %arg33[%dma_start3A_637] : memref<10240xf32, #tpu.memory_space<vmem_shared>> -> memref<10240xf32, #tpu.memory_space<vmem_shared>>
    tpu.enqueue_indirect_dma source(%arg17 : memref<80xf32, #tpu.memory_space<vmem>>) target(%dma_start3A_638 : memref<10240xf32, #tpu.memory_space<vmem_shared>>) offsets(%dma_start3A_636 : memref<80xi32, #tpu.memory_space<vmem>>) semaphore(%arg22 : memref<!tpu.dma_semaphore, #tpu.memory_space<semaphore_mem>>) {add = true}
    %dma_wait3A_639 = arith.constant 0 : i32
    %dma_wait3A_640 = arith.constant 0 : i32
    %dma_wait3A_641 = tpu.memref_slice %arg3[%mul3A_2, %dma_wait3A_639, %dma_wait3A_640] : memref<4000x2x80xi32, #tpu.memory_space<hbm>> -> memref<1x2x80xi32, #tpu.memory_space<hbm>>
    %dma_wait3A_642 = tpu.memref_squeeze %dma_wait3A_641 : memref<1x2x80xi32, #tpu.memory_space<hbm>> -> memref<2x80xi32, #tpu.memory_space<hbm>>
    %dma_wait3A_643 = arith.constant 0 : i32
    %dma_wait3A_644 = arith.constant 0 : i32
    %dma_wait3A_645 = tpu.memref_slice %arg3[%mul3A_2, %dma_wait3A_643, %dma_wait3A_644] : memref<4000x2x80xi32, #tpu.memory_space<hbm>> -> memref<1x2x80xi32, #tpu.memory_space<hbm>>
    %dma_wait3A_646 = tpu.memref_squeeze %dma_wait3A_645 : memref<1x2x80xi32, #tpu.memory_space<hbm>> -> memref<2x80xi32, #tpu.memory_space<hbm>>
    tpu.wait_dma2 semaphore(%arg31 : memref<!tpu.dma_semaphore, #tpu.memory_space<semaphore_mem>>) src(%dma_wait3A_646 : memref<2x80xi32, #tpu.memory_space<hbm>>) dst(%arg11 : memref<2x80xi32, #tpu.memory_space<vmem>>)
    %dma_start3A_647 = arith.constant 0 : i32
    %dma_start3A_648 = arith.constant 0 : i32
    %dma_start3A_649 = tpu.memref_slice %arg11[%dma_start3A_647, %dma_start3A_648] : memref<2x80xi32, #tpu.memory_space<vmem>> -> memref<1x80xi32, #tpu.memory_space<vmem>>
    %dma_start3A_650 = tpu.memref_squeeze %dma_start3A_649 : memref<1x80xi32, #tpu.memory_space<vmem>> -> memref<80xi32, #tpu.memory_space<vmem>>
    %dma_start3A_651 = arith.constant 0 : i32
    %dma_start3A_652 = arith.constant 0 : i32
    %dma_start3A_653 = tpu.memref_slice %arg2[%dma_start3A_651, %dma_start3A_652] : memref<10240x128xf32, #tpu.memory_space<hbm>> -> memref<10240x128xf32, #tpu.memory_space<hbm>>
    tpu.enqueue_indirect_dma source(%dma_start3A_653 : memref<10240x128xf32, #tpu.memory_space<hbm>>) target(%arg15 : memref<80x128xf32, #tpu.memory_space<vmem>>) offsets(%dma_start3A_650 : memref<80xi32, #tpu.memory_space<vmem>>) semaphore(%arg21 : memref<!tpu.dma_semaphore, #tpu.memory_space<semaphore_mem>>)
    %dma_wait3A_654 = arith.constant 1 : i32
    %dma_wait3A_655 = arith.constant 0 : i32
    %dma_wait3A_656 = tpu.memref_slice %arg8[%dma_wait3A_654, %dma_wait3A_655] : memref<2x80xi32, #tpu.memory_space<vmem>> -> memref<1x80xi32, #tpu.memory_space<vmem>>
    %dma_wait3A_657 = tpu.memref_squeeze %dma_wait3A_656 : memref<1x80xi32, #tpu.memory_space<vmem>> -> memref<80xi32, #tpu.memory_space<vmem>>
    %dma_wait3A_658 = arith.constant 0 : i32
    %dma_wait3A_659 = arith.constant 0 : i32
    %dma_wait3A_660 = tpu.memref_slice %arg32[%dma_wait3A_658, %dma_wait3A_659] : memref<10240x128xf32, #tpu.memory_space<vmem_shared>> -> memref<10240x128xf32, #tpu.memory_space<vmem_shared>>
    tpu.wait_indirect_dma semaphore(%arg22 : memref<!tpu.dma_semaphore, #tpu.memory_space<semaphore_mem>>) src(%arg12 : memref<80x128xf32, #tpu.memory_space<vmem>>) dst(%dma_wait3A_660 : memref<10240x128xf32, #tpu.memory_space<vmem_shared>>)
    %dma_wait3A_661 = arith.constant 1 : i32
    %dma_wait3A_662 = arith.constant 0 : i32
    %dma_wait3A_663 = tpu.memref_slice %arg8[%dma_wait3A_661, %dma_wait3A_662] : memref<2x80xi32, #tpu.memory_space<vmem>> -> memref<1x80xi32, #tpu.memory_space<vmem>>
    %dma_wait3A_664 = tpu.memref_squeeze %dma_wait3A_663 : memref<1x80xi32, #tpu.memory_space<vmem>> -> memref<80xi32, #tpu.memory_space<vmem>>
    %dma_wait3A_665 = arith.constant 0 : i32
    %dma_wait3A_666 = tpu.memref_slice %arg33[%dma_wait3A_665] : memref<10240xf32, #tpu.memory_space<vmem_shared>> -> memref<10240xf32, #tpu.memory_space<vmem_shared>>
    tpu.wait_indirect_dma semaphore(%arg22 : memref<!tpu.dma_semaphore, #tpu.memory_space<semaphore_mem>>) src(%arg17 : memref<80xf32, #tpu.memory_space<vmem>>) dst(%dma_wait3A_666 : memref<10240xf32, #tpu.memory_space<vmem_shared>>)
    %add3A_667 = arith.constant 122 : i32
    %add3A_668 = arith.addi %mul3A_2, %add3A_667 : i32
    %dma_start3A_669 = arith.constant 0 : i32
    %dma_start3A_670 = arith.constant 0 : i32
    %dma_start3A_671 = tpu.memref_slice %arg3[%add3A_668, %dma_start3A_669, %dma_start3A_670] : memref<4000x2x80xi32, #tpu.memory_space<hbm>> -> memref<1x2x80xi32, #tpu.memory_space<hbm>>
    %dma_start3A_672 = tpu.memref_squeeze %dma_start3A_671 : memref<1x2x80xi32, #tpu.memory_space<hbm>> -> memref<2x80xi32, #tpu.memory_space<hbm>>
    %dma_start3A_673 = arith.constant 0 : i32
    %dma_start3A_674 = arith.constant 0 : i32
    %dma_start3A_675 = tpu.memref_slice %arg3[%add3A_668, %dma_start3A_673, %dma_start3A_674] : memref<4000x2x80xi32, #tpu.memory_space<hbm>> -> memref<1x2x80xi32, #tpu.memory_space<hbm>>
    %dma_start3A_676 = tpu.memref_squeeze %dma_start3A_675 : memref<1x2x80xi32, #tpu.memory_space<hbm>> -> memref<2x80xi32, #tpu.memory_space<hbm>>
    tpu.enqueue_dma source(%dma_start3A_676 : memref<2x80xi32, #tpu.memory_space<hbm>>) target(%arg8 : memref<2x80xi32, #tpu.memory_space<vmem>>) target_semaphore(%arg28 : memref<!tpu.dma_semaphore, #tpu.memory_space<semaphore_mem>>)
    %dma_wait3A_677 = arith.constant 0 : i32
    %dma_wait3A_678 = arith.constant 0 : i32
    %dma_wait3A_679 = tpu.memref_slice %arg6[%dma_wait3A_677, %dma_wait3A_678] : memref<2x80xi32, #tpu.memory_space<vmem>> -> memref<1x80xi32, #tpu.memory_space<vmem>>
    %dma_wait3A_680 = tpu.memref_squeeze %dma_wait3A_679 : memref<1x80xi32, #tpu.memory_space<vmem>> -> memref<80xi32, #tpu.memory_space<vmem>>
    %dma_wait3A_681 = arith.constant 0 : i32
    %dma_wait3A_682 = arith.constant 0 : i32
    %dma_wait3A_683 = tpu.memref_slice %arg2[%dma_wait3A_681, %dma_wait3A_682] : memref<10240x128xf32, #tpu.memory_space<hbm>> -> memref<10240x128xf32, #tpu.memory_space<hbm>>
    tpu.wait_indirect_dma semaphore(%arg19 : memref<!tpu.dma_semaphore, #tpu.memory_space<semaphore_mem>>) src(%dma_wait3A_683 : memref<10240x128xf32, #tpu.memory_space<hbm>>) dst(%arg13 : memref<80x128xf32, #tpu.memory_space<vmem>>)
    %dma_start3A_684 = arith.constant 1 : i32
    %dma_start3A_685 = arith.constant 0 : i32
    %dma_start3A_686 = tpu.memref_slice %arg9[%dma_start3A_684, %dma_start3A_685] : memref<2x80xi32, #tpu.memory_space<vmem>> -> memref<1x80xi32, #tpu.memory_space<vmem>>
    %dma_start3A_687 = tpu.memref_squeeze %dma_start3A_686 : memref<1x80xi32, #tpu.memory_space<vmem>> -> memref<80xi32, #tpu.memory_space<vmem>>
    %dma_start3A_688 = arith.constant 0 : i32
    %dma_start3A_689 = arith.constant 0 : i32
    %dma_start3A_690 = tpu.memref_slice %arg32[%dma_start3A_688, %dma_start3A_689] : memref<10240x128xf32, #tpu.memory_space<vmem_shared>> -> memref<10240x128xf32, #tpu.memory_space<vmem_shared>>
    tpu.enqueue_indirect_dma source(%arg13 : memref<80x128xf32, #tpu.memory_space<vmem>>) target(%dma_start3A_690 : memref<10240x128xf32, #tpu.memory_space<vmem_shared>>) offsets(%dma_start3A_687 : memref<80xi32, #tpu.memory_space<vmem>>) semaphore(%arg23 : memref<!tpu.dma_semaphore, #tpu.memory_space<semaphore_mem>>) {add = true}
    %dma_start3A_691 = arith.constant 1 : i32
    %dma_start3A_692 = arith.constant 0 : i32
    %dma_start3A_693 = tpu.memref_slice %arg9[%dma_start3A_691, %dma_start3A_692] : memref<2x80xi32, #tpu.memory_space<vmem>> -> memref<1x80xi32, #tpu.memory_space<vmem>>
    %dma_start3A_694 = tpu.memref_squeeze %dma_start3A_693 : memref<1x80xi32, #tpu.memory_space<vmem>> -> memref<80xi32, #tpu.memory_space<vmem>>
    %dma_start3A_695 = arith.constant 0 : i32
    %dma_start3A_696 = tpu.memref_slice %arg33[%dma_start3A_695] : memref<10240xf32, #tpu.memory_space<vmem_shared>> -> memref<10240xf32, #tpu.memory_space<vmem_shared>>
    tpu.enqueue_indirect_dma source(%arg17 : memref<80xf32, #tpu.memory_space<vmem>>) target(%dma_start3A_696 : memref<10240xf32, #tpu.memory_space<vmem_shared>>) offsets(%dma_start3A_694 : memref<80xi32, #tpu.memory_space<vmem>>) semaphore(%arg23 : memref<!tpu.dma_semaphore, #tpu.memory_space<semaphore_mem>>) {add = true}
    %dma_wait3A_697 = arith.constant 0 : i32
    %dma_wait3A_698 = arith.constant 0 : i32
    %dma_wait3A_699 = tpu.memref_slice %arg3[%mul3A_2, %dma_wait3A_697, %dma_wait3A_698] : memref<4000x2x80xi32, #tpu.memory_space<hbm>> -> memref<1x2x80xi32, #tpu.memory_space<hbm>>
    %dma_wait3A_700 = tpu.memref_squeeze %dma_wait3A_699 : memref<1x2x80xi32, #tpu.memory_space<hbm>> -> memref<2x80xi32, #tpu.memory_space<hbm>>
    %dma_wait3A_701 = arith.constant 0 : i32
    %dma_wait3A_702 = arith.constant 0 : i32
    %dma_wait3A_703 = tpu.memref_slice %arg3[%mul3A_2, %dma_wait3A_701, %dma_wait3A_702] : memref<4000x2x80xi32, #tpu.memory_space<hbm>> -> memref<1x2x80xi32, #tpu.memory_space<hbm>>
    %dma_wait3A_704 = tpu.memref_squeeze %dma_wait3A_703 : memref<1x2x80xi32, #tpu.memory_space<hbm>> -> memref<2x80xi32, #tpu.memory_space<hbm>>
    tpu.wait_dma2 semaphore(%arg26 : memref<!tpu.dma_semaphore, #tpu.memory_space<semaphore_mem>>) src(%dma_wait3A_704 : memref<2x80xi32, #tpu.memory_space<hbm>>) dst(%arg6 : memref<2x80xi32, #tpu.memory_space<vmem>>)
    %dma_start3A_705 = arith.constant 0 : i32
    %dma_start3A_706 = arith.constant 0 : i32
    %dma_start3A_707 = tpu.memref_slice %arg6[%dma_start3A_705, %dma_start3A_706] : memref<2x80xi32, #tpu.memory_space<vmem>> -> memref<1x80xi32, #tpu.memory_space<vmem>>
    %dma_start3A_708 = tpu.memref_squeeze %dma_start3A_707 : memref<1x80xi32, #tpu.memory_space<vmem>> -> memref<80xi32, #tpu.memory_space<vmem>>
    %dma_start3A_709 = arith.constant 0 : i32
    %dma_start3A_710 = arith.constant 0 : i32
    %dma_start3A_711 = tpu.memref_slice %arg2[%dma_start3A_709, %dma_start3A_710] : memref<10240x128xf32, #tpu.memory_space<hbm>> -> memref<10240x128xf32, #tpu.memory_space<hbm>>
    tpu.enqueue_indirect_dma source(%dma_start3A_711 : memref<10240x128xf32, #tpu.memory_space<hbm>>) target(%arg12 : memref<80x128xf32, #tpu.memory_space<vmem>>) offsets(%dma_start3A_708 : memref<80xi32, #tpu.memory_space<vmem>>) semaphore(%arg18 : memref<!tpu.dma_semaphore, #tpu.memory_space<semaphore_mem>>)
    %dma_wait3A_712 = arith.constant 1 : i32
    %dma_wait3A_713 = arith.constant 0 : i32
    %dma_wait3A_714 = tpu.memref_slice %arg9[%dma_wait3A_712, %dma_wait3A_713] : memref<2x80xi32, #tpu.memory_space<vmem>> -> memref<1x80xi32, #tpu.memory_space<vmem>>
    %dma_wait3A_715 = tpu.memref_squeeze %dma_wait3A_714 : memref<1x80xi32, #tpu.memory_space<vmem>> -> memref<80xi32, #tpu.memory_space<vmem>>
    %dma_wait3A_716 = arith.constant 0 : i32
    %dma_wait3A_717 = arith.constant 0 : i32
    %dma_wait3A_718 = tpu.memref_slice %arg32[%dma_wait3A_716, %dma_wait3A_717] : memref<10240x128xf32, #tpu.memory_space<vmem_shared>> -> memref<10240x128xf32, #tpu.memory_space<vmem_shared>>
    tpu.wait_indirect_dma semaphore(%arg23 : memref<!tpu.dma_semaphore, #tpu.memory_space<semaphore_mem>>) src(%arg13 : memref<80x128xf32, #tpu.memory_space<vmem>>) dst(%dma_wait3A_718 : memref<10240x128xf32, #tpu.memory_space<vmem_shared>>)
    %dma_wait3A_719 = arith.constant 1 : i32
    %dma_wait3A_720 = arith.constant 0 : i32
    %dma_wait3A_721 = tpu.memref_slice %arg9[%dma_wait3A_719, %dma_wait3A_720] : memref<2x80xi32, #tpu.memory_space<vmem>> -> memref<1x80xi32, #tpu.memory_space<vmem>>
    %dma_wait3A_722 = tpu.memref_squeeze %dma_wait3A_721 : memref<1x80xi32, #tpu.memory_space<vmem>> -> memref<80xi32, #tpu.memory_space<vmem>>
    %dma_wait3A_723 = arith.constant 0 : i32
    %dma_wait3A_724 = tpu.memref_slice %arg33[%dma_wait3A_723] : memref<10240xf32, #tpu.memory_space<vmem_shared>> -> memref<10240xf32, #tpu.memory_space<vmem_shared>>
    tpu.wait_indirect_dma semaphore(%arg23 : memref<!tpu.dma_semaphore, #tpu.memory_space<semaphore_mem>>) src(%arg17 : memref<80xf32, #tpu.memory_space<vmem>>) dst(%dma_wait3A_724 : memref<10240xf32, #tpu.memory_space<vmem_shared>>)
    %add3A_725 = arith.constant 123 : i32
    %add3A_726 = arith.addi %mul3A_2, %add3A_725 : i32
    %dma_start3A_727 = arith.constant 0 : i32
    %dma_start3A_728 = arith.constant 0 : i32
    %dma_start3A_729 = tpu.memref_slice %arg3[%add3A_726, %dma_start3A_727, %dma_start3A_728] : memref<4000x2x80xi32, #tpu.memory_space<hbm>> -> memref<1x2x80xi32, #tpu.memory_space<hbm>>
    %dma_start3A_730 = tpu.memref_squeeze %dma_start3A_729 : memref<1x2x80xi32, #tpu.memory_space<hbm>> -> memref<2x80xi32, #tpu.memory_space<hbm>>
    %dma_start3A_731 = arith.constant 0 : i32
    %dma_start3A_732 = arith.constant 0 : i32
    %dma_start3A_733 = tpu.memref_slice %arg3[%add3A_726, %dma_start3A_731, %dma_start3A_732] : memref<4000x2x80xi32, #tpu.memory_space<hbm>> -> memref<1x2x80xi32, #tpu.memory_space<hbm>>
    %dma_start3A_734 = tpu.memref_squeeze %dma_start3A_733 : memref<1x2x80xi32, #tpu.memory_space<hbm>> -> memref<2x80xi32, #tpu.memory_space<hbm>>
    tpu.enqueue_dma source(%dma_start3A_734 : memref<2x80xi32, #tpu.memory_space<hbm>>) target(%arg9 : memref<2x80xi32, #tpu.memory_space<vmem>>) target_semaphore(%arg29 : memref<!tpu.dma_semaphore, #tpu.memory_space<semaphore_mem>>)
    %dma_wait3A_735 = arith.constant 0 : i32
    %dma_wait3A_736 = arith.constant 0 : i32
    %dma_wait3A_737 = tpu.memref_slice %arg6[%dma_wait3A_735, %dma_wait3A_736] : memref<2x80xi32, #tpu.memory_space<vmem>> -> memref<1x80xi32, #tpu.memory_space<vmem>>
    %dma_wait3A_738 = tpu.memref_squeeze %dma_wait3A_737 : memref<1x80xi32, #tpu.memory_space<vmem>> -> memref<80xi32, #tpu.memory_space<vmem>>
    %dma_wait3A_739 = arith.constant 0 : i32
    %dma_wait3A_740 = arith.constant 0 : i32
    %dma_wait3A_741 = tpu.memref_slice %arg2[%dma_wait3A_739, %dma_wait3A_740] : memref<10240x128xf32, #tpu.memory_space<hbm>> -> memref<10240x128xf32, #tpu.memory_space<hbm>>
    tpu.wait_indirect_dma semaphore(%arg20 : memref<!tpu.dma_semaphore, #tpu.memory_space<semaphore_mem>>) src(%dma_wait3A_741 : memref<10240x128xf32, #tpu.memory_space<hbm>>) dst(%arg14 : memref<80x128xf32, #tpu.memory_space<vmem>>)
    %dma_start3A_742 = arith.constant 1 : i32
    %dma_start3A_743 = arith.constant 0 : i32
    %dma_start3A_744 = tpu.memref_slice %arg10[%dma_start3A_742, %dma_start3A_743] : memref<2x80xi32, #tpu.memory_space<vmem>> -> memref<1x80xi32, #tpu.memory_space<vmem>>
    %dma_start3A_745 = tpu.memref_squeeze %dma_start3A_744 : memref<1x80xi32, #tpu.memory_space<vmem>> -> memref<80xi32, #tpu.memory_space<vmem>>
    %dma_start3A_746 = arith.constant 0 : i32
    %dma_start3A_747 = arith.constant 0 : i32
    %dma_start3A_748 = tpu.memref_slice %arg32[%dma_start3A_746, %dma_start3A_747] : memref<10240x128xf32, #tpu.memory_space<vmem_shared>> -> memref<10240x128xf32, #tpu.memory_space<vmem_shared>>
    tpu.enqueue_indirect_dma source(%arg14 : memref<80x128xf32, #tpu.memory_space<vmem>>) target(%dma_start3A_748 : memref<10240x128xf32, #tpu.memory_space<vmem_shared>>) offsets(%dma_start3A_745 : memref<80xi32, #tpu.memory_space<vmem>>) semaphore(%arg24 : memref<!tpu.dma_semaphore, #tpu.memory_space<semaphore_mem>>) {add = true}
    %dma_start3A_749 = arith.constant 1 : i32
    %dma_start3A_750 = arith.constant 0 : i32
    %dma_start3A_751 = tpu.memref_slice %arg10[%dma_start3A_749, %dma_start3A_750] : memref<2x80xi32, #tpu.memory_space<vmem>> -> memref<1x80xi32, #tpu.memory_space<vmem>>
    %dma_start3A_752 = tpu.memref_squeeze %dma_start3A_751 : memref<1x80xi32, #tpu.memory_space<vmem>> -> memref<80xi32, #tpu.memory_space<vmem>>
    %dma_start3A_753 = arith.constant 0 : i32
    %dma_start3A_754 = tpu.memref_slice %arg33[%dma_start3A_753] : memref<10240xf32, #tpu.memory_space<vmem_shared>> -> memref<10240xf32, #tpu.memory_space<vmem_shared>>
    tpu.enqueue_indirect_dma source(%arg17 : memref<80xf32, #tpu.memory_space<vmem>>) target(%dma_start3A_754 : memref<10240xf32, #tpu.memory_space<vmem_shared>>) offsets(%dma_start3A_752 : memref<80xi32, #tpu.memory_space<vmem>>) semaphore(%arg24 : memref<!tpu.dma_semaphore, #tpu.memory_space<semaphore_mem>>) {add = true}
    %dma_wait3A_755 = arith.constant 0 : i32
    %dma_wait3A_756 = arith.constant 0 : i32
    %dma_wait3A_757 = tpu.memref_slice %arg3[%mul3A_2, %dma_wait3A_755, %dma_wait3A_756] : memref<4000x2x80xi32, #tpu.memory_space<hbm>> -> memref<1x2x80xi32, #tpu.memory_space<hbm>>
    %dma_wait3A_758 = tpu.memref_squeeze %dma_wait3A_757 : memref<1x2x80xi32, #tpu.memory_space<hbm>> -> memref<2x80xi32, #tpu.memory_space<hbm>>
    %dma_wait3A_759 = arith.constant 0 : i32
    %dma_wait3A_760 = arith.constant 0 : i32
    %dma_wait3A_761 = tpu.memref_slice %arg3[%mul3A_2, %dma_wait3A_759, %dma_wait3A_760] : memref<4000x2x80xi32, #tpu.memory_space<hbm>> -> memref<1x2x80xi32, #tpu.memory_space<hbm>>
    %dma_wait3A_762 = tpu.memref_squeeze %dma_wait3A_761 : memref<1x2x80xi32, #tpu.memory_space<hbm>> -> memref<2x80xi32, #tpu.memory_space<hbm>>
    tpu.wait_dma2 semaphore(%arg27 : memref<!tpu.dma_semaphore, #tpu.memory_space<semaphore_mem>>) src(%dma_wait3A_762 : memref<2x80xi32, #tpu.memory_space<hbm>>) dst(%arg7 : memref<2x80xi32, #tpu.memory_space<vmem>>)
    %dma_start3A_763 = arith.constant 0 : i32
    %dma_start3A_764 = arith.constant 0 : i32
    %dma_start3A_765 = tpu.memref_slice %arg7[%dma_start3A_763, %dma_start3A_764] : memref<2x80xi32, #tpu.memory_space<vmem>> -> memref<1x80xi32, #tpu.memory_space<vmem>>
    %dma_start3A_766 = tpu.memref_squeeze %dma_start3A_765 : memref<1x80xi32, #tpu.memory_space<vmem>> -> memref<80xi32, #tpu.memory_space<vmem>>
    %dma_start3A_767 = arith.constant 0 : i32
    %dma_start3A_768 = arith.constant 0 : i32
    %dma_start3A_769 = tpu.memref_slice %arg2[%dma_start3A_767, %dma_start3A_768] : memref<10240x128xf32, #tpu.memory_space<hbm>> -> memref<10240x128xf32, #tpu.memory_space<hbm>>
    tpu.enqueue_indirect_dma source(%dma_start3A_769 : memref<10240x128xf32, #tpu.memory_space<hbm>>) target(%arg13 : memref<80x128xf32, #tpu.memory_space<vmem>>) offsets(%dma_start3A_766 : memref<80xi32, #tpu.memory_space<vmem>>) semaphore(%arg19 : memref<!tpu.dma_semaphore, #tpu.memory_space<semaphore_mem>>)
    %dma_wait3A_770 = arith.constant 1 : i32
    %dma_wait3A_771 = arith.constant 0 : i32
    %dma_wait3A_772 = tpu.memref_slice %arg10[%dma_wait3A_770, %dma_wait3A_771] : memref<2x80xi32, #tpu.memory_space<vmem>> -> memref<1x80xi32, #tpu.memory_space<vmem>>
    %dma_wait3A_773 = tpu.memref_squeeze %dma_wait3A_772 : memref<1x80xi32, #tpu.memory_space<vmem>> -> memref<80xi32, #tpu.memory_space<vmem>>
    %dma_wait3A_774 = arith.constant 0 : i32
    %dma_wait3A_775 = arith.constant 0 : i32
    %dma_wait3A_776 = tpu.memref_slice %arg32[%dma_wait3A_774, %dma_wait3A_775] : memref<10240x128xf32, #tpu.memory_space<vmem_shared>> -> memref<10240x128xf32, #tpu.memory_space<vmem_shared>>
    tpu.wait_indirect_dma semaphore(%arg24 : memref<!tpu.dma_semaphore, #tpu.memory_space<semaphore_mem>>) src(%arg14 : memref<80x128xf32, #tpu.memory_space<vmem>>) dst(%dma_wait3A_776 : memref<10240x128xf32, #tpu.memory_space<vmem_shared>>)
    %dma_wait3A_777 = arith.constant 1 : i32
    %dma_wait3A_778 = arith.constant 0 : i32
    %dma_wait3A_779 = tpu.memref_slice %arg10[%dma_wait3A_777, %dma_wait3A_778] : memref<2x80xi32, #tpu.memory_space<vmem>> -> memref<1x80xi32, #tpu.memory_space<vmem>>
    %dma_wait3A_780 = tpu.memref_squeeze %dma_wait3A_779 : memref<1x80xi32, #tpu.memory_space<vmem>> -> memref<80xi32, #tpu.memory_space<vmem>>
    %dma_wait3A_781 = arith.constant 0 : i32
    %dma_wait3A_782 = tpu.memref_slice %arg33[%dma_wait3A_781] : memref<10240xf32, #tpu.memory_space<vmem_shared>> -> memref<10240xf32, #tpu.memory_space<vmem_shared>>
    tpu.wait_indirect_dma semaphore(%arg24 : memref<!tpu.dma_semaphore, #tpu.memory_space<semaphore_mem>>) src(%arg17 : memref<80xf32, #tpu.memory_space<vmem>>) dst(%dma_wait3A_782 : memref<10240xf32, #tpu.memory_space<vmem_shared>>)
    %add3A_783 = arith.constant 124 : i32
    %add3A_784 = arith.addi %mul3A_2, %add3A_783 : i32
    %dma_start3A_785 = arith.constant 0 : i32
    %dma_start3A_786 = arith.constant 0 : i32
    %dma_start3A_787 = tpu.memref_slice %arg3[%add3A_784, %dma_start3A_785, %dma_start3A_786] : memref<4000x2x80xi32, #tpu.memory_space<hbm>> -> memref<1x2x80xi32, #tpu.memory_space<hbm>>
    %dma_start3A_788 = tpu.memref_squeeze %dma_start3A_787 : memref<1x2x80xi32, #tpu.memory_space<hbm>> -> memref<2x80xi32, #tpu.memory_space<hbm>>
    %dma_start3A_789 = arith.constant 0 : i32
    %dma_start3A_790 = arith.constant 0 : i32
    %dma_start3A_791 = tpu.memref_slice %arg3[%add3A_784, %dma_start3A_789, %dma_start3A_790] : memref<4000x2x80xi32, #tpu.memory_space<hbm>> -> memref<1x2x80xi32, #tpu.memory_space<hbm>>
    %dma_start3A_792 = tpu.memref_squeeze %dma_start3A_791 : memref<1x2x80xi32, #tpu.memory_space<hbm>> -> memref<2x80xi32, #tpu.memory_space<hbm>>
    tpu.enqueue_dma source(%dma_start3A_792 : memref<2x80xi32, #tpu.memory_space<hbm>>) target(%arg10 : memref<2x80xi32, #tpu.memory_space<vmem>>) target_semaphore(%arg30 : memref<!tpu.dma_semaphore, #tpu.memory_space<semaphore_mem>>)
    %dma_wait3A_793 = arith.constant 0 : i32
    %dma_wait3A_794 = arith.constant 0 : i32
    %dma_wait3A_795 = tpu.memref_slice %arg6[%dma_wait3A_793, %dma_wait3A_794] : memref<2x80xi32, #tpu.memory_space<vmem>> -> memref<1x80xi32, #tpu.memory_space<vmem>>
    %dma_wait3A_796 = tpu.memref_squeeze %dma_wait3A_795 : memref<1x80xi32, #tpu.memory_space<vmem>> -> memref<80xi32, #tpu.memory_space<vmem>>
    %dma_wait3A_797 = arith.constant 0 : i32
    %dma_wait3A_798 = arith.constant 0 : i32
    %dma_wait3A_799 = tpu.memref_slice %arg2[%dma_wait3A_797, %dma_wait3A_798] : memref<10240x128xf32, #tpu.memory_space<hbm>> -> memref<10240x128xf32, #tpu.memory_space<hbm>>
    tpu.wait_indirect_dma semaphore(%arg21 : memref<!tpu.dma_semaphore, #tpu.memory_space<semaphore_mem>>) src(%dma_wait3A_799 : memref<10240x128xf32, #tpu.memory_space<hbm>>) dst(%arg15 : memref<80x128xf32, #tpu.memory_space<vmem>>)
    %dma_start3A_800 = arith.constant 1 : i32
    %dma_start3A_801 = arith.constant 0 : i32
    %dma_start3A_802 = tpu.memref_slice %arg11[%dma_start3A_800, %dma_start3A_801] : memref<2x80xi32, #tpu.memory_space<vmem>> -> memref<1x80xi32, #tpu.memory_space<vmem>>
    %dma_start3A_803 = tpu.memref_squeeze %dma_start3A_802 : memref<1x80xi32, #tpu.memory_space<vmem>> -> memref<80xi32, #tpu.memory_space<vmem>>
    %dma_start3A_804 = arith.constant 0 : i32
    %dma_start3A_805 = arith.constant 0 : i32
    %dma_start3A_806 = tpu.memref_slice %arg32[%dma_start3A_804, %dma_start3A_805] : memref<10240x128xf32, #tpu.memory_space<vmem_shared>> -> memref<10240x128xf32, #tpu.memory_space<vmem_shared>>
    tpu.enqueue_indirect_dma source(%arg15 : memref<80x128xf32, #tpu.memory_space<vmem>>) target(%dma_start3A_806 : memref<10240x128xf32, #tpu.memory_space<vmem_shared>>) offsets(%dma_start3A_803 : memref<80xi32, #tpu.memory_space<vmem>>) semaphore(%arg25 : memref<!tpu.dma_semaphore, #tpu.memory_space<semaphore_mem>>) {add = true}
    %dma_start3A_807 = arith.constant 1 : i32
    %dma_start3A_808 = arith.constant 0 : i32
    %dma_start3A_809 = tpu.memref_slice %arg11[%dma_start3A_807, %dma_start3A_808] : memref<2x80xi32, #tpu.memory_space<vmem>> -> memref<1x80xi32, #tpu.memory_space<vmem>>
    %dma_start3A_810 = tpu.memref_squeeze %dma_start3A_809 : memref<1x80xi32, #tpu.memory_space<vmem>> -> memref<80xi32, #tpu.memory_space<vmem>>
    %dma_start3A_811 = arith.constant 0 : i32
    %dma_start3A_812 = tpu.memref_slice %arg33[%dma_start3A_811] : memref<10240xf32, #tpu.memory_space<vmem_shared>> -> memref<10240xf32, #tpu.memory_space<vmem_shared>>
    tpu.enqueue_indirect_dma source(%arg17 : memref<80xf32, #tpu.memory_space<vmem>>) target(%dma_start3A_812 : memref<10240xf32, #tpu.memory_space<vmem_shared>>) offsets(%dma_start3A_810 : memref<80xi32, #tpu.memory_space<vmem>>) semaphore(%arg25 : memref<!tpu.dma_semaphore, #tpu.memory_space<semaphore_mem>>) {add = true}
    %dma_wait3A_813 = arith.constant 0 : i32
    %dma_wait3A_814 = arith.constant 0 : i32
    %dma_wait3A_815 = tpu.memref_slice %arg3[%mul3A_2, %dma_wait3A_813, %dma_wait3A_814] : memref<4000x2x80xi32, #tpu.memory_space<hbm>> -> memref<1x2x80xi32, #tpu.memory_space<hbm>>
    %dma_wait3A_816 = tpu.memref_squeeze %dma_wait3A_815 : memref<1x2x80xi32, #tpu.memory_space<hbm>> -> memref<2x80xi32, #tpu.memory_space<hbm>>
    %dma_wait3A_817 = arith.constant 0 : i32
    %dma_wait3A_818 = arith.constant 0 : i32
    %dma_wait3A_819 = tpu.memref_slice %arg3[%mul3A_2, %dma_wait3A_817, %dma_wait3A_818] : memref<4000x2x80xi32, #tpu.memory_space<hbm>> -> memref<1x2x80xi32, #tpu.memory_space<hbm>>
    %dma_wait3A_820 = tpu.memref_squeeze %dma_wait3A_819 : memref<1x2x80xi32, #tpu.memory_space<hbm>> -> memref<2x80xi32, #tpu.memory_space<hbm>>
    tpu.wait_dma2 semaphore(%arg28 : memref<!tpu.dma_semaphore, #tpu.memory_space<semaphore_mem>>) src(%dma_wait3A_820 : memref<2x80xi32, #tpu.memory_space<hbm>>) dst(%arg8 : memref<2x80xi32, #tpu.memory_space<vmem>>)
    %dma_start3A_821 = arith.constant 0 : i32
    %dma_start3A_822 = arith.constant 0 : i32
    %dma_start3A_823 = tpu.memref_slice %arg8[%dma_start3A_821, %dma_start3A_822] : memref<2x80xi32, #tpu.memory_space<vmem>> -> memref<1x80xi32, #tpu.memory_space<vmem>>
    %dma_start3A_824 = tpu.memref_squeeze %dma_start3A_823 : memref<1x80xi32, #tpu.memory_space<vmem>> -> memref<80xi32, #tpu.memory_space<vmem>>
    %dma_start3A_825 = arith.constant 0 : i32
    %dma_start3A_826 = arith.constant 0 : i32
    %dma_start3A_827 = tpu.memref_slice %arg2[%dma_start3A_825, %dma_start3A_826] : memref<10240x128xf32, #tpu.memory_space<hbm>> -> memref<10240x128xf32, #tpu.memory_space<hbm>>
    tpu.enqueue_indirect_dma source(%dma_start3A_827 : memref<10240x128xf32, #tpu.memory_space<hbm>>) target(%arg14 : memref<80x128xf32, #tpu.memory_space<vmem>>) offsets(%dma_start3A_824 : memref<80xi32, #tpu.memory_space<vmem>>) semaphore(%arg20 : memref<!tpu.dma_semaphore, #tpu.memory_space<semaphore_mem>>)
    %dma_wait3A_828 = arith.constant 1 : i32
    %dma_wait3A_829 = arith.constant 0 : i32
    %dma_wait3A_830 = tpu.memref_slice %arg11[%dma_wait3A_828, %dma_wait3A_829] : memref<2x80xi32, #tpu.memory_space<vmem>> -> memref<1x80xi32, #tpu.memory_space<vmem>>
    %dma_wait3A_831 = tpu.memref_squeeze %dma_wait3A_830 : memref<1x80xi32, #tpu.memory_space<vmem>> -> memref<80xi32, #tpu.memory_space<vmem>>
    %dma_wait3A_832 = arith.constant 0 : i32
    %dma_wait3A_833 = arith.constant 0 : i32
    %dma_wait3A_834 = tpu.memref_slice %arg32[%dma_wait3A_832, %dma_wait3A_833] : memref<10240x128xf32, #tpu.memory_space<vmem_shared>> -> memref<10240x128xf32, #tpu.memory_space<vmem_shared>>
    tpu.wait_indirect_dma semaphore(%arg25 : memref<!tpu.dma_semaphore, #tpu.memory_space<semaphore_mem>>) src(%arg15 : memref<80x128xf32, #tpu.memory_space<vmem>>) dst(%dma_wait3A_834 : memref<10240x128xf32, #tpu.memory_space<vmem_shared>>)
    %dma_wait3A_835 = arith.constant 1 : i32
    %dma_wait3A_836 = arith.constant 0 : i32
    %dma_wait3A_837 = tpu.memref_slice %arg11[%dma_wait3A_835, %dma_wait3A_836] : memref<2x80xi32, #tpu.memory_space<vmem>> -> memref<1x80xi32, #tpu.memory_space<vmem>>
    %dma_wait3A_838 = tpu.memref_squeeze %dma_wait3A_837 : memref<1x80xi32, #tpu.memory_space<vmem>> -> memref<80xi32, #tpu.memory_space<vmem>>
    %dma_wait3A_839 = arith.constant 0 : i32
    %dma_wait3A_840 = tpu.memref_slice %arg33[%dma_wait3A_839] : memref<10240xf32, #tpu.memory_space<vmem_shared>> -> memref<10240xf32, #tpu.memory_space<vmem_shared>>
    tpu.wait_indirect_dma semaphore(%arg25 : memref<!tpu.dma_semaphore, #tpu.memory_space<semaphore_mem>>) src(%arg17 : memref<80xf32, #tpu.memory_space<vmem>>) dst(%dma_wait3A_840 : memref<10240xf32, #tpu.memory_space<vmem_shared>>)
    %dma_wait3A_841 = arith.constant 0 : i32
    %dma_wait3A_842 = arith.constant 0 : i32
    %dma_wait3A_843 = tpu.memref_slice %arg6[%dma_wait3A_841, %dma_wait3A_842] : memref<2x80xi32, #tpu.memory_space<vmem>> -> memref<1x80xi32, #tpu.memory_space<vmem>>
    %dma_wait3A_844 = tpu.memref_squeeze %dma_wait3A_843 : memref<1x80xi32, #tpu.memory_space<vmem>> -> memref<80xi32, #tpu.memory_space<vmem>>
    %dma_wait3A_845 = arith.constant 0 : i32
    %dma_wait3A_846 = arith.constant 0 : i32
    %dma_wait3A_847 = tpu.memref_slice %arg2[%dma_wait3A_845, %dma_wait3A_846] : memref<10240x128xf32, #tpu.memory_space<hbm>> -> memref<10240x128xf32, #tpu.memory_space<hbm>>
    tpu.wait_indirect_dma semaphore(%arg18 : memref<!tpu.dma_semaphore, #tpu.memory_space<semaphore_mem>>) src(%dma_wait3A_847 : memref<10240x128xf32, #tpu.memory_space<hbm>>) dst(%arg12 : memref<80x128xf32, #tpu.memory_space<vmem>>)
    %dma_start3A_848 = arith.constant 1 : i32
    %dma_start3A_849 = arith.constant 0 : i32
    %dma_start3A_850 = tpu.memref_slice %arg6[%dma_start3A_848, %dma_start3A_849] : memref<2x80xi32, #tpu.memory_space<vmem>> -> memref<1x80xi32, #tpu.memory_space<vmem>>
    %dma_start3A_851 = tpu.memref_squeeze %dma_start3A_850 : memref<1x80xi32, #tpu.memory_space<vmem>> -> memref<80xi32, #tpu.memory_space<vmem>>
    %dma_start3A_852 = arith.constant 0 : i32
    %dma_start3A_853 = arith.constant 0 : i32
    %dma_start3A_854 = tpu.memref_slice %arg32[%dma_start3A_852, %dma_start3A_853] : memref<10240x128xf32, #tpu.memory_space<vmem_shared>> -> memref<10240x128xf32, #tpu.memory_space<vmem_shared>>
    tpu.enqueue_indirect_dma source(%arg12 : memref<80x128xf32, #tpu.memory_space<vmem>>) target(%dma_start3A_854 : memref<10240x128xf32, #tpu.memory_space<vmem_shared>>) offsets(%dma_start3A_851 : memref<80xi32, #tpu.memory_space<vmem>>) semaphore(%arg22 : memref<!tpu.dma_semaphore, #tpu.memory_space<semaphore_mem>>) {add = true}
    %dma_start3A_855 = arith.constant 1 : i32
    %dma_start3A_856 = arith.constant 0 : i32
    %dma_start3A_857 = tpu.memref_slice %arg6[%dma_start3A_855, %dma_start3A_856] : memref<2x80xi32, #tpu.memory_space<vmem>> -> memref<1x80xi32, #tpu.memory_space<vmem>>
    %dma_start3A_858 = tpu.memref_squeeze %dma_start3A_857 : memref<1x80xi32, #tpu.memory_space<vmem>> -> memref<80xi32, #tpu.memory_space<vmem>>
    %dma_start3A_859 = arith.constant 0 : i32
    %dma_start3A_860 = tpu.memref_slice %arg33[%dma_start3A_859] : memref<10240xf32, #tpu.memory_space<vmem_shared>> -> memref<10240xf32, #tpu.memory_space<vmem_shared>>
    tpu.enqueue_indirect_dma source(%arg17 : memref<80xf32, #tpu.memory_space<vmem>>) target(%dma_start3A_860 : memref<10240xf32, #tpu.memory_space<vmem_shared>>) offsets(%dma_start3A_858 : memref<80xi32, #tpu.memory_space<vmem>>) semaphore(%arg22 : memref<!tpu.dma_semaphore, #tpu.memory_space<semaphore_mem>>) {add = true}
    %dma_wait3A_861 = arith.constant 0 : i32
    %dma_wait3A_862 = arith.constant 0 : i32
    %dma_wait3A_863 = tpu.memref_slice %arg3[%mul3A_2, %dma_wait3A_861, %dma_wait3A_862] : memref<4000x2x80xi32, #tpu.memory_space<hbm>> -> memref<1x2x80xi32, #tpu.memory_space<hbm>>
    %dma_wait3A_864 = tpu.memref_squeeze %dma_wait3A_863 : memref<1x2x80xi32, #tpu.memory_space<hbm>> -> memref<2x80xi32, #tpu.memory_space<hbm>>
    %dma_wait3A_865 = arith.constant 0 : i32
    %dma_wait3A_866 = arith.constant 0 : i32
    %dma_wait3A_867 = tpu.memref_slice %arg3[%mul3A_2, %dma_wait3A_865, %dma_wait3A_866] : memref<4000x2x80xi32, #tpu.memory_space<hbm>> -> memref<1x2x80xi32, #tpu.memory_space<hbm>>
    %dma_wait3A_868 = tpu.memref_squeeze %dma_wait3A_867 : memref<1x2x80xi32, #tpu.memory_space<hbm>> -> memref<2x80xi32, #tpu.memory_space<hbm>>
    tpu.wait_dma2 semaphore(%arg29 : memref<!tpu.dma_semaphore, #tpu.memory_space<semaphore_mem>>) src(%dma_wait3A_868 : memref<2x80xi32, #tpu.memory_space<hbm>>) dst(%arg9 : memref<2x80xi32, #tpu.memory_space<vmem>>)
    %dma_start3A_869 = arith.constant 0 : i32
    %dma_start3A_870 = arith.constant 0 : i32
    %dma_start3A_871 = tpu.memref_slice %arg9[%dma_start3A_869, %dma_start3A_870] : memref<2x80xi32, #tpu.memory_space<vmem>> -> memref<1x80xi32, #tpu.memory_space<vmem>>
    %dma_start3A_872 = tpu.memref_squeeze %dma_start3A_871 : memref<1x80xi32, #tpu.memory_space<vmem>> -> memref<80xi32, #tpu.memory_space<vmem>>
    %dma_start3A_873 = arith.constant 0 : i32
    %dma_start3A_874 = arith.constant 0 : i32
    %dma_start3A_875 = tpu.memref_slice %arg2[%dma_start3A_873, %dma_start3A_874] : memref<10240x128xf32, #tpu.memory_space<hbm>> -> memref<10240x128xf32, #tpu.memory_space<hbm>>
    tpu.enqueue_indirect_dma source(%dma_start3A_875 : memref<10240x128xf32, #tpu.memory_space<hbm>>) target(%arg15 : memref<80x128xf32, #tpu.memory_space<vmem>>) offsets(%dma_start3A_872 : memref<80xi32, #tpu.memory_space<vmem>>) semaphore(%arg21 : memref<!tpu.dma_semaphore, #tpu.memory_space<semaphore_mem>>)
    %dma_wait3A_876 = arith.constant 1 : i32
    %dma_wait3A_877 = arith.constant 0 : i32
    %dma_wait3A_878 = tpu.memref_slice %arg6[%dma_wait3A_876, %dma_wait3A_877] : memref<2x80xi32, #tpu.memory_space<vmem>> -> memref<1x80xi32, #tpu.memory_space<vmem>>
    %dma_wait3A_879 = tpu.memref_squeeze %dma_wait3A_878 : memref<1x80xi32, #tpu.memory_space<vmem>> -> memref<80xi32, #tpu.memory_space<vmem>>
    %dma_wait3A_880 = arith.constant 0 : i32
    %dma_wait3A_881 = arith.constant 0 : i32
    %dma_wait3A_882 = tpu.memref_slice %arg32[%dma_wait3A_880, %dma_wait3A_881] : memref<10240x128xf32, #tpu.memory_space<vmem_shared>> -> memref<10240x128xf32, #tpu.memory_space<vmem_shared>>
    tpu.wait_indirect_dma semaphore(%arg22 : memref<!tpu.dma_semaphore, #tpu.memory_space<semaphore_mem>>) src(%arg12 : memref<80x128xf32, #tpu.memory_space<vmem>>) dst(%dma_wait3A_882 : memref<10240x128xf32, #tpu.memory_space<vmem_shared>>)
    %dma_wait3A_883 = arith.constant 1 : i32
    %dma_wait3A_884 = arith.constant 0 : i32
    %dma_wait3A_885 = tpu.memref_slice %arg6[%dma_wait3A_883, %dma_wait3A_884] : memref<2x80xi32, #tpu.memory_space<vmem>> -> memref<1x80xi32, #tpu.memory_space<vmem>>
    %dma_wait3A_886 = tpu.memref_squeeze %dma_wait3A_885 : memref<1x80xi32, #tpu.memory_space<vmem>> -> memref<80xi32, #tpu.memory_space<vmem>>
    %dma_wait3A_887 = arith.constant 0 : i32
    %dma_wait3A_888 = tpu.memref_slice %arg33[%dma_wait3A_887] : memref<10240xf32, #tpu.memory_space<vmem_shared>> -> memref<10240xf32, #tpu.memory_space<vmem_shared>>
    tpu.wait_indirect_dma semaphore(%arg22 : memref<!tpu.dma_semaphore, #tpu.memory_space<semaphore_mem>>) src(%arg17 : memref<80xf32, #tpu.memory_space<vmem>>) dst(%dma_wait3A_888 : memref<10240xf32, #tpu.memory_space<vmem_shared>>)
    %dma_wait3A_889 = arith.constant 0 : i32
    %dma_wait3A_890 = arith.constant 0 : i32
    %dma_wait3A_891 = tpu.memref_slice %arg6[%dma_wait3A_889, %dma_wait3A_890] : memref<2x80xi32, #tpu.memory_space<vmem>> -> memref<1x80xi32, #tpu.memory_space<vmem>>
    %dma_wait3A_892 = tpu.memref_squeeze %dma_wait3A_891 : memref<1x80xi32, #tpu.memory_space<vmem>> -> memref<80xi32, #tpu.memory_space<vmem>>
    %dma_wait3A_893 = arith.constant 0 : i32
    %dma_wait3A_894 = arith.constant 0 : i32
    %dma_wait3A_895 = tpu.memref_slice %arg2[%dma_wait3A_893, %dma_wait3A_894] : memref<10240x128xf32, #tpu.memory_space<hbm>> -> memref<10240x128xf32, #tpu.memory_space<hbm>>
    tpu.wait_indirect_dma semaphore(%arg19 : memref<!tpu.dma_semaphore, #tpu.memory_space<semaphore_mem>>) src(%dma_wait3A_895 : memref<10240x128xf32, #tpu.memory_space<hbm>>) dst(%arg13 : memref<80x128xf32, #tpu.memory_space<vmem>>)
    %dma_start3A_896 = arith.constant 1 : i32
    %dma_start3A_897 = arith.constant 0 : i32
    %dma_start3A_898 = tpu.memref_slice %arg7[%dma_start3A_896, %dma_start3A_897] : memref<2x80xi32, #tpu.memory_space<vmem>> -> memref<1x80xi32, #tpu.memory_space<vmem>>
    %dma_start3A_899 = tpu.memref_squeeze %dma_start3A_898 : memref<1x80xi32, #tpu.memory_space<vmem>> -> memref<80xi32, #tpu.memory_space<vmem>>
    %dma_start3A_900 = arith.constant 0 : i32
    %dma_start3A_901 = arith.constant 0 : i32
    %dma_start3A_902 = tpu.memref_slice %arg32[%dma_start3A_900, %dma_start3A_901] : memref<10240x128xf32, #tpu.memory_space<vmem_shared>> -> memref<10240x128xf32, #tpu.memory_space<vmem_shared>>
    tpu.enqueue_indirect_dma source(%arg13 : memref<80x128xf32, #tpu.memory_space<vmem>>) target(%dma_start3A_902 : memref<10240x128xf32, #tpu.memory_space<vmem_shared>>) offsets(%dma_start3A_899 : memref<80xi32, #tpu.memory_space<vmem>>) semaphore(%arg23 : memref<!tpu.dma_semaphore, #tpu.memory_space<semaphore_mem>>) {add = true}
    %dma_start3A_903 = arith.constant 1 : i32
    %dma_start3A_904 = arith.constant 0 : i32
    %dma_start3A_905 = tpu.memref_slice %arg7[%dma_start3A_903, %dma_start3A_904] : memref<2x80xi32, #tpu.memory_space<vmem>> -> memref<1x80xi32, #tpu.memory_space<vmem>>
    %dma_start3A_906 = tpu.memref_squeeze %dma_start3A_905 : memref<1x80xi32, #tpu.memory_space<vmem>> -> memref<80xi32, #tpu.memory_space<vmem>>
    %dma_start3A_907 = arith.constant 0 : i32
    %dma_start3A_908 = tpu.memref_slice %arg33[%dma_start3A_907] : memref<10240xf32, #tpu.memory_space<vmem_shared>> -> memref<10240xf32, #tpu.memory_space<vmem_shared>>
    tpu.enqueue_indirect_dma source(%arg17 : memref<80xf32, #tpu.memory_space<vmem>>) target(%dma_start3A_908 : memref<10240xf32, #tpu.memory_space<vmem_shared>>) offsets(%dma_start3A_906 : memref<80xi32, #tpu.memory_space<vmem>>) semaphore(%arg23 : memref<!tpu.dma_semaphore, #tpu.memory_space<semaphore_mem>>) {add = true}
    %dma_wait3A_909 = arith.constant 0 : i32
    %dma_wait3A_910 = arith.constant 0 : i32
    %dma_wait3A_911 = tpu.memref_slice %arg3[%mul3A_2, %dma_wait3A_909, %dma_wait3A_910] : memref<4000x2x80xi32, #tpu.memory_space<hbm>> -> memref<1x2x80xi32, #tpu.memory_space<hbm>>
    %dma_wait3A_912 = tpu.memref_squeeze %dma_wait3A_911 : memref<1x2x80xi32, #tpu.memory_space<hbm>> -> memref<2x80xi32, #tpu.memory_space<hbm>>
    %dma_wait3A_913 = arith.constant 0 : i32
    %dma_wait3A_914 = arith.constant 0 : i32
    %dma_wait3A_915 = tpu.memref_slice %arg3[%mul3A_2, %dma_wait3A_913, %dma_wait3A_914] : memref<4000x2x80xi32, #tpu.memory_space<hbm>> -> memref<1x2x80xi32, #tpu.memory_space<hbm>>
    %dma_wait3A_916 = tpu.memref_squeeze %dma_wait3A_915 : memref<1x2x80xi32, #tpu.memory_space<hbm>> -> memref<2x80xi32, #tpu.memory_space<hbm>>
    tpu.wait_dma2 semaphore(%arg30 : memref<!tpu.dma_semaphore, #tpu.memory_space<semaphore_mem>>) src(%dma_wait3A_916 : memref<2x80xi32, #tpu.memory_space<hbm>>) dst(%arg10 : memref<2x80xi32, #tpu.memory_space<vmem>>)
    %dma_start3A_917 = arith.constant 0 : i32
    %dma_start3A_918 = arith.constant 0 : i32
    %dma_start3A_919 = tpu.memref_slice %arg10[%dma_start3A_917, %dma_start3A_918] : memref<2x80xi32, #tpu.memory_space<vmem>> -> memref<1x80xi32, #tpu.memory_space<vmem>>
    %dma_start3A_920 = tpu.memref_squeeze %dma_start3A_919 : memref<1x80xi32, #tpu.memory_space<vmem>> -> memref<80xi32, #tpu.memory_space<vmem>>
    %dma_start3A_921 = arith.constant 0 : i32
    %dma_start3A_922 = arith.constant 0 : i32
    %dma_start3A_923 = tpu.memref_slice %arg2[%dma_start3A_921, %dma_start3A_922] : memref<10240x128xf32, #tpu.memory_space<hbm>> -> memref<10240x128xf32, #tpu.memory_space<hbm>>
    tpu.enqueue_indirect_dma source(%dma_start3A_923 : memref<10240x128xf32, #tpu.memory_space<hbm>>) target(%arg12 : memref<80x128xf32, #tpu.memory_space<vmem>>) offsets(%dma_start3A_920 : memref<80xi32, #tpu.memory_space<vmem>>) semaphore(%arg18 : memref<!tpu.dma_semaphore, #tpu.memory_space<semaphore_mem>>)
    %dma_wait3A_924 = arith.constant 1 : i32
    %dma_wait3A_925 = arith.constant 0 : i32
    %dma_wait3A_926 = tpu.memref_slice %arg7[%dma_wait3A_924, %dma_wait3A_925] : memref<2x80xi32, #tpu.memory_space<vmem>> -> memref<1x80xi32, #tpu.memory_space<vmem>>
    %dma_wait3A_927 = tpu.memref_squeeze %dma_wait3A_926 : memref<1x80xi32, #tpu.memory_space<vmem>> -> memref<80xi32, #tpu.memory_space<vmem>>
    %dma_wait3A_928 = arith.constant 0 : i32
    %dma_wait3A_929 = arith.constant 0 : i32
    %dma_wait3A_930 = tpu.memref_slice %arg32[%dma_wait3A_928, %dma_wait3A_929] : memref<10240x128xf32, #tpu.memory_space<vmem_shared>> -> memref<10240x128xf32, #tpu.memory_space<vmem_shared>>
    tpu.wait_indirect_dma semaphore(%arg23 : memref<!tpu.dma_semaphore, #tpu.memory_space<semaphore_mem>>) src(%arg13 : memref<80x128xf32, #tpu.memory_space<vmem>>) dst(%dma_wait3A_930 : memref<10240x128xf32, #tpu.memory_space<vmem_shared>>)
    %dma_wait3A_931 = arith.constant 1 : i32
    %dma_wait3A_932 = arith.constant 0 : i32
    %dma_wait3A_933 = tpu.memref_slice %arg7[%dma_wait3A_931, %dma_wait3A_932] : memref<2x80xi32, #tpu.memory_space<vmem>> -> memref<1x80xi32, #tpu.memory_space<vmem>>
    %dma_wait3A_934 = tpu.memref_squeeze %dma_wait3A_933 : memref<1x80xi32, #tpu.memory_space<vmem>> -> memref<80xi32, #tpu.memory_space<vmem>>
    %dma_wait3A_935 = arith.constant 0 : i32
    %dma_wait3A_936 = tpu.memref_slice %arg33[%dma_wait3A_935] : memref<10240xf32, #tpu.memory_space<vmem_shared>> -> memref<10240xf32, #tpu.memory_space<vmem_shared>>
    tpu.wait_indirect_dma semaphore(%arg23 : memref<!tpu.dma_semaphore, #tpu.memory_space<semaphore_mem>>) src(%arg17 : memref<80xf32, #tpu.memory_space<vmem>>) dst(%dma_wait3A_936 : memref<10240xf32, #tpu.memory_space<vmem_shared>>)
    %dma_wait3A_937 = arith.constant 0 : i32
    %dma_wait3A_938 = arith.constant 0 : i32
    %dma_wait3A_939 = tpu.memref_slice %arg6[%dma_wait3A_937, %dma_wait3A_938] : memref<2x80xi32, #tpu.memory_space<vmem>> -> memref<1x80xi32, #tpu.memory_space<vmem>>
    %dma_wait3A_940 = tpu.memref_squeeze %dma_wait3A_939 : memref<1x80xi32, #tpu.memory_space<vmem>> -> memref<80xi32, #tpu.memory_space<vmem>>
    %dma_wait3A_941 = arith.constant 0 : i32
    %dma_wait3A_942 = arith.constant 0 : i32
    %dma_wait3A_943 = tpu.memref_slice %arg2[%dma_wait3A_941, %dma_wait3A_942] : memref<10240x128xf32, #tpu.memory_space<hbm>> -> memref<10240x128xf32, #tpu.memory_space<hbm>>
    tpu.wait_indirect_dma semaphore(%arg20 : memref<!tpu.dma_semaphore, #tpu.memory_space<semaphore_mem>>) src(%dma_wait3A_943 : memref<10240x128xf32, #tpu.memory_space<hbm>>) dst(%arg14 : memref<80x128xf32, #tpu.memory_space<vmem>>)
    %dma_start3A_944 = arith.constant 1 : i32
    %dma_start3A_945 = arith.constant 0 : i32
    %dma_start3A_946 = tpu.memref_slice %arg8[%dma_start3A_944, %dma_start3A_945] : memref<2x80xi32, #tpu.memory_space<vmem>> -> memref<1x80xi32, #tpu.memory_space<vmem>>
    %dma_start3A_947 = tpu.memref_squeeze %dma_start3A_946 : memref<1x80xi32, #tpu.memory_space<vmem>> -> memref<80xi32, #tpu.memory_space<vmem>>
    %dma_start3A_948 = arith.constant 0 : i32
    %dma_start3A_949 = arith.constant 0 : i32
    %dma_start3A_950 = tpu.memref_slice %arg32[%dma_start3A_948, %dma_start3A_949] : memref<10240x128xf32, #tpu.memory_space<vmem_shared>> -> memref<10240x128xf32, #tpu.memory_space<vmem_shared>>
    tpu.enqueue_indirect_dma source(%arg14 : memref<80x128xf32, #tpu.memory_space<vmem>>) target(%dma_start3A_950 : memref<10240x128xf32, #tpu.memory_space<vmem_shared>>) offsets(%dma_start3A_947 : memref<80xi32, #tpu.memory_space<vmem>>) semaphore(%arg24 : memref<!tpu.dma_semaphore, #tpu.memory_space<semaphore_mem>>) {add = true}
    %dma_start3A_951 = arith.constant 1 : i32
    %dma_start3A_952 = arith.constant 0 : i32
    %dma_start3A_953 = tpu.memref_slice %arg8[%dma_start3A_951, %dma_start3A_952] : memref<2x80xi32, #tpu.memory_space<vmem>> -> memref<1x80xi32, #tpu.memory_space<vmem>>
    %dma_start3A_954 = tpu.memref_squeeze %dma_start3A_953 : memref<1x80xi32, #tpu.memory_space<vmem>> -> memref<80xi32, #tpu.memory_space<vmem>>
    %dma_start3A_955 = arith.constant 0 : i32
    %dma_start3A_956 = tpu.memref_slice %arg33[%dma_start3A_955] : memref<10240xf32, #tpu.memory_space<vmem_shared>> -> memref<10240xf32, #tpu.memory_space<vmem_shared>>
    tpu.enqueue_indirect_dma source(%arg17 : memref<80xf32, #tpu.memory_space<vmem>>) target(%dma_start3A_956 : memref<10240xf32, #tpu.memory_space<vmem_shared>>) offsets(%dma_start3A_954 : memref<80xi32, #tpu.memory_space<vmem>>) semaphore(%arg24 : memref<!tpu.dma_semaphore, #tpu.memory_space<semaphore_mem>>) {add = true}
    %dma_wait3A_957 = arith.constant 1 : i32
    %dma_wait3A_958 = arith.constant 0 : i32
    %dma_wait3A_959 = tpu.memref_slice %arg8[%dma_wait3A_957, %dma_wait3A_958] : memref<2x80xi32, #tpu.memory_space<vmem>> -> memref<1x80xi32, #tpu.memory_space<vmem>>
    %dma_wait3A_960 = tpu.memref_squeeze %dma_wait3A_959 : memref<1x80xi32, #tpu.memory_space<vmem>> -> memref<80xi32, #tpu.memory_space<vmem>>
    %dma_wait3A_961 = arith.constant 0 : i32
    %dma_wait3A_962 = arith.constant 0 : i32
    %dma_wait3A_963 = tpu.memref_slice %arg32[%dma_wait3A_961, %dma_wait3A_962] : memref<10240x128xf32, #tpu.memory_space<vmem_shared>> -> memref<10240x128xf32, #tpu.memory_space<vmem_shared>>
    tpu.wait_indirect_dma semaphore(%arg24 : memref<!tpu.dma_semaphore, #tpu.memory_space<semaphore_mem>>) src(%arg14 : memref<80x128xf32, #tpu.memory_space<vmem>>) dst(%dma_wait3A_963 : memref<10240x128xf32, #tpu.memory_space<vmem_shared>>)
    %dma_wait3A_964 = arith.constant 1 : i32
    %dma_wait3A_965 = arith.constant 0 : i32
    %dma_wait3A_966 = tpu.memref_slice %arg8[%dma_wait3A_964, %dma_wait3A_965] : memref<2x80xi32, #tpu.memory_space<vmem>> -> memref<1x80xi32, #tpu.memory_space<vmem>>
    %dma_wait3A_967 = tpu.memref_squeeze %dma_wait3A_966 : memref<1x80xi32, #tpu.memory_space<vmem>> -> memref<80xi32, #tpu.memory_space<vmem>>
    %dma_wait3A_968 = arith.constant 0 : i32
    %dma_wait3A_969 = tpu.memref_slice %arg33[%dma_wait3A_968] : memref<10240xf32, #tpu.memory_space<vmem_shared>> -> memref<10240xf32, #tpu.memory_space<vmem_shared>>
    tpu.wait_indirect_dma semaphore(%arg24 : memref<!tpu.dma_semaphore, #tpu.memory_space<semaphore_mem>>) src(%arg17 : memref<80xf32, #tpu.memory_space<vmem>>) dst(%dma_wait3A_969 : memref<10240xf32, #tpu.memory_space<vmem_shared>>)
    %dma_wait3A_970 = arith.constant 0 : i32
    %dma_wait3A_971 = arith.constant 0 : i32
    %dma_wait3A_972 = tpu.memref_slice %arg6[%dma_wait3A_970, %dma_wait3A_971] : memref<2x80xi32, #tpu.memory_space<vmem>> -> memref<1x80xi32, #tpu.memory_space<vmem>>
    %dma_wait3A_973 = tpu.memref_squeeze %dma_wait3A_972 : memref<1x80xi32, #tpu.memory_space<vmem>> -> memref<80xi32, #tpu.memory_space<vmem>>
    %dma_wait3A_974 = arith.constant 0 : i32
    %dma_wait3A_975 = arith.constant 0 : i32
    %dma_wait3A_976 = tpu.memref_slice %arg2[%dma_wait3A_974, %dma_wait3A_975] : memref<10240x128xf32, #tpu.memory_space<hbm>> -> memref<10240x128xf32, #tpu.memory_space<hbm>>
    tpu.wait_indirect_dma semaphore(%arg21 : memref<!tpu.dma_semaphore, #tpu.memory_space<semaphore_mem>>) src(%dma_wait3A_976 : memref<10240x128xf32, #tpu.memory_space<hbm>>) dst(%arg15 : memref<80x128xf32, #tpu.memory_space<vmem>>)
    %dma_start3A_977 = arith.constant 1 : i32
    %dma_start3A_978 = arith.constant 0 : i32
    %dma_start3A_979 = tpu.memref_slice %arg9[%dma_start3A_977, %dma_start3A_978] : memref<2x80xi32, #tpu.memory_space<vmem>> -> memref<1x80xi32, #tpu.memory_space<vmem>>
    %dma_start3A_980 = tpu.memref_squeeze %dma_start3A_979 : memref<1x80xi32, #tpu.memory_space<vmem>> -> memref<80xi32, #tpu.memory_space<vmem>>
    %dma_start3A_981 = arith.constant 0 : i32
    %dma_start3A_982 = arith.constant 0 : i32
    %dma_start3A_983 = tpu.memref_slice %arg32[%dma_start3A_981, %dma_start3A_982] : memref<10240x128xf32, #tpu.memory_space<vmem_shared>> -> memref<10240x128xf32, #tpu.memory_space<vmem_shared>>
    tpu.enqueue_indirect_dma source(%arg15 : memref<80x128xf32, #tpu.memory_space<vmem>>) target(%dma_start3A_983 : memref<10240x128xf32, #tpu.memory_space<vmem_shared>>) offsets(%dma_start3A_980 : memref<80xi32, #tpu.memory_space<vmem>>) semaphore(%arg25 : memref<!tpu.dma_semaphore, #tpu.memory_space<semaphore_mem>>) {add = true}
    %dma_start3A_984 = arith.constant 1 : i32
    %dma_start3A_985 = arith.constant 0 : i32
    %dma_start3A_986 = tpu.memref_slice %arg9[%dma_start3A_984, %dma_start3A_985] : memref<2x80xi32, #tpu.memory_space<vmem>> -> memref<1x80xi32, #tpu.memory_space<vmem>>
    %dma_start3A_987 = tpu.memref_squeeze %dma_start3A_986 : memref<1x80xi32, #tpu.memory_space<vmem>> -> memref<80xi32, #tpu.memory_space<vmem>>
    %dma_start3A_988 = arith.constant 0 : i32
    %dma_start3A_989 = tpu.memref_slice %arg33[%dma_start3A_988] : memref<10240xf32, #tpu.memory_space<vmem_shared>> -> memref<10240xf32, #tpu.memory_space<vmem_shared>>
    tpu.enqueue_indirect_dma source(%arg17 : memref<80xf32, #tpu.memory_space<vmem>>) target(%dma_start3A_989 : memref<10240xf32, #tpu.memory_space<vmem_shared>>) offsets(%dma_start3A_987 : memref<80xi32, #tpu.memory_space<vmem>>) semaphore(%arg25 : memref<!tpu.dma_semaphore, #tpu.memory_space<semaphore_mem>>) {add = true}
    %dma_wait3A_990 = arith.constant 1 : i32
    %dma_wait3A_991 = arith.constant 0 : i32
    %dma_wait3A_992 = tpu.memref_slice %arg9[%dma_wait3A_990, %dma_wait3A_991] : memref<2x80xi32, #tpu.memory_space<vmem>> -> memref<1x80xi32, #tpu.memory_space<vmem>>
    %dma_wait3A_993 = tpu.memref_squeeze %dma_wait3A_992 : memref<1x80xi32, #tpu.memory_space<vmem>> -> memref<80xi32, #tpu.memory_space<vmem>>
    %dma_wait3A_994 = arith.constant 0 : i32
    %dma_wait3A_995 = arith.constant 0 : i32
    %dma_wait3A_996 = tpu.memref_slice %arg32[%dma_wait3A_994, %dma_wait3A_995] : memref<10240x128xf32, #tpu.memory_space<vmem_shared>> -> memref<10240x128xf32, #tpu.memory_space<vmem_shared>>
    tpu.wait_indirect_dma semaphore(%arg25 : memref<!tpu.dma_semaphore, #tpu.memory_space<semaphore_mem>>) src(%arg15 : memref<80x128xf32, #tpu.memory_space<vmem>>) dst(%dma_wait3A_996 : memref<10240x128xf32, #tpu.memory_space<vmem_shared>>)
    %dma_wait3A_997 = arith.constant 1 : i32
    %dma_wait3A_998 = arith.constant 0 : i32
    %dma_wait3A_999 = tpu.memref_slice %arg9[%dma_wait3A_997, %dma_wait3A_998] : memref<2x80xi32, #tpu.memory_space<vmem>> -> memref<1x80xi32, #tpu.memory_space<vmem>>
    %dma_wait3A_1000 = tpu.memref_squeeze %dma_wait3A_999 : memref<1x80xi32, #tpu.memory_space<vmem>> -> memref<80xi32, #tpu.memory_space<vmem>>
    %dma_wait3A_1001 = arith.constant 0 : i32
    %dma_wait3A_1002 = tpu.memref_slice %arg33[%dma_wait3A_1001] : memref<10240xf32, #tpu.memory_space<vmem_shared>> -> memref<10240xf32, #tpu.memory_space<vmem_shared>>
    tpu.wait_indirect_dma semaphore(%arg25 : memref<!tpu.dma_semaphore, #tpu.memory_space<semaphore_mem>>) src(%arg17 : memref<80xf32, #tpu.memory_space<vmem>>) dst(%dma_wait3A_1002 : memref<10240xf32, #tpu.memory_space<vmem_shared>>)
    %dma_wait3A_1003 = arith.constant 0 : i32
    %dma_wait3A_1004 = arith.constant 0 : i32
    %dma_wait3A_1005 = tpu.memref_slice %arg6[%dma_wait3A_1003, %dma_wait3A_1004] : memref<2x80xi32, #tpu.memory_space<vmem>> -> memref<1x80xi32, #tpu.memory_space<vmem>>
    %dma_wait3A_1006 = tpu.memref_squeeze %dma_wait3A_1005 : memref<1x80xi32, #tpu.memory_space<vmem>> -> memref<80xi32, #tpu.memory_space<vmem>>
    %dma_wait3A_1007 = arith.constant 0 : i32
    %dma_wait3A_1008 = arith.constant 0 : i32
    %dma_wait3A_1009 = tpu.memref_slice %arg2[%dma_wait3A_1007, %dma_wait3A_1008] : memref<10240x128xf32, #tpu.memory_space<hbm>> -> memref<10240x128xf32, #tpu.memory_space<hbm>>
    tpu.wait_indirect_dma semaphore(%arg18 : memref<!tpu.dma_semaphore, #tpu.memory_space<semaphore_mem>>) src(%dma_wait3A_1009 : memref<10240x128xf32, #tpu.memory_space<hbm>>) dst(%arg12 : memref<80x128xf32, #tpu.memory_space<vmem>>)
    %dma_start3A_1010 = arith.constant 1 : i32
    %dma_start3A_1011 = arith.constant 0 : i32
    %dma_start3A_1012 = tpu.memref_slice %arg10[%dma_start3A_1010, %dma_start3A_1011] : memref<2x80xi32, #tpu.memory_space<vmem>> -> memref<1x80xi32, #tpu.memory_space<vmem>>
    %dma_start3A_1013 = tpu.memref_squeeze %dma_start3A_1012 : memref<1x80xi32, #tpu.memory_space<vmem>> -> memref<80xi32, #tpu.memory_space<vmem>>
    %dma_start3A_1014 = arith.constant 0 : i32
    %dma_start3A_1015 = arith.constant 0 : i32
    %dma_start3A_1016 = tpu.memref_slice %arg32[%dma_start3A_1014, %dma_start3A_1015] : memref<10240x128xf32, #tpu.memory_space<vmem_shared>> -> memref<10240x128xf32, #tpu.memory_space<vmem_shared>>
    tpu.enqueue_indirect_dma source(%arg12 : memref<80x128xf32, #tpu.memory_space<vmem>>) target(%dma_start3A_1016 : memref<10240x128xf32, #tpu.memory_space<vmem_shared>>) offsets(%dma_start3A_1013 : memref<80xi32, #tpu.memory_space<vmem>>) semaphore(%arg22 : memref<!tpu.dma_semaphore, #tpu.memory_space<semaphore_mem>>) {add = true}
    %dma_start3A_1017 = arith.constant 1 : i32
    %dma_start3A_1018 = arith.constant 0 : i32
    %dma_start3A_1019 = tpu.memref_slice %arg10[%dma_start3A_1017, %dma_start3A_1018] : memref<2x80xi32, #tpu.memory_space<vmem>> -> memref<1x80xi32, #tpu.memory_space<vmem>>
    %dma_start3A_1020 = tpu.memref_squeeze %dma_start3A_1019 : memref<1x80xi32, #tpu.memory_space<vmem>> -> memref<80xi32, #tpu.memory_space<vmem>>
    %dma_start3A_1021 = arith.constant 0 : i32
    %dma_start3A_1022 = tpu.memref_slice %arg33[%dma_start3A_1021] : memref<10240xf32, #tpu.memory_space<vmem_shared>> -> memref<10240xf32, #tpu.memory_space<vmem_shared>>
    tpu.enqueue_indirect_dma source(%arg17 : memref<80xf32, #tpu.memory_space<vmem>>) target(%dma_start3A_1022 : memref<10240xf32, #tpu.memory_space<vmem_shared>>) offsets(%dma_start3A_1020 : memref<80xi32, #tpu.memory_space<vmem>>) semaphore(%arg22 : memref<!tpu.dma_semaphore, #tpu.memory_space<semaphore_mem>>) {add = true}
    %dma_wait3A_1023 = arith.constant 1 : i32
    %dma_wait3A_1024 = arith.constant 0 : i32
    %dma_wait3A_1025 = tpu.memref_slice %arg10[%dma_wait3A_1023, %dma_wait3A_1024] : memref<2x80xi32, #tpu.memory_space<vmem>> -> memref<1x80xi32, #tpu.memory_space<vmem>>
    %dma_wait3A_1026 = tpu.memref_squeeze %dma_wait3A_1025 : memref<1x80xi32, #tpu.memory_space<vmem>> -> memref<80xi32, #tpu.memory_space<vmem>>
    %dma_wait3A_1027 = arith.constant 0 : i32
    %dma_wait3A_1028 = arith.constant 0 : i32
    %dma_wait3A_1029 = tpu.memref_slice %arg32[%dma_wait3A_1027, %dma_wait3A_1028] : memref<10240x128xf32, #tpu.memory_space<vmem_shared>> -> memref<10240x128xf32, #tpu.memory_space<vmem_shared>>
    tpu.wait_indirect_dma semaphore(%arg22 : memref<!tpu.dma_semaphore, #tpu.memory_space<semaphore_mem>>) src(%arg12 : memref<80x128xf32, #tpu.memory_space<vmem>>) dst(%dma_wait3A_1029 : memref<10240x128xf32, #tpu.memory_space<vmem_shared>>)
    %dma_wait3A_1030 = arith.constant 1 : i32
    %dma_wait3A_1031 = arith.constant 0 : i32
    %dma_wait3A_1032 = tpu.memref_slice %arg10[%dma_wait3A_1030, %dma_wait3A_1031] : memref<2x80xi32, #tpu.memory_space<vmem>> -> memref<1x80xi32, #tpu.memory_space<vmem>>
    %dma_wait3A_1033 = tpu.memref_squeeze %dma_wait3A_1032 : memref<1x80xi32, #tpu.memory_space<vmem>> -> memref<80xi32, #tpu.memory_space<vmem>>
    %dma_wait3A_1034 = arith.constant 0 : i32
    %dma_wait3A_1035 = tpu.memref_slice %arg33[%dma_wait3A_1034] : memref<10240xf32, #tpu.memory_space<vmem_shared>> -> memref<10240xf32, #tpu.memory_space<vmem_shared>>
    tpu.wait_indirect_dma semaphore(%arg22 : memref<!tpu.dma_semaphore, #tpu.memory_space<semaphore_mem>>) src(%arg17 : memref<80xf32, #tpu.memory_space<vmem>>) dst(%dma_wait3A_1035 : memref<10240xf32, #tpu.memory_space<vmem_shared>>)
    %barrier3A_1036 = arith.constant 0 : index
    tpu.barrier barrier_id(%barrier3A_1036)
    %mul3A_1037 = arith.constant 640 : i32
    %mul3A_1038 = arith.muli %arg1, %mul3A_1037 : i32
    "tpu.region"() ({
      %run_scoped3A = tpu.sem_alloc : memref<!tpu.dma_semaphore, #tpu.memory_space<semaphore_mem>>
      %dma_start3A_1039 = arith.constant 0 : i32
      %dma_start3A_1040 = arith.constant 0 : i32
      %dma_start3A_1041 = tpu.memref_slice %arg4[%arg0, %dma_start3A_1039, %dma_start3A_1040] : memref<2x10240x128xf32, #tpu.memory_space<hbm>> -> memref<1x10240x128xf32, #tpu.memory_space<hbm>>
      %dma_start3A_1042 = tpu.memref_squeeze %dma_start3A_1041 : memref<1x10240x128xf32, #tpu.memory_space<hbm>> -> memref<10240x128xf32, #tpu.memory_space<hbm>>
      %dma_start3A_1043 = arith.constant 0 : i32
      %dma_start3A_1044 = tpu.memref_slice %dma_start3A_1042[%mul3A_1038, %dma_start3A_1043] : memref<10240x128xf32, #tpu.memory_space<hbm>> -> memref<640x128xf32, #tpu.memory_space<hbm>>
      %dma_start3A_1045 = arith.constant 0 : i32
      %dma_start3A_1046 = tpu.memref_slice %arg32[%mul3A_1038, %dma_start3A_1045] : memref<10240x128xf32, #tpu.memory_space<vmem_shared>> -> memref<640x128xf32, #tpu.memory_space<vmem_shared>>
      tpu.enqueue_dma source(%dma_start3A_1046 : memref<640x128xf32, #tpu.memory_space<vmem_shared>>) target(%dma_start3A_1044 : memref<640x128xf32, #tpu.memory_space<hbm>>) target_semaphore(%run_scoped3A : memref<!tpu.dma_semaphore, #tpu.memory_space<semaphore_mem>>)
      %dma_wait3A_1047 = arith.constant 0 : i32
      %dma_wait3A_1048 = arith.constant 0 : i32
      %dma_wait3A_1049 = tpu.memref_slice %arg4[%arg0, %dma_wait3A_1047, %dma_wait3A_1048] : memref<2x10240x128xf32, #tpu.memory_space<hbm>> -> memref<1x10240x128xf32, #tpu.memory_space<hbm>>
      %dma_wait3A_1050 = tpu.memref_squeeze %dma_wait3A_1049 : memref<1x10240x128xf32, #tpu.memory_space<hbm>> -> memref<10240x128xf32, #tpu.memory_space<hbm>>
      %dma_wait3A_1051 = arith.constant 0 : i32
      %dma_wait3A_1052 = tpu.memref_slice %dma_wait3A_1050[%mul3A_1038, %dma_wait3A_1051] : memref<10240x128xf32, #tpu.memory_space<hbm>> -> memref<640x128xf32, #tpu.memory_space<hbm>>
      %dma_wait3A_1053 = arith.constant 0 : i32
      %dma_wait3A_1054 = tpu.memref_slice %arg32[%mul3A_1038, %dma_wait3A_1053] : memref<10240x128xf32, #tpu.memory_space<vmem_shared>> -> memref<640x128xf32, #tpu.memory_space<vmem_shared>>
      tpu.wait_dma2 semaphore(%run_scoped3A : memref<!tpu.dma_semaphore, #tpu.memory_space<semaphore_mem>>) src(%dma_wait3A_1054 : memref<640x128xf32, #tpu.memory_space<vmem_shared>>) dst(%dma_wait3A_1052 : memref<640x128xf32, #tpu.memory_space<hbm>>)
      tpu.yield
    }) : () -> ()
    "tpu.region"() ({
      %run_scoped3A = tpu.sem_alloc : memref<!tpu.dma_semaphore, #tpu.memory_space<semaphore_mem>>
      %dma_start3A_1039 = arith.constant 0 : i32
      %dma_start3A_1040 = tpu.memref_slice %arg5[%arg0, %dma_start3A_1039] : memref<2x10240xf32, #tpu.memory_space<hbm>> -> memref<1x10240xf32, #tpu.memory_space<hbm>>
      %dma_start3A_1041 = tpu.memref_squeeze %dma_start3A_1040 : memref<1x10240xf32, #tpu.memory_space<hbm>> -> memref<10240xf32, #tpu.memory_space<hbm>>
      %dma_start3A_1042 = tpu.memref_slice %dma_start3A_1041[%mul3A_1038] : memref<10240xf32, #tpu.memory_space<hbm>> -> memref<640xf32, #tpu.memory_space<hbm>>
      %dma_start3A_1043 = tpu.memref_slice %arg33[%mul3A_1038] : memref<10240xf32, #tpu.memory_space<vmem_shared>> -> memref<640xf32, #tpu.memory_space<vmem_shared>>
      tpu.enqueue_dma source(%dma_start3A_1043 : memref<640xf32, #tpu.memory_space<vmem_shared>>) target(%dma_start3A_1042 : memref<640xf32, #tpu.memory_space<hbm>>) target_semaphore(%run_scoped3A : memref<!tpu.dma_semaphore, #tpu.memory_space<semaphore_mem>>)
      %dma_wait3A_1044 = arith.constant 0 : i32
      %dma_wait3A_1045 = tpu.memref_slice %arg5[%arg0, %dma_wait3A_1044] : memref<2x10240xf32, #tpu.memory_space<hbm>> -> memref<1x10240xf32, #tpu.memory_space<hbm>>
      %dma_wait3A_1046 = tpu.memref_squeeze %dma_wait3A_1045 : memref<1x10240xf32, #tpu.memory_space<hbm>> -> memref<10240xf32, #tpu.memory_space<hbm>>
      %dma_wait3A_1047 = tpu.memref_slice %dma_wait3A_1046[%mul3A_1038] : memref<10240xf32, #tpu.memory_space<hbm>> -> memref<640xf32, #tpu.memory_space<hbm>>
      %dma_wait3A_1048 = tpu.memref_slice %arg33[%mul3A_1038] : memref<10240xf32, #tpu.memory_space<vmem_shared>> -> memref<640xf32, #tpu.memory_space<vmem_shared>>
      tpu.wait_dma2 semaphore(%run_scoped3A : memref<!tpu.dma_semaphore, #tpu.memory_space<semaphore_mem>>) src(%dma_wait3A_1048 : memref<640xf32, #tpu.memory_space<vmem_shared>>) dst(%dma_wait3A_1047 : memref<640xf32, #tpu.memory_space<hbm>>)
      tpu.yield
    }) : () -> ()
    return
  }
}

module attributes {stable_mosaic.version = 14 : i64} {
  func.func @_tc_combine_body(%arg0: i32, %arg1: memref<2x1000x128xf32, #tpu.memory_space<vmem>>, %arg2: memref<2x1000x1xf32, #tpu.memory_space<vmem>>, %arg3: memref<128x128xf32, #tpu.memory_space<vmem>>, %arg4: memref<1x128xf32, #tpu.memory_space<vmem>>, %arg5: memref<1000x128xf32, #tpu.memory_space<vmem>>) attributes {dimension_semantics = [#tpu.dimension_semantics<arbitrary>], iteration_bounds = array<i64: 10>, scalar_prefetch = 0 : i64, scratch_operands = 0 : i64, tpu.core_type = #tpu.core_type<tc>, window_params = [{transform_indices = @transform_0, window_bounds = array<i64: 2, 1000, 128>}, {transform_indices = @transform_1, window_bounds = array<i64: 2, 1000, 1>}, {pipeline_mode = #tpu.pipeline_mode<synchronous>, transform_indices = @transform_2, window_bounds = array<i64: 128, 128>}, {pipeline_mode = #tpu.pipeline_mode<synchronous>, transform_indices = @transform_3, window_bounds = array<i64: 1, 128>}, {transform_indices = @transform_4, window_bounds = array<i64: 1000, 128>}]} {
    %get3A = arith.constant 0 : index
    %get3A_0 = arith.constant 0 : index
    %get3A_1 = arith.constant 0 : index
    %get3A_2 = vector.load %arg1[%get3A, %get3A_0, %get3A_1] : memref<2x1000x128xf32, #tpu.memory_space<vmem>>, vector<1x1000x128xf32>
    %get3A_3 = vector.shape_cast %get3A_2 : vector<1x1000x128xf32> to vector<1000x128xf32>
    %get3A_4 = arith.constant 1 : index
    %get3A_5 = arith.constant 0 : index
    %get3A_6 = arith.constant 0 : index
    %get3A_7 = vector.load %arg1[%get3A_4, %get3A_5, %get3A_6] : memref<2x1000x128xf32, #tpu.memory_space<vmem>>, vector<1x1000x128xf32>
    %get3A_8 = vector.shape_cast %get3A_7 : vector<1x1000x128xf32> to vector<1000x128xf32>
    %add3A = arith.addf %get3A_3, %get3A_8 : vector<1000x128xf32>
    %get3A_9 = arith.constant 0 : index
    %get3A_10 = arith.constant 0 : index
    %get3A_11 = arith.constant 0 : index
    %get3A_12 = vector.load %arg2[%get3A_9, %get3A_10, %get3A_11] : memref<2x1000x1xf32, #tpu.memory_space<vmem>>, vector<1x1000x1xf32>
    %get3A_13 = vector.shape_cast %get3A_12 : vector<1x1000x1xf32> to vector<1000x1xf32>
    %get3A_14 = arith.constant 1 : index
    %get3A_15 = arith.constant 0 : index
    %get3A_16 = arith.constant 0 : index
    %get3A_17 = vector.load %arg2[%get3A_14, %get3A_15, %get3A_16] : memref<2x1000x1xf32, #tpu.memory_space<vmem>>, vector<1x1000x1xf32>
    %get3A_18 = vector.shape_cast %get3A_17 : vector<1x1000x1xf32> to vector<1000x1xf32>
    %add3A_19 = arith.addf %get3A_13, %get3A_18 : vector<1000x1xf32>
    %add3A_20 = arith.constant 1.000000e+00 : f32
    %add3A_21 = vector.broadcast %add3A_20 : f32 to vector<1000x1xf32>
    %add3A_22 = arith.addf %add3A_19, %add3A_21 : vector<1000x1xf32>
    %get3A_23 = arith.constant 0 : index
    %get3A_24 = arith.constant 0 : index
    %get3A_25 = vector.load %arg3[%get3A_23, %get3A_24] : memref<128x128xf32, #tpu.memory_space<vmem>>, vector<128x128xf32>
    %dot_general3A = arith.constant dense<0.000000e+00> : vector<1000x128xf32>
    %dot_general3A_26 = tpu.matmul %add3A, %get3A_25, %dot_general3A {dimension_numbers = #tpu.dot_dimension_numbers<[1], [0], [0], [1], [0, 0, 1, 1], [], []>, transpose_lhs_hint = false} : vector<1000x128xf32>, vector<128x128xf32>, vector<1000x128xf32> -> vector<1000x128xf32>
    %get3A_27 = arith.constant 0 : index
    %get3A_28 = arith.constant 0 : index
    %get3A_29 = vector.load %arg4[%get3A_27, %get3A_28] : memref<1x128xf32, #tpu.memory_space<vmem>>, vector<1x128xf32>
    %add3A_30 = vector.broadcast %get3A_29 : vector<1x128xf32> to vector<1000x128xf32>
    %add3A_31 = arith.addf %dot_general3A_26, %add3A_30 : vector<1000x128xf32>
    %div3A = vector.broadcast %add3A_22 : vector<1000x1xf32> to vector<1000x128xf32>
    %div3A_32 = arith.divf %add3A_31, %div3A : vector<1000x128xf32>
    %get3A_33 = arith.constant 0 : index
    %get3A_34 = arith.constant 0 : index
    %get3A_35 = vector.load %arg4[%get3A_33, %get3A_34] : memref<1x128xf32, #tpu.memory_space<vmem>>, vector<1x128xf32>
    %add3A_36 = vector.broadcast %get3A_35 : vector<1x128xf32> to vector<1000x128xf32>
    %add3A_37 = arith.addf %div3A_32, %add3A_36 : vector<1000x128xf32>
    %swap3A = arith.constant 0 : index
    %swap3A_38 = arith.constant 0 : index
    %swap3A_39 = vector.load %arg5[%swap3A, %swap3A_38] : memref<1000x128xf32, #tpu.memory_space<vmem>>, vector<1000x128xf32>
    tpu.vector_store %arg5[%swap3A, %swap3A_38], %add3A_37 {strides = array<i32>} : memref<1000x128xf32, #tpu.memory_space<vmem>>, vector<1000x128xf32>,
    return
  }
  func.func @transform_0(%arg0: i32) -> (i32, i32, i32) {
    %c0_i32 = arith.constant 0 : i32
    %c0_i32_0 = arith.constant 0 : i32
    %c0_i32_1 = arith.constant 0 : i32
    return %c0_i32, %arg0, %c0_i32_0 : i32, i32, i32
  }
  func.func @transform_1(%arg0: i32) -> (i32, i32, i32) {
    %c0_i32 = arith.constant 0 : i32
    %c0_i32_0 = arith.constant 0 : i32
    %c0_i32_1 = arith.constant 0 : i32
    return %c0_i32, %arg0, %c0_i32_0 : i32, i32, i32
  }
  func.func @transform_2(%arg0: i32) -> (i32, i32) {
    %c0_i32 = arith.constant 0 : i32
    %c0_i32_0 = arith.constant 0 : i32
    %c0_i32_1 = arith.constant 0 : i32
    return %c0_i32, %c0_i32_0 : i32, i32
  }
  func.func @transform_3(%arg0: i32) -> (i32, i32) {
    %c0_i32 = arith.constant 0 : i32
    %c0_i32_0 = arith.constant 0 : i32
    %c0_i32_1 = arith.constant 0 : i32
    return %c0_i32, %c0_i32_0 : i32, i32
  }
  func.func @transform_4(%arg0: i32) -> (i32, i32) {
    %c0_i32 = arith.constant 0 : i32
    %c0_i32_0 = arith.constant 0 : i32
    return %arg0, %c0_i32 : i32, i32
  }
}

</mosaic_0001>

<sc_bundles>
// kernel: kernel.4.cloned.1.call-start
scs
__scs_entry_jumppad:
0x0: {  	(pc) =	sbr.rel $0x88, $3  }
0x1: {  	(tag) =	ssettag $0x0;
	lr =	simm.s32 $0x1  }
0x2: {  	[smem:$0x3F9D] =	sst lr;
	_ =	strace $0xD0000000  }
0x3: {  	_ = 	snop  }
0x4: {  	_ = 	snop  }
0x5: {  	_ = 	snop  }
0x6: {  	_ = 	snop  }
0x7: {  	_ = 	snop  }
__scs_overlays_trampoline_lowered:
0x8: {  	[smem:$0x3FAC] =	sst s0  }
0x9: {  	[smem:$0x3FAD] =	sst s1  }
0xa: {  	[smem:$0x3FAE] =	sst s2  }
0xb: {  	[smem:$0x3FAF] =	sst s3  }
0xc: {  	[smem:$0x3FB0] =	sst s4  }
0xd: {  	[smem:$0x3FB1] =	sst s5  }
0xe: {  	[smem:$0x3FB2] =	sst s6  }
0xf: {  	[smem:$0x3FB3] =	sst s7  }
0x10: {  	[smem:$0x3FB4] =	sst s8  }
0x11: {  	[smem:$0x3FB5] =	sst s9;
	s0 =	simm.s32 @!p0 $0x0  }
0x12: {  	s1 =	sld [smem:$0x3F9B];
	s0 =	simm.s32 @p0 $0x1  }
0x13: {  	[smem:$0x3FB6] =	sst s0;
	s0 =	simm.s32 @!p1 $0x0  }
0x14: {  	s2 =	sld [smem:$0x3F9A];
	s0 =	simm.s32 @p1 $0x1  }
0x15: {  	[smem:$0x3FB7] =	sst s0;
	s0 =	simm.s32 @!p2 $0x0  }
0x16: {  	s3 =	sld [smem:$0x3FDB];
	s0 =	simm.s32 @p2 $0x1  }
0x17: {  	s4 =	simm.s32 $0x1BF5;
	[smem:$0x3FB9] =	sst s0  }
0x18: {  	s0 =	sld [smem:$0x3F9C];
	_ =	swait.ge [sflag:s4], $0x0  }
0x19: {  	s7 =	sld [smem:$0x3F9D]  }
0x1a: {  	s8 =	sadd.s32 $0xFFFFE003, lr  }
0x1b: {  	s9 =	sadd.s32 $0xFFFFFEF7, lr;
	s5 =	simm.s32 $0xFFFFFFFF;
	p2 =	slt.u32 s8, $0xFFFFF086  }
0x1c: {  	p1 =	slt.u32 s9, $0xF7A;
	s5 =	simm.s32 @!p2 $0x0  }
0x1d: {  	s5 =	simm.s32 @p1 $0x1;
	p0 =	seq.s32 s7, s2  }
0x1e: {  	s7 =	smul.u32 @!p0 $0xF7A, s2;
	p2 =	seq.s32 @!p0 s5, $0x0  }
0x1f: {  	s9 =	smul.u32 $0xF7A, s1;
	s8 =	simm.s32 @!p0 $0x1BF5;
	p2 =	por !p2, p0  }
0x20: {  	[sflag:s8] =	ssyncset.s32 @!p0 $0xFFFFF086;
	s6 =	sadd.s32 @!p0 s3, s7;
	s7 =	simm.s32 @!p0 $0x108  }
0x21: {  	s3 =	sadd.s32 s3, s9;
	s6 =	sadd.s32 @!p0 $0x88, s6;
	s7 =	simm.s32 @p2 $0x1082  }
0x22: {  	[simem:s7], [sflag:s8] =	dma.local @!p0 [hbm:s6], $0xF7A  }
0x23: {  	s9 =	sor.u32 $0xD0000000, s2;
	s6 =	simm.s32 $0x108;
	_ =	swait.ge @!p0 [sflag:s8], $0x0  }
0x24: {  	s3 =	sadd.s32 $0x88, s3;
	s6 =	simm.s32 @!p1 $0x1082;
	[sflag:s4] =	ssyncset.s32 $0xFFFFF086  }
0x25: {  	[simem:s6], [sflag:s4] =	dma.local [hbm:s3], $0xF7A  }
0x26: {  	[smem:$0x3F9D] =	sst s1;
	(tag) =	ssettag s2;
	_ =	strace s9  }
0x27: {  	s1 =	sld [smem:$0x3FAD]  }
0x28: {  	s2 =	sld [smem:$0x3FAE]  }
0x29: {  	s4 =	sld [smem:$0x3FB0]  }
0x2a: {  	p0 =	seq.s32 s5, $0x0;
	s5 =	sld [smem:$0x3FB1]  }
0x2b: {  	s6 =	sld [smem:$0x3FB2]  }
0x2c: {  	s7 =	sld [smem:$0x3FB3]  }
0x2d: {  	s3 =	simm.s32 $0x108;
	s8 =	sld [smem:$0x3FB4]  }
0x2e: {  	s3 =	simm.s32 @!p0 $0x1082;
	s9 =	sld [smem:$0x3FB5]  }
0x2f: {  	lr =	sadd.s32 s0, s3;
	s0 =	sld [smem:$0x3FAC]  }
0x30: {  	s3 =	sld [smem:$0x3FAF]  }
0x31: {  	[smem:$0x3FB8] =	sst s10  }
0x32: {  	s10 =	sld [smem:$0x3FB6];
	_ =	sdelay $0x3  }
0x33: {  	p0 =	seq.s32 s10, $0x1;
	s10 =	sld [smem:$0x3FB8];
	_ =	sdelay $0x3  }
0x34: {  	[smem:$0x3FB8] =	sst s10  }
0x35: {  	s10 =	sld [smem:$0x3FB7];
	_ =	sdelay $0x3  }
0x36: {  	p1 =	seq.s32 s10, $0x1;
	s10 =	sld [smem:$0x3FB8];
	_ =	sdelay $0x3  }
0x37: {  	[smem:$0x3FB8] =	sst s10  }
0x38: {  	s10 =	sld [smem:$0x3FB9]  }
0x39: {  	_ = 	snop;
	(pc) =	sbr.ind lr, $3  }
0x3a: {  	_ = 	snop  }
0x3b: {  	_ = 	snop  }
0x3c: {  	p2 =	seq.s32 s10, $0x1;
	s10 =	sld [smem:$0x3FB8]  }
0x3d: {  	_ =	shalt  }
0x3e: {  	_ =	shalt  }
0x3f: {  	_ =	shalt  }
0x40: {  	_ =	shalt  }
0x41: {  	_ =	shalt  }
0x42: {  	_ =	shalt  }
0x43: {  	_ =	shalt  }
0x44: {  	_ =	shalt  }
0x45: {  	_ =	shalt  }
0x46: {  	_ =	shalt  }
0x47: {  	_ =	shalt  }
0x48: {  	_ =	shalt  }
0x49: {  	_ =	shalt  }
0x4a: {  	_ =	shalt  }
0x4b: {  	_ =	shalt  }
0x4c: {  	_ =	shalt  }
0x4d: {  	_ =	shalt  }
0x4e: {  	_ =	shalt  }
0x4f: {  	_ =	shalt  }
0x50: {  	_ =	shalt  }
0x51: {  	_ =	shalt  }
0x52: {  	_ =	shalt  }
0x53: {  	_ =	shalt  }
0x54: {  	_ =	shalt  }
0x55: {  	_ =	shalt  }
0x56: {  	_ =	shalt  }
0x57: {  	_ =	shalt  }
0x58: {  	_ =	shalt  }
0x59: {  	_ =	shalt  }
0x5a: {  	_ =	shalt  }
0x5b: {  	_ =	shalt  }
0x5c: {  	_ =	shalt  }
0x5d: {  	_ =	shalt  }
0x5e: {  	_ =	shalt  }
0x5f: {  	_ =	shalt  }
0x60: {  	_ =	shalt  }
0x61: {  	_ =	shalt  }
0x62: {  	_ =	shalt  }
0x63: {  	_ =	shalt  }
0x64: {  	_ =	shalt  }
0x65: {  	_ =	shalt  }
0x66: {  	_ =	shalt  }
0x67: {  	_ =	shalt  }
0x68: {  	_ =	shalt  }
0x69: {  	_ =	shalt  }
0x6a: {  	_ =	shalt  }
0x6b: {  	_ =	shalt  }
0x6c: {  	_ =	shalt  }
0x6d: {  	_ =	shalt  }
0x6e: {  	_ =	shalt  }
0x6f: {  	_ =	shalt  }
0x70: {  	_ =	shalt  }
0x71: {  	_ =	shalt  }
0x72: {  	_ =	shalt  }
0x73: {  	_ =	shalt  }
0x74: {  	_ =	shalt  }
0x75: {  	_ =	shalt  }
0x76: {  	_ =	shalt  }
0x77: {  	_ =	shalt  }
0x78: {  	_ =	shalt  }
0x79: {  	_ =	shalt  }
0x7a: {  	_ =	shalt  }
0x7b: {  	_ =	shalt  }
0x7c: {  	_ =	shalt  }
0x7d: {  	_ =	shalt  }
0x7e: {  	_ =	shalt  }
0x7f: {  	_ =	shalt  }
0x80: {  	_ =	shalt  }
0x81: {  	_ =	shalt  }
0x82: {  	_ =	shalt  }
0x83: {  	_ =	shalt  }
0x84: {  	_ =	shalt  }
0x85: {  	_ =	shalt  }
0x86: {  	_ =	shalt  }
0x87: {  	_ =	shalt  }
.Lfunc_end0:
.L_simem_size_0:
called_computation_lowered:
.L_overlay_start_0:
0x88: {  	s2 =	sld [smem:$0x3FD9]  }
0x89: {  	s3 =	sld [smem:$0x3FFE];
	_ =	sdelay $0x1  }
0x8a: {  	s1 =	srdreg.scid  }
0x8b: {  	s0 =	sand.u32 $0x1, s1  }
0x8c: {  	s17 =	sshll.u32 s0, $0xA;
	s2 =	sadd.s32 s3, s2  }
0x8d: {  	s2 =	sadd.s32 s2, s17  }
0x8e: {  	[smem:$0x3FC4] =	sst s2  }
0x8f: {  	_ = 	snop  }
0x90: {  	s2 =	sld [smem:$0x3FD0];
	(tm) =	ssettm $0x1  }
0x91: {  	s18 =	sld [smem:$0x3FFB];
	_ =	sdelay $0x3  }
0x92: {  	_ =	strace s18  }
0x93: {  	s3 =	sld [smem:$0x3FFC];
	_ =	sdelay $0x3  }
0x94: {  	_ =	strace s3  }
0x95: {  	s3 =	sld [smem:$0x3FFD];
	_ =	sdelay $0x3  }
0x96: {  	_ =	strace s3  }
0x97: {  	_ =	strace $0x8FFFFFFF  }
0x98: {  	s19 =	sld [smem:$0x3FDB];
	_ =	sdelay $0x1  }
0x99: {  	s4 =	simm.s32 $_scs_section_size  }
0x9a: {  	s5 =	simm.s32 $_size__tile_overlayer_lowered;
	s6 =	simm.s32 $_tile_overlayer_lowered  }
0x9b: {  	s22 =	simm.s32 $0x1BFF;
	s21 =	sshll.u32 s6, $0x1;
	s3 =	sadd.s32 s4, s19  }
0x9c: {  	s7 =	simm.s32 $0x0;
	s20 =	sshll.u32 s5, $0x1;
	s5 =	sadd.s32 s21, s3  }
0x9d: {  	[timem:s7], [sflag:s22] =	dma.local [hbm:s5], s20  }
0x9e: {  	_ =	swait.ge [sflag:s22], s20  }
0x9f: {  	s4 =	ssub.s32 $0x0, s20;
	[sflag:s22] =	ssyncset.done $0x0  }
0xa0: {  	[sflag:s22] =	ssyncadd.s32 s4;
	_ =	sdelay $0x1  }
0xa1: {  	s23 =	simm.s32 $0x1B8B  }
0xa2: {  	_ =	swait.ge [sflag:s23], $0x1  }
0xa3: {  	[sflag:s23] =	ssyncset.done $0x0  }
0xa4: {  	s25 =	simm.s32 $0x1B8E;
	s24 =	sld [smem:$0x3FFE];
	[sflag:s23] =	ssyncadd.s32 $0xFFFFFFFF  }
0xa5: {  	s26 =	simm.s32 $execute0_lowered;
	[smem:$0x3FD2] =	sst s25  }
0xa6: {  	s5 =	sshll.u32 s26, $0x1;
	_ =	strace $0x80000046;
	[dreg:$0x1] =	wrdreg $0xFFFFFFFF  }
0xa7: {  	s28 =	simm.s32 $_size_execute0_lowered;
	s3 =	sadd.s32 s3, s5;
	[dreg:$0x0] =	wrdreg $0x0  }
0xa8: {  	s5 =	sshll.u32 s28, $0x1;
	[dreg:$0x2] =	wrdreg s3  }
0xa9: {  	[dreg:$0x3] =	wrdreg s5  }
0xaa: {  	[dreg:$0x4] =	wrdreg $0xC0  }
0xab: {  	_ =	task [dreg:s7], $0x5FFFF  }
0xac: {  	[dreg:$0x1] =	wrdreg $0xFFFFFFFF  }
0xad: {  	[dreg:$0x0] =	wrdreg $0x60  }
0xae: {  	[dreg:$0x2] =	wrdreg s24  }
0xaf: {  	[dreg:$0x3] =	wrdreg s2  }
0xb0: {  	[dreg:$0x4] =	wrdreg $0xA7000  }
0xb1: {  	[dreg:$0x5] =	wrdreg $0x1E7000  }
0xb2: {  	[dreg:$0x6] =	wrdreg $0x9  }
0xb3: {  	_ =	task.clear_ibuf [dreg:s7], $0x7FFFF;
	_ =	strace $0x90000046  }
0xb4: {  	s29 =	simm.s32 $0x9;
	_ =	strace $0x80000048  }
0xb5: {  	_ =	swait.ge [sflag:s29], $0x1  }
0xb6: {  	[sflag:s29] =	ssyncadd.s32 $0xFFFFFFFF  }
0xb7: {  	_ =	strace $0x90000048  }
0xb8: {  	_ =	sfence  }
0xb9: {  	s30 =	sld [smem:$0x0];
	_ =	sdelay $0x2  }
0xba: {  	s31 =	sshll.u32 s1, $0xD;
	s1 =	sshrl.u32 s1, $0x2  }
0xbb: {  	s3 =	sand.u32 $0x4000, s31;
	s1 =	sadd.s32 s1, s30  }
0xbc: {  	s0 =	sor.u32 s3, s0;
	s1 =	sshll.u32 s1, $0x11  }
0xbd: {  	s0 =	sor.u32 s1, s0  }
0xbe: {  	s0 =	sadd.s32 $0x8F2B, s0  }
0xbf: {  	[sflag:s0] =	ssyncadd.remote.s32 $0x1  }
0xc0: {  	_ =	sfence.sel $0xFFFF  }
0xc1: {  	[dreg:$0x0] =	wrdreg $0xFFFFFFFF;
	(pc) =	sbr.abs _section_cstart, $3  }
0xc2: {  	[dreg:$0x1] =	wrdreg $0xFFFFFFFF  }
0xc3: {  	_ =	task.clear_ibuf [dreg:s7], $0x2FFFF;
	_ =	strace $0x9FFFFFFF  }
0xc4: {  	(tm) =	ssettm $0x7FFFFFFF  }
0xc5: {  	_ =	shalt  }
tec
execute0_lowered:
.L_overlay_start_1:
0x0: {  	(tag) =	ssettag $0x1  }
0x1: {  	s0 =	rddreg [dreg:$0x0]  }
0x2: {  	s4 =	rddreg [dreg:$0x1]  }
0x3: {  	s1 =	rddreg [dreg:$0x2];
	s14 =	stileid.u32  }
0x4: {  	s2 =	rddreg [dreg:$0x3];
	s8 =	smul.u32 $0x50000, s14  }
0x5: {  	s5 =	srdreg.scid;
	s3 =	simm.s32 $0x0;
	s11 =	smul.u32 $0x2800, s14  }
0x6: {  	s6 =	sand.u32 $0x1, s5;
	[smem:$0x7FF] =	sst s3;
	s31 =	smul.u32 $0x7D, s14  }
0x7: {  	s21 =	sadd.s32 $0xE00, s0;
	s3 =	sshll.u32 s14, $0x6;
	s13 =	smul.u32 $0xA00, s14  }
0x8: {  	s7 =	smul.u32 $0x28000, s6;
	_ =	strace $0x80000047;
	s9 =	sshll.u32 s6, $0x4  }
0x9: {  	s10 =	ssub.s32 $0x2, s6;
	s6 =	smul.u32 $0x7D0, s6;
	s22 =	sor.u32 $0x1C0F, s3  }
0xa: {  	s12 =	sadd.s32 s9, s0;
	s30 =	sshrl.u32 s10, $0x1;
	s8 =	sshrl.u32 s8, $0x2  }
0xb: {  	s9 =	sor.u32 s14, s9;
	s13 =	sshrl.u32 s13, $0x2;
	[dreg:$0x13] =	wrdreg s22  }
0xc: {  	s7 =	sadd.s32 s7, s0;
	s0 =	ssub.s32 s10, s30;
	s8 =	sadd.s32 s8, s1  }
0xd: {  	s1 =	sadd.s32 s21, s11;
	s6 =	sadd.s32 s31, s6;
	[dreg:$0x11] =	wrdreg s8  }
0xe: {  	s5 =	smul.u32 $0xFA0, s9;
	s2 =	sadd.s32 s13, s2;
	[dreg:$0x12] =	wrdreg s1  }
0xf: {  	s6 =	sshll.u32 s6, $0x5;
	s0 =	smax.u32 s0, $0x1;
	[dreg:$0x14] =	wrdreg s2  }
0x10: {  	s7 =	sadd.s32 $0x29800, s7;
	s8 =	sadd.s32 s4, s5;
	[smem:$0x7F9] =	sst s0  }
0x11: {  	s6 =	sadd.s32 s6, s4;
	s7 =	sadd.s32 s11, s7;
	[dreg:$0x15] =	wrdreg s8  }
0x12: {  	s15 =	sadd.s32 $0x240, s6;
	[dreg:$0x1f] =	wrdreg s7  }
0x13: {  	s16 =	sadd.s32 $0x220, s6;
	[dreg:$0x5] =	wrdreg s15  }
0x14: {  	s17 =	sadd.s32 $0x200, s6;
	[dreg:$0x6] =	wrdreg s16  }
0x15: {  	s18 =	sadd.s32 $0x1E0, s6;
	[dreg:$0x7] =	wrdreg s17  }
0x16: {  	s20 =	sadd.s32 $0x1C0, s6;
	[dreg:$0x8] =	wrdreg s18  }
0x17: {  	s24 =	sadd.s32 $0x1A0, s6;
	[dreg:$0x9] =	wrdreg s20  }
0x18: {  	s26 =	sadd.s32 $0x180, s6;
	[dreg:$0xa] =	wrdreg s24  }
0x19: {  	s30 =	sadd.s32 $0x160, s6;
	[dreg:$0xb] =	wrdreg s26  }
0x1a: {  	s9 =	smul.u32 $0x7D00, s9;
	s1 =	sadd.s32 $0x140, s6;
	[dreg:$0xc] =	wrdreg s30  }
0x1b: {  	s5 =	sadd.s32 $0x120, s6;
	[dreg:$0xd] =	wrdreg s1  }
0x1c: {  	s9 =	sshrl.u32 s9, $0x3;
	s13 =	sadd.s32 $0x100, s6;
	[dreg:$0xe] =	wrdreg s5  }
0x1d: {  	s4 =	sadd.s32 s4, s9;
	s6 =	sadd.s32 $0xE0, s6;
	[dreg:$0xf] =	wrdreg s13  }
0x1e: {  	s9 =	sadd.s32 $0x20, s4;
	[dreg:$0x10] =	wrdreg s6  }
0x1f: {  	s19 =	sadd.s32 $0x40, s4;
	[dreg:$0x16] =	wrdreg s9  }
0x20: {  	s23 =	sadd.s32 $0x60, s4;
	[dreg:$0x17] =	wrdreg s19  }
0x21: {  	s25 =	sadd.s32 $0x80, s4;
	[dreg:$0x18] =	wrdreg s23  }
0x22: {  	s28 =	sadd.s32 $0xA0, s4;
	[dreg:$0x19] =	wrdreg s25  }
0x23: {  	s31 =	sadd.s32 $0xC0, s4;
	[dreg:$0x1a] =	wrdreg s28  }
0x24: {  	s3 =	sadd.s32 $0xE60, s4;
	[dreg:$0x1b] =	wrdreg s31  }
0x25: {  	s10 =	sadd.s32 $0xE80, s4;
	[dreg:$0x1c] =	wrdreg s3  }
0x26: {  	s15 =	sadd.s32 $0xEA0, s4;
	[dreg:$0x1d] =	wrdreg s10  }
0x27: {  	s17 =	sadd.s32 $0xEC0, s4;
	[dreg:$0x1e] =	wrdreg s15  }
0x28: {  	s20 =	sadd.s32 $0xF00, s4;
	[smem:$0x7F1] =	sst s17  }
0x29: {  	s24 =	sadd.s32 $0xF40, s4;
	[smem:$0x7F4] =	sst s20  }
0x2a: {  	s26 =	sadd.s32 $0x80, s2;
	[smem:$0x7F6] =	sst s24  }
0x2b: {  	s30 =	sadd.s32 $0x180, s2;
	[smem:$0x7FA] =	sst s26  }
0x2c: {  	s19 =	sadd.s32 $0xEE0, s4;
	[smem:$0x7FC] =	sst s30  }
0x2d: {  	s23 =	sadd.s32 $0xF20, s4;
	[smem:$0x7F3] =	sst s19  }
0x2e: {  	s25 =	sadd.s32 $0xF60, s4;
	[smem:$0x7F5] =	sst s23  }
0x2f: {  	s4 =	sadd.s32 $0xF80, s4;
	[smem:$0x7F7] =	sst s25  }
0x30: {  	s16 =	smul.u32 $0xA0, s14;
	s28 =	sadd.s32 $0x100, s2;
	[smem:$0x7F8] =	sst s4  }
0x31: {  	s18 =	sadd.s32 $0x28E00, s12;
	s31 =	sadd.s32 $0x200, s2;
	[smem:$0x7FB] =	sst s28  }
0x32: {  	s29 =	simm.s32 $0xF;
	s6 =	sadd.s32 s16, s18;
	[smem:$0x7FD] =	sst s31  }
0x33: {  	v0 =	vimm.f32 $1.000000000e+00;
	v1 =	vimm.f32 $0.0e+00;
	s0 =	simm.s32 $0x0;
	s15 =	simm.s32 $0x50;
	[smem:$0x7F2] =	sst s6  }
.LBB2_1:
0x34: {  	[tilespmem:$0xA680] =	vst v0  }
0x35: {  	[tilespmem:$0xA690] =	vst v0  }
0x36: {  	[tilespmem:$0xA6A0] =	vst v0  }
0x37: {  	[tilespmem:$0xA6B0] =	vst v0  }
0x38: {  	[tilespmem:$0xA6C0] =	vst v0  }
0x39: {  	[tilespmem:$0xA600] =	vst v1  }
0x3a: {  	[tilespmem:$0xA610] =	vst v1  }
0x3b: {  	[tilespmem:$0xA620] =	vst v1  }
0x3c: {  	[tilespmem:$0xA630] =	vst v1  }
0x3d: {  	[smem:$0x7EF] =	sst s0;
	[tilespmem:$0xA640] =	vst v1  }
0x3e: {  	[tilespmem:$0xA650] =	vst v1;
	s20 =	rddreg [dreg:$0x11]  }
0x3f: {  	[tilespmem:$0xA660] =	vst v1;
	s5 =	rddreg [dreg:$0x12];
	s4 =	sshrl.u32 s20, $0x3  }
0x40: {  	[tilespmem:$0xA670] =	vst v1;
	[smem:$0x7F0] =	sst s4  }
0x41: {  	[spmem:s4], [sflag:s22] =	dma.local [hbm:s5], $0x2800  }
0x42: {  	_ =	swait.ge [sflag:s29], $0x2800  }
0x43: {  	[sflag:s29] =	ssyncset.done $0x0  }
0x44: {  	s6 =	simm.s32 $0xA600;
	[sflag:s29] =	ssyncadd.s32 $0xFFFFD800  }
0x45: {  	[spmem:s2] =	stream.linear.scatter [tilespmem:s6], [sflag:$0xF], $0x80, $0x38;
	[tilespmem:$0x1E980] =	vst v63  }
0x46: {  	_ =	swait.ge [sflag:s29], $0x80  }
0x47: {  	s7 =	sld [smem:$0x7FA]  }
0x48: {  	[sflag:s29] =	ssyncset.done $0x0  }
0x49: {  	[sflag:s29] =	ssyncadd.s32 $0xFFFFFF80  }
0x4a: {  	[spmem:s7] =	stream.linear.scatter [tilespmem:s6], [sflag:$0xF], $0x80, $0x38;
	[tilespmem:$0x1E980] =	vst v63  }
0x4b: {  	_ =	swait.ge [sflag:s29], $0x80  }
0x4c: {  	s8 =	sld [smem:$0x7FB]  }
0x4d: {  	[sflag:s29] =	ssyncset.done $0x0  }
0x4e: {  	[sflag:s29] =	ssyncadd.s32 $0xFFFFFF80  }
0x4f: {  	[spmem:s8] =	stream.linear.scatter [tilespmem:s6], [sflag:$0xF], $0x80, $0x38;
	[tilespmem:$0x1E980] =	vst v63  }
0x50: {  	_ =	swait.ge [sflag:s29], $0x80  }
0x51: {  	s9 =	sld [smem:$0x7FC]  }
0x52: {  	[sflag:s29] =	ssyncset.done $0x0  }
0x53: {  	[sflag:s29] =	ssyncadd.s32 $0xFFFFFF80  }
0x54: {  	[spmem:s9] =	stream.linear.scatter [tilespmem:s6], [sflag:$0xF], $0x80, $0x38;
	[tilespmem:$0x1E980] =	vst v63  }
0x55: {  	_ =	swait.ge [sflag:s29], $0x80  }
0x56: {  	s10 =	sld [smem:$0x7FD]  }
0x57: {  	[sflag:s29] =	ssyncset.done $0x0  }
0x58: {  	[sflag:s29] =	ssyncadd.s32 $0xFFFFFF80  }
0x59: {  	[spmem:s10] =	stream.linear.scatter [tilespmem:s6], [sflag:$0xF], $0x80, $0x38;
	[tilespmem:$0x1E980] =	vst v63  }
0x5a: {  	_ =	swait.ge [sflag:s29], $0x80  }
0x5b: {  	[sflag:s29] =	ssyncset.done $0x0  }
0x5c: {  	[sflag:s29] =	ssyncadd.s32 $0xFFFFFF80  }
0x5d: {  	[bflag:$0x0] =	sbarrier.arrive $0xFFFF  }
0x5e: {  	s26 =	simm.s32 $0x0;
	s11 =	rddreg [dreg:$0x15]  }
0x5f: {  	[tilespmem:s26], [sflag:$0xF] =	stream.linear.gather [hbm4b:s11+s26], $0x100, $0x38;
	[tilespmem:$0x1E980] =	vst v63  }
0x60: {  	_ =	swait.ge [sflag:s29], $0x100  }
0x61: {  	[sflag:s29] =	ssyncset.done $0x0  }
0x62: {  	s13 =	simm.s32 $0x100;
	s12 =	rddreg [dreg:$0x16];
	[sflag:s29] =	ssyncadd.s32 $0xFFFFFF00  }
0x63: {  	[tilespmem:s13], [sflag:$0xF] =	stream.linear.gather [hbm4b:s12+s26], $0x100, $0x38;
	[tilespmem:$0x1E980] =	vst v63  }
0x64: {  	_ =	swait.ge [sflag:s29], $0x100  }
0x65: {  	[sflag:s29] =	ssyncset.done $0x0  }
0x66: {  	s3 =	simm.s32 $0x200;
	s14 =	rddreg [dreg:$0x17];
	[sflag:s29] =	ssyncadd.s32 $0xFFFFFF00  }
0x67: {  	[tilespmem:s3], [sflag:$0xB] =	stream.linear.gather [hbm4b:s14+s26], $0x100, $0x38;
	[tilespmem:$0x1E980] =	vst v63  }
0x68: {  	s17 =	simm.s32 $0x300;
	s16 =	rddreg [dreg:$0x18]  }
0x69: {  	[tilespmem:s17], [sflag:$0xC] =	stream.linear.gather [hbm4b:s16+s26], $0x100, $0x38;
	[tilespmem:$0x1E980] =	vst v63  }
0x6a: {  	s1 =	simm.s32 $0x400;
	s24 =	rddreg [dreg:$0x19]  }
0x6b: {  	[tilespmem:s1], [sflag:$0xD] =	stream.linear.gather [hbm4b:s24+s26], $0x100, $0x38;
	[tilespmem:$0x1E980] =	vst v63  }
0x6c: {  	s14 =	simm.s32 $0x600  }
0x6d: {  	[tilespmem:s14], [sflag:$0x1] =	stream.indirect.gather [hbm4b:s21+s15], $0x80, s26, s15, $0xb8;
	[tilespmem:$0x1E980] =	vst v63  }
0x6e: {  	s19 =	simm.s32 $0xB;
	s24 =	simm.s32 $0x2E00  }
0x6f: {  	[tilespmem:s24], [sflag:$0x2] =	stream.indirect.gather [hbm4b:s21+s15], $0x80, s13, s15, $0xb8;
	[tilespmem:$0x1E980] =	vst v63  }
0x70: {  	_ =	swait.ge [sflag:s19], $0x100  }
0x71: {  	[sflag:s19] =	ssyncset.done $0x0  }
0x72: {  	s22 =	simm.s32 $0x5600;
	[sflag:s19] =	ssyncadd.s32 $0xFFFFFF00  }
0x73: {  	[tilespmem:s22], [sflag:$0x3] =	stream.indirect.gather [hbm4b:s21+s15], $0x80, s3, s15, $0xb8;
	[tilespmem:$0x1E980] =	vst v63  }
0x74: {  	s28 =	simm.s32 $0x500;
	s25 =	rddreg [dreg:$0x1a]  }
0x75: {  	[tilespmem:s28], [sflag:$0xE] =	stream.linear.gather [hbm4b:s25+s26], $0x100, $0x38;
	[tilespmem:$0x1E980] =	vst v63  }
0x76: {  	s28 =	simm.s32 $0x1  }
0x77: {  	_ =	swait.ge [sflag:s28], $0x2800  }
0x78: {  	[sflag:s28] =	ssyncset.done $0x0  }
0x79: {  	[sflag:s28] =	ssyncadd.s32 $0xFFFFD800  }
0x7a: {  	s29 =	simm.s32 $0x80;
	s2 =	rddreg [dreg:$0x2]  }
0x7b: {  	[spmem:s2] =	stream.indirect.scatter.add.f32 [tilespmem:s14], [sflag:$0x5], $0x80, s29, s15, $0xb8;
	[tilespmem:$0x1E980] =	vst v63  }
0x7c: {  	s17 =	simm.s32 $0xC;
	s3 =	simm.s32 $0xA680;
	s23 =	rddreg [dreg:$0x3]  }
0x7d: {  	[spmem:s23] =	stream.indirect.scatter.add.f32 [tilespmem:s3], [sflag:$0x5], $0x1, s29, s15, $0xb8;
	[tilespmem:$0x1E980] =	vst v63  }
0x7e: {  	_ =	swait.ge [sflag:s17], $0x100  }
0x7f: {  	[sflag:s17] =	ssyncset.done $0x0  }
0x80: {  	s18 =	simm.s32 $0x300;
	s16 =	simm.s32 $0x7E00;
	[sflag:s17] =	ssyncadd.s32 $0xFFFFFF00  }
0x81: {  	[tilespmem:s16], [sflag:$0x4] =	stream.indirect.gather [hbm4b:s21+s15], $0x80, s18, s15, $0xb8;
	[tilespmem:$0x1E980] =	vst v63  }
0x82: {  	s18 =	simm.s32 $0x5  }
0x83: {  	_ =	swait.ge [sflag:s18], $0x2800  }
0x84: {  	[sflag:s18] =	ssyncset.done $0x0  }
0x85: {  	[sflag:s18] =	ssyncadd.s32 $0xFFFFD800  }
0x86: {  	_ =	swait.ge [sflag:s18], $0x50  }
0x87: {  	[sflag:s18] =	ssyncset.done $0x0  }
0x88: {  	s0 =	simm.s32 $0x2;
	s30 =	rddreg [dreg:$0x1b];
	[sflag:s18] =	ssyncadd.s32 $0xFFFFFFB0  }
0x89: {  	[tilespmem:s26], [sflag:$0x9] =	stream.linear.gather [hbm4b:s30+s26], $0x100, $0x38;
	[tilespmem:$0x1E980] =	vst v63  }
0x8a: {  	_ =	swait.ge [sflag:s0], $0x2800  }
0x8b: {  	[sflag:s0] =	ssyncset.done $0x0  }
0x8c: {  	s31 =	simm.s32 $0x180;
	[sflag:s0] =	ssyncadd.s32 $0xFFFFD800  }
0x8d: {  	[spmem:s2] =	stream.indirect.scatter.add.f32 [tilespmem:s24], [sflag:$0x6], $0x80, s31, s15, $0xb8;
	[tilespmem:$0x1E980] =	vst v63  }
0x8e: {  	s13 =	simm.s32 $0xD  }
0x8f: {  	[spmem:s23] =	stream.indirect.scatter.add.f32 [tilespmem:s3], [sflag:$0x6], $0x1, s31, s15, $0xb8;
	[tilespmem:$0x1E980] =	vst v63  }
0x90: {  	_ =	swait.ge [sflag:s13], $0x100  }
0x91: {  	[sflag:s13] =	ssyncset.done $0x0  }
0x92: {  	s9 =	simm.s32 $0x6;
	s6 =	simm.s32 $0x400;
	[sflag:s13] =	ssyncadd.s32 $0xFFFFFF00  }
0x93: {  	[tilespmem:s14], [sflag:$0x1] =	stream.indirect.gather [hbm4b:s21+s15], $0x80, s6, s15, $0xb8;
	[tilespmem:$0x1E980] =	vst v63  }
0x94: {  	_ =	swait.ge [sflag:s9], $0x2800  }
0x95: {  	[sflag:s9] =	ssyncset.done $0x0  }
0x96: {  	[sflag:s9] =	ssyncadd.s32 $0xFFFFD800  }
0x97: {  	_ =	swait.ge [sflag:s9], $0x50  }
0x98: {  	s5 =	simm.s32 $0x100;
	s6 =	rddreg [dreg:$0x10];
	[sflag:s9] =	ssyncset.done $0x0  }
0x99: {  	s10 =	simm.s32 $0x3;
	[sflag:s9] =	ssyncadd.s32 $0xFFFFFFB0;
	s20 =	sadd.s32 $0x0, s6  }
0x9a: {  	[tilespmem:s5], [sflag:$0xA] =	stream.linear.gather [hbm4b:s20+s26], $0x100, $0x38;
	[tilespmem:$0x1E980] =	vst v63  }
0x9b: {  	_ =	swait.ge [sflag:s10], $0x2800  }
0x9c: {  	[sflag:s10] =	ssyncset.done $0x0  }
0x9d: {  	s25 =	simm.s32 $0x280;
	[sflag:s10] =	ssyncadd.s32 $0xFFFFD800  }
0x9e: {  	[spmem:s2] =	stream.indirect.scatter.add.f32 [tilespmem:s22], [sflag:$0x7], $0x80, s25, s15, $0xb8;
	[tilespmem:$0x1E980] =	vst v63  }
0x9f: {  	s1 =	simm.s32 $0xE  }
0xa0: {  	[spmem:s23] =	stream.indirect.scatter.add.f32 [tilespmem:s3], [sflag:$0x7], $0x1, s25, s15, $0xb8;
	[tilespmem:$0x1E980] =	vst v63  }
0xa1: {  	_ =	swait.ge [sflag:s1], $0x100  }
0xa2: {  	[sflag:s1] =	ssyncset.done $0x0  }
0xa3: {  	s4 =	simm.s32 $0x500;
	s11 =	simm.s32 $0x7;
	[sflag:s1] =	ssyncadd.s32 $0xFFFFFF00  }
0xa4: {  	[tilespmem:s24], [sflag:$0x2] =	stream.indirect.gather [hbm4b:s21+s15], $0x80, s4, s15, $0xb8;
	[tilespmem:$0x1E980] =	vst v63  }
0xa5: {  	_ =	swait.ge [sflag:s11], $0x2800  }
0xa6: {  	[sflag:s11] =	ssyncset.done $0x0  }
0xa7: {  	[sflag:s11] =	ssyncadd.s32 $0xFFFFD800  }
0xa8: {  	_ =	swait.ge [sflag:s11], $0x50  }
0xa9: {  	s7 =	simm.s32 $0x200;
	s8 =	rddreg [dreg:$0xf];
	[sflag:s11] =	ssyncset.done $0x0  }
0xaa: {  	s30 =	simm.s32 $0x4;
	[sflag:s11] =	ssyncadd.s32 $0xFFFFFFB0;
	s20 =	sadd.s32 $0x0, s8  }
0xab: {  	[tilespmem:s7], [sflag:$0xB] =	stream.linear.gather [hbm4b:s20+s26], $0x100, $0x38;
	[tilespmem:$0x1E980] =	vst v63  }
0xac: {  	_ =	swait.ge [sflag:s30], $0x2800  }
0xad: {  	[sflag:s30] =	ssyncset.done $0x0  }
0xae: {  	s8 =	simm.s32 $0x380;
	[sflag:s30] =	ssyncadd.s32 $0xFFFFD800  }
0xaf: {  	[spmem:s2] =	stream.indirect.scatter.add.f32 [tilespmem:s16], [sflag:$0x8], $0x80, s8, s15, $0xb8;
	[tilespmem:$0x1E980] =	vst v63  }
0xb0: {  	s4 =	simm.s32 $0x9  }
0xb1: {  	[spmem:s23] =	stream.indirect.scatter.add.f32 [tilespmem:s3], [sflag:$0x8], $0x1, s8, s15, $0xb8;
	[tilespmem:$0x1E980] =	vst v63  }
0xb2: {  	_ =	swait.ge [sflag:s4], $0x100  }
0xb3: {  	[sflag:s4] =	ssyncset.done $0x0  }
0xb4: {  	s31 =	simm.s32 $0x8;
	[sflag:s4] =	ssyncadd.s32 $0xFFFFFF00  }
0xb5: {  	[tilespmem:s22], [sflag:$0x3] =	stream.indirect.gather [hbm4b:s21+s15], $0x80, s26, s15, $0xb8;
	[tilespmem:$0x1E980] =	vst v63  }
0xb6: {  	_ =	swait.ge [sflag:s31], $0x2800  }
0xb7: {  	[sflag:s31] =	ssyncset.done $0x0  }
0xb8: {  	[sflag:s31] =	ssyncadd.s32 $0xFFFFD800  }
0xb9: {  	_ =	swait.ge [sflag:s31], $0x50  }
0xba: {  	s29 =	rddreg [dreg:$0xe];
	[sflag:s31] =	ssyncset.done $0x0  }
0xbb: {  	s12 =	simm.s32 $0x300;
	[sflag:s31] =	ssyncadd.s32 $0xFFFFFFB0;
	s20 =	sadd.s32 $0x0, s29  }
0xbc: {  	[tilespmem:s12], [sflag:$0xC] =	stream.linear.gather [hbm4b:s20+s26], $0x100, $0x38;
	[tilespmem:$0x1E980] =	vst v63  }
0xbd: {  	_ =	swait.ge [sflag:s28], $0x2800  }
0xbe: {  	[sflag:s28] =	ssyncset.done $0x0  }
0xbf: {  	s7 =	simm.s32 $0x480;
	[sflag:s28] =	ssyncadd.s32 $0xFFFFD800  }
0xc0: {  	[spmem:s2] =	stream.indirect.scatter.add.f32 [tilespmem:s14], [sflag:$0x5], $0x80, s7, s15, $0xb8;
	[tilespmem:$0x1E980] =	vst v63  }
0xc1: {  	s6 =	simm.s32 $0xA  }
0xc2: {  	[spmem:s23] =	stream.indirect.scatter.add.f32 [tilespmem:s3], [sflag:$0x5], $0x1, s7, s15, $0xb8;
	[tilespmem:$0x1E980] =	vst v63  }
0xc3: {  	_ =	swait.ge [sflag:s6], $0x100  }
0xc4: {  	[sflag:s6] =	ssyncset.done $0x0  }
0xc5: {  	s5 =	simm.s32 $0x100;
	[sflag:s6] =	ssyncadd.s32 $0xFFFFFF00  }
0xc6: {  	[tilespmem:s16], [sflag:$0x4] =	stream.indirect.gather [hbm4b:s21+s15], $0x80, s5, s15, $0xb8;
	[tilespmem:$0x1E980] =	vst v63  }
0xc7: {  	_ =	swait.ge [sflag:s18], $0x2800  }
0xc8: {  	[sflag:s18] =	ssyncset.done $0x0  }
0xc9: {  	[sflag:s18] =	ssyncadd.s32 $0xFFFFD800  }
0xca: {  	_ =	swait.ge [sflag:s18], $0x50  }
0xcb: {  	s5 =	rddreg [dreg:$0xd];
	[sflag:s18] =	ssyncset.done $0x0  }
0xcc: {  	s12 =	simm.s32 $0x400;
	[sflag:s18] =	ssyncadd.s32 $0xFFFFFFB0;
	s20 =	sadd.s32 $0x0, s5  }
0xcd: {  	[tilespmem:s12], [sflag:$0xD] =	stream.linear.gather [hbm4b:s20+s26], $0x100, $0x38;
	[tilespmem:$0x1E980] =	vst v63  }
0xce: {  	_ =	swait.ge [sflag:s0], $0x2800  }
0xcf: {  	[sflag:s0] =	ssyncset.done $0x0  }
0xd0: {  	s12 =	simm.s32 $0x580;
	[sflag:s0] =	ssyncadd.s32 $0xFFFFD800  }
0xd1: {  	[spmem:s2] =	stream.indirect.scatter.add.f32 [tilespmem:s24], [sflag:$0x6], $0x80, s12, s15, $0xb8;
	[tilespmem:$0x1E980] =	vst v63  }
0xd2: {  	_ = 	snop  }
0xd3: {  	[spmem:s23] =	stream.indirect.scatter.add.f32 [tilespmem:s3], [sflag:$0x6], $0x1, s12, s15, $0xb8;
	[tilespmem:$0x1E980] =	vst v63  }
0xd4: {  	_ =	swait.ge [sflag:s19], $0x100  }
0xd5: {  	[sflag:s19] =	ssyncset.done $0x0  }
0xd6: {  	s20 =	simm.s32 $0x200;
	[sflag:s19] =	ssyncadd.s32 $0xFFFFFF00  }
0xd7: {  	[tilespmem:s14], [sflag:$0x1] =	stream.indirect.gather [hbm4b:s21+s15], $0x80, s20, s15, $0xb8;
	[tilespmem:$0x1E980] =	vst v63  }
0xd8: {  	_ =	swait.ge [sflag:s9], $0x2800  }
0xd9: {  	[sflag:s9] =	ssyncset.done $0x0  }
0xda: {  	[sflag:s9] =	ssyncadd.s32 $0xFFFFD800  }
0xdb: {  	_ =	swait.ge [sflag:s9], $0x50  }
0xdc: {  	s5 =	rddreg [dreg:$0xc];
	[sflag:s9] =	ssyncset.done $0x0  }
0xdd: {  	[sflag:s9] =	ssyncadd.s32 $0xFFFFFFB0;
	s20 =	sadd.s32 $0x0, s5;
	s5 =	simm.s32 $0x500  }
0xde: {  	[tilespmem:s5], [sflag:$0xE] =	stream.linear.gather [hbm4b:s20+s26], $0x100, $0x38;
	[tilespmem:$0x1E980] =	vst v63  }
0xdf: {  	_ =	swait.ge [sflag:s10], $0x2800  }
0xe0: {  	[sflag:s10] =	ssyncset.done $0x0  }
0xe1: {  	s20 =	simm.s32 $0x80;
	[sflag:s10] =	ssyncadd.s32 $0xFFFFD800  }
0xe2: {  	[spmem:s2] =	stream.indirect.scatter.add.f32 [tilespmem:s22], [sflag:$0x7], $0x80, s20, s15, $0xb8;
	[tilespmem:$0x1E980] =	vst v63  }
0xe3: {  	_ = 	snop  }
0xe4: {  	[spmem:s23] =	stream.indirect.scatter.add.f32 [tilespmem:s3], [sflag:$0x7], $0x1, s20, s15, $0xb8;
	[tilespmem:$0x1E980] =	vst v63  }
0xe5: {  	_ =	swait.ge [sflag:s17], $0x100  }
0xe6: {  	[sflag:s17] =	ssyncset.done $0x0  }
0xe7: {  	s29 =	simm.s32 $0x300;
	[sflag:s17] =	ssyncadd.s32 $0xFFFFFF00  }
0xe8: {  	[tilespmem:s24], [sflag:$0x2] =	stream.indirect.gather [hbm4b:s21+s15], $0x80, s29, s15, $0xb8;
	[tilespmem:$0x1E980] =	vst v63  }
0xe9: {  	_ =	swait.ge [sflag:s11], $0x2800  }
0xea: {  	[sflag:s11] =	ssyncset.done $0x0  }
0xeb: {  	[sflag:s11] =	ssyncadd.s32 $0xFFFFD800  }
0xec: {  	_ =	swait.ge [sflag:s11], $0x50  }
0xed: {  	s29 =	rddreg [dreg:$0xb];
	[sflag:s11] =	ssyncset.done $0x0  }
0xee: {  	[sflag:s11] =	ssyncadd.s32 $0xFFFFFFB0;
	s20 =	sadd.s32 $0x0, s29  }
0xef: {  	[tilespmem:s26], [sflag:$0x9] =	stream.linear.gather [hbm4b:s20+s26], $0x100, $0x38;
	[tilespmem:$0x1E980] =	vst v63  }
0xf0: {  	_ =	swait.ge [sflag:s30], $0x2800  }
0xf1: {  	[sflag:s30] =	ssyncset.done $0x0  }
0xf2: {  	s29 =	simm.s32 $0x180;
	[sflag:s30] =	ssyncadd.s32 $0xFFFFD800  }
0xf3: {  	[spmem:s2] =	stream.indirect.scatter.add.f32 [tilespmem:s16], [sflag:$0x8], $0x80, s29, s15, $0xb8;
	[tilespmem:$0x1E980] =	vst v63  }
0xf4: {  	_ = 	snop  }
0xf5: {  	[spmem:s23] =	stream.indirect.scatter.add.f32 [tilespmem:s3], [sflag:$0x8], $0x1, s29, s15, $0xb8;
	[tilespmem:$0x1E980] =	vst v63  }
0xf6: {  	_ =	swait.ge [sflag:s13], $0x100  }
0xf7: {  	[sflag:s13] =	ssyncset.done $0x0  }
0xf8: {  	s29 =	simm.s32 $0x400;
	[sflag:s13] =	ssyncadd.s32 $0xFFFFFF00  }
0xf9: {  	[tilespmem:s22], [sflag:$0x3] =	stream.indirect.gather [hbm4b:s21+s15], $0x80, s29, s15, $0xb8;
	[tilespmem:$0x1E980] =	vst v63  }
0xfa: {  	_ =	swait.ge [sflag:s31], $0x2800  }
0xfb: {  	[sflag:s31] =	ssyncset.done $0x0  }
0xfc: {  	[sflag:s31] =	ssyncadd.s32 $0xFFFFD800  }
0xfd: {  	_ =	swait.ge [sflag:s31], $0x50  }
0xfe: {  	s29 =	rddreg [dreg:$0xa];
	[sflag:s31] =	ssyncset.done $0x0  }
0xff: {  	[sflag:s31] =	ssyncadd.s32 $0xFFFFFFB0;
	s20 =	sadd.s32 $0x0, s29;
	s29 =	simm.s32 $0x100  }
0x100: {  	[tilespmem:s29], [sflag:$0xA] =	stream.linear.gather [hbm4b:s20+s26], $0x100, $0x38;
	[tilespmem:$0x1E980] =	vst v63  }
0x101: {  	_ =	swait.ge [sflag:s28], $0x2800  }
0x102: {  	[sflag:s28] =	ssyncset.done $0x0  }
0x103: {  	[sflag:s28] =	ssyncadd.s32 $0xFFFFD800  }
0x104: {  	[spmem:s2] =	stream.indirect.scatter.add.f32 [tilespmem:s14], [sflag:$0x5], $0x80, s25, s15, $0xb8;
	[tilespmem:$0x1E980] =	vst v63  }
0x105: {  	_ = 	snop  }
0x106: {  	[spmem:s23] =	stream.indirect.scatter.add.f32 [tilespmem:s3], [sflag:$0x5], $0x1, s25, s15, $0xb8;
	[tilespmem:$0x1E980] =	vst v63  }
0x107: {  	_ =	swait.ge [sflag:s1], $0x100  }
0x108: {  	[sflag:s1] =	ssyncset.done $0x0  }
0x109: {  	[sflag:s1] =	ssyncadd.s32 $0xFFFFFF00  }
0x10a: {  	[tilespmem:s16], [sflag:$0x4] =	stream.indirect.gather [hbm4b:s21+s15], $0x80, s5, s15, $0xb8;
	[tilespmem:$0x1E980] =	vst v63  }
0x10b: {  	_ =	swait.ge [sflag:s18], $0x2800  }
0x10c: {  	[sflag:s18] =	ssyncset.done $0x0  }
0x10d: {  	[sflag:s18] =	ssyncadd.s32 $0xFFFFD800  }
0x10e: {  	_ =	swait.ge [sflag:s18], $0x50  }
0x10f: {  	s25 =	rddreg [dreg:$0x9];
	[sflag:s18] =	ssyncset.done $0x0  }
0x110: {  	s1 =	simm.s32 $0x200;
	[sflag:s18] =	ssyncadd.s32 $0xFFFFFFB0;
	s20 =	sadd.s32 $0x0, s25  }
0x111: {  	[tilespmem:s1], [sflag:$0xB] =	stream.linear.gather [hbm4b:s20+s26], $0x100, $0x38;
	[tilespmem:$0x1E980] =	vst v63  }
0x112: {  	_ =	swait.ge [sflag:s0], $0x2800  }
0x113: {  	[sflag:s0] =	ssyncset.done $0x0  }
0x114: {  	[sflag:s0] =	ssyncadd.s32 $0xFFFFD800  }
0x115: {  	[spmem:s2] =	stream.indirect.scatter.add.f32 [tilespmem:s24], [sflag:$0x6], $0x80, s8, s15, $0xb8;
	[tilespmem:$0x1E980] =	vst v63  }
0x116: {  	_ = 	snop  }
0x117: {  	[spmem:s23] =	stream.indirect.scatter.add.f32 [tilespmem:s3], [sflag:$0x6], $0x1, s8, s15, $0xb8;
	[tilespmem:$0x1E980] =	vst v63  }
0x118: {  	_ =	swait.ge [sflag:s4], $0x100  }
0x119: {  	[sflag:s4] =	ssyncset.done $0x0  }
0x11a: {  	[sflag:s4] =	ssyncadd.s32 $0xFFFFFF00  }
0x11b: {  	[tilespmem:s14], [sflag:$0x1] =	stream.indirect.gather [hbm4b:s21+s15], $0x80, s26, s15, $0xb8;
	[tilespmem:$0x1E980] =	vst v63  }
0x11c: {  	_ =	swait.ge [sflag:s9], $0x2800  }
0x11d: {  	[sflag:s9] =	ssyncset.done $0x0  }
0x11e: {  	[sflag:s9] =	ssyncadd.s32 $0xFFFFD800  }
0x11f: {  	_ =	swait.ge [sflag:s9], $0x50  }
0x120: {  	s8 =	rddreg [dreg:$0x8];
	[sflag:s9] =	ssyncset.done $0x0  }
0x121: {  	[sflag:s9] =	ssyncadd.s32 $0xFFFFFFB0;
	s20 =	sadd.s32 $0x0, s8;
	s9 =	simm.s32 $0x300  }
0x122: {  	[tilespmem:s9], [sflag:$0xC] =	stream.linear.gather [hbm4b:s20+s26], $0x100, $0x38;
	[tilespmem:$0x1E980] =	vst v63  }
0x123: {  	_ =	swait.ge [sflag:s10], $0x2800  }
0x124: {  	[sflag:s10] =	ssyncset.done $0x0  }
0x125: {  	[sflag:s10] =	ssyncadd.s32 $0xFFFFD800  }
0x126: {  	[spmem:s2] =	stream.indirect.scatter.add.f32 [tilespmem:s22], [sflag:$0x7], $0x80, s7, s15, $0xb8;
	[tilespmem:$0x1E980] =	vst v63  }
0x127: {  	_ = 	snop  }
0x128: {  	[spmem:s23] =	stream.indirect.scatter.add.f32 [tilespmem:s3], [sflag:$0x7], $0x1, s7, s15, $0xb8;
	[tilespmem:$0x1E980] =	vst v63  }
0x129: {  	_ =	swait.ge [sflag:s6], $0x100  }
0x12a: {  	[sflag:s6] =	ssyncset.done $0x0  }
0x12b: {  	s29 =	simm.s32 $0x100;
	[sflag:s6] =	ssyncadd.s32 $0xFFFFFF00  }
0x12c: {  	[tilespmem:s24], [sflag:$0x2] =	stream.indirect.gather [hbm4b:s21+s15], $0x80, s29, s15, $0xb8;
	[tilespmem:$0x1E980] =	vst v63  }
0x12d: {  	_ =	swait.ge [sflag:s11], $0x2800  }
0x12e: {  	[sflag:s11] =	ssyncset.done $0x0  }
0x12f: {  	[sflag:s11] =	ssyncadd.s32 $0xFFFFD800  }
0x130: {  	_ =	swait.ge [sflag:s11], $0x50  }
0x131: {  	s10 =	rddreg [dreg:$0x7];
	[sflag:s11] =	ssyncset.done $0x0  }
0x132: {  	[sflag:s11] =	ssyncadd.s32 $0xFFFFFFB0;
	s20 =	sadd.s32 $0x0, s10;
	s11 =	simm.s32 $0x400  }
0x133: {  	[tilespmem:s11], [sflag:$0xD] =	stream.linear.gather [hbm4b:s20+s26], $0x100, $0x38;
	[tilespmem:$0x1E980] =	vst v63  }
0x134: {  	_ =	swait.ge [sflag:s30], $0x2800  }
0x135: {  	[sflag:s30] =	ssyncset.done $0x0  }
0x136: {  	[sflag:s30] =	ssyncadd.s32 $0xFFFFD800  }
0x137: {  	[spmem:s2] =	stream.indirect.scatter.add.f32 [tilespmem:s16], [sflag:$0x8], $0x80, s12, s15, $0xb8;
	[tilespmem:$0x1E980] =	vst v63  }
0x138: {  	_ = 	snop  }
0x139: {  	[spmem:s23] =	stream.indirect.scatter.add.f32 [tilespmem:s3], [sflag:$0x8], $0x1, s12, s15, $0xb8;
	[tilespmem:$0x1E980] =	vst v63  }
0x13a: {  	_ =	swait.ge [sflag:s19], $0x100  }
0x13b: {  	[sflag:s19] =	ssyncset.done $0x0  }
0x13c: {  	[sflag:s19] =	ssyncadd.s32 $0xFFFFFF00  }
0x13d: {  	[tilespmem:s22], [sflag:$0x3] =	stream.indirect.gather [hbm4b:s21+s15], $0x80, s1, s15, $0xb8;
	[tilespmem:$0x1E980] =	vst v63  }
0x13e: {  	_ =	swait.ge [sflag:s31], $0x2800  }
0x13f: {  	[sflag:s31] =	ssyncset.done $0x0  }
0x140: {  	[sflag:s31] =	ssyncadd.s32 $0xFFFFD800  }
0x141: {  	_ =	swait.ge [sflag:s31], $0x50  }
0x142: {  	s25 =	rddreg [dreg:$0x6];
	[sflag:s31] =	ssyncset.done $0x0  }
0x143: {  	s5 =	simm.s32 $0x500;
	[sflag:s31] =	ssyncadd.s32 $0xFFFFFFB0;
	s20 =	sadd.s32 $0x0, s25  }
0x144: {  	[tilespmem:s5], [sflag:$0xE] =	stream.linear.gather [hbm4b:s20+s26], $0x100, $0x38;
	[tilespmem:$0x1E980] =	vst v63  }
0x145: {  	_ =	swait.ge [sflag:s28], $0x2800  }
0x146: {  	[sflag:s28] =	ssyncset.done $0x0  }
0x147: {  	s29 =	simm.s32 $0x80;
	[sflag:s28] =	ssyncadd.s32 $0xFFFFD800  }
0x148: {  	[spmem:s2] =	stream.indirect.scatter.add.f32 [tilespmem:s14], [sflag:$0x5], $0x80, s29, s15, $0xb8;
	[tilespmem:$0x1E980] =	vst v63  }
0x149: {  	_ = 	snop  }
0x14a: {  	[spmem:s23] =	stream.indirect.scatter.add.f32 [tilespmem:s3], [sflag:$0x5], $0x1, s29, s15, $0xb8;
	[tilespmem:$0x1E980] =	vst v63  }
0x14b: {  	_ =	swait.ge [sflag:s17], $0x100  }
0x14c: {  	[sflag:s17] =	ssyncset.done $0x0  }
0x14d: {  	[sflag:s17] =	ssyncadd.s32 $0xFFFFFF00  }
0x14e: {  	[tilespmem:s16], [sflag:$0x4] =	stream.indirect.gather [hbm4b:s21+s15], $0x80, s9, s15, $0xb8;
	[tilespmem:$0x1E980] =	vst v63  }
0x14f: {  	_ =	swait.ge [sflag:s18], $0x2800  }
0x150: {  	[sflag:s18] =	ssyncset.done $0x0  }
0x151: {  	[sflag:s18] =	ssyncadd.s32 $0xFFFFD800  }
0x152: {  	_ =	swait.ge [sflag:s18], $0x50  }
0x153: {  	s30 =	rddreg [dreg:$0x5];
	[sflag:s18] =	ssyncset.done $0x0  }
0x154: {  	[sflag:s18] =	ssyncadd.s32 $0xFFFFFFB0;
	s20 =	sadd.s32 $0x0, s30  }
0x155: {  	[tilespmem:s26], [sflag:$0x9] =	stream.linear.gather [hbm4b:s20+s26], $0x100, $0x38;
	[tilespmem:$0x1E980] =	vst v63  }
0x156: {  	_ =	swait.ge [sflag:s0], $0x2800  }
0x157: {  	[sflag:s0] =	ssyncset.done $0x0  }
0x158: {  	s31 =	simm.s32 $0x180;
	[sflag:s0] =	ssyncadd.s32 $0xFFFFD800  }
0x159: {  	[spmem:s2] =	stream.indirect.scatter.add.f32 [tilespmem:s24], [sflag:$0x6], $0x80, s31, s15, $0xb8;
	[tilespmem:$0x1E980] =	vst v63  }
0x15a: {  	_ = 	snop  }
0x15b: {  	[spmem:s23] =	stream.indirect.scatter.add.f32 [tilespmem:s3], [sflag:$0x6], $0x1, s31, s15, $0xb8;
	[tilespmem:$0x1E980] =	vst v63  }
0x15c: {  	_ =	swait.ge [sflag:s13], $0x100  }
0x15d: {  	[sflag:s13] =	ssyncset.done $0x0  }
0x15e: {  	s20 =	simm.s32 $0x180;
	[sflag:s13] =	ssyncadd.s32 $0xFFFFFF00  }
.LBB2_2:
0x15f: {  	s1 =	simm.s32 $0x400;
	s0 =	simm.s32 $0x600;
	s9 =	simm.s32 $0x6  }
0x160: {  	[tilespmem:s0], [sflag:$0x1] =	stream.indirect.gather [hbm4b:s21+s15], $0x80, s1, s15, $0xb8;
	[tilespmem:$0x1E980] =	vst v63  }
0x161: {  	_ =	swait.ge [sflag:s9], $0x2800  }
0x162: {  	[sflag:s9] =	ssyncset.done $0x0  }
0x163: {  	[sflag:s9] =	ssyncadd.s32 $0xFFFFD800  }
0x164: {  	s22 =	smov.u32 s20;
	s23 =	simm.s32 $0x100;
	_ =	swait.ge [sflag:s9], $0x50  }
0x165: {  	s26 =	simm.s32 $0x0;
	s29 =	rddreg [dreg:$0x10];
	[sflag:s9] =	ssyncset.done $0x0  }
0x166: {  	s10 =	simm.s32 $0x3;
	[sflag:s9] =	ssyncadd.s32 $0xFFFFFFB0;
	s29 =	sadd.s32 s22, s29  }
0x167: {  	[tilespmem:s23], [sflag:$0xA] =	stream.linear.gather [hbm4b:s29+s26], $0x100, $0x38;
	[tilespmem:$0x1E980] =	vst v63  }
0x168: {  	_ =	swait.ge [sflag:s10], $0x2800  }
0x169: {  	[sflag:s10] =	ssyncset.done $0x0  }
0x16a: {  	[sflag:s10] =	ssyncadd.s32 $0xFFFFD800  }
0x16b: {  	s24 =	simm.s32 $0x5600;
	s8 =	simm.s32 $0x280;
	s2 =	rddreg [dreg:$0x2]  }
0x16c: {  	[spmem:s2] =	stream.indirect.scatter.add.f32 [tilespmem:s24], [sflag:$0x7], $0x80, s8, s15, $0xb8;
	[tilespmem:$0x1E980] =	vst v63  }
0x16d: {  	s3 =	simm.s32 $0xA680;
	s1 =	simm.s32 $0xE;
	s23 =	rddreg [dreg:$0x3]  }
0x16e: {  	[spmem:s23] =	stream.indirect.scatter.add.f32 [tilespmem:s3], [sflag:$0x7], $0x1, s8, s15, $0xb8;
	[tilespmem:$0x1E980] =	vst v63  }
0x16f: {  	_ =	swait.ge [sflag:s1], $0x100  }
0x170: {  	s4 =	simm.s32 $0x500;
	[sflag:s1] =	ssyncset.done $0x0  }
0x171: {  	s25 =	simm.s32 $0x2E00;
	s11 =	simm.s32 $0x7;
	[sflag:s1] =	ssyncadd.s32 $0xFFFFFF00  }
0x172: {  	[tilespmem:s25], [sflag:$0x2] =	stream.indirect.gather [hbm4b:s21+s15], $0x80, s4, s15, $0xb8;
	[tilespmem:$0x1E980] =	vst v63  }
0x173: {  	_ =	swait.ge [sflag:s11], $0x2800  }
0x174: {  	[sflag:s11] =	ssyncset.done $0x0  }
0x175: {  	[sflag:s11] =	ssyncadd.s32 $0xFFFFD800  }
0x176: {  	_ =	swait.ge [sflag:s11], $0x50  }
0x177: {  	s30 =	simm.s32 $0x200;
	s28 =	rddreg [dreg:$0xf];
	[sflag:s11] =	ssyncset.done $0x0  }
0x178: {  	s14 =	simm.s32 $0x4;
	[sflag:s11] =	ssyncadd.s32 $0xFFFFFFB0;
	s29 =	sadd.s32 s22, s28  }
0x179: {  	[tilespmem:s30], [sflag:$0xB] =	stream.linear.gather [hbm4b:s29+s26], $0x100, $0x38;
	[tilespmem:$0x1E980] =	vst v63  }
0x17a: {  	_ =	swait.ge [sflag:s14], $0x2800  }
0x17b: {  	[sflag:s14] =	ssyncset.done $0x0  }
0x17c: {  	s31 =	simm.s32 $0x7E00;
	s4 =	simm.s32 $0x380;
	[sflag:s14] =	ssyncadd.s32 $0xFFFFD800  }
0x17d: {  	[spmem:s2] =	stream.indirect.scatter.add.f32 [tilespmem:s31], [sflag:$0x8], $0x80, s4, s15, $0xb8;
	[tilespmem:$0x1E980] =	vst v63  }
0x17e: {  	s16 =	simm.s32 $0x9  }
0x17f: {  	[spmem:s23] =	stream.indirect.scatter.add.f32 [tilespmem:s3], [sflag:$0x8], $0x1, s4, s15, $0xb8;
	[tilespmem:$0x1E980] =	vst v63  }
0x180: {  	_ =	swait.ge [sflag:s16], $0x100  }
0x181: {  	[sflag:s16] =	ssyncset.done $0x0  }
0x182: {  	s5 =	simm.s32 $0x5600;
	[sflag:s16] =	ssyncadd.s32 $0xFFFFFF00  }
0x183: {  	[tilespmem:s5], [sflag:$0x3] =	stream.indirect.gather [hbm4b:s21+s15], $0x80, s26, s15, $0xb8;
	[tilespmem:$0x1E980] =	vst v63  }
0x184: {  	s5 =	simm.s32 $0x8  }
0x185: {  	_ =	swait.ge [sflag:s5], $0x2800  }
0x186: {  	[sflag:s5] =	ssyncset.done $0x0  }
0x187: {  	[sflag:s5] =	ssyncadd.s32 $0xFFFFD800  }
0x188: {  	_ =	swait.ge [sflag:s5], $0x50  }
0x189: {  	s7 =	simm.s32 $0x300;
	s0 =	rddreg [dreg:$0xe];
	[sflag:s5] =	ssyncset.done $0x0  }
0x18a: {  	s28 =	simm.s32 $0x1;
	[sflag:s5] =	ssyncadd.s32 $0xFFFFFFB0;
	s29 =	sadd.s32 s22, s0  }
0x18b: {  	[tilespmem:s7], [sflag:$0xC] =	stream.linear.gather [hbm4b:s29+s26], $0x100, $0x38;
	[tilespmem:$0x1E980] =	vst v63  }
0x18c: {  	_ =	swait.ge [sflag:s28], $0x2800  }
0x18d: {  	[sflag:s28] =	ssyncset.done $0x0  }
0x18e: {  	s12 =	simm.s32 $0x480;
	s7 =	simm.s32 $0x600;
	[sflag:s28] =	ssyncadd.s32 $0xFFFFD800  }
0x18f: {  	[spmem:s2] =	stream.indirect.scatter.add.f32 [tilespmem:s7], [sflag:$0x5], $0x80, s12, s15, $0xb8;
	[tilespmem:$0x1E980] =	vst v63  }
0x190: {  	_ = 	snop  }
0x191: {  	[spmem:s23] =	stream.indirect.scatter.add.f32 [tilespmem:s3], [sflag:$0x5], $0x1, s12, s15, $0xb8;
	[tilespmem:$0x1E980] =	vst v63  }
0x192: {  	s12 =	simm.s32 $0xA  }
0x193: {  	_ =	swait.ge [sflag:s12], $0x100  }
0x194: {  	s18 =	simm.s32 $0x100;
	[sflag:s12] =	ssyncset.done $0x0  }
0x195: {  	s19 =	simm.s32 $0x7E00;
	s31 =	simm.s32 $0x5;
	[sflag:s12] =	ssyncadd.s32 $0xFFFFFF00  }
0x196: {  	[tilespmem:s19], [sflag:$0x4] =	stream.indirect.gather [hbm4b:s21+s15], $0x80, s18, s15, $0xb8;
	[tilespmem:$0x1E980] =	vst v63  }
0x197: {  	_ =	swait.ge [sflag:s31], $0x2800  }
0x198: {  	[sflag:s31] =	ssyncset.done $0x0  }
0x199: {  	[sflag:s31] =	ssyncadd.s32 $0xFFFFD800  }
0x19a: {  	_ =	swait.ge [sflag:s31], $0x50  }
0x19b: {  	s6 =	simm.s32 $0x400;
	s18 =	rddreg [dreg:$0xd];
	[sflag:s31] =	ssyncset.done $0x0  }
0x19c: {  	s0 =	simm.s32 $0x2;
	[sflag:s31] =	ssyncadd.s32 $0xFFFFFFB0;
	s29 =	sadd.s32 s22, s18  }
0x19d: {  	[tilespmem:s6], [sflag:$0xD] =	stream.linear.gather [hbm4b:s29+s26], $0x100, $0x38;
	[tilespmem:$0x1E980] =	vst v63  }
0x19e: {  	_ =	swait.ge [sflag:s0], $0x2800  }
0x19f: {  	[sflag:s0] =	ssyncset.done $0x0  }
0x1a0: {  	s13 =	simm.s32 $0x2E00;
	s19 =	simm.s32 $0x580;
	[sflag:s0] =	ssyncadd.s32 $0xFFFFD800  }
0x1a1: {  	[spmem:s2] =	stream.indirect.scatter.add.f32 [tilespmem:s13], [sflag:$0x6], $0x80, s19, s15, $0xb8;
	[tilespmem:$0x1E980] =	vst v63  }
0x1a2: {  	_ = 	snop  }
0x1a3: {  	[spmem:s23] =	stream.indirect.scatter.add.f32 [tilespmem:s3], [sflag:$0x6], $0x1, s19, s15, $0xb8;
	[tilespmem:$0x1E980] =	vst v63  }
0x1a4: {  	s19 =	simm.s32 $0xB  }
0x1a5: {  	_ =	swait.ge [sflag:s19], $0x100  }
0x1a6: {  	[sflag:s19] =	ssyncset.done $0x0  }
0x1a7: {  	s17 =	simm.s32 $0x200;
	[sflag:s19] =	ssyncadd.s32 $0xFFFFFF00  }
0x1a8: {  	[tilespmem:s7], [sflag:$0x1] =	stream.indirect.gather [hbm4b:s21+s15], $0x80, s17, s15, $0xb8;
	[tilespmem:$0x1E980] =	vst v63  }
0x1a9: {  	_ =	swait.ge [sflag:s9], $0x2800  }
0x1aa: {  	[sflag:s9] =	ssyncset.done $0x0  }
0x1ab: {  	[sflag:s9] =	ssyncadd.s32 $0xFFFFD800  }
0x1ac: {  	_ =	swait.ge [sflag:s9], $0x50  }
0x1ad: {  	s25 =	rddreg [dreg:$0xc];
	[sflag:s9] =	ssyncset.done $0x0  }
0x1ae: {  	s18 =	simm.s32 $0x500;
	[sflag:s9] =	ssyncadd.s32 $0xFFFFFFB0;
	s29 =	sadd.s32 s22, s25  }
0x1af: {  	[tilespmem:s18], [sflag:$0xE] =	stream.linear.gather [hbm4b:s29+s26], $0x100, $0x38;
	[tilespmem:$0x1E980] =	vst v63  }
0x1b0: {  	_ =	swait.ge [sflag:s10], $0x2800  }
0x1b1: {  	[sflag:s10] =	ssyncset.done $0x0  }
0x1b2: {  	s30 =	simm.s32 $0x80;
	s25 =	simm.s32 $0x5600;
	[sflag:s10] =	ssyncadd.s32 $0xFFFFD800  }
0x1b3: {  	[spmem:s2] =	stream.indirect.scatter.add.f32 [tilespmem:s25], [sflag:$0x7], $0x80, s30, s15, $0xb8;
	[tilespmem:$0x1E980] =	vst v63  }
0x1b4: {  	_ = 	snop  }
0x1b5: {  	[spmem:s23] =	stream.indirect.scatter.add.f32 [tilespmem:s3], [sflag:$0x7], $0x1, s30, s15, $0xb8;
	[tilespmem:$0x1E980] =	vst v63  }
0x1b6: {  	s30 =	simm.s32 $0xC  }
0x1b7: {  	_ =	swait.ge [sflag:s30], $0x100  }
0x1b8: {  	[sflag:s30] =	ssyncset.done $0x0  }
0x1b9: {  	s7 =	simm.s32 $0x300;
	[sflag:s30] =	ssyncadd.s32 $0xFFFFFF00  }
0x1ba: {  	[tilespmem:s13], [sflag:$0x2] =	stream.indirect.gather [hbm4b:s21+s15], $0x80, s7, s15, $0xb8;
	[tilespmem:$0x1E980] =	vst v63  }
0x1bb: {  	_ =	swait.ge [sflag:s11], $0x2800  }
0x1bc: {  	[sflag:s11] =	ssyncset.done $0x0  }
0x1bd: {  	[sflag:s11] =	ssyncadd.s32 $0xFFFFD800  }
0x1be: {  	_ =	swait.ge [sflag:s11], $0x50  }
0x1bf: {  	s17 =	rddreg [dreg:$0xb];
	[sflag:s11] =	ssyncset.done $0x0  }
0x1c0: {  	[sflag:s11] =	ssyncadd.s32 $0xFFFFFFB0;
	s29 =	sadd.s32 s22, s17  }
0x1c1: {  	[tilespmem:s26], [sflag:$0x9] =	stream.linear.gather [hbm4b:s29+s26], $0x100, $0x38;
	[tilespmem:$0x1E980] =	vst v63  }
0x1c2: {  	_ =	swait.ge [sflag:s14], $0x2800  }
0x1c3: {  	[sflag:s14] =	ssyncset.done $0x0  }
0x1c4: {  	s7 =	simm.s32 $0x180;
	s17 =	simm.s32 $0x7E00;
	[sflag:s14] =	ssyncadd.s32 $0xFFFFD800  }
0x1c5: {  	[spmem:s2] =	stream.indirect.scatter.add.f32 [tilespmem:s17], [sflag:$0x8], $0x80, s7, s15, $0xb8;
	[tilespmem:$0x1E980] =	vst v63  }
0x1c6: {  	s13 =	simm.s32 $0xD  }
0x1c7: {  	[spmem:s23] =	stream.indirect.scatter.add.f32 [tilespmem:s3], [sflag:$0x8], $0x1, s7, s15, $0xb8;
	[tilespmem:$0x1E980] =	vst v63  }
0x1c8: {  	_ =	swait.ge [sflag:s13], $0x100  }
0x1c9: {  	[sflag:s13] =	ssyncset.done $0x0  }
0x1ca: {  	s24 =	simm.s32 $0x400;
	[sflag:s13] =	ssyncadd.s32 $0xFFFFFF00  }
0x1cb: {  	[tilespmem:s25], [sflag:$0x3] =	stream.indirect.gather [hbm4b:s21+s15], $0x80, s24, s15, $0xb8;
	[tilespmem:$0x1E980] =	vst v63  }
0x1cc: {  	_ =	swait.ge [sflag:s5], $0x2800  }
0x1cd: {  	[sflag:s5] =	ssyncset.done $0x0  }
0x1ce: {  	[sflag:s5] =	ssyncadd.s32 $0xFFFFD800  }
0x1cf: {  	_ =	swait.ge [sflag:s5], $0x50  }
0x1d0: {  	s6 =	rddreg [dreg:$0xa];
	[sflag:s5] =	ssyncset.done $0x0  }
0x1d1: {  	[sflag:s5] =	ssyncadd.s32 $0xFFFFFFB0;
	s29 =	sadd.s32 s22, s6;
	s6 =	simm.s32 $0x100  }
0x1d2: {  	[tilespmem:s6], [sflag:$0xA] =	stream.linear.gather [hbm4b:s29+s26], $0x100, $0x38;
	[tilespmem:$0x1E980] =	vst v63  }
0x1d3: {  	_ =	swait.ge [sflag:s28], $0x2800  }
0x1d4: {  	[sflag:s28] =	ssyncset.done $0x0  }
0x1d5: {  	s24 =	simm.s32 $0x600;
	[sflag:s28] =	ssyncadd.s32 $0xFFFFD800  }
0x1d6: {  	[spmem:s2] =	stream.indirect.scatter.add.f32 [tilespmem:s24], [sflag:$0x5], $0x80, s8, s15, $0xb8;
	[tilespmem:$0x1E980] =	vst v63  }
0x1d7: {  	_ = 	snop  }
0x1d8: {  	[spmem:s23] =	stream.indirect.scatter.add.f32 [tilespmem:s3], [sflag:$0x5], $0x1, s8, s15, $0xb8;
	[tilespmem:$0x1E980] =	vst v63  }
0x1d9: {  	_ =	swait.ge [sflag:s1], $0x100  }
0x1da: {  	[sflag:s1] =	ssyncset.done $0x0  }
0x1db: {  	[sflag:s1] =	ssyncadd.s32 $0xFFFFFF00  }
0x1dc: {  	[tilespmem:s17], [sflag:$0x4] =	stream.indirect.gather [hbm4b:s21+s15], $0x80, s18, s15, $0xb8;
	[tilespmem:$0x1E980] =	vst v63  }
0x1dd: {  	_ =	swait.ge [sflag:s31], $0x2800  }
0x1de: {  	[sflag:s31] =	ssyncset.done $0x0  }
0x1df: {  	[sflag:s31] =	ssyncadd.s32 $0xFFFFD800  }
0x1e0: {  	_ =	swait.ge [sflag:s31], $0x50  }
0x1e1: {  	s8 =	rddreg [dreg:$0x9];
	[sflag:s31] =	ssyncset.done $0x0  }
0x1e2: {  	s18 =	simm.s32 $0x200;
	[sflag:s31] =	ssyncadd.s32 $0xFFFFFFB0;
	s29 =	sadd.s32 s22, s8  }
0x1e3: {  	[tilespmem:s18], [sflag:$0xB] =	stream.linear.gather [hbm4b:s29+s26], $0x100, $0x38;
	[tilespmem:$0x1E980] =	vst v63  }
0x1e4: {  	_ =	swait.ge [sflag:s0], $0x2800  }
0x1e5: {  	[sflag:s0] =	ssyncset.done $0x0  }
0x1e6: {  	s1 =	simm.s32 $0x2E00;
	[sflag:s0] =	ssyncadd.s32 $0xFFFFD800  }
0x1e7: {  	[spmem:s2] =	stream.indirect.scatter.add.f32 [tilespmem:s1], [sflag:$0x6], $0x80, s4, s15, $0xb8;
	[tilespmem:$0x1E980] =	vst v63  }
0x1e8: {  	_ = 	snop  }
0x1e9: {  	[spmem:s23] =	stream.indirect.scatter.add.f32 [tilespmem:s3], [sflag:$0x6], $0x1, s4, s15, $0xb8;
	[tilespmem:$0x1E980] =	vst v63  }
0x1ea: {  	_ =	swait.ge [sflag:s16], $0x100  }
0x1eb: {  	[sflag:s16] =	ssyncset.done $0x0  }
0x1ec: {  	[sflag:s16] =	ssyncadd.s32 $0xFFFFFF00  }
0x1ed: {  	[tilespmem:s24], [sflag:$0x1] =	stream.indirect.gather [hbm4b:s21+s15], $0x80, s26, s15, $0xb8;
	[tilespmem:$0x1E980] =	vst v63  }
0x1ee: {  	_ =	swait.ge [sflag:s9], $0x2800  }
0x1ef: {  	[sflag:s9] =	ssyncset.done $0x0  }
0x1f0: {  	[sflag:s9] =	ssyncadd.s32 $0xFFFFD800  }
0x1f1: {  	_ =	swait.ge [sflag:s9], $0x50  }
0x1f2: {  	s24 =	rddreg [dreg:$0x8];
	[sflag:s9] =	ssyncset.done $0x0  }
0x1f3: {  	s4 =	simm.s32 $0x300;
	[sflag:s9] =	ssyncadd.s32 $0xFFFFFFB0;
	s29 =	sadd.s32 s22, s24  }
0x1f4: {  	[tilespmem:s4], [sflag:$0xC] =	stream.linear.gather [hbm4b:s29+s26], $0x100, $0x38;
	[tilespmem:$0x1E980] =	vst v63  }
0x1f5: {  	_ =	swait.ge [sflag:s10], $0x2800  }
0x1f6: {  	[sflag:s10] =	ssyncset.done $0x0  }
0x1f7: {  	s9 =	simm.s32 $0x5600;
	s29 =	simm.s32 $0x480;
	[sflag:s10] =	ssyncadd.s32 $0xFFFFD800  }
0x1f8: {  	[spmem:s2] =	stream.indirect.scatter.add.f32 [tilespmem:s9], [sflag:$0x7], $0x80, s29, s15, $0xb8;
	[tilespmem:$0x1E980] =	vst v63  }
0x1f9: {  	_ = 	snop  }
0x1fa: {  	[spmem:s23] =	stream.indirect.scatter.add.f32 [tilespmem:s3], [sflag:$0x7], $0x1, s29, s15, $0xb8;
	[tilespmem:$0x1E980] =	vst v63  }
0x1fb: {  	_ =	swait.ge [sflag:s12], $0x100  }
0x1fc: {  	[sflag:s12] =	ssyncset.done $0x0  }
0x1fd: {  	[sflag:s12] =	ssyncadd.s32 $0xFFFFFF00  }
0x1fe: {  	[tilespmem:s1], [sflag:$0x2] =	stream.indirect.gather [hbm4b:s21+s15], $0x80, s6, s15, $0xb8;
	[tilespmem:$0x1E980] =	vst v63  }
0x1ff: {  	_ =	swait.ge [sflag:s11], $0x2800  }
0x200: {  	[sflag:s11] =	ssyncset.done $0x0  }
0x201: {  	[sflag:s11] =	ssyncadd.s32 $0xFFFFD800  }
0x202: {  	_ =	swait.ge [sflag:s11], $0x50  }
0x203: {  	s12 =	rddreg [dreg:$0x7];
	[sflag:s11] =	ssyncset.done $0x0  }
0x204: {  	s25 =	simm.s32 $0x400;
	[sflag:s11] =	ssyncadd.s32 $0xFFFFFFB0;
	s29 =	sadd.s32 s22, s12  }
0x205: {  	[tilespmem:s25], [sflag:$0xD] =	stream.linear.gather [hbm4b:s29+s26], $0x100, $0x38;
	[tilespmem:$0x1E980] =	vst v63  }
0x206: {  	_ =	swait.ge [sflag:s14], $0x2800  }
0x207: {  	[sflag:s14] =	ssyncset.done $0x0  }
0x208: {  	s24 =	simm.s32 $0x580;
	[sflag:s14] =	ssyncadd.s32 $0xFFFFD800;
	s14 =	simm.s32 $0x7E00  }
0x209: {  	[spmem:s2] =	stream.indirect.scatter.add.f32 [tilespmem:s14], [sflag:$0x8], $0x80, s24, s15, $0xb8;
	[tilespmem:$0x1E980] =	vst v63  }
0x20a: {  	_ = 	snop  }
0x20b: {  	[spmem:s23] =	stream.indirect.scatter.add.f32 [tilespmem:s3], [sflag:$0x8], $0x1, s24, s15, $0xb8;
	[tilespmem:$0x1E980] =	vst v63  }
0x20c: {  	_ =	swait.ge [sflag:s19], $0x100  }
0x20d: {  	[sflag:s19] =	ssyncset.done $0x0  }
0x20e: {  	s18 =	simm.s32 $0x200;
	[sflag:s19] =	ssyncadd.s32 $0xFFFFFF00  }
0x20f: {  	[tilespmem:s9], [sflag:$0x3] =	stream.indirect.gather [hbm4b:s21+s15], $0x80, s18, s15, $0xb8;
	[tilespmem:$0x1E980] =	vst v63  }
0x210: {  	_ =	swait.ge [sflag:s5], $0x2800  }
0x211: {  	[sflag:s5] =	ssyncset.done $0x0  }
0x212: {  	[sflag:s5] =	ssyncadd.s32 $0xFFFFD800  }
0x213: {  	_ =	swait.ge [sflag:s5], $0x50  }
0x214: {  	s25 =	rddreg [dreg:$0x6];
	[sflag:s5] =	ssyncset.done $0x0  }
0x215: {  	s17 =	simm.s32 $0x500;
	[sflag:s5] =	ssyncadd.s32 $0xFFFFFFB0;
	s29 =	sadd.s32 s22, s25  }
0x216: {  	[tilespmem:s17], [sflag:$0xE] =	stream.linear.gather [hbm4b:s29+s26], $0x100, $0x38;
	[tilespmem:$0x1E980] =	vst v63  }
0x217: {  	_ =	swait.ge [sflag:s28], $0x2800  }
0x218: {  	[sflag:s28] =	ssyncset.done $0x0  }
0x219: {  	s16 =	simm.s32 $0x600;
	s29 =	simm.s32 $0x80;
	[sflag:s28] =	ssyncadd.s32 $0xFFFFD800  }
0x21a: {  	[spmem:s2] =	stream.indirect.scatter.add.f32 [tilespmem:s16], [sflag:$0x5], $0x80, s29, s15, $0xb8;
	[tilespmem:$0x1E980] =	vst v63  }
0x21b: {  	_ = 	snop  }
0x21c: {  	[spmem:s23] =	stream.indirect.scatter.add.f32 [tilespmem:s3], [sflag:$0x5], $0x1, s29, s15, $0xb8;
	[tilespmem:$0x1E980] =	vst v63  }
0x21d: {  	_ =	swait.ge [sflag:s30], $0x100  }
0x21e: {  	[sflag:s30] =	ssyncset.done $0x0  }
0x21f: {  	[sflag:s30] =	ssyncadd.s32 $0xFFFFFF00  }
0x220: {  	[tilespmem:s14], [sflag:$0x4] =	stream.indirect.gather [hbm4b:s21+s15], $0x80, s4, s15, $0xb8;
	[tilespmem:$0x1E980] =	vst v63  }
0x221: {  	_ =	swait.ge [sflag:s31], $0x2800  }
0x222: {  	[sflag:s31] =	ssyncset.done $0x0  }
0x223: {  	[sflag:s31] =	ssyncadd.s32 $0xFFFFD800  }
0x224: {  	_ =	swait.ge [sflag:s31], $0x50  }
0x225: {  	s30 =	rddreg [dreg:$0x5];
	[sflag:s31] =	ssyncset.done $0x0  }
0x226: {  	[sflag:s31] =	ssyncadd.s32 $0xFFFFFFB0;
	s22 =	sadd.s32 s22, s30  }
0x227: {  	[tilespmem:s26], [sflag:$0x9] =	stream.linear.gather [hbm4b:s22+s26], $0x100, $0x38;
	[tilespmem:$0x1E980] =	vst v63  }
0x228: {  	_ =	swait.ge [sflag:s0], $0x2800  }
0x229: {  	[sflag:s0] =	ssyncset.done $0x0  }
0x22a: {  	p0 =	sne.s32 s20, $0xC00;
	s10 =	simm.s32 $0x2E00;
	[sflag:s0] =	ssyncadd.s32 $0xFFFFD800  }
0x22b: {  	[spmem:s2] =	stream.indirect.scatter.add.f32 [tilespmem:s10], [sflag:$0x6], $0x80, s7, s15, $0xb8;
	[tilespmem:$0x1E980] =	vst v63  }
.Ltmp0:
0x22c: {  	_ = 	snop;
	(pc) =	sbr.rel @p0 .LBB2_2-.Ltmp0, $4  }
0x22d: {  	[spmem:s23] =	stream.indirect.scatter.add.f32 [tilespmem:s3], [sflag:$0x6], $0x1, s7, s15, $0xb8;
	[tilespmem:$0x1E980] =	vst v63  }
0x22e: {  	_ =	swait.ge [sflag:s13], $0x100  }
0x22f: {  	[sflag:s13] =	ssyncset.done $0x0  }
0x230: {  	s20 =	sadd.s32 $0x180, s20;
	[sflag:s13] =	ssyncadd.s32 $0xFFFFFF00  }
0x231: {  	s0 =	simm.s32 $0x400;
	s16 =	simm.s32 $0x600;
	s9 =	simm.s32 $0x6  }
0x232: {  	[tilespmem:s16], [sflag:$0x1] =	stream.indirect.gather [hbm4b:s21+s15], $0x80, s0, s15, $0xb8;
	[tilespmem:$0x1E980] =	vst v63  }
0x233: {  	_ =	swait.ge [sflag:s9], $0x2800  }
0x234: {  	[sflag:s9] =	ssyncset.done $0x0  }
0x235: {  	[sflag:s9] =	ssyncadd.s32 $0xFFFFD800  }
0x236: {  	_ =	swait.ge [sflag:s9], $0x50  }
0x237: {  	s31 =	simm.s32 $0x100;
	s29 =	simm.s32 $0x0;
	[sflag:s9] =	ssyncset.done $0x0  }
0x238: {  	s10 =	simm.s32 $0x3;
	s20 =	rddreg [dreg:$0x1c];
	[sflag:s9] =	ssyncadd.s32 $0xFFFFFFB0  }
0x239: {  	[tilespmem:s31], [sflag:$0xA] =	stream.linear.gather [hbm4b:s20+s29], $0x100, $0x38;
	[tilespmem:$0x1E980] =	vst v63  }
0x23a: {  	_ =	swait.ge [sflag:s10], $0x2800  }
0x23b: {  	[sflag:s10] =	ssyncset.done $0x0  }
0x23c: {  	[sflag:s10] =	ssyncadd.s32 $0xFFFFD800  }
0x23d: {  	s22 =	simm.s32 $0x5600;
	s1 =	simm.s32 $0x280;
	s2 =	rddreg [dreg:$0x2]  }
0x23e: {  	[spmem:s2] =	stream.indirect.scatter.add.f32 [tilespmem:s22], [sflag:$0x7], $0x80, s1, s15, $0xb8;
	[tilespmem:$0x1E980] =	vst v63  }
0x23f: {  	s3 =	simm.s32 $0xA680;
	s23 =	rddreg [dreg:$0x3]  }
0x240: {  	[spmem:s23] =	stream.indirect.scatter.add.f32 [tilespmem:s3], [sflag:$0x7], $0x1, s1, s15, $0xb8;
	[tilespmem:$0x1E980] =	vst v63  }
0x241: {  	s1 =	simm.s32 $0xE  }
0x242: {  	_ =	swait.ge [sflag:s1], $0x100  }
0x243: {  	s4 =	simm.s32 $0x500;
	[sflag:s1] =	ssyncset.done $0x0  }
0x244: {  	s24 =	simm.s32 $0x2E00;
	s11 =	simm.s32 $0x7;
	[sflag:s1] =	ssyncadd.s32 $0xFFFFFF00  }
0x245: {  	[tilespmem:s24], [sflag:$0x2] =	stream.indirect.gather [hbm4b:s21+s15], $0x80, s4, s15, $0xb8;
	[tilespmem:$0x1E980] =	vst v63  }
0x246: {  	_ =	swait.ge [sflag:s11], $0x2800  }
0x247: {  	[sflag:s11] =	ssyncset.done $0x0  }
0x248: {  	[sflag:s11] =	ssyncadd.s32 $0xFFFFD800  }
0x249: {  	_ =	swait.ge [sflag:s11], $0x50  }
0x24a: {  	s6 =	simm.s32 $0x200;
	[sflag:s11] =	ssyncset.done $0x0  }
0x24b: {  	s14 =	simm.s32 $0x4;
	s5 =	rddreg [dreg:$0x1d];
	[sflag:s11] =	ssyncadd.s32 $0xFFFFFFB0  }
0x24c: {  	[tilespmem:s6], [sflag:$0xB] =	stream.linear.gather [hbm4b:s5+s29], $0x100, $0x38;
	[tilespmem:$0x1E980] =	vst v63  }
0x24d: {  	_ =	swait.ge [sflag:s14], $0x2800  }
0x24e: {  	[sflag:s14] =	ssyncset.done $0x0  }
0x24f: {  	s12 =	simm.s32 $0x7E00;
	s26 =	simm.s32 $0x380;
	[sflag:s14] =	ssyncadd.s32 $0xFFFFD800  }
0x250: {  	[spmem:s2] =	stream.indirect.scatter.add.f32 [tilespmem:s12], [sflag:$0x8], $0x80, s26, s15, $0xb8;
	[tilespmem:$0x1E980] =	vst v63  }
0x251: {  	s4 =	simm.s32 $0x9  }
0x252: {  	[spmem:s23] =	stream.indirect.scatter.add.f32 [tilespmem:s3], [sflag:$0x8], $0x1, s26, s15, $0xb8;
	[tilespmem:$0x1E980] =	vst v63  }
0x253: {  	_ =	swait.ge [sflag:s4], $0x100  }
0x254: {  	[sflag:s4] =	ssyncset.done $0x0  }
0x255: {  	s5 =	simm.s32 $0x8;
	[sflag:s4] =	ssyncadd.s32 $0xFFFFFF00  }
0x256: {  	[tilespmem:s22], [sflag:$0x3] =	stream.indirect.gather [hbm4b:s21+s15], $0x80, s29, s15, $0xb8;
	[tilespmem:$0x1E980] =	vst v63  }
0x257: {  	_ =	swait.ge [sflag:s5], $0x2800  }
0x258: {  	[sflag:s5] =	ssyncset.done $0x0  }
0x259: {  	[sflag:s5] =	ssyncadd.s32 $0xFFFFD800  }
0x25a: {  	_ =	swait.ge [sflag:s5], $0x50  }
0x25b: {  	s18 =	simm.s32 $0x300;
	[sflag:s5] =	ssyncset.done $0x0  }
0x25c: {  	s28 =	simm.s32 $0x1;
	s7 =	rddreg [dreg:$0x1e];
	[sflag:s5] =	ssyncadd.s32 $0xFFFFFFB0  }
0x25d: {  	[tilespmem:s18], [sflag:$0xC] =	stream.linear.gather [hbm4b:s7+s29], $0x100, $0x38;
	[tilespmem:$0x1E980] =	vst v63  }
0x25e: {  	_ =	swait.ge [sflag:s28], $0x2800  }
0x25f: {  	[sflag:s28] =	ssyncset.done $0x0  }
0x260: {  	s25 =	simm.s32 $0x480;
	[sflag:s28] =	ssyncadd.s32 $0xFFFFD800  }
0x261: {  	[spmem:s2] =	stream.indirect.scatter.add.f32 [tilespmem:s16], [sflag:$0x5], $0x80, s25, s15, $0xb8;
	[tilespmem:$0x1E980] =	vst v63  }
0x262: {  	s6 =	simm.s32 $0xA  }
0x263: {  	[spmem:s23] =	stream.indirect.scatter.add.f32 [tilespmem:s3], [sflag:$0x5], $0x1, s25, s15, $0xb8;
	[tilespmem:$0x1E980] =	vst v63  }
0x264: {  	_ =	swait.ge [sflag:s6], $0x100  }
0x265: {  	[sflag:s6] =	ssyncset.done $0x0  }
0x266: {  	s8 =	simm.s32 $0x100;
	s18 =	simm.s32 $0x5;
	[sflag:s6] =	ssyncadd.s32 $0xFFFFFF00  }
0x267: {  	[tilespmem:s12], [sflag:$0x4] =	stream.indirect.gather [hbm4b:s21+s15], $0x80, s8, s15, $0xb8;
	[tilespmem:$0x1E980] =	vst v63  }
0x268: {  	_ =	swait.ge [sflag:s18], $0x2800  }
0x269: {  	[sflag:s18] =	ssyncset.done $0x0  }
0x26a: {  	[sflag:s18] =	ssyncadd.s32 $0xFFFFD800  }
0x26b: {  	_ =	swait.ge [sflag:s18], $0x50  }
0x26c: {  	s19 =	sld [smem:$0x7F1]  }
0x26d: {  	[sflag:s18] =	ssyncset.done $0x0  }
0x26e: {  	s17 =	simm.s32 $0x400;
	s0 =	simm.s32 $0x2;
	[sflag:s18] =	ssyncadd.s32 $0xFFFFFFB0  }
0x26f: {  	[tilespmem:s17], [sflag:$0xD] =	stream.linear.gather [hbm4b:s19+s29], $0x100, $0x38;
	[tilespmem:$0x1E980] =	vst v63  }
0x270: {  	_ =	swait.ge [sflag:s0], $0x2800  }
0x271: {  	[sflag:s0] =	ssyncset.done $0x0  }
0x272: {  	s8 =	simm.s32 $0x580;
	[sflag:s0] =	ssyncadd.s32 $0xFFFFD800  }
0x273: {  	[spmem:s2] =	stream.indirect.scatter.add.f32 [tilespmem:s24], [sflag:$0x6], $0x80, s8, s15, $0xb8;
	[tilespmem:$0x1E980] =	vst v63  }
0x274: {  	s19 =	simm.s32 $0xB  }
0x275: {  	[spmem:s23] =	stream.indirect.scatter.add.f32 [tilespmem:s3], [sflag:$0x6], $0x1, s8, s15, $0xb8;
	[tilespmem:$0x1E980] =	vst v63  }
0x276: {  	_ =	swait.ge [sflag:s19], $0x100  }
0x277: {  	[sflag:s19] =	ssyncset.done $0x0  }
0x278: {  	s13 =	simm.s32 $0x200;
	[sflag:s19] =	ssyncadd.s32 $0xFFFFFF00  }
0x279: {  	[tilespmem:s16], [sflag:$0x1] =	stream.indirect.gather [hbm4b:s21+s15], $0x80, s13, s15, $0xb8;
	[tilespmem:$0x1E980] =	vst v63  }
0x27a: {  	_ =	swait.ge [sflag:s9], $0x2800  }
0x27b: {  	[sflag:s9] =	ssyncset.done $0x0  }
0x27c: {  	[sflag:s9] =	ssyncadd.s32 $0xFFFFD800  }
0x27d: {  	_ =	swait.ge [sflag:s9], $0x50  }
0x27e: {  	s31 =	sld [smem:$0x7F3]  }
0x27f: {  	[sflag:s9] =	ssyncset.done $0x0  }
0x280: {  	s30 =	simm.s32 $0x500;
	[sflag:s9] =	ssyncadd.s32 $0xFFFFFFB0  }
0x281: {  	[tilespmem:s30], [sflag:$0xE] =	stream.linear.gather [hbm4b:s31+s29], $0x100, $0x38;
	[tilespmem:$0x1E980] =	vst v63  }
0x282: {  	_ =	swait.ge [sflag:s10], $0x2800  }
0x283: {  	[sflag:s10] =	ssyncset.done $0x0  }
0x284: {  	s31 =	simm.s32 $0x80;
	[sflag:s10] =	ssyncadd.s32 $0xFFFFD800  }
0x285: {  	[spmem:s2] =	stream.indirect.scatter.add.f32 [tilespmem:s22], [sflag:$0x7], $0x80, s31, s15, $0xb8;
	[tilespmem:$0x1E980] =	vst v63  }
0x286: {  	s17 =	simm.s32 $0xC  }
0x287: {  	[spmem:s23] =	stream.indirect.scatter.add.f32 [tilespmem:s3], [sflag:$0x7], $0x1, s31, s15, $0xb8;
	[tilespmem:$0x1E980] =	vst v63  }
0x288: {  	_ =	swait.ge [sflag:s17], $0x100  }
0x289: {  	[sflag:s17] =	ssyncset.done $0x0  }
0x28a: {  	s7 =	simm.s32 $0x300;
	[sflag:s17] =	ssyncadd.s32 $0xFFFFFF00  }
0x28b: {  	[tilespmem:s24], [sflag:$0x2] =	stream.indirect.gather [hbm4b:s21+s15], $0x80, s7, s15, $0xb8;
	[tilespmem:$0x1E980] =	vst v63  }
0x28c: {  	_ =	swait.ge [sflag:s11], $0x2800  }
0x28d: {  	[sflag:s11] =	ssyncset.done $0x0  }
0x28e: {  	[sflag:s11] =	ssyncadd.s32 $0xFFFFD800  }
0x28f: {  	_ =	swait.ge [sflag:s11], $0x50  }
0x290: {  	s13 =	sld [smem:$0x7F4]  }
0x291: {  	[sflag:s11] =	ssyncset.done $0x0  }
0x292: {  	[sflag:s11] =	ssyncadd.s32 $0xFFFFFFB0  }
0x293: {  	[tilespmem:s29], [sflag:$0x9] =	stream.linear.gather [hbm4b:s13+s29], $0x100, $0x38;
	[tilespmem:$0x1E980] =	vst v63  }
0x294: {  	_ =	swait.ge [sflag:s14], $0x2800  }
0x295: {  	[sflag:s14] =	ssyncset.done $0x0  }
0x296: {  	s7 =	simm.s32 $0x180;
	[sflag:s14] =	ssyncadd.s32 $0xFFFFD800  }
0x297: {  	[spmem:s2] =	stream.indirect.scatter.add.f32 [tilespmem:s12], [sflag:$0x8], $0x80, s7, s15, $0xb8;
	[tilespmem:$0x1E980] =	vst v63  }
0x298: {  	s13 =	simm.s32 $0xD  }
0x299: {  	[spmem:s23] =	stream.indirect.scatter.add.f32 [tilespmem:s3], [sflag:$0x8], $0x1, s7, s15, $0xb8;
	[tilespmem:$0x1E980] =	vst v63  }
0x29a: {  	_ =	swait.ge [sflag:s13], $0x100  }
0x29b: {  	[sflag:s13] =	ssyncset.done $0x0  }
0x29c: {  	s30 =	simm.s32 $0x400;
	[sflag:s13] =	ssyncadd.s32 $0xFFFFFF00  }
0x29d: {  	[tilespmem:s22], [sflag:$0x3] =	stream.indirect.gather [hbm4b:s21+s15], $0x80, s30, s15, $0xb8;
	[tilespmem:$0x1E980] =	vst v63  }
0x29e: {  	_ =	swait.ge [sflag:s5], $0x2800  }
0x29f: {  	[sflag:s5] =	ssyncset.done $0x0  }
0x2a0: {  	[sflag:s5] =	ssyncadd.s32 $0xFFFFD800  }
0x2a1: {  	_ =	swait.ge [sflag:s5], $0x50  }
0x2a2: {  	s20 =	sld [smem:$0x7F5]  }
0x2a3: {  	[sflag:s5] =	ssyncset.done $0x0  }
0x2a4: {  	s30 =	simm.s32 $0x100;
	[sflag:s5] =	ssyncadd.s32 $0xFFFFFFB0  }
0x2a5: {  	[tilespmem:s30], [sflag:$0xA] =	stream.linear.gather [hbm4b:s20+s29], $0x100, $0x38;
	[tilespmem:$0x1E980] =	vst v63  }
0x2a6: {  	_ =	swait.ge [sflag:s28], $0x2800  }
0x2a7: {  	[sflag:s28] =	ssyncset.done $0x0  }
0x2a8: {  	s20 =	simm.s32 $0x280;
	[sflag:s28] =	ssyncadd.s32 $0xFFFFD800  }
0x2a9: {  	[spmem:s2] =	stream.indirect.scatter.add.f32 [tilespmem:s16], [sflag:$0x5], $0x80, s20, s15, $0xb8;
	[tilespmem:$0x1E980] =	vst v63  }
0x2aa: {  	_ = 	snop  }
0x2ab: {  	[spmem:s23] =	stream.indirect.scatter.add.f32 [tilespmem:s3], [sflag:$0x5], $0x1, s20, s15, $0xb8;
	[tilespmem:$0x1E980] =	vst v63  }
0x2ac: {  	_ =	swait.ge [sflag:s1], $0x100  }
0x2ad: {  	[sflag:s1] =	ssyncset.done $0x0  }
0x2ae: {  	s20 =	simm.s32 $0x500;
	[sflag:s1] =	ssyncadd.s32 $0xFFFFFF00  }
0x2af: {  	[tilespmem:s12], [sflag:$0x4] =	stream.indirect.gather [hbm4b:s21+s15], $0x80, s20, s15, $0xb8;
	[tilespmem:$0x1E980] =	vst v63  }
0x2b0: {  	_ =	swait.ge [sflag:s18], $0x2800  }
0x2b1: {  	[sflag:s18] =	ssyncset.done $0x0  }
0x2b2: {  	[sflag:s18] =	ssyncadd.s32 $0xFFFFD800  }
0x2b3: {  	_ =	swait.ge [sflag:s18], $0x50  }
0x2b4: {  	s20 =	sld [smem:$0x7F6]  }
0x2b5: {  	[sflag:s18] =	ssyncset.done $0x0  }
0x2b6: {  	s1 =	simm.s32 $0x200;
	[sflag:s18] =	ssyncadd.s32 $0xFFFFFFB0  }
0x2b7: {  	[tilespmem:s1], [sflag:$0xB] =	stream.linear.gather [hbm4b:s20+s29], $0x100, $0x38;
	[tilespmem:$0x1E980] =	vst v63  }
0x2b8: {  	_ =	swait.ge [sflag:s0], $0x2800  }
0x2b9: {  	[sflag:s0] =	ssyncset.done $0x0  }
0x2ba: {  	[sflag:s0] =	ssyncadd.s32 $0xFFFFD800  }
0x2bb: {  	[spmem:s2] =	stream.indirect.scatter.add.f32 [tilespmem:s24], [sflag:$0x6], $0x80, s26, s15, $0xb8;
	[tilespmem:$0x1E980] =	vst v63  }
0x2bc: {  	_ = 	snop  }
0x2bd: {  	[spmem:s23] =	stream.indirect.scatter.add.f32 [tilespmem:s3], [sflag:$0x6], $0x1, s26, s15, $0xb8;
	[tilespmem:$0x1E980] =	vst v63  }
0x2be: {  	_ =	swait.ge [sflag:s4], $0x100  }
0x2bf: {  	[sflag:s4] =	ssyncset.done $0x0  }
0x2c0: {  	[sflag:s4] =	ssyncadd.s32 $0xFFFFFF00  }
0x2c1: {  	[tilespmem:s16], [sflag:$0x1] =	stream.indirect.gather [hbm4b:s21+s15], $0x80, s29, s15, $0xb8;
	[tilespmem:$0x1E980] =	vst v63  }
0x2c2: {  	_ =	swait.ge [sflag:s9], $0x2800  }
0x2c3: {  	[sflag:s9] =	ssyncset.done $0x0  }
0x2c4: {  	[sflag:s9] =	ssyncadd.s32 $0xFFFFD800  }
0x2c5: {  	_ =	swait.ge [sflag:s9], $0x50  }
0x2c6: {  	s20 =	sld [smem:$0x7F7]  }
0x2c7: {  	[sflag:s9] =	ssyncset.done $0x0  }
0x2c8: {  	s4 =	simm.s32 $0x300;
	[sflag:s9] =	ssyncadd.s32 $0xFFFFFFB0  }
0x2c9: {  	[tilespmem:s4], [sflag:$0xC] =	stream.linear.gather [hbm4b:s20+s29], $0x100, $0x38;
	[tilespmem:$0x1E980] =	vst v63  }
0x2ca: {  	_ =	swait.ge [sflag:s10], $0x2800  }
0x2cb: {  	[sflag:s10] =	ssyncset.done $0x0  }
0x2cc: {  	[sflag:s10] =	ssyncadd.s32 $0xFFFFD800  }
0x2cd: {  	[spmem:s2] =	stream.indirect.scatter.add.f32 [tilespmem:s22], [sflag:$0x7], $0x80, s25, s15, $0xb8;
	[tilespmem:$0x1E980] =	vst v63  }
0x2ce: {  	_ = 	snop  }
0x2cf: {  	[spmem:s23] =	stream.indirect.scatter.add.f32 [tilespmem:s3], [sflag:$0x7], $0x1, s25, s15, $0xb8;
	[tilespmem:$0x1E980] =	vst v63  }
0x2d0: {  	_ =	swait.ge [sflag:s6], $0x100  }
0x2d1: {  	[sflag:s6] =	ssyncset.done $0x0  }
0x2d2: {  	s30 =	simm.s32 $0x100;
	[sflag:s6] =	ssyncadd.s32 $0xFFFFFF00  }
0x2d3: {  	[tilespmem:s24], [sflag:$0x2] =	stream.indirect.gather [hbm4b:s21+s15], $0x80, s30, s15, $0xb8;
	[tilespmem:$0x1E980] =	vst v63  }
0x2d4: {  	_ =	swait.ge [sflag:s11], $0x2800  }
0x2d5: {  	[sflag:s11] =	ssyncset.done $0x0  }
0x2d6: {  	[sflag:s11] =	ssyncadd.s32 $0xFFFFD800  }
0x2d7: {  	_ =	swait.ge [sflag:s11], $0x50  }
0x2d8: {  	s6 =	sld [smem:$0x7F8]  }
0x2d9: {  	[sflag:s11] =	ssyncset.done $0x0  }
0x2da: {  	s30 =	simm.s32 $0x400;
	[sflag:s11] =	ssyncadd.s32 $0xFFFFFFB0  }
0x2db: {  	[tilespmem:s30], [sflag:$0xD] =	stream.linear.gather [hbm4b:s6+s29], $0x100, $0x38;
	[tilespmem:$0x1E980] =	vst v63  }
0x2dc: {  	_ =	swait.ge [sflag:s14], $0x2800  }
0x2dd: {  	[sflag:s14] =	ssyncset.done $0x0  }
0x2de: {  	[sflag:s14] =	ssyncadd.s32 $0xFFFFD800  }
0x2df: {  	[spmem:s2] =	stream.indirect.scatter.add.f32 [tilespmem:s12], [sflag:$0x8], $0x80, s8, s15, $0xb8;
	[tilespmem:$0x1E980] =	vst v63  }
0x2e0: {  	_ = 	snop  }
0x2e1: {  	[spmem:s23] =	stream.indirect.scatter.add.f32 [tilespmem:s3], [sflag:$0x8], $0x1, s8, s15, $0xb8;
	[tilespmem:$0x1E980] =	vst v63  }
0x2e2: {  	_ =	swait.ge [sflag:s19], $0x100  }
0x2e3: {  	[sflag:s19] =	ssyncset.done $0x0  }
0x2e4: {  	[sflag:s19] =	ssyncadd.s32 $0xFFFFFF00  }
0x2e5: {  	[tilespmem:s22], [sflag:$0x3] =	stream.indirect.gather [hbm4b:s21+s15], $0x80, s1, s15, $0xb8;
	[tilespmem:$0x1E980] =	vst v63  }
0x2e6: {  	_ =	swait.ge [sflag:s5], $0x2800  }
0x2e7: {  	[sflag:s5] =	ssyncset.done $0x0  }
0x2e8: {  	[sflag:s5] =	ssyncadd.s32 $0xFFFFD800  }
0x2e9: {  	_ =	swait.ge [sflag:s5], $0x50  }
0x2ea: {  	[sflag:s5] =	ssyncset.done $0x0  }
0x2eb: {  	[sflag:s5] =	ssyncadd.s32 $0xFFFFFFB0  }
0x2ec: {  	_ =	swait.ge [sflag:s28], $0x2800  }
0x2ed: {  	[sflag:s28] =	ssyncset.done $0x0  }
0x2ee: {  	[sflag:s28] =	ssyncadd.s32 $0xFFFFD800  }
0x2ef: {  	[spmem:s2] =	stream.indirect.scatter.add.f32 [tilespmem:s16], [sflag:$0x5], $0x80, s31, s15, $0xb8;
	[tilespmem:$0x1E980] =	vst v63  }
0x2f0: {  	_ = 	snop  }
0x2f1: {  	[spmem:s23] =	stream.indirect.scatter.add.f32 [tilespmem:s3], [sflag:$0x5], $0x1, s31, s15, $0xb8;
	[tilespmem:$0x1E980] =	vst v63  }
0x2f2: {  	_ =	swait.ge [sflag:s17], $0x100  }
0x2f3: {  	[sflag:s17] =	ssyncset.done $0x0  }
0x2f4: {  	[sflag:s17] =	ssyncadd.s32 $0xFFFFFF00  }
0x2f5: {  	[tilespmem:s12], [sflag:$0x4] =	stream.indirect.gather [hbm4b:s21+s15], $0x80, s4, s15, $0xb8;
	[tilespmem:$0x1E980] =	vst v63  }
0x2f6: {  	_ =	swait.ge [sflag:s18], $0x2800  }
0x2f7: {  	[sflag:s18] =	ssyncset.done $0x0  }
0x2f8: {  	[sflag:s18] =	ssyncadd.s32 $0xFFFFD800  }
0x2f9: {  	_ =	swait.ge [sflag:s18], $0x50  }
0x2fa: {  	[sflag:s18] =	ssyncset.done $0x0  }
0x2fb: {  	[sflag:s18] =	ssyncadd.s32 $0xFFFFFFB0  }
0x2fc: {  	_ =	swait.ge [sflag:s0], $0x2800  }
0x2fd: {  	[sflag:s0] =	ssyncset.done $0x0  }
0x2fe: {  	[sflag:s0] =	ssyncadd.s32 $0xFFFFD800  }
0x2ff: {  	[spmem:s2] =	stream.indirect.scatter.add.f32 [tilespmem:s24], [sflag:$0x6], $0x80, s7, s15, $0xb8;
	[tilespmem:$0x1E980] =	vst v63  }
0x300: {  	_ = 	snop  }
0x301: {  	[spmem:s23] =	stream.indirect.scatter.add.f32 [tilespmem:s3], [sflag:$0x6], $0x1, s7, s15, $0xb8;
	[tilespmem:$0x1E980] =	vst v63  }
0x302: {  	_ =	swait.ge [sflag:s13], $0x100  }
0x303: {  	[sflag:s13] =	ssyncset.done $0x0  }
0x304: {  	[sflag:s13] =	ssyncadd.s32 $0xFFFFFF00  }
0x305: {  	[tilespmem:s16], [sflag:$0x1] =	stream.indirect.gather [hbm4b:s21+s15], $0x80, s30, s15, $0xb8;
	[tilespmem:$0x1E980] =	vst v63  }
0x306: {  	_ =	swait.ge [sflag:s9], $0x2800  }
0x307: {  	[sflag:s9] =	ssyncset.done $0x0  }
0x308: {  	[sflag:s9] =	ssyncadd.s32 $0xFFFFD800  }
0x309: {  	_ =	swait.ge [sflag:s9], $0x50  }
0x30a: {  	[sflag:s9] =	ssyncset.done $0x0  }
0x30b: {  	[sflag:s9] =	ssyncadd.s32 $0xFFFFFFB0  }
0x30c: {  	_ =	swait.ge [sflag:s10], $0x2800  }
0x30d: {  	[sflag:s10] =	ssyncset.done $0x0  }
0x30e: {  	s17 =	simm.s32 $0x280;
	[sflag:s10] =	ssyncadd.s32 $0xFFFFD800  }
0x30f: {  	[spmem:s2] =	stream.indirect.scatter.add.f32 [tilespmem:s22], [sflag:$0x7], $0x80, s17, s15, $0xb8;
	[tilespmem:$0x1E980] =	vst v63  }
0x310: {  	_ = 	snop  }
0x311: {  	[spmem:s23] =	stream.indirect.scatter.add.f32 [tilespmem:s3], [sflag:$0x7], $0x1, s17, s15, $0xb8;
	[tilespmem:$0x1E980] =	vst v63  }
0x312: {  	_ =	swait.ge [sflag:s11], $0x2800  }
0x313: {  	[sflag:s11] =	ssyncset.done $0x0  }
0x314: {  	[sflag:s11] =	ssyncadd.s32 $0xFFFFD800  }
0x315: {  	_ =	swait.ge [sflag:s11], $0x50  }
0x316: {  	[sflag:s11] =	ssyncset.done $0x0  }
0x317: {  	[sflag:s11] =	ssyncadd.s32 $0xFFFFFFB0  }
0x318: {  	_ =	swait.ge [sflag:s14], $0x2800  }
0x319: {  	[sflag:s14] =	ssyncset.done $0x0  }
0x31a: {  	[sflag:s14] =	ssyncadd.s32 $0xFFFFD800  }
0x31b: {  	[spmem:s2] =	stream.indirect.scatter.add.f32 [tilespmem:s12], [sflag:$0x8], $0x80, s26, s15, $0xb8;
	[tilespmem:$0x1E980] =	vst v63  }
0x31c: {  	_ = 	snop  }
0x31d: {  	[spmem:s23] =	stream.indirect.scatter.add.f32 [tilespmem:s3], [sflag:$0x8], $0x1, s26, s15, $0xb8;
	[tilespmem:$0x1E980] =	vst v63  }
0x31e: {  	_ =	swait.ge [sflag:s5], $0x2800  }
0x31f: {  	[sflag:s5] =	ssyncset.done $0x0  }
0x320: {  	[sflag:s5] =	ssyncadd.s32 $0xFFFFD800  }
0x321: {  	_ =	swait.ge [sflag:s5], $0x50  }
0x322: {  	[sflag:s5] =	ssyncset.done $0x0  }
0x323: {  	[sflag:s5] =	ssyncadd.s32 $0xFFFFFFB0  }
0x324: {  	_ =	swait.ge [sflag:s28], $0x2800  }
0x325: {  	[sflag:s28] =	ssyncset.done $0x0  }
0x326: {  	[sflag:s28] =	ssyncadd.s32 $0xFFFFD800  }
0x327: {  	[spmem:s2] =	stream.indirect.scatter.add.f32 [tilespmem:s16], [sflag:$0x5], $0x80, s25, s15, $0xb8;
	[tilespmem:$0x1E980] =	vst v63  }
0x328: {  	_ = 	snop  }
0x329: {  	[spmem:s23] =	stream.indirect.scatter.add.f32 [tilespmem:s3], [sflag:$0x5], $0x1, s25, s15, $0xb8;
	[tilespmem:$0x1E980] =	vst v63  }
0x32a: {  	_ =	swait.ge [sflag:s18], $0x2800  }
0x32b: {  	[sflag:s18] =	ssyncset.done $0x0  }
0x32c: {  	[sflag:s18] =	ssyncadd.s32 $0xFFFFD800  }
0x32d: {  	_ =	swait.ge [sflag:s18], $0x50  }
0x32e: {  	[sflag:s18] =	ssyncset.done $0x0  }
0x32f: {  	[sflag:s18] =	ssyncadd.s32 $0xFFFFFFB0  }
0x330: {  	[bflag:$0x0] =	sbarrier.arrive $0xFFFF  }
0x331: {  	s19 =	sld [smem:$0x7F0]  }
0x332: {  	s22 =	rddreg [dreg:$0x13]  }
0x333: {  	s23 =	simm.s32 $0xF;
	s18 =	rddreg [dreg:$0x1f]  }
0x334: {  	[hbm:s18], [sflag:s22] =	dma.local [spmem:s19], $0x2800  }
0x335: {  	_ =	swait.ge [sflag:s23], $0x2800  }
0x336: {  	s29 =	sld [smem:$0x7F2]  }
0x337: {  	s26 =	simm.s32 $0x10;
	[sflag:s23] =	ssyncset.done $0x0;
	s2 =	rddreg [dreg:$0x14]  }
0x338: {  	s25 =	simm.s32 $0x20;
	[sflag:s23] =	ssyncadd.s32 $0xFFFFD800;
	s24 =	sshrl.u32 s2, $0x3  }
0x339: {  	[hbm:s29@s25], [sflag:s22] =	dma.strided [spmem:s24@s26], $0x50, s28, $0x10   }
0x33a: {  	s29 =	simm.s32 $0xF  }
0x33b: {  	_ =	swait.ge [sflag:s29], $0x50  }
0x33c: {  	s30 =	sld [smem:$0x7EF]  }
0x33d: {  	s31 =	sld [smem:$0x7F9];
	_ =	sdelay $0x1  }
0x33e: {  	s0 =	sadd.s32 $0x1, s30  }
0x33f: {  	p0 =	sne.s32 s0, s31  }
.Ltmp1:
0x340: {  	_ = 	snop;
	(pc) =	sbr.rel @p0 .LBB2_1-.Ltmp1, $3  }
0x341: {  	_ =	sdelay $0x1  }
0x342: {  	[sflag:s29] =	ssyncset.done $0x0  }
0x343: {  	[sflag:s29] =	ssyncadd.s32 $0xFFFFFFB0  }
0x344: {  	_ =	sfence.sel $0x180000  }
0x345: {  	[bflag:$0x0] =	sbarrier.arrive $0xFFFF  }
0x346: {  	_ =	strace $0x90000047  }
0x347: {  	s0 =	stileid.u32;
	[bflag:$0x2] =	sbarrier.arrive $0xFFFF  }
0x348: {  	p0 =	sne.s32 s0, $0x0;
	s0 =	rddreg [dreg:$0x4]  }
0x349: {  	s0 =	sadd.s32 @!p0 $0x100000, s0  }
0x34a: {  	[sflag:s0] =	ssyncadd.tile.s32 @!p0 $0x1;
	_ =	shalt  }
.Lfunc_end2:
_tile_overlayer_lowered:
.L_overlay_start_2:
0x34b: {  	(tag) =	ssettag $0x2  }
0x34c: {  	s0 =	rddreg [dreg:$0x0];
	s2 =	stileid.u32  }
0x34d: {  	s1 =	rddreg [dreg:$0x1];
	p0 =	sne.s32 s2, $0x0  }
0x34e: {  	s3 =	rddreg [dreg:$0x2];
	[bflag:$0x3] =	sbarrier.arrive $0xFFFF;
	s2 =	simm.s32 @!p0 $0x1C0F  }
0x34f: {  	[timem:s3], [sflag:s2] =	dma.local @!p0 [hbm:s0], s1  }
0x350: {  	s0 =	simm.s32 @!p0 $0xF  }
0x351: {  	_ =	swait.ge @!p0 [sflag:s0], s1  }
0x352: {  	s1 =	ssub.s32 @!p0 $0x0, s1;
	[sflag:s0] =	ssyncset.done @!p0 $0x0  }
0x353: {  	[sflag:s0] =	ssyncadd.s32 @!p0 s1  }
0x354: {  	[bflag:$0x3] =	sbarrier.arrive $0xFFFF  }
0x355: {  	_ =	shalt  }

</sc_bundles>
